<compile_context>
chip_gen: v7x
topology: tpu7x:2x2x1
jax: 0.10.2.dev20260603
libtpu: 0.0.44.dev20260713+nightly
codegen_flags: <defaults>
</compile_context>

<pallas_src>
import functools

import jax
import jax.numpy as jnp
from jax import lax
from jax.experimental import pallas as pl
from jax.experimental.pallas import tpu as pltpu
from jax.experimental.pallas import tpu_sc as plsc

D_MODEL = 64
LANES = 16
SEQ_LEN = 50
N_BATCH = 16384
CHUNK = 128
EPS_OVER_D = 1e-5 / 64.0
NBUF = 4
UNROLL = 8
NEWTON_ITERS = 2


def _body(x_hbm, table_hbm, gamma_hbm, beta_hbm, out_hbm,
          idx_v, rv0, rv1, rv2, rv3, oi0, oi1, oi2, oi3, gb_v,
          sg0, sg1, sg2, sg3, ss0, ss1, ss2, ss3):
    nc = 2
    wid = lax.axis_index("s") * nc + lax.axis_index("c")
    n_chunks = idx_v.shape[0]
    base = wid * n_chunks
    rvs = [rv0, rv1, rv2, rv3]
    ois = [oi0, oi1, oi2, oi3]
    sgs = [sg0, sg1, sg2, sg3]
    sss = [ss0, ss1, ss2, ss3]

    pltpu.sync_copy(x_hbm.at[pl.ds(base, n_chunks)], idx_v)
    pltpu.sync_copy(gamma_hbm, gb_v.at[0])
    pltpu.sync_copy(beta_hbm, gb_v.at[1])

    nq = D_MODEL // LANES
    last_lane = jnp.full((LANES,), LANES - 1, jnp.int32)
    gvecs = [gb_v[0, pl.ds(k * LANES, LANES)] for k in range(nq)]
    bvecs = [gb_v[1, pl.ds(k * LANES, LANES)] for k in range(nq)]

    def g_copy(j, p):
        return pltpu.make_async_copy(table_hbm.at[idx_v.at[j]], rvs[p], sgs[p])

    def s_copy(j, p):
        return pltpu.make_async_copy(
            rvs[p], out_hbm.at[ois[p].at[0]], sss[p])

    iota16 = lax.iota(jnp.int32, LANES)

    def fill_out_idx(j, p):
        t0 = (base + j) * CHUNK
        for g in range(CHUNK // LANES):
            t = t0 + g * LANES + iota16
            ois[p][0, pl.ds(g * LANES, LANES)] = (
                lax.rem(t, SEQ_LEN) * N_BATCH + lax.div(t, SEQ_LEN))

    def compute(rows_v):
        def row_block(i, c):
            for u in range(UNROLL):
                r = i * UNROLL + u
                qs = [rows_v[r, pl.ds(k * LANES, LANES)] for k in range(nq)]
                t = (qs[0] + qs[1]) + (qs[2] + qs[3])
                t2 = (qs[0] * qs[0] + qs[1] * qs[1]) + (
                    qs[2] * qs[2] + qs[3] * qs[3])
                s = jnp.take_along_axis(jnp.cumsum(t), last_lane, axis=0)
                s2 = jnp.take_along_axis(jnp.cumsum(t2), last_lane, axis=0)
                mean = s * (1.0 / D_MODEL)
                var = s2 * (1.0 / D_MODEL) - mean * mean
                tv = var + EPS_OVER_D
                ti = plsc.bitcast(tv, jnp.int32)
                yi = 0x5F3759DF - lax.shift_right_logical(ti, 1)
                y = plsc.bitcast(yi, jnp.float32)
                half_t = tv * 0.5
                for _ in range(NEWTON_ITERS):
                    y = y * (1.5 - half_t * y * y)
                cshift = mean * y
                for k in range(nq):
                    o = qs[k] * y - cshift
                    rows_v[r, pl.ds(k * LANES, LANES)] = o * gvecs[k] + bvecs[k]
            return c

        lax.fori_loop(0, CHUNK // UNROLL, row_block, 0)

    g_copy(0, 0).start()
    g_copy(1, 1).start()

    n_outer = n_chunks // NBUF

    def outer(jj, carry):
        for p in range(NBUF):
            j = jj * NBUF + p
            q = (p + 2) % NBUF
            g_copy(j, p).wait()
            compute(rvs[p])
            fill_out_idx(j, p)
            s_copy(j, p).start()
            if p < 2:
                @pl.when(jj >= 1)
                def _wait_prev():
                    s_copy(j - 2, q).wait()
                g_copy(j + 2, q).start()
            else:
                s_copy(j - 2, q).wait()

                @pl.when(jj <= n_outer - 2)
                def _start_next():
                    g_copy(j + 2, q).start()
        return carry

    lax.fori_loop(0, n_outer, outer, 0)
    s_copy(n_chunks - 2, 2).wait()
    s_copy(n_chunks - 1, 3).wait()


def kernel(x, table, gamma, beta):
    b, s = x.shape
    n_tok = b * s
    n_workers = 32
    per_worker = n_tok // n_workers
    n_chunks = per_worker // CHUNK
    x2d = x.reshape(n_tok // CHUNK, CHUNK).astype(jnp.int32)

    mesh = plsc.VectorSubcoreMesh(core_axis_name="c", subcore_axis_name="s")
    kern = functools.partial(
        pl.kernel,
        mesh=mesh,
        compiler_params=pltpu.CompilerParams(
            use_tc_tiling_on_sc=False, needs_layout_passes=False),
        out_type=jax.ShapeDtypeStruct((n_tok, D_MODEL), jnp.float32),
        scratch_types=(
            [pltpu.VMEM((n_chunks, CHUNK), jnp.int32)]
            + [pltpu.VMEM((CHUNK, D_MODEL), jnp.float32) for _ in range(NBUF)]
            + [pltpu.VMEM((1, CHUNK), jnp.int32) for _ in range(NBUF)]
            + [pltpu.VMEM((2, D_MODEL), jnp.float32)]
            + [pltpu.SemaphoreType.DMA for _ in range(2 * NBUF)]
        ),
    )(_body)
    out = kern(x2d, table, gamma, beta)
    return out.reshape(s, b, D_MODEL).transpose(1, 0, 2)

# --- scband reference (transcript-rebuilt; emitter-appended) ---
"""Pipeline reference for scband-word-embedder-13116830122532 (READ-ONLY COPY).

The authoritative reference and input builder live on the scoring server;
editing this copy changes nothing except your own understanding.
"""

import jax, jax.numpy as jnp
import numpy as np
import math

D_MODEL = 64
VOCAB = 1000000

def setup_inputs(seed: int = 0) -> dict:
    key = jax.random.key(seed)
    k1, k2 = jax.random.split(key)
    x = jax.random.randint(k1, (16384, 50), 0, VOCAB, dtype=jnp.int64) if jax.config.jax_enable_x64 else jax.random.randint(k1, (16384, 50), 0, VOCAB, dtype=jnp.int32)
    table = jax.random.normal(k2, (VOCAB, D_MODEL), dtype=jnp.float32)
    gamma = jnp.ones((D_MODEL,), dtype=jnp.float32)
    beta = jnp.zeros((D_MODEL,), dtype=jnp.float32)
    return {"x": x, "table": table, "gamma": gamma, "beta": beta}

def reference(x, table, gamma, beta):
    emb = jnp.take(table, x, axis=0) * math.sqrt(D_MODEL)
    mean = jnp.mean(emb, axis=-1, keepdims=True)
    var = jnp.var(emb, axis=-1, keepdims=True)
    normed = (emb - mean) / jnp.sqrt(var + 1e-5)
    return normed * gamma + beta

if __name__ == "__main__":
    import jax
    _d = setup_inputs()
    print(jax.jit(kernel)(*tuple(_d.values())))

</pallas_src>

<mosaic_0001>
#map = affine_map<(d0, d1) -> (0, 0)>
#map1 = affine_map<(d0, d1) -> (0)>
module attributes {stable_mosaic.version = 14 : i64} {
  func.func @_body(%arg0: i32, %arg1: i32, %arg2: memref<6400x128xi32, #tpu.memory_space<hbm>>, %arg3: memref<1000000x64xf32, #tpu.memory_space<hbm>>, %arg4: memref<64xf32, #tpu.memory_space<hbm>>, %arg5: memref<64xf32, #tpu.memory_space<hbm>>, %arg6: memref<819200x64xf32, #tpu.memory_space<hbm>>, %arg7: memref<200x128xi32, #tpu.memory_space<vmem>>, %arg8: memref<128x64xf32, #tpu.memory_space<vmem>>, %arg9: memref<128x64xf32, #tpu.memory_space<vmem>>, %arg10: memref<128x64xf32, #tpu.memory_space<vmem>>, %arg11: memref<128x64xf32, #tpu.memory_space<vmem>>, %arg12: memref<1x128xi32, #tpu.memory_space<vmem>>, %arg13: memref<1x128xi32, #tpu.memory_space<vmem>>, %arg14: memref<1x128xi32, #tpu.memory_space<vmem>>, %arg15: memref<1x128xi32, #tpu.memory_space<vmem>>, %arg16: memref<2x64xf32, #tpu.memory_space<vmem>>, %arg17: memref<!tpu.dma_semaphore, #tpu.memory_space<semaphore_mem>>, %arg18: memref<!tpu.dma_semaphore, #tpu.memory_space<semaphore_mem>>, %arg19: memref<!tpu.dma_semaphore, #tpu.memory_space<semaphore_mem>>, %arg20: memref<!tpu.dma_semaphore, #tpu.memory_space<semaphore_mem>>, %arg21: memref<!tpu.dma_semaphore, #tpu.memory_space<semaphore_mem>>, %arg22: memref<!tpu.dma_semaphore, #tpu.memory_space<semaphore_mem>>, %arg23: memref<!tpu.dma_semaphore, #tpu.memory_space<semaphore_mem>>, %arg24: memref<!tpu.dma_semaphore, #tpu.memory_space<semaphore_mem>>) attributes {dimension_semantics = [#tpu.dimension_semantics<core_parallel>, #tpu.dimension_semantics<subcore_parallel>], iteration_bounds = array<i64: 2, 16>, scalar_prefetch = 0 : i64, scratch_operands = 18 : i64, tpu.core_type = #tpu.core_type<sc_vector_subcore>, window_params = [{transform_indices = #map}, {transform_indices = #map}, {transform_indices = #map1}, {transform_indices = #map1}, {transform_indices = #map}]} {
    %mul3A = arith.constant 2 : i32
    %mul3A_0 = arith.muli %arg1, %mul3A : i32
    %add3A = arith.addi %mul3A_0, %arg0 : i32
    %mul3A_1 = arith.constant 200 : i32
    %mul3A_2 = arith.muli %add3A, %mul3A_1 : i32
    "tpu.region"() ({
      %run_scoped3A_67 = tpu.sem_alloc : memref<!tpu.dma_semaphore, #tpu.memory_space<semaphore_mem>>
      %dma_start3A_68 = arith.constant 0 : i32
      %dma_start3A_69 = tpu.memref_slice %arg2[%mul3A_2, %dma_start3A_68] : memref<6400x128xi32, #tpu.memory_space<hbm>> -> memref<200x128xi32, #tpu.memory_space<hbm>>
      %dma_start3A_70 = arith.constant 0 : i32
      %dma_start3A_71 = tpu.memref_slice %arg2[%mul3A_2, %dma_start3A_70] : memref<6400x128xi32, #tpu.memory_space<hbm>> -> memref<200x128xi32, #tpu.memory_space<hbm>>
      tpu.enqueue_dma source(%dma_start3A_71 : memref<200x128xi32, #tpu.memory_space<hbm>>) target(%arg7 : memref<200x128xi32, #tpu.memory_space<vmem>>) target_semaphore(%run_scoped3A_67 : memref<!tpu.dma_semaphore, #tpu.memory_space<semaphore_mem>>)
      %dma_wait3A_72 = arith.constant 0 : i32
      %dma_wait3A_73 = tpu.memref_slice %arg2[%mul3A_2, %dma_wait3A_72] : memref<6400x128xi32, #tpu.memory_space<hbm>> -> memref<200x128xi32, #tpu.memory_space<hbm>>
      %dma_wait3A_74 = arith.constant 0 : i32
      %dma_wait3A_75 = tpu.memref_slice %arg2[%mul3A_2, %dma_wait3A_74] : memref<6400x128xi32, #tpu.memory_space<hbm>> -> memref<200x128xi32, #tpu.memory_space<hbm>>
      tpu.wait_dma2 semaphore(%run_scoped3A_67 : memref<!tpu.dma_semaphore, #tpu.memory_space<semaphore_mem>>) src(%dma_wait3A_75 : memref<200x128xi32, #tpu.memory_space<hbm>>) dst(%arg7 : memref<200x128xi32, #tpu.memory_space<vmem>>)
      tpu.yield
    }) : () -> ()
    %run_scoped3A = arith.constant 0 : i32
    "tpu.region"() ({
      %run_scoped3A_67 = tpu.sem_alloc : memref<!tpu.dma_semaphore, #tpu.memory_space<semaphore_mem>>
      %dma_start3A_68 = arith.constant 0 : i32
      %dma_start3A_69 = tpu.memref_slice %arg16[%run_scoped3A, %dma_start3A_68] : memref<2x64xf32, #tpu.memory_space<vmem>> -> memref<1x64xf32, #tpu.memory_space<vmem>>
      %dma_start3A_70 = tpu.memref_squeeze %dma_start3A_69 : memref<1x64xf32, #tpu.memory_space<vmem>> -> memref<64xf32, #tpu.memory_space<vmem>>
      %dma_start3A_71 = arith.constant 0 : i32
      %dma_start3A_72 = tpu.memref_slice %arg16[%run_scoped3A, %dma_start3A_71] : memref<2x64xf32, #tpu.memory_space<vmem>> -> memref<1x64xf32, #tpu.memory_space<vmem>>
      %dma_start3A_73 = tpu.memref_squeeze %dma_start3A_72 : memref<1x64xf32, #tpu.memory_space<vmem>> -> memref<64xf32, #tpu.memory_space<vmem>>
      tpu.enqueue_dma source(%arg4 : memref<64xf32, #tpu.memory_space<hbm>>) target(%dma_start3A_73 : memref<64xf32, #tpu.memory_space<vmem>>) target_semaphore(%run_scoped3A_67 : memref<!tpu.dma_semaphore, #tpu.memory_space<semaphore_mem>>)
      %dma_wait3A_74 = arith.constant 0 : i32
      %dma_wait3A_75 = tpu.memref_slice %arg16[%run_scoped3A, %dma_wait3A_74] : memref<2x64xf32, #tpu.memory_space<vmem>> -> memref<1x64xf32, #tpu.memory_space<vmem>>
      %dma_wait3A_76 = tpu.memref_squeeze %dma_wait3A_75 : memref<1x64xf32, #tpu.memory_space<vmem>> -> memref<64xf32, #tpu.memory_space<vmem>>
      %dma_wait3A_77 = arith.constant 0 : i32
      %dma_wait3A_78 = tpu.memref_slice %arg16[%run_scoped3A, %dma_wait3A_77] : memref<2x64xf32, #tpu.memory_space<vmem>> -> memref<1x64xf32, #tpu.memory_space<vmem>>
      %dma_wait3A_79 = tpu.memref_squeeze %dma_wait3A_78 : memref<1x64xf32, #tpu.memory_space<vmem>> -> memref<64xf32, #tpu.memory_space<vmem>>
      tpu.wait_dma2 semaphore(%run_scoped3A_67 : memref<!tpu.dma_semaphore, #tpu.memory_space<semaphore_mem>>) src(%arg4 : memref<64xf32, #tpu.memory_space<hbm>>) dst(%dma_wait3A_79 : memref<64xf32, #tpu.memory_space<vmem>>)
      tpu.yield
    }) : () -> ()
    %run_scoped3A_3 = arith.constant 1 : i32
    "tpu.region"() ({
      %run_scoped3A_67 = tpu.sem_alloc : memref<!tpu.dma_semaphore, #tpu.memory_space<semaphore_mem>>
      %dma_start3A_68 = arith.constant 0 : i32
      %dma_start3A_69 = tpu.memref_slice %arg16[%run_scoped3A_3, %dma_start3A_68] : memref<2x64xf32, #tpu.memory_space<vmem>> -> memref<1x64xf32, #tpu.memory_space<vmem>>
      %dma_start3A_70 = tpu.memref_squeeze %dma_start3A_69 : memref<1x64xf32, #tpu.memory_space<vmem>> -> memref<64xf32, #tpu.memory_space<vmem>>
      %dma_start3A_71 = arith.constant 0 : i32
      %dma_start3A_72 = tpu.memref_slice %arg16[%run_scoped3A_3, %dma_start3A_71] : memref<2x64xf32, #tpu.memory_space<vmem>> -> memref<1x64xf32, #tpu.memory_space<vmem>>
      %dma_start3A_73 = tpu.memref_squeeze %dma_start3A_72 : memref<1x64xf32, #tpu.memory_space<vmem>> -> memref<64xf32, #tpu.memory_space<vmem>>
      tpu.enqueue_dma source(%arg5 : memref<64xf32, #tpu.memory_space<hbm>>) target(%dma_start3A_73 : memref<64xf32, #tpu.memory_space<vmem>>) target_semaphore(%run_scoped3A_67 : memref<!tpu.dma_semaphore, #tpu.memory_space<semaphore_mem>>)
      %dma_wait3A_74 = arith.constant 0 : i32
      %dma_wait3A_75 = tpu.memref_slice %arg16[%run_scoped3A_3, %dma_wait3A_74] : memref<2x64xf32, #tpu.memory_space<vmem>> -> memref<1x64xf32, #tpu.memory_space<vmem>>
      %dma_wait3A_76 = tpu.memref_squeeze %dma_wait3A_75 : memref<1x64xf32, #tpu.memory_space<vmem>> -> memref<64xf32, #tpu.memory_space<vmem>>
      %dma_wait3A_77 = arith.constant 0 : i32
      %dma_wait3A_78 = tpu.memref_slice %arg16[%run_scoped3A_3, %dma_wait3A_77] : memref<2x64xf32, #tpu.memory_space<vmem>> -> memref<1x64xf32, #tpu.memory_space<vmem>>
      %dma_wait3A_79 = tpu.memref_squeeze %dma_wait3A_78 : memref<1x64xf32, #tpu.memory_space<vmem>> -> memref<64xf32, #tpu.memory_space<vmem>>
      tpu.wait_dma2 semaphore(%run_scoped3A_67 : memref<!tpu.dma_semaphore, #tpu.memory_space<semaphore_mem>>) src(%arg5 : memref<64xf32, #tpu.memory_space<hbm>>) dst(%dma_wait3A_79 : memref<64xf32, #tpu.memory_space<vmem>>)
      tpu.yield
    }) : () -> ()
    %broadcast_in_dim3A = arith.constant 15 : i32
    %broadcast_in_dim3A_4 = vector.broadcast %broadcast_in_dim3A : i32 to vector<16xi32>
    %get3A = arith.constant 0 : i32
    %get3A_5 = arith.index_cast %get3A : i32 to index
    %get3A_6 = arith.constant 0 : index
    %get3A_7 = tpu.vector_load %arg16[%get3A_5, %get3A_6] {strides = array<i32>} : memref<2x64xf32, #tpu.memory_space<vmem>>, vector<16xf32>,
    %get3A_8 = arith.constant 0 : i32
    %get3A_9 = arith.index_cast %get3A_8 : i32 to index
    %get3A_10 = arith.constant 16 : index
    %get3A_11 = tpu.vector_load %arg16[%get3A_9, %get3A_10] {strides = array<i32>} : memref<2x64xf32, #tpu.memory_space<vmem>>, vector<16xf32>,
    %get3A_12 = arith.constant 0 : i32
    %get3A_13 = arith.index_cast %get3A_12 : i32 to index
    %get3A_14 = arith.constant 32 : index
    %get3A_15 = tpu.vector_load %arg16[%get3A_13, %get3A_14] {strides = array<i32>} : memref<2x64xf32, #tpu.memory_space<vmem>>, vector<16xf32>,
    %get3A_16 = arith.constant 0 : i32
    %get3A_17 = arith.index_cast %get3A_16 : i32 to index
    %get3A_18 = arith.constant 48 : index
    %get3A_19 = tpu.vector_load %arg16[%get3A_17, %get3A_18] {strides = array<i32>} : memref<2x64xf32, #tpu.memory_space<vmem>>, vector<16xf32>,
    %get3A_20 = arith.constant 1 : i32
    %get3A_21 = arith.index_cast %get3A_20 : i32 to index
    %get3A_22 = arith.constant 0 : index
    %get3A_23 = tpu.vector_load %arg16[%get3A_21, %get3A_22] {strides = array<i32>} : memref<2x64xf32, #tpu.memory_space<vmem>>, vector<16xf32>,
    %get3A_24 = arith.constant 1 : i32
    %get3A_25 = arith.index_cast %get3A_24 : i32 to index
    %get3A_26 = arith.constant 16 : index
    %get3A_27 = tpu.vector_load %arg16[%get3A_25, %get3A_26] {strides = array<i32>} : memref<2x64xf32, #tpu.memory_space<vmem>>, vector<16xf32>,
    %get3A_28 = arith.constant 1 : i32
    %get3A_29 = arith.index_cast %get3A_28 : i32 to index
    %get3A_30 = arith.constant 32 : index
    %get3A_31 = tpu.vector_load %arg16[%get3A_29, %get3A_30] {strides = array<i32>} : memref<2x64xf32, #tpu.memory_space<vmem>>, vector<16xf32>,
    %get3A_32 = arith.constant 1 : i32
    %get3A_33 = arith.index_cast %get3A_32 : i32 to index
    %get3A_34 = arith.constant 48 : index
    %get3A_35 = tpu.vector_load %arg16[%get3A_33, %get3A_34] {strides = array<i32>} : memref<2x64xf32, #tpu.memory_space<vmem>>, vector<16xf32>,
    %iota3A = tpu.iota {dimensions = array<i32: 0>} : vector<16xi32>
    %dma_start3A = arith.constant 0 : i32
    %dma_start3A_36 = arith.constant 0 : i32
    %dma_start3A_37 = tpu.memref_slice %arg7[%dma_start3A, %dma_start3A_36] : memref<200x128xi32, #tpu.memory_space<vmem>> -> memref<1x128xi32, #tpu.memory_space<vmem>>
    %dma_start3A_38 = tpu.memref_squeeze %dma_start3A_37 : memref<1x128xi32, #tpu.memory_space<vmem>> -> memref<128xi32, #tpu.memory_space<vmem>>
    %dma_start3A_39 = arith.constant 0 : i32
    %dma_start3A_40 = arith.constant 0 : i32
    %dma_start3A_41 = tpu.memref_slice %arg3[%dma_start3A_39, %dma_start3A_40] : memref<1000000x64xf32, #tpu.memory_space<hbm>> -> memref<1000000x64xf32, #tpu.memory_space<hbm>>
    tpu.enqueue_indirect_dma source(%dma_start3A_41 : memref<1000000x64xf32, #tpu.memory_space<hbm>>) target(%arg8 : memref<128x64xf32, #tpu.memory_space<vmem>>) offsets(%dma_start3A_38 : memref<128xi32, #tpu.memory_space<vmem>>) semaphore(%arg17 : memref<!tpu.dma_semaphore, #tpu.memory_space<semaphore_mem>>)
    %dma_start3A_42 = arith.constant 1 : i32
    %dma_start3A_43 = arith.constant 0 : i32
    %dma_start3A_44 = tpu.memref_slice %arg7[%dma_start3A_42, %dma_start3A_43] : memref<200x128xi32, #tpu.memory_space<vmem>> -> memref<1x128xi32, #tpu.memory_space<vmem>>
    %dma_start3A_45 = tpu.memref_squeeze %dma_start3A_44 : memref<1x128xi32, #tpu.memory_space<vmem>> -> memref<128xi32, #tpu.memory_space<vmem>>
    %dma_start3A_46 = arith.constant 0 : i32
    %dma_start3A_47 = arith.constant 0 : i32
    %dma_start3A_48 = tpu.memref_slice %arg3[%dma_start3A_46, %dma_start3A_47] : memref<1000000x64xf32, #tpu.memory_space<hbm>> -> memref<1000000x64xf32, #tpu.memory_space<hbm>>
    tpu.enqueue_indirect_dma source(%dma_start3A_48 : memref<1000000x64xf32, #tpu.memory_space<hbm>>) target(%arg9 : memref<128x64xf32, #tpu.memory_space<vmem>>) offsets(%dma_start3A_45 : memref<128xi32, #tpu.memory_space<vmem>>) semaphore(%arg18 : memref<!tpu.dma_semaphore, #tpu.memory_space<semaphore_mem>>)
    %scan3A = arith.constant 0 : i32
    %scan3A_49 = arith.constant 0 : i32
    %scan3A_50 = arith.constant 50 : i32
    %scan3A_51 = arith.addi %scan3A_49, %scan3A_50 : i32
    %scan3A_52 = arith.constant 1 : i32
    scf.for %scan3A_67 = %scan3A_49 to %scan3A_51 step %scan3A_52  : i32 {
      %mul3A_68 = arith.constant 4 : i32
      %mul3A_69 = arith.muli %scan3A_67, %mul3A_68 : i32
      %add3A_70 = arith.constant 0 : i32
      %add3A_71 = arith.addi %mul3A_69, %add3A_70 : i32
      %dma_wait3A_72 = arith.constant 0 : i32
      %dma_wait3A_73 = tpu.memref_slice %arg7[%add3A_71, %dma_wait3A_72] : memref<200x128xi32, #tpu.memory_space<vmem>> -> memref<1x128xi32, #tpu.memory_space<vmem>>
      %dma_wait3A_74 = tpu.memref_squeeze %dma_wait3A_73 : memref<1x128xi32, #tpu.memory_space<vmem>> -> memref<128xi32, #tpu.memory_space<vmem>>
      %dma_wait3A_75 = arith.constant 0 : i32
      %dma_wait3A_76 = arith.constant 0 : i32
      %dma_wait3A_77 = tpu.memref_slice %arg3[%dma_wait3A_75, %dma_wait3A_76] : memref<1000000x64xf32, #tpu.memory_space<hbm>> -> memref<1000000x64xf32, #tpu.memory_space<hbm>>
      tpu.wait_indirect_dma semaphore(%arg17 : memref<!tpu.dma_semaphore, #tpu.memory_space<semaphore_mem>>) src(%dma_wait3A_77 : memref<1000000x64xf32, #tpu.memory_space<hbm>>) dst(%arg8 : memref<128x64xf32, #tpu.memory_space<vmem>>)
      %scan3A_78 = arith.constant 0 : i32
      %scan3A_79 = arith.constant 0 : i32
      %scan3A_80 = arith.constant 16 : i32
      %scan3A_81 = arith.addi %scan3A_79, %scan3A_80 : i32
      %scan3A_82 = arith.constant 1 : i32
      scf.for %scan3A_794 = %scan3A_79 to %scan3A_81 step %scan3A_82  : i32 {
        %mul3A_795 = arith.constant 8 : i32
        %mul3A_796 = arith.muli %scan3A_794, %mul3A_795 : i32
        %add3A_797 = arith.constant 0 : i32
        %add3A_798 = arith.addi %mul3A_796, %add3A_797 : i32
        %get3A_799 = arith.index_cast %add3A_798 : i32 to index
        %get3A_800 = arith.constant 0 : index
        %get3A_801 = tpu.vector_load %arg8[%get3A_799, %get3A_800] {strides = array<i32>} : memref<128x64xf32, #tpu.memory_space<vmem>>, vector<16xf32>,
        %get3A_802 = arith.index_cast %add3A_798 : i32 to index
        %get3A_803 = arith.constant 16 : index
        %get3A_804 = tpu.vector_load %arg8[%get3A_802, %get3A_803] {strides = array<i32>} : memref<128x64xf32, #tpu.memory_space<vmem>>, vector<16xf32>,
        %get3A_805 = arith.index_cast %add3A_798 : i32 to index
        %get3A_806 = arith.constant 32 : index
        %get3A_807 = tpu.vector_load %arg8[%get3A_805, %get3A_806] {strides = array<i32>} : memref<128x64xf32, #tpu.memory_space<vmem>>, vector<16xf32>,
        %get3A_808 = arith.index_cast %add3A_798 : i32 to index
        %get3A_809 = arith.constant 48 : index
        %get3A_810 = tpu.vector_load %arg8[%get3A_808, %get3A_809] {strides = array<i32>} : memref<128x64xf32, #tpu.memory_space<vmem>>, vector<16xf32>,
        %add3A_811 = arith.addf %get3A_801, %get3A_804 : vector<16xf32>
        %add3A_812 = arith.addf %get3A_807, %get3A_810 : vector<16xf32>
        %add3A_813 = arith.addf %add3A_811, %add3A_812 : vector<16xf32>
        %mul3A_814 = arith.mulf %get3A_801, %get3A_801 : vector<16xf32>
        %mul3A_815 = arith.mulf %get3A_804, %get3A_804 : vector<16xf32>
        %add3A_816 = arith.addf %mul3A_814, %mul3A_815 : vector<16xf32>
        %mul3A_817 = arith.mulf %get3A_807, %get3A_807 : vector<16xf32>
        %mul3A_818 = arith.mulf %get3A_810, %get3A_810 : vector<16xf32>
        %add3A_819 = arith.addf %mul3A_817, %mul3A_818 : vector<16xf32>
        %add3A_820 = arith.addf %add3A_816, %add3A_819 : vector<16xf32>
        %cumsum3A = arith.constant true
        %cumsum3A_821 = vector.broadcast %cumsum3A : i1 to vector<16xi1>
        %cumsum3A_822 = tpu.scan <sum>, %add3A_813 masked %cumsum3A_821 : vector<16xf32>, vector<16xi1> -> vector<16xf32>
        %lt3A = arith.constant 0 : i32
        %lt3A_823 = vector.broadcast %lt3A : i32 to vector<16xi32>
        %lt3A_824 = arith.cmpi slt, %broadcast_in_dim3A_4, %lt3A_823 : vector<16xi32>
        %add3A_825 = arith.constant 16 : i32
        %add3A_826 = vector.broadcast %add3A_825 : i32 to vector<16xi32>
        %add3A_827 = arith.addi %broadcast_in_dim3A_4, %add3A_826 : vector<16xi32>
        %select_n3A = arith.select %lt3A_824, %add3A_827, %broadcast_in_dim3A_4 : vector<16xi1>, vector<16xi32>
        %reshape3A = vector.shape_cast %select_n3A : vector<16xi32> to vector<16x1xi32>
        %gather3A = vector.shape_cast %reshape3A : vector<16x1xi32> to vector<16xi32>
        %gather3A_828 = tpu.dynamic_gather %cumsum3A_822[%gather3A] in [0] : vector<16xf32>, vector<16xi32> -> vector<16xf32>
        %cumsum3A_829 = arith.constant true
        %cumsum3A_830 = vector.broadcast %cumsum3A_829 : i1 to vector<16xi1>
        %cumsum3A_831 = tpu.scan <sum>, %add3A_820 masked %cumsum3A_830 : vector<16xf32>, vector<16xi1> -> vector<16xf32>
        %lt3A_832 = arith.constant 0 : i32
        %lt3A_833 = vector.broadcast %lt3A_832 : i32 to vector<16xi32>
        %lt3A_834 = arith.cmpi slt, %broadcast_in_dim3A_4, %lt3A_833 : vector<16xi32>
        %add3A_835 = arith.constant 16 : i32
        %add3A_836 = vector.broadcast %add3A_835 : i32 to vector<16xi32>
        %add3A_837 = arith.addi %broadcast_in_dim3A_4, %add3A_836 : vector<16xi32>
        %select_n3A_838 = arith.select %lt3A_834, %add3A_837, %broadcast_in_dim3A_4 : vector<16xi1>, vector<16xi32>
        %reshape3A_839 = vector.shape_cast %select_n3A_838 : vector<16xi32> to vector<16x1xi32>
        %gather3A_840 = vector.shape_cast %reshape3A_839 : vector<16x1xi32> to vector<16xi32>
        %gather3A_841 = tpu.dynamic_gather %cumsum3A_831[%gather3A_840] in [0] : vector<16xf32>, vector<16xi32> -> vector<16xf32>
        %mul3A_842 = arith.constant 1.562500e-02 : f32
        %mul3A_843 = vector.broadcast %mul3A_842 : f32 to vector<16xf32>
        %mul3A_844 = arith.mulf %gather3A_828, %mul3A_843 : vector<16xf32>
        %mul3A_845 = arith.constant 1.562500e-02 : f32
        %mul3A_846 = vector.broadcast %mul3A_845 : f32 to vector<16xf32>
        %mul3A_847 = arith.mulf %gather3A_841, %mul3A_846 : vector<16xf32>
        %mul3A_848 = arith.mulf %mul3A_844, %mul3A_844 : vector<16xf32>
        %sub3A_849 = arith.subf %mul3A_847, %mul3A_848 : vector<16xf32>
        %add3A_850 = arith.constant 1.562500e-07 : f32
        %add3A_851 = vector.broadcast %add3A_850 : f32 to vector<16xf32>
        %add3A_852 = arith.addf %sub3A_849, %add3A_851 : vector<16xf32>
        %bitcast3A = vector.bitcast %add3A_852 : vector<16xf32> to vector<16xi32>
        %shift_right_logical3A = arith.constant 1 : i32
        %shift_right_logical3A_853 = vector.broadcast %shift_right_logical3A : i32 to vector<16xi32>
        %shift_right_logical3A_854 = arith.shrui %bitcast3A, %shift_right_logical3A_853 : vector<16xi32>
        %sub3A_855 = arith.constant 1597463007 : i32
        %sub3A_856 = vector.broadcast %sub3A_855 : i32 to vector<16xi32>
        %sub3A_857 = arith.subi %sub3A_856, %shift_right_logical3A_854 : vector<16xi32>
        %bitcast3A_858 = vector.bitcast %sub3A_857 : vector<16xi32> to vector<16xf32>
        %mul3A_859 = arith.constant 5.000000e-01 : f32
        %mul3A_860 = vector.broadcast %mul3A_859 : f32 to vector<16xf32>
        %mul3A_861 = arith.mulf %add3A_852, %mul3A_860 : vector<16xf32>
        %mul3A_862 = arith.mulf %mul3A_861, %bitcast3A_858 : vector<16xf32>
        %mul3A_863 = arith.mulf %mul3A_862, %bitcast3A_858 : vector<16xf32>
        %sub3A_864 = arith.constant 1.500000e+00 : f32
        %sub3A_865 = vector.broadcast %sub3A_864 : f32 to vector<16xf32>
        %sub3A_866 = arith.subf %sub3A_865, %mul3A_863 : vector<16xf32>
        %mul3A_867 = arith.mulf %bitcast3A_858, %sub3A_866 : vector<16xf32>
        %mul3A_868 = arith.mulf %mul3A_861, %mul3A_867 : vector<16xf32>
        %mul3A_869 = arith.mulf %mul3A_868, %mul3A_867 : vector<16xf32>
        %sub3A_870 = arith.constant 1.500000e+00 : f32
        %sub3A_871 = vector.broadcast %sub3A_870 : f32 to vector<16xf32>
        %sub3A_872 = arith.subf %sub3A_871, %mul3A_869 : vector<16xf32>
        %mul3A_873 = arith.mulf %mul3A_867, %sub3A_872 : vector<16xf32>
        %mul3A_874 = arith.mulf %mul3A_844, %mul3A_873 : vector<16xf32>
        %mul3A_875 = arith.mulf %get3A_801, %mul3A_873 : vector<16xf32>
        %sub3A_876 = arith.subf %mul3A_875, %mul3A_874 : vector<16xf32>
        %mul3A_877 = arith.mulf %sub3A_876, %get3A_7 : vector<16xf32>
        %add3A_878 = arith.addf %mul3A_877, %get3A_23 : vector<16xf32>
        %swap3A_879 = arith.index_cast %add3A_798 : i32 to index
        %swap3A_880 = arith.constant 0 : index
        %swap3A_881 = tpu.vector_load %arg8[%swap3A_879, %swap3A_880] {strides = array<i32>} : memref<128x64xf32, #tpu.memory_space<vmem>>, vector<16xf32>,
        tpu.vector_store %arg8[%swap3A_879, %swap3A_880], %add3A_878 {strides = array<i32>} : memref<128x64xf32, #tpu.memory_space<vmem>>, vector<16xf32>,
        %mul3A_882 = arith.mulf %get3A_804, %mul3A_873 : vector<16xf32>
        %sub3A_883 = arith.subf %mul3A_882, %mul3A_874 : vector<16xf32>
        %mul3A_884 = arith.mulf %sub3A_883, %get3A_11 : vector<16xf32>
        %add3A_885 = arith.addf %mul3A_884, %get3A_27 : vector<16xf32>
        %swap3A_886 = arith.index_cast %add3A_798 : i32 to index
        %swap3A_887 = arith.constant 16 : index
        %swap3A_888 = tpu.vector_load %arg8[%swap3A_886, %swap3A_887] {strides = array<i32>} : memref<128x64xf32, #tpu.memory_space<vmem>>, vector<16xf32>,
        tpu.vector_store %arg8[%swap3A_886, %swap3A_887], %add3A_885 {strides = array<i32>} : memref<128x64xf32, #tpu.memory_space<vmem>>, vector<16xf32>,
        %mul3A_889 = arith.mulf %get3A_807, %mul3A_873 : vector<16xf32>
        %sub3A_890 = arith.subf %mul3A_889, %mul3A_874 : vector<16xf32>
        %mul3A_891 = arith.mulf %sub3A_890, %get3A_15 : vector<16xf32>
        %add3A_892 = arith.addf %mul3A_891, %get3A_31 : vector<16xf32>
        %swap3A_893 = arith.index_cast %add3A_798 : i32 to index
        %swap3A_894 = arith.constant 32 : index
        %swap3A_895 = tpu.vector_load %arg8[%swap3A_893, %swap3A_894] {strides = array<i32>} : memref<128x64xf32, #tpu.memory_space<vmem>>, vector<16xf32>,
        tpu.vector_store %arg8[%swap3A_893, %swap3A_894], %add3A_892 {strides = array<i32>} : memref<128x64xf32, #tpu.memory_space<vmem>>, vector<16xf32>,
        %mul3A_896 = arith.mulf %get3A_810, %mul3A_873 : vector<16xf32>
        %sub3A_897 = arith.subf %mul3A_896, %mul3A_874 : vector<16xf32>
        %mul3A_898 = arith.mulf %sub3A_897, %get3A_19 : vector<16xf32>
        %add3A_899 = arith.addf %mul3A_898, %get3A_35 : vector<16xf32>
        %swap3A_900 = arith.index_cast %add3A_798 : i32 to index
        %swap3A_901 = arith.constant 48 : index
        %swap3A_902 = tpu.vector_load %arg8[%swap3A_900, %swap3A_901] {strides = array<i32>} : memref<128x64xf32, #tpu.memory_space<vmem>>, vector<16xf32>,
        tpu.vector_store %arg8[%swap3A_900, %swap3A_901], %add3A_899 {strides = array<i32>} : memref<128x64xf32, #tpu.memory_space<vmem>>, vector<16xf32>,
        %mul3A_903 = arith.constant 8 : i32
        %mul3A_904 = arith.muli %scan3A_794, %mul3A_903 : i32
        %add3A_905 = arith.constant 1 : i32
        %add3A_906 = arith.addi %mul3A_904, %add3A_905 : i32
        %get3A_907 = arith.index_cast %add3A_906 : i32 to index
        %get3A_908 = arith.constant 0 : index
        %get3A_909 = tpu.vector_load %arg8[%get3A_907, %get3A_908] {strides = array<i32>} : memref<128x64xf32, #tpu.memory_space<vmem>>, vector<16xf32>,
        %get3A_910 = arith.index_cast %add3A_906 : i32 to index
        %get3A_911 = arith.constant 16 : index
        %get3A_912 = tpu.vector_load %arg8[%get3A_910, %get3A_911] {strides = array<i32>} : memref<128x64xf32, #tpu.memory_space<vmem>>, vector<16xf32>,
        %get3A_913 = arith.index_cast %add3A_906 : i32 to index
        %get3A_914 = arith.constant 32 : index
        %get3A_915 = tpu.vector_load %arg8[%get3A_913, %get3A_914] {strides = array<i32>} : memref<128x64xf32, #tpu.memory_space<vmem>>, vector<16xf32>,
        %get3A_916 = arith.index_cast %add3A_906 : i32 to index
        %get3A_917 = arith.constant 48 : index
        %get3A_918 = tpu.vector_load %arg8[%get3A_916, %get3A_917] {strides = array<i32>} : memref<128x64xf32, #tpu.memory_space<vmem>>, vector<16xf32>,
        %add3A_919 = arith.addf %get3A_909, %get3A_912 : vector<16xf32>
        %add3A_920 = arith.addf %get3A_915, %get3A_918 : vector<16xf32>
        %add3A_921 = arith.addf %add3A_919, %add3A_920 : vector<16xf32>
        %mul3A_922 = arith.mulf %get3A_909, %get3A_909 : vector<16xf32>
        %mul3A_923 = arith.mulf %get3A_912, %get3A_912 : vector<16xf32>
        %add3A_924 = arith.addf %mul3A_922, %mul3A_923 : vector<16xf32>
        %mul3A_925 = arith.mulf %get3A_915, %get3A_915 : vector<16xf32>
        %mul3A_926 = arith.mulf %get3A_918, %get3A_918 : vector<16xf32>
        %add3A_927 = arith.addf %mul3A_925, %mul3A_926 : vector<16xf32>
        %add3A_928 = arith.addf %add3A_924, %add3A_927 : vector<16xf32>
        %cumsum3A_929 = arith.constant true
        %cumsum3A_930 = vector.broadcast %cumsum3A_929 : i1 to vector<16xi1>
        %cumsum3A_931 = tpu.scan <sum>, %add3A_921 masked %cumsum3A_930 : vector<16xf32>, vector<16xi1> -> vector<16xf32>
        %lt3A_932 = arith.constant 0 : i32
        %lt3A_933 = vector.broadcast %lt3A_932 : i32 to vector<16xi32>
        %lt3A_934 = arith.cmpi slt, %broadcast_in_dim3A_4, %lt3A_933 : vector<16xi32>
        %add3A_935 = arith.constant 16 : i32
        %add3A_936 = vector.broadcast %add3A_935 : i32 to vector<16xi32>
        %add3A_937 = arith.addi %broadcast_in_dim3A_4, %add3A_936 : vector<16xi32>
        %select_n3A_938 = arith.select %lt3A_934, %add3A_937, %broadcast_in_dim3A_4 : vector<16xi1>, vector<16xi32>
        %reshape3A_939 = vector.shape_cast %select_n3A_938 : vector<16xi32> to vector<16x1xi32>
        %gather3A_940 = vector.shape_cast %reshape3A_939 : vector<16x1xi32> to vector<16xi32>
        %gather3A_941 = tpu.dynamic_gather %cumsum3A_931[%gather3A_940] in [0] : vector<16xf32>, vector<16xi32> -> vector<16xf32>
        %cumsum3A_942 = arith.constant true
        %cumsum3A_943 = vector.broadcast %cumsum3A_942 : i1 to vector<16xi1>
        %cumsum3A_944 = tpu.scan <sum>, %add3A_928 masked %cumsum3A_943 : vector<16xf32>, vector<16xi1> -> vector<16xf32>
        %lt3A_945 = arith.constant 0 : i32
        %lt3A_946 = vector.broadcast %lt3A_945 : i32 to vector<16xi32>
        %lt3A_947 = arith.cmpi slt, %broadcast_in_dim3A_4, %lt3A_946 : vector<16xi32>
        %add3A_948 = arith.constant 16 : i32
        %add3A_949 = vector.broadcast %add3A_948 : i32 to vector<16xi32>
        %add3A_950 = arith.addi %broadcast_in_dim3A_4, %add3A_949 : vector<16xi32>
        %select_n3A_951 = arith.select %lt3A_947, %add3A_950, %broadcast_in_dim3A_4 : vector<16xi1>, vector<16xi32>
        %reshape3A_952 = vector.shape_cast %select_n3A_951 : vector<16xi32> to vector<16x1xi32>
        %gather3A_953 = vector.shape_cast %reshape3A_952 : vector<16x1xi32> to vector<16xi32>
        %gather3A_954 = tpu.dynamic_gather %cumsum3A_944[%gather3A_953] in [0] : vector<16xf32>, vector<16xi32> -> vector<16xf32>
        %mul3A_955 = arith.constant 1.562500e-02 : f32
        %mul3A_956 = vector.broadcast %mul3A_955 : f32 to vector<16xf32>
        %mul3A_957 = arith.mulf %gather3A_941, %mul3A_956 : vector<16xf32>
        %mul3A_958 = arith.constant 1.562500e-02 : f32
        %mul3A_959 = vector.broadcast %mul3A_958 : f32 to vector<16xf32>
        %mul3A_960 = arith.mulf %gather3A_954, %mul3A_959 : vector<16xf32>
        %mul3A_961 = arith.mulf %mul3A_957, %mul3A_957 : vector<16xf32>
        %sub3A_962 = arith.subf %mul3A_960, %mul3A_961 : vector<16xf32>
        %add3A_963 = arith.constant 1.562500e-07 : f32
        %add3A_964 = vector.broadcast %add3A_963 : f32 to vector<16xf32>
        %add3A_965 = arith.addf %sub3A_962, %add3A_964 : vector<16xf32>
        %bitcast3A_966 = vector.bitcast %add3A_965 : vector<16xf32> to vector<16xi32>
        %shift_right_logical3A_967 = arith.constant 1 : i32
        %shift_right_logical3A_968 = vector.broadcast %shift_right_logical3A_967 : i32 to vector<16xi32>
        %shift_right_logical3A_969 = arith.shrui %bitcast3A_966, %shift_right_logical3A_968 : vector<16xi32>
        %sub3A_970 = arith.constant 1597463007 : i32
        %sub3A_971 = vector.broadcast %sub3A_970 : i32 to vector<16xi32>
        %sub3A_972 = arith.subi %sub3A_971, %shift_right_logical3A_969 : vector<16xi32>
        %bitcast3A_973 = vector.bitcast %sub3A_972 : vector<16xi32> to vector<16xf32>
        %mul3A_974 = arith.constant 5.000000e-01 : f32
        %mul3A_975 = vector.broadcast %mul3A_974 : f32 to vector<16xf32>
        %mul3A_976 = arith.mulf %add3A_965, %mul3A_975 : vector<16xf32>
        %mul3A_977 = arith.mulf %mul3A_976, %bitcast3A_973 : vector<16xf32>
        %mul3A_978 = arith.mulf %mul3A_977, %bitcast3A_973 : vector<16xf32>
        %sub3A_979 = arith.constant 1.500000e+00 : f32
        %sub3A_980 = vector.broadcast %sub3A_979 : f32 to vector<16xf32>
        %sub3A_981 = arith.subf %sub3A_980, %mul3A_978 : vector<16xf32>
        %mul3A_982 = arith.mulf %bitcast3A_973, %sub3A_981 : vector<16xf32>
        %mul3A_983 = arith.mulf %mul3A_976, %mul3A_982 : vector<16xf32>
        %mul3A_984 = arith.mulf %mul3A_983, %mul3A_982 : vector<16xf32>
        %sub3A_985 = arith.constant 1.500000e+00 : f32
        %sub3A_986 = vector.broadcast %sub3A_985 : f32 to vector<16xf32>
        %sub3A_987 = arith.subf %sub3A_986, %mul3A_984 : vector<16xf32>
        %mul3A_988 = arith.mulf %mul3A_982, %sub3A_987 : vector<16xf32>
        %mul3A_989 = arith.mulf %mul3A_957, %mul3A_988 : vector<16xf32>
        %mul3A_990 = arith.mulf %get3A_909, %mul3A_988 : vector<16xf32>
        %sub3A_991 = arith.subf %mul3A_990, %mul3A_989 : vector<16xf32>
        %mul3A_992 = arith.mulf %sub3A_991, %get3A_7 : vector<16xf32>
        %add3A_993 = arith.addf %mul3A_992, %get3A_23 : vector<16xf32>
        %swap3A_994 = arith.index_cast %add3A_906 : i32 to index
        %swap3A_995 = arith.constant 0 : index
        %swap3A_996 = tpu.vector_load %arg8[%swap3A_994, %swap3A_995] {strides = array<i32>} : memref<128x64xf32, #tpu.memory_space<vmem>>, vector<16xf32>,
        tpu.vector_store %arg8[%swap3A_994, %swap3A_995], %add3A_993 {strides = array<i32>} : memref<128x64xf32, #tpu.memory_space<vmem>>, vector<16xf32>,
        %mul3A_997 = arith.mulf %get3A_912, %mul3A_988 : vector<16xf32>
        %sub3A_998 = arith.subf %mul3A_997, %mul3A_989 : vector<16xf32>
        %mul3A_999 = arith.mulf %sub3A_998, %get3A_11 : vector<16xf32>
        %add3A_1000 = arith.addf %mul3A_999, %get3A_27 : vector<16xf32>
        %swap3A_1001 = arith.index_cast %add3A_906 : i32 to index
        %swap3A_1002 = arith.constant 16 : index
        %swap3A_1003 = tpu.vector_load %arg8[%swap3A_1001, %swap3A_1002] {strides = array<i32>} : memref<128x64xf32, #tpu.memory_space<vmem>>, vector<16xf32>,
        tpu.vector_store %arg8[%swap3A_1001, %swap3A_1002], %add3A_1000 {strides = array<i32>} : memref<128x64xf32, #tpu.memory_space<vmem>>, vector<16xf32>,
        %mul3A_1004 = arith.mulf %get3A_915, %mul3A_988 : vector<16xf32>
        %sub3A_1005 = arith.subf %mul3A_1004, %mul3A_989 : vector<16xf32>
        %mul3A_1006 = arith.mulf %sub3A_1005, %get3A_15 : vector<16xf32>
        %add3A_1007 = arith.addf %mul3A_1006, %get3A_31 : vector<16xf32>
        %swap3A_1008 = arith.index_cast %add3A_906 : i32 to index
        %swap3A_1009 = arith.constant 32 : index
        %swap3A_1010 = tpu.vector_load %arg8[%swap3A_1008, %swap3A_1009] {strides = array<i32>} : memref<128x64xf32, #tpu.memory_space<vmem>>, vector<16xf32>,
        tpu.vector_store %arg8[%swap3A_1008, %swap3A_1009], %add3A_1007 {strides = array<i32>} : memref<128x64xf32, #tpu.memory_space<vmem>>, vector<16xf32>,
        %mul3A_1011 = arith.mulf %get3A_918, %mul3A_988 : vector<16xf32>
        %sub3A_1012 = arith.subf %mul3A_1011, %mul3A_989 : vector<16xf32>
        %mul3A_1013 = arith.mulf %sub3A_1012, %get3A_19 : vector<16xf32>
        %add3A_1014 = arith.addf %mul3A_1013, %get3A_35 : vector<16xf32>
        %swap3A_1015 = arith.index_cast %add3A_906 : i32 to index
        %swap3A_1016 = arith.constant 48 : index
        %swap3A_1017 = tpu.vector_load %arg8[%swap3A_1015, %swap3A_1016] {strides = array<i32>} : memref<128x64xf32, #tpu.memory_space<vmem>>, vector<16xf32>,
        tpu.vector_store %arg8[%swap3A_1015, %swap3A_1016], %add3A_1014 {strides = array<i32>} : memref<128x64xf32, #tpu.memory_space<vmem>>, vector<16xf32>,
        %mul3A_1018 = arith.constant 8 : i32
        %mul3A_1019 = arith.muli %scan3A_794, %mul3A_1018 : i32
        %add3A_1020 = arith.constant 2 : i32
        %add3A_1021 = arith.addi %mul3A_1019, %add3A_1020 : i32
        %get3A_1022 = arith.index_cast %add3A_1021 : i32 to index
        %get3A_1023 = arith.constant 0 : index
        %get3A_1024 = tpu.vector_load %arg8[%get3A_1022, %get3A_1023] {strides = array<i32>} : memref<128x64xf32, #tpu.memory_space<vmem>>, vector<16xf32>,
        %get3A_1025 = arith.index_cast %add3A_1021 : i32 to index
        %get3A_1026 = arith.constant 16 : index
        %get3A_1027 = tpu.vector_load %arg8[%get3A_1025, %get3A_1026] {strides = array<i32>} : memref<128x64xf32, #tpu.memory_space<vmem>>, vector<16xf32>,
        %get3A_1028 = arith.index_cast %add3A_1021 : i32 to index
        %get3A_1029 = arith.constant 32 : index
        %get3A_1030 = tpu.vector_load %arg8[%get3A_1028, %get3A_1029] {strides = array<i32>} : memref<128x64xf32, #tpu.memory_space<vmem>>, vector<16xf32>,
        %get3A_1031 = arith.index_cast %add3A_1021 : i32 to index
        %get3A_1032 = arith.constant 48 : index
        %get3A_1033 = tpu.vector_load %arg8[%get3A_1031, %get3A_1032] {strides = array<i32>} : memref<128x64xf32, #tpu.memory_space<vmem>>, vector<16xf32>,
        %add3A_1034 = arith.addf %get3A_1024, %get3A_1027 : vector<16xf32>
        %add3A_1035 = arith.addf %get3A_1030, %get3A_1033 : vector<16xf32>
        %add3A_1036 = arith.addf %add3A_1034, %add3A_1035 : vector<16xf32>
        %mul3A_1037 = arith.mulf %get3A_1024, %get3A_1024 : vector<16xf32>
        %mul3A_1038 = arith.mulf %get3A_1027, %get3A_1027 : vector<16xf32>
        %add3A_1039 = arith.addf %mul3A_1037, %mul3A_1038 : vector<16xf32>
        %mul3A_1040 = arith.mulf %get3A_1030, %get3A_1030 : vector<16xf32>
        %mul3A_1041 = arith.mulf %get3A_1033, %get3A_1033 : vector<16xf32>
        %add3A_1042 = arith.addf %mul3A_1040, %mul3A_1041 : vector<16xf32>
        %add3A_1043 = arith.addf %add3A_1039, %add3A_1042 : vector<16xf32>
        %cumsum3A_1044 = arith.constant true
        %cumsum3A_1045 = vector.broadcast %cumsum3A_1044 : i1 to vector<16xi1>
        %cumsum3A_1046 = tpu.scan <sum>, %add3A_1036 masked %cumsum3A_1045 : vector<16xf32>, vector<16xi1> -> vector<16xf32>
        %lt3A_1047 = arith.constant 0 : i32
        %lt3A_1048 = vector.broadcast %lt3A_1047 : i32 to vector<16xi32>
        %lt3A_1049 = arith.cmpi slt, %broadcast_in_dim3A_4, %lt3A_1048 : vector<16xi32>
        %add3A_1050 = arith.constant 16 : i32
        %add3A_1051 = vector.broadcast %add3A_1050 : i32 to vector<16xi32>
        %add3A_1052 = arith.addi %broadcast_in_dim3A_4, %add3A_1051 : vector<16xi32>
        %select_n3A_1053 = arith.select %lt3A_1049, %add3A_1052, %broadcast_in_dim3A_4 : vector<16xi1>, vector<16xi32>
        %reshape3A_1054 = vector.shape_cast %select_n3A_1053 : vector<16xi32> to vector<16x1xi32>
        %gather3A_1055 = vector.shape_cast %reshape3A_1054 : vector<16x1xi32> to vector<16xi32>
        %gather3A_1056 = tpu.dynamic_gather %cumsum3A_1046[%gather3A_1055] in [0] : vector<16xf32>, vector<16xi32> -> vector<16xf32>
        %cumsum3A_1057 = arith.constant true
        %cumsum3A_1058 = vector.broadcast %cumsum3A_1057 : i1 to vector<16xi1>
        %cumsum3A_1059 = tpu.scan <sum>, %add3A_1043 masked %cumsum3A_1058 : vector<16xf32>, vector<16xi1> -> vector<16xf32>
        %lt3A_1060 = arith.constant 0 : i32
        %lt3A_1061 = vector.broadcast %lt3A_1060 : i32 to vector<16xi32>
        %lt3A_1062 = arith.cmpi slt, %broadcast_in_dim3A_4, %lt3A_1061 : vector<16xi32>
        %add3A_1063 = arith.constant 16 : i32
        %add3A_1064 = vector.broadcast %add3A_1063 : i32 to vector<16xi32>
        %add3A_1065 = arith.addi %broadcast_in_dim3A_4, %add3A_1064 : vector<16xi32>
        %select_n3A_1066 = arith.select %lt3A_1062, %add3A_1065, %broadcast_in_dim3A_4 : vector<16xi1>, vector<16xi32>
        %reshape3A_1067 = vector.shape_cast %select_n3A_1066 : vector<16xi32> to vector<16x1xi32>
        %gather3A_1068 = vector.shape_cast %reshape3A_1067 : vector<16x1xi32> to vector<16xi32>
        %gather3A_1069 = tpu.dynamic_gather %cumsum3A_1059[%gather3A_1068] in [0] : vector<16xf32>, vector<16xi32> -> vector<16xf32>
        %mul3A_1070 = arith.constant 1.562500e-02 : f32
        %mul3A_1071 = vector.broadcast %mul3A_1070 : f32 to vector<16xf32>
        %mul3A_1072 = arith.mulf %gather3A_1056, %mul3A_1071 : vector<16xf32>
        %mul3A_1073 = arith.constant 1.562500e-02 : f32
        %mul3A_1074 = vector.broadcast %mul3A_1073 : f32 to vector<16xf32>
        %mul3A_1075 = arith.mulf %gather3A_1069, %mul3A_1074 : vector<16xf32>
        %mul3A_1076 = arith.mulf %mul3A_1072, %mul3A_1072 : vector<16xf32>
        %sub3A_1077 = arith.subf %mul3A_1075, %mul3A_1076 : vector<16xf32>
        %add3A_1078 = arith.constant 1.562500e-07 : f32
        %add3A_1079 = vector.broadcast %add3A_1078 : f32 to vector<16xf32>
        %add3A_1080 = arith.addf %sub3A_1077, %add3A_1079 : vector<16xf32>
        %bitcast3A_1081 = vector.bitcast %add3A_1080 : vector<16xf32> to vector<16xi32>
        %shift_right_logical3A_1082 = arith.constant 1 : i32
        %shift_right_logical3A_1083 = vector.broadcast %shift_right_logical3A_1082 : i32 to vector<16xi32>
        %shift_right_logical3A_1084 = arith.shrui %bitcast3A_1081, %shift_right_logical3A_1083 : vector<16xi32>
        %sub3A_1085 = arith.constant 1597463007 : i32
        %sub3A_1086 = vector.broadcast %sub3A_1085 : i32 to vector<16xi32>
        %sub3A_1087 = arith.subi %sub3A_1086, %shift_right_logical3A_1084 : vector<16xi32>
        %bitcast3A_1088 = vector.bitcast %sub3A_1087 : vector<16xi32> to vector<16xf32>
        %mul3A_1089 = arith.constant 5.000000e-01 : f32
        %mul3A_1090 = vector.broadcast %mul3A_1089 : f32 to vector<16xf32>
        %mul3A_1091 = arith.mulf %add3A_1080, %mul3A_1090 : vector<16xf32>
        %mul3A_1092 = arith.mulf %mul3A_1091, %bitcast3A_1088 : vector<16xf32>
        %mul3A_1093 = arith.mulf %mul3A_1092, %bitcast3A_1088 : vector<16xf32>
        %sub3A_1094 = arith.constant 1.500000e+00 : f32
        %sub3A_1095 = vector.broadcast %sub3A_1094 : f32 to vector<16xf32>
        %sub3A_1096 = arith.subf %sub3A_1095, %mul3A_1093 : vector<16xf32>
        %mul3A_1097 = arith.mulf %bitcast3A_1088, %sub3A_1096 : vector<16xf32>
        %mul3A_1098 = arith.mulf %mul3A_1091, %mul3A_1097 : vector<16xf32>
        %mul3A_1099 = arith.mulf %mul3A_1098, %mul3A_1097 : vector<16xf32>
        %sub3A_1100 = arith.constant 1.500000e+00 : f32
        %sub3A_1101 = vector.broadcast %sub3A_1100 : f32 to vector<16xf32>
        %sub3A_1102 = arith.subf %sub3A_1101, %mul3A_1099 : vector<16xf32>
        %mul3A_1103 = arith.mulf %mul3A_1097, %sub3A_1102 : vector<16xf32>
        %mul3A_1104 = arith.mulf %mul3A_1072, %mul3A_1103 : vector<16xf32>
        %mul3A_1105 = arith.mulf %get3A_1024, %mul3A_1103 : vector<16xf32>
        %sub3A_1106 = arith.subf %mul3A_1105, %mul3A_1104 : vector<16xf32>
        %mul3A_1107 = arith.mulf %sub3A_1106, %get3A_7 : vector<16xf32>
        %add3A_1108 = arith.addf %mul3A_1107, %get3A_23 : vector<16xf32>
        %swap3A_1109 = arith.index_cast %add3A_1021 : i32 to index
        %swap3A_1110 = arith.constant 0 : index
        %swap3A_1111 = tpu.vector_load %arg8[%swap3A_1109, %swap3A_1110] {strides = array<i32>} : memref<128x64xf32, #tpu.memory_space<vmem>>, vector<16xf32>,
        tpu.vector_store %arg8[%swap3A_1109, %swap3A_1110], %add3A_1108 {strides = array<i32>} : memref<128x64xf32, #tpu.memory_space<vmem>>, vector<16xf32>,
        %mul3A_1112 = arith.mulf %get3A_1027, %mul3A_1103 : vector<16xf32>
        %sub3A_1113 = arith.subf %mul3A_1112, %mul3A_1104 : vector<16xf32>
        %mul3A_1114 = arith.mulf %sub3A_1113, %get3A_11 : vector<16xf32>
        %add3A_1115 = arith.addf %mul3A_1114, %get3A_27 : vector<16xf32>
        %swap3A_1116 = arith.index_cast %add3A_1021 : i32 to index
        %swap3A_1117 = arith.constant 16 : index
        %swap3A_1118 = tpu.vector_load %arg8[%swap3A_1116, %swap3A_1117] {strides = array<i32>} : memref<128x64xf32, #tpu.memory_space<vmem>>, vector<16xf32>,
        tpu.vector_store %arg8[%swap3A_1116, %swap3A_1117], %add3A_1115 {strides = array<i32>} : memref<128x64xf32, #tpu.memory_space<vmem>>, vector<16xf32>,
        %mul3A_1119 = arith.mulf %get3A_1030, %mul3A_1103 : vector<16xf32>
        %sub3A_1120 = arith.subf %mul3A_1119, %mul3A_1104 : vector<16xf32>
        %mul3A_1121 = arith.mulf %sub3A_1120, %get3A_15 : vector<16xf32>
        %add3A_1122 = arith.addf %mul3A_1121, %get3A_31 : vector<16xf32>
        %swap3A_1123 = arith.index_cast %add3A_1021 : i32 to index
        %swap3A_1124 = arith.constant 32 : index
        %swap3A_1125 = tpu.vector_load %arg8[%swap3A_1123, %swap3A_1124] {strides = array<i32>} : memref<128x64xf32, #tpu.memory_space<vmem>>, vector<16xf32>,
        tpu.vector_store %arg8[%swap3A_1123, %swap3A_1124], %add3A_1122 {strides = array<i32>} : memref<128x64xf32, #tpu.memory_space<vmem>>, vector<16xf32>,
        %mul3A_1126 = arith.mulf %get3A_1033, %mul3A_1103 : vector<16xf32>
        %sub3A_1127 = arith.subf %mul3A_1126, %mul3A_1104 : vector<16xf32>
        %mul3A_1128 = arith.mulf %sub3A_1127, %get3A_19 : vector<16xf32>
        %add3A_1129 = arith.addf %mul3A_1128, %get3A_35 : vector<16xf32>
        %swap3A_1130 = arith.index_cast %add3A_1021 : i32 to index
        %swap3A_1131 = arith.constant 48 : index
        %swap3A_1132 = tpu.vector_load %arg8[%swap3A_1130, %swap3A_1131] {strides = array<i32>} : memref<128x64xf32, #tpu.memory_space<vmem>>, vector<16xf32>,
        tpu.vector_store %arg8[%swap3A_1130, %swap3A_1131], %add3A_1129 {strides = array<i32>} : memref<128x64xf32, #tpu.memory_space<vmem>>, vector<16xf32>,
        %mul3A_1133 = arith.constant 8 : i32
        %mul3A_1134 = arith.muli %scan3A_794, %mul3A_1133 : i32
        %add3A_1135 = arith.constant 3 : i32
        %add3A_1136 = arith.addi %mul3A_1134, %add3A_1135 : i32
        %get3A_1137 = arith.index_cast %add3A_1136 : i32 to index
        %get3A_1138 = arith.constant 0 : index
        %get3A_1139 = tpu.vector_load %arg8[%get3A_1137, %get3A_1138] {strides = array<i32>} : memref<128x64xf32, #tpu.memory_space<vmem>>, vector<16xf32>,
        %get3A_1140 = arith.index_cast %add3A_1136 : i32 to index
        %get3A_1141 = arith.constant 16 : index
        %get3A_1142 = tpu.vector_load %arg8[%get3A_1140, %get3A_1141] {strides = array<i32>} : memref<128x64xf32, #tpu.memory_space<vmem>>, vector<16xf32>,
        %get3A_1143 = arith.index_cast %add3A_1136 : i32 to index
        %get3A_1144 = arith.constant 32 : index
        %get3A_1145 = tpu.vector_load %arg8[%get3A_1143, %get3A_1144] {strides = array<i32>} : memref<128x64xf32, #tpu.memory_space<vmem>>, vector<16xf32>,
        %get3A_1146 = arith.index_cast %add3A_1136 : i32 to index
        %get3A_1147 = arith.constant 48 : index
        %get3A_1148 = tpu.vector_load %arg8[%get3A_1146, %get3A_1147] {strides = array<i32>} : memref<128x64xf32, #tpu.memory_space<vmem>>, vector<16xf32>,
        %add3A_1149 = arith.addf %get3A_1139, %get3A_1142 : vector<16xf32>
        %add3A_1150 = arith.addf %get3A_1145, %get3A_1148 : vector<16xf32>
        %add3A_1151 = arith.addf %add3A_1149, %add3A_1150 : vector<16xf32>
        %mul3A_1152 = arith.mulf %get3A_1139, %get3A_1139 : vector<16xf32>
        %mul3A_1153 = arith.mulf %get3A_1142, %get3A_1142 : vector<16xf32>
        %add3A_1154 = arith.addf %mul3A_1152, %mul3A_1153 : vector<16xf32>
        %mul3A_1155 = arith.mulf %get3A_1145, %get3A_1145 : vector<16xf32>
        %mul3A_1156 = arith.mulf %get3A_1148, %get3A_1148 : vector<16xf32>
        %add3A_1157 = arith.addf %mul3A_1155, %mul3A_1156 : vector<16xf32>
        %add3A_1158 = arith.addf %add3A_1154, %add3A_1157 : vector<16xf32>
        %cumsum3A_1159 = arith.constant true
        %cumsum3A_1160 = vector.broadcast %cumsum3A_1159 : i1 to vector<16xi1>
        %cumsum3A_1161 = tpu.scan <sum>, %add3A_1151 masked %cumsum3A_1160 : vector<16xf32>, vector<16xi1> -> vector<16xf32>
        %lt3A_1162 = arith.constant 0 : i32
        %lt3A_1163 = vector.broadcast %lt3A_1162 : i32 to vector<16xi32>
        %lt3A_1164 = arith.cmpi slt, %broadcast_in_dim3A_4, %lt3A_1163 : vector<16xi32>
        %add3A_1165 = arith.constant 16 : i32
        %add3A_1166 = vector.broadcast %add3A_1165 : i32 to vector<16xi32>
        %add3A_1167 = arith.addi %broadcast_in_dim3A_4, %add3A_1166 : vector<16xi32>
        %select_n3A_1168 = arith.select %lt3A_1164, %add3A_1167, %broadcast_in_dim3A_4 : vector<16xi1>, vector<16xi32>
        %reshape3A_1169 = vector.shape_cast %select_n3A_1168 : vector<16xi32> to vector<16x1xi32>
        %gather3A_1170 = vector.shape_cast %reshape3A_1169 : vector<16x1xi32> to vector<16xi32>
        %gather3A_1171 = tpu.dynamic_gather %cumsum3A_1161[%gather3A_1170] in [0] : vector<16xf32>, vector<16xi32> -> vector<16xf32>
        %cumsum3A_1172 = arith.constant true
        %cumsum3A_1173 = vector.broadcast %cumsum3A_1172 : i1 to vector<16xi1>
        %cumsum3A_1174 = tpu.scan <sum>, %add3A_1158 masked %cumsum3A_1173 : vector<16xf32>, vector<16xi1> -> vector<16xf32>
        %lt3A_1175 = arith.constant 0 : i32
        %lt3A_1176 = vector.broadcast %lt3A_1175 : i32 to vector<16xi32>
        %lt3A_1177 = arith.cmpi slt, %broadcast_in_dim3A_4, %lt3A_1176 : vector<16xi32>
        %add3A_1178 = arith.constant 16 : i32
        %add3A_1179 = vector.broadcast %add3A_1178 : i32 to vector<16xi32>
        %add3A_1180 = arith.addi %broadcast_in_dim3A_4, %add3A_1179 : vector<16xi32>
        %select_n3A_1181 = arith.select %lt3A_1177, %add3A_1180, %broadcast_in_dim3A_4 : vector<16xi1>, vector<16xi32>
        %reshape3A_1182 = vector.shape_cast %select_n3A_1181 : vector<16xi32> to vector<16x1xi32>
        %gather3A_1183 = vector.shape_cast %reshape3A_1182 : vector<16x1xi32> to vector<16xi32>
        %gather3A_1184 = tpu.dynamic_gather %cumsum3A_1174[%gather3A_1183] in [0] : vector<16xf32>, vector<16xi32> -> vector<16xf32>
        %mul3A_1185 = arith.constant 1.562500e-02 : f32
        %mul3A_1186 = vector.broadcast %mul3A_1185 : f32 to vector<16xf32>
        %mul3A_1187 = arith.mulf %gather3A_1171, %mul3A_1186 : vector<16xf32>
        %mul3A_1188 = arith.constant 1.562500e-02 : f32
        %mul3A_1189 = vector.broadcast %mul3A_1188 : f32 to vector<16xf32>
        %mul3A_1190 = arith.mulf %gather3A_1184, %mul3A_1189 : vector<16xf32>
        %mul3A_1191 = arith.mulf %mul3A_1187, %mul3A_1187 : vector<16xf32>
        %sub3A_1192 = arith.subf %mul3A_1190, %mul3A_1191 : vector<16xf32>
        %add3A_1193 = arith.constant 1.562500e-07 : f32
        %add3A_1194 = vector.broadcast %add3A_1193 : f32 to vector<16xf32>
        %add3A_1195 = arith.addf %sub3A_1192, %add3A_1194 : vector<16xf32>
        %bitcast3A_1196 = vector.bitcast %add3A_1195 : vector<16xf32> to vector<16xi32>
        %shift_right_logical3A_1197 = arith.constant 1 : i32
        %shift_right_logical3A_1198 = vector.broadcast %shift_right_logical3A_1197 : i32 to vector<16xi32>
        %shift_right_logical3A_1199 = arith.shrui %bitcast3A_1196, %shift_right_logical3A_1198 : vector<16xi32>
        %sub3A_1200 = arith.constant 1597463007 : i32
        %sub3A_1201 = vector.broadcast %sub3A_1200 : i32 to vector<16xi32>
        %sub3A_1202 = arith.subi %sub3A_1201, %shift_right_logical3A_1199 : vector<16xi32>
        %bitcast3A_1203 = vector.bitcast %sub3A_1202 : vector<16xi32> to vector<16xf32>
        %mul3A_1204 = arith.constant 5.000000e-01 : f32
        %mul3A_1205 = vector.broadcast %mul3A_1204 : f32 to vector<16xf32>
        %mul3A_1206 = arith.mulf %add3A_1195, %mul3A_1205 : vector<16xf32>
        %mul3A_1207 = arith.mulf %mul3A_1206, %bitcast3A_1203 : vector<16xf32>
        %mul3A_1208 = arith.mulf %mul3A_1207, %bitcast3A_1203 : vector<16xf32>
        %sub3A_1209 = arith.constant 1.500000e+00 : f32
        %sub3A_1210 = vector.broadcast %sub3A_1209 : f32 to vector<16xf32>
        %sub3A_1211 = arith.subf %sub3A_1210, %mul3A_1208 : vector<16xf32>
        %mul3A_1212 = arith.mulf %bitcast3A_1203, %sub3A_1211 : vector<16xf32>
        %mul3A_1213 = arith.mulf %mul3A_1206, %mul3A_1212 : vector<16xf32>
        %mul3A_1214 = arith.mulf %mul3A_1213, %mul3A_1212 : vector<16xf32>
        %sub3A_1215 = arith.constant 1.500000e+00 : f32
        %sub3A_1216 = vector.broadcast %sub3A_1215 : f32 to vector<16xf32>
        %sub3A_1217 = arith.subf %sub3A_1216, %mul3A_1214 : vector<16xf32>
        %mul3A_1218 = arith.mulf %mul3A_1212, %sub3A_1217 : vector<16xf32>
        %mul3A_1219 = arith.mulf %mul3A_1187, %mul3A_1218 : vector<16xf32>
        %mul3A_1220 = arith.mulf %get3A_1139, %mul3A_1218 : vector<16xf32>
        %sub3A_1221 = arith.subf %mul3A_1220, %mul3A_1219 : vector<16xf32>
        %mul3A_1222 = arith.mulf %sub3A_1221, %get3A_7 : vector<16xf32>
        %add3A_1223 = arith.addf %mul3A_1222, %get3A_23 : vector<16xf32>
        %swap3A_1224 = arith.index_cast %add3A_1136 : i32 to index
        %swap3A_1225 = arith.constant 0 : index
        %swap3A_1226 = tpu.vector_load %arg8[%swap3A_1224, %swap3A_1225] {strides = array<i32>} : memref<128x64xf32, #tpu.memory_space<vmem>>, vector<16xf32>,
        tpu.vector_store %arg8[%swap3A_1224, %swap3A_1225], %add3A_1223 {strides = array<i32>} : memref<128x64xf32, #tpu.memory_space<vmem>>, vector<16xf32>,
        %mul3A_1227 = arith.mulf %get3A_1142, %mul3A_1218 : vector<16xf32>
        %sub3A_1228 = arith.subf %mul3A_1227, %mul3A_1219 : vector<16xf32>
        %mul3A_1229 = arith.mulf %sub3A_1228, %get3A_11 : vector<16xf32>
        %add3A_1230 = arith.addf %mul3A_1229, %get3A_27 : vector<16xf32>
        %swap3A_1231 = arith.index_cast %add3A_1136 : i32 to index
        %swap3A_1232 = arith.constant 16 : index
        %swap3A_1233 = tpu.vector_load %arg8[%swap3A_1231, %swap3A_1232] {strides = array<i32>} : memref<128x64xf32, #tpu.memory_space<vmem>>, vector<16xf32>,
        tpu.vector_store %arg8[%swap3A_1231, %swap3A_1232], %add3A_1230 {strides = array<i32>} : memref<128x64xf32, #tpu.memory_space<vmem>>, vector<16xf32>,
        %mul3A_1234 = arith.mulf %get3A_1145, %mul3A_1218 : vector<16xf32>
        %sub3A_1235 = arith.subf %mul3A_1234, %mul3A_1219 : vector<16xf32>
        %mul3A_1236 = arith.mulf %sub3A_1235, %get3A_15 : vector<16xf32>
        %add3A_1237 = arith.addf %mul3A_1236, %get3A_31 : vector<16xf32>
        %swap3A_1238 = arith.index_cast %add3A_1136 : i32 to index
        %swap3A_1239 = arith.constant 32 : index
        %swap3A_1240 = tpu.vector_load %arg8[%swap3A_1238, %swap3A_1239] {strides = array<i32>} : memref<128x64xf32, #tpu.memory_space<vmem>>, vector<16xf32>,
        tpu.vector_store %arg8[%swap3A_1238, %swap3A_1239], %add3A_1237 {strides = array<i32>} : memref<128x64xf32, #tpu.memory_space<vmem>>, vector<16xf32>,
        %mul3A_1241 = arith.mulf %get3A_1148, %mul3A_1218 : vector<16xf32>
        %sub3A_1242 = arith.subf %mul3A_1241, %mul3A_1219 : vector<16xf32>
        %mul3A_1243 = arith.mulf %sub3A_1242, %get3A_19 : vector<16xf32>
        %add3A_1244 = arith.addf %mul3A_1243, %get3A_35 : vector<16xf32>
        %swap3A_1245 = arith.index_cast %add3A_1136 : i32 to index
        %swap3A_1246 = arith.constant 48 : index
        %swap3A_1247 = tpu.vector_load %arg8[%swap3A_1245, %swap3A_1246] {strides = array<i32>} : memref<128x64xf32, #tpu.memory_space<vmem>>, vector<16xf32>,
        tpu.vector_store %arg8[%swap3A_1245, %swap3A_1246], %add3A_1244 {strides = array<i32>} : memref<128x64xf32, #tpu.memory_space<vmem>>, vector<16xf32>,
        %mul3A_1248 = arith.constant 8 : i32
        %mul3A_1249 = arith.muli %scan3A_794, %mul3A_1248 : i32
        %add3A_1250 = arith.constant 4 : i32
        %add3A_1251 = arith.addi %mul3A_1249, %add3A_1250 : i32
        %get3A_1252 = arith.index_cast %add3A_1251 : i32 to index
        %get3A_1253 = arith.constant 0 : index
        %get3A_1254 = tpu.vector_load %arg8[%get3A_1252, %get3A_1253] {strides = array<i32>} : memref<128x64xf32, #tpu.memory_space<vmem>>, vector<16xf32>,
        %get3A_1255 = arith.index_cast %add3A_1251 : i32 to index
        %get3A_1256 = arith.constant 16 : index
        %get3A_1257 = tpu.vector_load %arg8[%get3A_1255, %get3A_1256] {strides = array<i32>} : memref<128x64xf32, #tpu.memory_space<vmem>>, vector<16xf32>,
        %get3A_1258 = arith.index_cast %add3A_1251 : i32 to index
        %get3A_1259 = arith.constant 32 : index
        %get3A_1260 = tpu.vector_load %arg8[%get3A_1258, %get3A_1259] {strides = array<i32>} : memref<128x64xf32, #tpu.memory_space<vmem>>, vector<16xf32>,
        %get3A_1261 = arith.index_cast %add3A_1251 : i32 to index
        %get3A_1262 = arith.constant 48 : index
        %get3A_1263 = tpu.vector_load %arg8[%get3A_1261, %get3A_1262] {strides = array<i32>} : memref<128x64xf32, #tpu.memory_space<vmem>>, vector<16xf32>,
        %add3A_1264 = arith.addf %get3A_1254, %get3A_1257 : vector<16xf32>
        %add3A_1265 = arith.addf %get3A_1260, %get3A_1263 : vector<16xf32>
        %add3A_1266 = arith.addf %add3A_1264, %add3A_1265 : vector<16xf32>
        %mul3A_1267 = arith.mulf %get3A_1254, %get3A_1254 : vector<16xf32>
        %mul3A_1268 = arith.mulf %get3A_1257, %get3A_1257 : vector<16xf32>
        %add3A_1269 = arith.addf %mul3A_1267, %mul3A_1268 : vector<16xf32>
        %mul3A_1270 = arith.mulf %get3A_1260, %get3A_1260 : vector<16xf32>
        %mul3A_1271 = arith.mulf %get3A_1263, %get3A_1263 : vector<16xf32>
        %add3A_1272 = arith.addf %mul3A_1270, %mul3A_1271 : vector<16xf32>
        %add3A_1273 = arith.addf %add3A_1269, %add3A_1272 : vector<16xf32>
        %cumsum3A_1274 = arith.constant true
        %cumsum3A_1275 = vector.broadcast %cumsum3A_1274 : i1 to vector<16xi1>
        %cumsum3A_1276 = tpu.scan <sum>, %add3A_1266 masked %cumsum3A_1275 : vector<16xf32>, vector<16xi1> -> vector<16xf32>
        %lt3A_1277 = arith.constant 0 : i32
        %lt3A_1278 = vector.broadcast %lt3A_1277 : i32 to vector<16xi32>
        %lt3A_1279 = arith.cmpi slt, %broadcast_in_dim3A_4, %lt3A_1278 : vector<16xi32>
        %add3A_1280 = arith.constant 16 : i32
        %add3A_1281 = vector.broadcast %add3A_1280 : i32 to vector<16xi32>
        %add3A_1282 = arith.addi %broadcast_in_dim3A_4, %add3A_1281 : vector<16xi32>
        %select_n3A_1283 = arith.select %lt3A_1279, %add3A_1282, %broadcast_in_dim3A_4 : vector<16xi1>, vector<16xi32>
        %reshape3A_1284 = vector.shape_cast %select_n3A_1283 : vector<16xi32> to vector<16x1xi32>
        %gather3A_1285 = vector.shape_cast %reshape3A_1284 : vector<16x1xi32> to vector<16xi32>
        %gather3A_1286 = tpu.dynamic_gather %cumsum3A_1276[%gather3A_1285] in [0] : vector<16xf32>, vector<16xi32> -> vector<16xf32>
        %cumsum3A_1287 = arith.constant true
        %cumsum3A_1288 = vector.broadcast %cumsum3A_1287 : i1 to vector<16xi1>
        %cumsum3A_1289 = tpu.scan <sum>, %add3A_1273 masked %cumsum3A_1288 : vector<16xf32>, vector<16xi1> -> vector<16xf32>
        %lt3A_1290 = arith.constant 0 : i32
        %lt3A_1291 = vector.broadcast %lt3A_1290 : i32 to vector<16xi32>
        %lt3A_1292 = arith.cmpi slt, %broadcast_in_dim3A_4, %lt3A_1291 : vector<16xi32>
        %add3A_1293 = arith.constant 16 : i32
        %add3A_1294 = vector.broadcast %add3A_1293 : i32 to vector<16xi32>
        %add3A_1295 = arith.addi %broadcast_in_dim3A_4, %add3A_1294 : vector<16xi32>
        %select_n3A_1296 = arith.select %lt3A_1292, %add3A_1295, %broadcast_in_dim3A_4 : vector<16xi1>, vector<16xi32>
        %reshape3A_1297 = vector.shape_cast %select_n3A_1296 : vector<16xi32> to vector<16x1xi32>
        %gather3A_1298 = vector.shape_cast %reshape3A_1297 : vector<16x1xi32> to vector<16xi32>
        %gather3A_1299 = tpu.dynamic_gather %cumsum3A_1289[%gather3A_1298] in [0] : vector<16xf32>, vector<16xi32> -> vector<16xf32>
        %mul3A_1300 = arith.constant 1.562500e-02 : f32
        %mul3A_1301 = vector.broadcast %mul3A_1300 : f32 to vector<16xf32>
        %mul3A_1302 = arith.mulf %gather3A_1286, %mul3A_1301 : vector<16xf32>
        %mul3A_1303 = arith.constant 1.562500e-02 : f32
        %mul3A_1304 = vector.broadcast %mul3A_1303 : f32 to vector<16xf32>
        %mul3A_1305 = arith.mulf %gather3A_1299, %mul3A_1304 : vector<16xf32>
        %mul3A_1306 = arith.mulf %mul3A_1302, %mul3A_1302 : vector<16xf32>
        %sub3A_1307 = arith.subf %mul3A_1305, %mul3A_1306 : vector<16xf32>
        %add3A_1308 = arith.constant 1.562500e-07 : f32
        %add3A_1309 = vector.broadcast %add3A_1308 : f32 to vector<16xf32>
        %add3A_1310 = arith.addf %sub3A_1307, %add3A_1309 : vector<16xf32>
        %bitcast3A_1311 = vector.bitcast %add3A_1310 : vector<16xf32> to vector<16xi32>
        %shift_right_logical3A_1312 = arith.constant 1 : i32
        %shift_right_logical3A_1313 = vector.broadcast %shift_right_logical3A_1312 : i32 to vector<16xi32>
        %shift_right_logical3A_1314 = arith.shrui %bitcast3A_1311, %shift_right_logical3A_1313 : vector<16xi32>
        %sub3A_1315 = arith.constant 1597463007 : i32
        %sub3A_1316 = vector.broadcast %sub3A_1315 : i32 to vector<16xi32>
        %sub3A_1317 = arith.subi %sub3A_1316, %shift_right_logical3A_1314 : vector<16xi32>
        %bitcast3A_1318 = vector.bitcast %sub3A_1317 : vector<16xi32> to vector<16xf32>
        %mul3A_1319 = arith.constant 5.000000e-01 : f32
        %mul3A_1320 = vector.broadcast %mul3A_1319 : f32 to vector<16xf32>
        %mul3A_1321 = arith.mulf %add3A_1310, %mul3A_1320 : vector<16xf32>
        %mul3A_1322 = arith.mulf %mul3A_1321, %bitcast3A_1318 : vector<16xf32>
        %mul3A_1323 = arith.mulf %mul3A_1322, %bitcast3A_1318 : vector<16xf32>
        %sub3A_1324 = arith.constant 1.500000e+00 : f32
        %sub3A_1325 = vector.broadcast %sub3A_1324 : f32 to vector<16xf32>
        %sub3A_1326 = arith.subf %sub3A_1325, %mul3A_1323 : vector<16xf32>
        %mul3A_1327 = arith.mulf %bitcast3A_1318, %sub3A_1326 : vector<16xf32>
        %mul3A_1328 = arith.mulf %mul3A_1321, %mul3A_1327 : vector<16xf32>
        %mul3A_1329 = arith.mulf %mul3A_1328, %mul3A_1327 : vector<16xf32>
        %sub3A_1330 = arith.constant 1.500000e+00 : f32
        %sub3A_1331 = vector.broadcast %sub3A_1330 : f32 to vector<16xf32>
        %sub3A_1332 = arith.subf %sub3A_1331, %mul3A_1329 : vector<16xf32>
        %mul3A_1333 = arith.mulf %mul3A_1327, %sub3A_1332 : vector<16xf32>
        %mul3A_1334 = arith.mulf %mul3A_1302, %mul3A_1333 : vector<16xf32>
        %mul3A_1335 = arith.mulf %get3A_1254, %mul3A_1333 : vector<16xf32>
        %sub3A_1336 = arith.subf %mul3A_1335, %mul3A_1334 : vector<16xf32>
        %mul3A_1337 = arith.mulf %sub3A_1336, %get3A_7 : vector<16xf32>
        %add3A_1338 = arith.addf %mul3A_1337, %get3A_23 : vector<16xf32>
        %swap3A_1339 = arith.index_cast %add3A_1251 : i32 to index
        %swap3A_1340 = arith.constant 0 : index
        %swap3A_1341 = tpu.vector_load %arg8[%swap3A_1339, %swap3A_1340] {strides = array<i32>} : memref<128x64xf32, #tpu.memory_space<vmem>>, vector<16xf32>,
        tpu.vector_store %arg8[%swap3A_1339, %swap3A_1340], %add3A_1338 {strides = array<i32>} : memref<128x64xf32, #tpu.memory_space<vmem>>, vector<16xf32>,
        %mul3A_1342 = arith.mulf %get3A_1257, %mul3A_1333 : vector<16xf32>
        %sub3A_1343 = arith.subf %mul3A_1342, %mul3A_1334 : vector<16xf32>
        %mul3A_1344 = arith.mulf %sub3A_1343, %get3A_11 : vector<16xf32>
        %add3A_1345 = arith.addf %mul3A_1344, %get3A_27 : vector<16xf32>
        %swap3A_1346 = arith.index_cast %add3A_1251 : i32 to index
        %swap3A_1347 = arith.constant 16 : index
        %swap3A_1348 = tpu.vector_load %arg8[%swap3A_1346, %swap3A_1347] {strides = array<i32>} : memref<128x64xf32, #tpu.memory_space<vmem>>, vector<16xf32>,
        tpu.vector_store %arg8[%swap3A_1346, %swap3A_1347], %add3A_1345 {strides = array<i32>} : memref<128x64xf32, #tpu.memory_space<vmem>>, vector<16xf32>,
        %mul3A_1349 = arith.mulf %get3A_1260, %mul3A_1333 : vector<16xf32>
        %sub3A_1350 = arith.subf %mul3A_1349, %mul3A_1334 : vector<16xf32>
        %mul3A_1351 = arith.mulf %sub3A_1350, %get3A_15 : vector<16xf32>
        %add3A_1352 = arith.addf %mul3A_1351, %get3A_31 : vector<16xf32>
        %swap3A_1353 = arith.index_cast %add3A_1251 : i32 to index
        %swap3A_1354 = arith.constant 32 : index
        %swap3A_1355 = tpu.vector_load %arg8[%swap3A_1353, %swap3A_1354] {strides = array<i32>} : memref<128x64xf32, #tpu.memory_space<vmem>>, vector<16xf32>,
        tpu.vector_store %arg8[%swap3A_1353, %swap3A_1354], %add3A_1352 {strides = array<i32>} : memref<128x64xf32, #tpu.memory_space<vmem>>, vector<16xf32>,
        %mul3A_1356 = arith.mulf %get3A_1263, %mul3A_1333 : vector<16xf32>
        %sub3A_1357 = arith.subf %mul3A_1356, %mul3A_1334 : vector<16xf32>
        %mul3A_1358 = arith.mulf %sub3A_1357, %get3A_19 : vector<16xf32>
        %add3A_1359 = arith.addf %mul3A_1358, %get3A_35 : vector<16xf32>
        %swap3A_1360 = arith.index_cast %add3A_1251 : i32 to index
        %swap3A_1361 = arith.constant 48 : index
        %swap3A_1362 = tpu.vector_load %arg8[%swap3A_1360, %swap3A_1361] {strides = array<i32>} : memref<128x64xf32, #tpu.memory_space<vmem>>, vector<16xf32>,
        tpu.vector_store %arg8[%swap3A_1360, %swap3A_1361], %add3A_1359 {strides = array<i32>} : memref<128x64xf32, #tpu.memory_space<vmem>>, vector<16xf32>,
        %mul3A_1363 = arith.constant 8 : i32
        %mul3A_1364 = arith.muli %scan3A_794, %mul3A_1363 : i32
        %add3A_1365 = arith.constant 5 : i32
        %add3A_1366 = arith.addi %mul3A_1364, %add3A_1365 : i32
        %get3A_1367 = arith.index_cast %add3A_1366 : i32 to index
        %get3A_1368 = arith.constant 0 : index
        %get3A_1369 = tpu.vector_load %arg8[%get3A_1367, %get3A_1368] {strides = array<i32>} : memref<128x64xf32, #tpu.memory_space<vmem>>, vector<16xf32>,
        %get3A_1370 = arith.index_cast %add3A_1366 : i32 to index
        %get3A_1371 = arith.constant 16 : index
        %get3A_1372 = tpu.vector_load %arg8[%get3A_1370, %get3A_1371] {strides = array<i32>} : memref<128x64xf32, #tpu.memory_space<vmem>>, vector<16xf32>,
        %get3A_1373 = arith.index_cast %add3A_1366 : i32 to index
        %get3A_1374 = arith.constant 32 : index
        %get3A_1375 = tpu.vector_load %arg8[%get3A_1373, %get3A_1374] {strides = array<i32>} : memref<128x64xf32, #tpu.memory_space<vmem>>, vector<16xf32>,
        %get3A_1376 = arith.index_cast %add3A_1366 : i32 to index
        %get3A_1377 = arith.constant 48 : index
        %get3A_1378 = tpu.vector_load %arg8[%get3A_1376, %get3A_1377] {strides = array<i32>} : memref<128x64xf32, #tpu.memory_space<vmem>>, vector<16xf32>,
        %add3A_1379 = arith.addf %get3A_1369, %get3A_1372 : vector<16xf32>
        %add3A_1380 = arith.addf %get3A_1375, %get3A_1378 : vector<16xf32>
        %add3A_1381 = arith.addf %add3A_1379, %add3A_1380 : vector<16xf32>
        %mul3A_1382 = arith.mulf %get3A_1369, %get3A_1369 : vector<16xf32>
        %mul3A_1383 = arith.mulf %get3A_1372, %get3A_1372 : vector<16xf32>
        %add3A_1384 = arith.addf %mul3A_1382, %mul3A_1383 : vector<16xf32>
        %mul3A_1385 = arith.mulf %get3A_1375, %get3A_1375 : vector<16xf32>
        %mul3A_1386 = arith.mulf %get3A_1378, %get3A_1378 : vector<16xf32>
        %add3A_1387 = arith.addf %mul3A_1385, %mul3A_1386 : vector<16xf32>
        %add3A_1388 = arith.addf %add3A_1384, %add3A_1387 : vector<16xf32>
        %cumsum3A_1389 = arith.constant true
        %cumsum3A_1390 = vector.broadcast %cumsum3A_1389 : i1 to vector<16xi1>
        %cumsum3A_1391 = tpu.scan <sum>, %add3A_1381 masked %cumsum3A_1390 : vector<16xf32>, vector<16xi1> -> vector<16xf32>
        %lt3A_1392 = arith.constant 0 : i32
        %lt3A_1393 = vector.broadcast %lt3A_1392 : i32 to vector<16xi32>
        %lt3A_1394 = arith.cmpi slt, %broadcast_in_dim3A_4, %lt3A_1393 : vector<16xi32>
        %add3A_1395 = arith.constant 16 : i32
        %add3A_1396 = vector.broadcast %add3A_1395 : i32 to vector<16xi32>
        %add3A_1397 = arith.addi %broadcast_in_dim3A_4, %add3A_1396 : vector<16xi32>
        %select_n3A_1398 = arith.select %lt3A_1394, %add3A_1397, %broadcast_in_dim3A_4 : vector<16xi1>, vector<16xi32>
        %reshape3A_1399 = vector.shape_cast %select_n3A_1398 : vector<16xi32> to vector<16x1xi32>
        %gather3A_1400 = vector.shape_cast %reshape3A_1399 : vector<16x1xi32> to vector<16xi32>
        %gather3A_1401 = tpu.dynamic_gather %cumsum3A_1391[%gather3A_1400] in [0] : vector<16xf32>, vector<16xi32> -> vector<16xf32>
        %cumsum3A_1402 = arith.constant true
        %cumsum3A_1403 = vector.broadcast %cumsum3A_1402 : i1 to vector<16xi1>
        %cumsum3A_1404 = tpu.scan <sum>, %add3A_1388 masked %cumsum3A_1403 : vector<16xf32>, vector<16xi1> -> vector<16xf32>
        %lt3A_1405 = arith.constant 0 : i32
        %lt3A_1406 = vector.broadcast %lt3A_1405 : i32 to vector<16xi32>
        %lt3A_1407 = arith.cmpi slt, %broadcast_in_dim3A_4, %lt3A_1406 : vector<16xi32>
        %add3A_1408 = arith.constant 16 : i32
        %add3A_1409 = vector.broadcast %add3A_1408 : i32 to vector<16xi32>
        %add3A_1410 = arith.addi %broadcast_in_dim3A_4, %add3A_1409 : vector<16xi32>
        %select_n3A_1411 = arith.select %lt3A_1407, %add3A_1410, %broadcast_in_dim3A_4 : vector<16xi1>, vector<16xi32>
        %reshape3A_1412 = vector.shape_cast %select_n3A_1411 : vector<16xi32> to vector<16x1xi32>
        %gather3A_1413 = vector.shape_cast %reshape3A_1412 : vector<16x1xi32> to vector<16xi32>
        %gather3A_1414 = tpu.dynamic_gather %cumsum3A_1404[%gather3A_1413] in [0] : vector<16xf32>, vector<16xi32> -> vector<16xf32>
        %mul3A_1415 = arith.constant 1.562500e-02 : f32
        %mul3A_1416 = vector.broadcast %mul3A_1415 : f32 to vector<16xf32>
        %mul3A_1417 = arith.mulf %gather3A_1401, %mul3A_1416 : vector<16xf32>
        %mul3A_1418 = arith.constant 1.562500e-02 : f32
        %mul3A_1419 = vector.broadcast %mul3A_1418 : f32 to vector<16xf32>
        %mul3A_1420 = arith.mulf %gather3A_1414, %mul3A_1419 : vector<16xf32>
        %mul3A_1421 = arith.mulf %mul3A_1417, %mul3A_1417 : vector<16xf32>
        %sub3A_1422 = arith.subf %mul3A_1420, %mul3A_1421 : vector<16xf32>
        %add3A_1423 = arith.constant 1.562500e-07 : f32
        %add3A_1424 = vector.broadcast %add3A_1423 : f32 to vector<16xf32>
        %add3A_1425 = arith.addf %sub3A_1422, %add3A_1424 : vector<16xf32>
        %bitcast3A_1426 = vector.bitcast %add3A_1425 : vector<16xf32> to vector<16xi32>
        %shift_right_logical3A_1427 = arith.constant 1 : i32
        %shift_right_logical3A_1428 = vector.broadcast %shift_right_logical3A_1427 : i32 to vector<16xi32>
        %shift_right_logical3A_1429 = arith.shrui %bitcast3A_1426, %shift_right_logical3A_1428 : vector<16xi32>
        %sub3A_1430 = arith.constant 1597463007 : i32
        %sub3A_1431 = vector.broadcast %sub3A_1430 : i32 to vector<16xi32>
        %sub3A_1432 = arith.subi %sub3A_1431, %shift_right_logical3A_1429 : vector<16xi32>
        %bitcast3A_1433 = vector.bitcast %sub3A_1432 : vector<16xi32> to vector<16xf32>
        %mul3A_1434 = arith.constant 5.000000e-01 : f32
        %mul3A_1435 = vector.broadcast %mul3A_1434 : f32 to vector<16xf32>
        %mul3A_1436 = arith.mulf %add3A_1425, %mul3A_1435 : vector<16xf32>
        %mul3A_1437 = arith.mulf %mul3A_1436, %bitcast3A_1433 : vector<16xf32>
        %mul3A_1438 = arith.mulf %mul3A_1437, %bitcast3A_1433 : vector<16xf32>
        %sub3A_1439 = arith.constant 1.500000e+00 : f32
        %sub3A_1440 = vector.broadcast %sub3A_1439 : f32 to vector<16xf32>
        %sub3A_1441 = arith.subf %sub3A_1440, %mul3A_1438 : vector<16xf32>
        %mul3A_1442 = arith.mulf %bitcast3A_1433, %sub3A_1441 : vector<16xf32>
        %mul3A_1443 = arith.mulf %mul3A_1436, %mul3A_1442 : vector<16xf32>
        %mul3A_1444 = arith.mulf %mul3A_1443, %mul3A_1442 : vector<16xf32>
        %sub3A_1445 = arith.constant 1.500000e+00 : f32
        %sub3A_1446 = vector.broadcast %sub3A_1445 : f32 to vector<16xf32>
        %sub3A_1447 = arith.subf %sub3A_1446, %mul3A_1444 : vector<16xf32>
        %mul3A_1448 = arith.mulf %mul3A_1442, %sub3A_1447 : vector<16xf32>
        %mul3A_1449 = arith.mulf %mul3A_1417, %mul3A_1448 : vector<16xf32>
        %mul3A_1450 = arith.mulf %get3A_1369, %mul3A_1448 : vector<16xf32>
        %sub3A_1451 = arith.subf %mul3A_1450, %mul3A_1449 : vector<16xf32>
        %mul3A_1452 = arith.mulf %sub3A_1451, %get3A_7 : vector<16xf32>
        %add3A_1453 = arith.addf %mul3A_1452, %get3A_23 : vector<16xf32>
        %swap3A_1454 = arith.index_cast %add3A_1366 : i32 to index
        %swap3A_1455 = arith.constant 0 : index
        %swap3A_1456 = tpu.vector_load %arg8[%swap3A_1454, %swap3A_1455] {strides = array<i32>} : memref<128x64xf32, #tpu.memory_space<vmem>>, vector<16xf32>,
        tpu.vector_store %arg8[%swap3A_1454, %swap3A_1455], %add3A_1453 {strides = array<i32>} : memref<128x64xf32, #tpu.memory_space<vmem>>, vector<16xf32>,
        %mul3A_1457 = arith.mulf %get3A_1372, %mul3A_1448 : vector<16xf32>
        %sub3A_1458 = arith.subf %mul3A_1457, %mul3A_1449 : vector<16xf32>
        %mul3A_1459 = arith.mulf %sub3A_1458, %get3A_11 : vector<16xf32>
        %add3A_1460 = arith.addf %mul3A_1459, %get3A_27 : vector<16xf32>
        %swap3A_1461 = arith.index_cast %add3A_1366 : i32 to index
        %swap3A_1462 = arith.constant 16 : index
        %swap3A_1463 = tpu.vector_load %arg8[%swap3A_1461, %swap3A_1462] {strides = array<i32>} : memref<128x64xf32, #tpu.memory_space<vmem>>, vector<16xf32>,
        tpu.vector_store %arg8[%swap3A_1461, %swap3A_1462], %add3A_1460 {strides = array<i32>} : memref<128x64xf32, #tpu.memory_space<vmem>>, vector<16xf32>,
        %mul3A_1464 = arith.mulf %get3A_1375, %mul3A_1448 : vector<16xf32>
        %sub3A_1465 = arith.subf %mul3A_1464, %mul3A_1449 : vector<16xf32>
        %mul3A_1466 = arith.mulf %sub3A_1465, %get3A_15 : vector<16xf32>
        %add3A_1467 = arith.addf %mul3A_1466, %get3A_31 : vector<16xf32>
        %swap3A_1468 = arith.index_cast %add3A_1366 : i32 to index
        %swap3A_1469 = arith.constant 32 : index
        %swap3A_1470 = tpu.vector_load %arg8[%swap3A_1468, %swap3A_1469] {strides = array<i32>} : memref<128x64xf32, #tpu.memory_space<vmem>>, vector<16xf32>,
        tpu.vector_store %arg8[%swap3A_1468, %swap3A_1469], %add3A_1467 {strides = array<i32>} : memref<128x64xf32, #tpu.memory_space<vmem>>, vector<16xf32>,
        %mul3A_1471 = arith.mulf %get3A_1378, %mul3A_1448 : vector<16xf32>
        %sub3A_1472 = arith.subf %mul3A_1471, %mul3A_1449 : vector<16xf32>
        %mul3A_1473 = arith.mulf %sub3A_1472, %get3A_19 : vector<16xf32>
        %add3A_1474 = arith.addf %mul3A_1473, %get3A_35 : vector<16xf32>
        %swap3A_1475 = arith.index_cast %add3A_1366 : i32 to index
        %swap3A_1476 = arith.constant 48 : index
        %swap3A_1477 = tpu.vector_load %arg8[%swap3A_1475, %swap3A_1476] {strides = array<i32>} : memref<128x64xf32, #tpu.memory_space<vmem>>, vector<16xf32>,
        tpu.vector_store %arg8[%swap3A_1475, %swap3A_1476], %add3A_1474 {strides = array<i32>} : memref<128x64xf32, #tpu.memory_space<vmem>>, vector<16xf32>,
        %mul3A_1478 = arith.constant 8 : i32
        %mul3A_1479 = arith.muli %scan3A_794, %mul3A_1478 : i32
        %add3A_1480 = arith.constant 6 : i32
        %add3A_1481 = arith.addi %mul3A_1479, %add3A_1480 : i32
        %get3A_1482 = arith.index_cast %add3A_1481 : i32 to index
        %get3A_1483 = arith.constant 0 : index
        %get3A_1484 = tpu.vector_load %arg8[%get3A_1482, %get3A_1483] {strides = array<i32>} : memref<128x64xf32, #tpu.memory_space<vmem>>, vector<16xf32>,
        %get3A_1485 = arith.index_cast %add3A_1481 : i32 to index
        %get3A_1486 = arith.constant 16 : index
        %get3A_1487 = tpu.vector_load %arg8[%get3A_1485, %get3A_1486] {strides = array<i32>} : memref<128x64xf32, #tpu.memory_space<vmem>>, vector<16xf32>,
        %get3A_1488 = arith.index_cast %add3A_1481 : i32 to index
        %get3A_1489 = arith.constant 32 : index
        %get3A_1490 = tpu.vector_load %arg8[%get3A_1488, %get3A_1489] {strides = array<i32>} : memref<128x64xf32, #tpu.memory_space<vmem>>, vector<16xf32>,
        %get3A_1491 = arith.index_cast %add3A_1481 : i32 to index
        %get3A_1492 = arith.constant 48 : index
        %get3A_1493 = tpu.vector_load %arg8[%get3A_1491, %get3A_1492] {strides = array<i32>} : memref<128x64xf32, #tpu.memory_space<vmem>>, vector<16xf32>,
        %add3A_1494 = arith.addf %get3A_1484, %get3A_1487 : vector<16xf32>
        %add3A_1495 = arith.addf %get3A_1490, %get3A_1493 : vector<16xf32>
        %add3A_1496 = arith.addf %add3A_1494, %add3A_1495 : vector<16xf32>
        %mul3A_1497 = arith.mulf %get3A_1484, %get3A_1484 : vector<16xf32>
        %mul3A_1498 = arith.mulf %get3A_1487, %get3A_1487 : vector<16xf32>
        %add3A_1499 = arith.addf %mul3A_1497, %mul3A_1498 : vector<16xf32>
        %mul3A_1500 = arith.mulf %get3A_1490, %get3A_1490 : vector<16xf32>
        %mul3A_1501 = arith.mulf %get3A_1493, %get3A_1493 : vector<16xf32>
        %add3A_1502 = arith.addf %mul3A_1500, %mul3A_1501 : vector<16xf32>
        %add3A_1503 = arith.addf %add3A_1499, %add3A_1502 : vector<16xf32>
        %cumsum3A_1504 = arith.constant true
        %cumsum3A_1505 = vector.broadcast %cumsum3A_1504 : i1 to vector<16xi1>
        %cumsum3A_1506 = tpu.scan <sum>, %add3A_1496 masked %cumsum3A_1505 : vector<16xf32>, vector<16xi1> -> vector<16xf32>
        %lt3A_1507 = arith.constant 0 : i32
        %lt3A_1508 = vector.broadcast %lt3A_1507 : i32 to vector<16xi32>
        %lt3A_1509 = arith.cmpi slt, %broadcast_in_dim3A_4, %lt3A_1508 : vector<16xi32>
        %add3A_1510 = arith.constant 16 : i32
        %add3A_1511 = vector.broadcast %add3A_1510 : i32 to vector<16xi32>
        %add3A_1512 = arith.addi %broadcast_in_dim3A_4, %add3A_1511 : vector<16xi32>
        %select_n3A_1513 = arith.select %lt3A_1509, %add3A_1512, %broadcast_in_dim3A_4 : vector<16xi1>, vector<16xi32>
        %reshape3A_1514 = vector.shape_cast %select_n3A_1513 : vector<16xi32> to vector<16x1xi32>
        %gather3A_1515 = vector.shape_cast %reshape3A_1514 : vector<16x1xi32> to vector<16xi32>
        %gather3A_1516 = tpu.dynamic_gather %cumsum3A_1506[%gather3A_1515] in [0] : vector<16xf32>, vector<16xi32> -> vector<16xf32>
        %cumsum3A_1517 = arith.constant true
        %cumsum3A_1518 = vector.broadcast %cumsum3A_1517 : i1 to vector<16xi1>
        %cumsum3A_1519 = tpu.scan <sum>, %add3A_1503 masked %cumsum3A_1518 : vector<16xf32>, vector<16xi1> -> vector<16xf32>
        %lt3A_1520 = arith.constant 0 : i32
        %lt3A_1521 = vector.broadcast %lt3A_1520 : i32 to vector<16xi32>
        %lt3A_1522 = arith.cmpi slt, %broadcast_in_dim3A_4, %lt3A_1521 : vector<16xi32>
        %add3A_1523 = arith.constant 16 : i32
        %add3A_1524 = vector.broadcast %add3A_1523 : i32 to vector<16xi32>
        %add3A_1525 = arith.addi %broadcast_in_dim3A_4, %add3A_1524 : vector<16xi32>
        %select_n3A_1526 = arith.select %lt3A_1522, %add3A_1525, %broadcast_in_dim3A_4 : vector<16xi1>, vector<16xi32>
        %reshape3A_1527 = vector.shape_cast %select_n3A_1526 : vector<16xi32> to vector<16x1xi32>
        %gather3A_1528 = vector.shape_cast %reshape3A_1527 : vector<16x1xi32> to vector<16xi32>
        %gather3A_1529 = tpu.dynamic_gather %cumsum3A_1519[%gather3A_1528] in [0] : vector<16xf32>, vector<16xi32> -> vector<16xf32>
        %mul3A_1530 = arith.constant 1.562500e-02 : f32
        %mul3A_1531 = vector.broadcast %mul3A_1530 : f32 to vector<16xf32>
        %mul3A_1532 = arith.mulf %gather3A_1516, %mul3A_1531 : vector<16xf32>
        %mul3A_1533 = arith.constant 1.562500e-02 : f32
        %mul3A_1534 = vector.broadcast %mul3A_1533 : f32 to vector<16xf32>
        %mul3A_1535 = arith.mulf %gather3A_1529, %mul3A_1534 : vector<16xf32>
        %mul3A_1536 = arith.mulf %mul3A_1532, %mul3A_1532 : vector<16xf32>
        %sub3A_1537 = arith.subf %mul3A_1535, %mul3A_1536 : vector<16xf32>
        %add3A_1538 = arith.constant 1.562500e-07 : f32
        %add3A_1539 = vector.broadcast %add3A_1538 : f32 to vector<16xf32>
        %add3A_1540 = arith.addf %sub3A_1537, %add3A_1539 : vector<16xf32>
        %bitcast3A_1541 = vector.bitcast %add3A_1540 : vector<16xf32> to vector<16xi32>
        %shift_right_logical3A_1542 = arith.constant 1 : i32
        %shift_right_logical3A_1543 = vector.broadcast %shift_right_logical3A_1542 : i32 to vector<16xi32>
        %shift_right_logical3A_1544 = arith.shrui %bitcast3A_1541, %shift_right_logical3A_1543 : vector<16xi32>
        %sub3A_1545 = arith.constant 1597463007 : i32
        %sub3A_1546 = vector.broadcast %sub3A_1545 : i32 to vector<16xi32>
        %sub3A_1547 = arith.subi %sub3A_1546, %shift_right_logical3A_1544 : vector<16xi32>
        %bitcast3A_1548 = vector.bitcast %sub3A_1547 : vector<16xi32> to vector<16xf32>
        %mul3A_1549 = arith.constant 5.000000e-01 : f32
        %mul3A_1550 = vector.broadcast %mul3A_1549 : f32 to vector<16xf32>
        %mul3A_1551 = arith.mulf %add3A_1540, %mul3A_1550 : vector<16xf32>
        %mul3A_1552 = arith.mulf %mul3A_1551, %bitcast3A_1548 : vector<16xf32>
        %mul3A_1553 = arith.mulf %mul3A_1552, %bitcast3A_1548 : vector<16xf32>
        %sub3A_1554 = arith.constant 1.500000e+00 : f32
        %sub3A_1555 = vector.broadcast %sub3A_1554 : f32 to vector<16xf32>
        %sub3A_1556 = arith.subf %sub3A_1555, %mul3A_1553 : vector<16xf32>
        %mul3A_1557 = arith.mulf %bitcast3A_1548, %sub3A_1556 : vector<16xf32>
        %mul3A_1558 = arith.mulf %mul3A_1551, %mul3A_1557 : vector<16xf32>
        %mul3A_1559 = arith.mulf %mul3A_1558, %mul3A_1557 : vector<16xf32>
        %sub3A_1560 = arith.constant 1.500000e+00 : f32
        %sub3A_1561 = vector.broadcast %sub3A_1560 : f32 to vector<16xf32>
        %sub3A_1562 = arith.subf %sub3A_1561, %mul3A_1559 : vector<16xf32>
        %mul3A_1563 = arith.mulf %mul3A_1557, %sub3A_1562 : vector<16xf32>
        %mul3A_1564 = arith.mulf %mul3A_1532, %mul3A_1563 : vector<16xf32>
        %mul3A_1565 = arith.mulf %get3A_1484, %mul3A_1563 : vector<16xf32>
        %sub3A_1566 = arith.subf %mul3A_1565, %mul3A_1564 : vector<16xf32>
        %mul3A_1567 = arith.mulf %sub3A_1566, %get3A_7 : vector<16xf32>
        %add3A_1568 = arith.addf %mul3A_1567, %get3A_23 : vector<16xf32>
        %swap3A_1569 = arith.index_cast %add3A_1481 : i32 to index
        %swap3A_1570 = arith.constant 0 : index
        %swap3A_1571 = tpu.vector_load %arg8[%swap3A_1569, %swap3A_1570] {strides = array<i32>} : memref<128x64xf32, #tpu.memory_space<vmem>>, vector<16xf32>,
        tpu.vector_store %arg8[%swap3A_1569, %swap3A_1570], %add3A_1568 {strides = array<i32>} : memref<128x64xf32, #tpu.memory_space<vmem>>, vector<16xf32>,
        %mul3A_1572 = arith.mulf %get3A_1487, %mul3A_1563 : vector<16xf32>
        %sub3A_1573 = arith.subf %mul3A_1572, %mul3A_1564 : vector<16xf32>
        %mul3A_1574 = arith.mulf %sub3A_1573, %get3A_11 : vector<16xf32>
        %add3A_1575 = arith.addf %mul3A_1574, %get3A_27 : vector<16xf32>
        %swap3A_1576 = arith.index_cast %add3A_1481 : i32 to index
        %swap3A_1577 = arith.constant 16 : index
        %swap3A_1578 = tpu.vector_load %arg8[%swap3A_1576, %swap3A_1577] {strides = array<i32>} : memref<128x64xf32, #tpu.memory_space<vmem>>, vector<16xf32>,
        tpu.vector_store %arg8[%swap3A_1576, %swap3A_1577], %add3A_1575 {strides = array<i32>} : memref<128x64xf32, #tpu.memory_space<vmem>>, vector<16xf32>,
        %mul3A_1579 = arith.mulf %get3A_1490, %mul3A_1563 : vector<16xf32>
        %sub3A_1580 = arith.subf %mul3A_1579, %mul3A_1564 : vector<16xf32>
        %mul3A_1581 = arith.mulf %sub3A_1580, %get3A_15 : vector<16xf32>
        %add3A_1582 = arith.addf %mul3A_1581, %get3A_31 : vector<16xf32>
        %swap3A_1583 = arith.index_cast %add3A_1481 : i32 to index
        %swap3A_1584 = arith.constant 32 : index
        %swap3A_1585 = tpu.vector_load %arg8[%swap3A_1583, %swap3A_1584] {strides = array<i32>} : memref<128x64xf32, #tpu.memory_space<vmem>>, vector<16xf32>,
        tpu.vector_store %arg8[%swap3A_1583, %swap3A_1584], %add3A_1582 {strides = array<i32>} : memref<128x64xf32, #tpu.memory_space<vmem>>, vector<16xf32>,
        %mul3A_1586 = arith.mulf %get3A_1493, %mul3A_1563 : vector<16xf32>
        %sub3A_1587 = arith.subf %mul3A_1586, %mul3A_1564 : vector<16xf32>
        %mul3A_1588 = arith.mulf %sub3A_1587, %get3A_19 : vector<16xf32>
        %add3A_1589 = arith.addf %mul3A_1588, %get3A_35 : vector<16xf32>
        %swap3A_1590 = arith.index_cast %add3A_1481 : i32 to index
        %swap3A_1591 = arith.constant 48 : index
        %swap3A_1592 = tpu.vector_load %arg8[%swap3A_1590, %swap3A_1591] {strides = array<i32>} : memref<128x64xf32, #tpu.memory_space<vmem>>, vector<16xf32>,
        tpu.vector_store %arg8[%swap3A_1590, %swap3A_1591], %add3A_1589 {strides = array<i32>} : memref<128x64xf32, #tpu.memory_space<vmem>>, vector<16xf32>,
        %mul3A_1593 = arith.constant 8 : i32
        %mul3A_1594 = arith.muli %scan3A_794, %mul3A_1593 : i32
        %add3A_1595 = arith.constant 7 : i32
        %add3A_1596 = arith.addi %mul3A_1594, %add3A_1595 : i32
        %get3A_1597 = arith.index_cast %add3A_1596 : i32 to index
        %get3A_1598 = arith.constant 0 : index
        %get3A_1599 = tpu.vector_load %arg8[%get3A_1597, %get3A_1598] {strides = array<i32>} : memref<128x64xf32, #tpu.memory_space<vmem>>, vector<16xf32>,
        %get3A_1600 = arith.index_cast %add3A_1596 : i32 to index
        %get3A_1601 = arith.constant 16 : index
        %get3A_1602 = tpu.vector_load %arg8[%get3A_1600, %get3A_1601] {strides = array<i32>} : memref<128x64xf32, #tpu.memory_space<vmem>>, vector<16xf32>,
        %get3A_1603 = arith.index_cast %add3A_1596 : i32 to index
        %get3A_1604 = arith.constant 32 : index
        %get3A_1605 = tpu.vector_load %arg8[%get3A_1603, %get3A_1604] {strides = array<i32>} : memref<128x64xf32, #tpu.memory_space<vmem>>, vector<16xf32>,
        %get3A_1606 = arith.index_cast %add3A_1596 : i32 to index
        %get3A_1607 = arith.constant 48 : index
        %get3A_1608 = tpu.vector_load %arg8[%get3A_1606, %get3A_1607] {strides = array<i32>} : memref<128x64xf32, #tpu.memory_space<vmem>>, vector<16xf32>,
        %add3A_1609 = arith.addf %get3A_1599, %get3A_1602 : vector<16xf32>
        %add3A_1610 = arith.addf %get3A_1605, %get3A_1608 : vector<16xf32>
        %add3A_1611 = arith.addf %add3A_1609, %add3A_1610 : vector<16xf32>
        %mul3A_1612 = arith.mulf %get3A_1599, %get3A_1599 : vector<16xf32>
        %mul3A_1613 = arith.mulf %get3A_1602, %get3A_1602 : vector<16xf32>
        %add3A_1614 = arith.addf %mul3A_1612, %mul3A_1613 : vector<16xf32>
        %mul3A_1615 = arith.mulf %get3A_1605, %get3A_1605 : vector<16xf32>
        %mul3A_1616 = arith.mulf %get3A_1608, %get3A_1608 : vector<16xf32>
        %add3A_1617 = arith.addf %mul3A_1615, %mul3A_1616 : vector<16xf32>
        %add3A_1618 = arith.addf %add3A_1614, %add3A_1617 : vector<16xf32>
        %cumsum3A_1619 = arith.constant true
        %cumsum3A_1620 = vector.broadcast %cumsum3A_1619 : i1 to vector<16xi1>
        %cumsum3A_1621 = tpu.scan <sum>, %add3A_1611 masked %cumsum3A_1620 : vector<16xf32>, vector<16xi1> -> vector<16xf32>
        %lt3A_1622 = arith.constant 0 : i32
        %lt3A_1623 = vector.broadcast %lt3A_1622 : i32 to vector<16xi32>
        %lt3A_1624 = arith.cmpi slt, %broadcast_in_dim3A_4, %lt3A_1623 : vector<16xi32>
        %add3A_1625 = arith.constant 16 : i32
        %add3A_1626 = vector.broadcast %add3A_1625 : i32 to vector<16xi32>
        %add3A_1627 = arith.addi %broadcast_in_dim3A_4, %add3A_1626 : vector<16xi32>
        %select_n3A_1628 = arith.select %lt3A_1624, %add3A_1627, %broadcast_in_dim3A_4 : vector<16xi1>, vector<16xi32>
        %reshape3A_1629 = vector.shape_cast %select_n3A_1628 : vector<16xi32> to vector<16x1xi32>
        %gather3A_1630 = vector.shape_cast %reshape3A_1629 : vector<16x1xi32> to vector<16xi32>
        %gather3A_1631 = tpu.dynamic_gather %cumsum3A_1621[%gather3A_1630] in [0] : vector<16xf32>, vector<16xi32> -> vector<16xf32>
        %cumsum3A_1632 = arith.constant true
        %cumsum3A_1633 = vector.broadcast %cumsum3A_1632 : i1 to vector<16xi1>
        %cumsum3A_1634 = tpu.scan <sum>, %add3A_1618 masked %cumsum3A_1633 : vector<16xf32>, vector<16xi1> -> vector<16xf32>
        %lt3A_1635 = arith.constant 0 : i32
        %lt3A_1636 = vector.broadcast %lt3A_1635 : i32 to vector<16xi32>
        %lt3A_1637 = arith.cmpi slt, %broadcast_in_dim3A_4, %lt3A_1636 : vector<16xi32>
        %add3A_1638 = arith.constant 16 : i32
        %add3A_1639 = vector.broadcast %add3A_1638 : i32 to vector<16xi32>
        %add3A_1640 = arith.addi %broadcast_in_dim3A_4, %add3A_1639 : vector<16xi32>
        %select_n3A_1641 = arith.select %lt3A_1637, %add3A_1640, %broadcast_in_dim3A_4 : vector<16xi1>, vector<16xi32>
        %reshape3A_1642 = vector.shape_cast %select_n3A_1641 : vector<16xi32> to vector<16x1xi32>
        %gather3A_1643 = vector.shape_cast %reshape3A_1642 : vector<16x1xi32> to vector<16xi32>
        %gather3A_1644 = tpu.dynamic_gather %cumsum3A_1634[%gather3A_1643] in [0] : vector<16xf32>, vector<16xi32> -> vector<16xf32>
        %mul3A_1645 = arith.constant 1.562500e-02 : f32
        %mul3A_1646 = vector.broadcast %mul3A_1645 : f32 to vector<16xf32>
        %mul3A_1647 = arith.mulf %gather3A_1631, %mul3A_1646 : vector<16xf32>
        %mul3A_1648 = arith.constant 1.562500e-02 : f32
        %mul3A_1649 = vector.broadcast %mul3A_1648 : f32 to vector<16xf32>
        %mul3A_1650 = arith.mulf %gather3A_1644, %mul3A_1649 : vector<16xf32>
        %mul3A_1651 = arith.mulf %mul3A_1647, %mul3A_1647 : vector<16xf32>
        %sub3A_1652 = arith.subf %mul3A_1650, %mul3A_1651 : vector<16xf32>
        %add3A_1653 = arith.constant 1.562500e-07 : f32
        %add3A_1654 = vector.broadcast %add3A_1653 : f32 to vector<16xf32>
        %add3A_1655 = arith.addf %sub3A_1652, %add3A_1654 : vector<16xf32>
        %bitcast3A_1656 = vector.bitcast %add3A_1655 : vector<16xf32> to vector<16xi32>
        %shift_right_logical3A_1657 = arith.constant 1 : i32
        %shift_right_logical3A_1658 = vector.broadcast %shift_right_logical3A_1657 : i32 to vector<16xi32>
        %shift_right_logical3A_1659 = arith.shrui %bitcast3A_1656, %shift_right_logical3A_1658 : vector<16xi32>
        %sub3A_1660 = arith.constant 1597463007 : i32
        %sub3A_1661 = vector.broadcast %sub3A_1660 : i32 to vector<16xi32>
        %sub3A_1662 = arith.subi %sub3A_1661, %shift_right_logical3A_1659 : vector<16xi32>
        %bitcast3A_1663 = vector.bitcast %sub3A_1662 : vector<16xi32> to vector<16xf32>
        %mul3A_1664 = arith.constant 5.000000e-01 : f32
        %mul3A_1665 = vector.broadcast %mul3A_1664 : f32 to vector<16xf32>
        %mul3A_1666 = arith.mulf %add3A_1655, %mul3A_1665 : vector<16xf32>
        %mul3A_1667 = arith.mulf %mul3A_1666, %bitcast3A_1663 : vector<16xf32>
        %mul3A_1668 = arith.mulf %mul3A_1667, %bitcast3A_1663 : vector<16xf32>
        %sub3A_1669 = arith.constant 1.500000e+00 : f32
        %sub3A_1670 = vector.broadcast %sub3A_1669 : f32 to vector<16xf32>
        %sub3A_1671 = arith.subf %sub3A_1670, %mul3A_1668 : vector<16xf32>
        %mul3A_1672 = arith.mulf %bitcast3A_1663, %sub3A_1671 : vector<16xf32>
        %mul3A_1673 = arith.mulf %mul3A_1666, %mul3A_1672 : vector<16xf32>
        %mul3A_1674 = arith.mulf %mul3A_1673, %mul3A_1672 : vector<16xf32>
        %sub3A_1675 = arith.constant 1.500000e+00 : f32
        %sub3A_1676 = vector.broadcast %sub3A_1675 : f32 to vector<16xf32>
        %sub3A_1677 = arith.subf %sub3A_1676, %mul3A_1674 : vector<16xf32>
        %mul3A_1678 = arith.mulf %mul3A_1672, %sub3A_1677 : vector<16xf32>
        %mul3A_1679 = arith.mulf %mul3A_1647, %mul3A_1678 : vector<16xf32>
        %mul3A_1680 = arith.mulf %get3A_1599, %mul3A_1678 : vector<16xf32>
        %sub3A_1681 = arith.subf %mul3A_1680, %mul3A_1679 : vector<16xf32>
        %mul3A_1682 = arith.mulf %sub3A_1681, %get3A_7 : vector<16xf32>
        %add3A_1683 = arith.addf %mul3A_1682, %get3A_23 : vector<16xf32>
        %swap3A_1684 = arith.index_cast %add3A_1596 : i32 to index
        %swap3A_1685 = arith.constant 0 : index
        %swap3A_1686 = tpu.vector_load %arg8[%swap3A_1684, %swap3A_1685] {strides = array<i32>} : memref<128x64xf32, #tpu.memory_space<vmem>>, vector<16xf32>,
        tpu.vector_store %arg8[%swap3A_1684, %swap3A_1685], %add3A_1683 {strides = array<i32>} : memref<128x64xf32, #tpu.memory_space<vmem>>, vector<16xf32>,
        %mul3A_1687 = arith.mulf %get3A_1602, %mul3A_1678 : vector<16xf32>
        %sub3A_1688 = arith.subf %mul3A_1687, %mul3A_1679 : vector<16xf32>
        %mul3A_1689 = arith.mulf %sub3A_1688, %get3A_11 : vector<16xf32>
        %add3A_1690 = arith.addf %mul3A_1689, %get3A_27 : vector<16xf32>
        %swap3A_1691 = arith.index_cast %add3A_1596 : i32 to index
        %swap3A_1692 = arith.constant 16 : index
        %swap3A_1693 = tpu.vector_load %arg8[%swap3A_1691, %swap3A_1692] {strides = array<i32>} : memref<128x64xf32, #tpu.memory_space<vmem>>, vector<16xf32>,
        tpu.vector_store %arg8[%swap3A_1691, %swap3A_1692], %add3A_1690 {strides = array<i32>} : memref<128x64xf32, #tpu.memory_space<vmem>>, vector<16xf32>,
        %mul3A_1694 = arith.mulf %get3A_1605, %mul3A_1678 : vector<16xf32>
        %sub3A_1695 = arith.subf %mul3A_1694, %mul3A_1679 : vector<16xf32>
        %mul3A_1696 = arith.mulf %sub3A_1695, %get3A_15 : vector<16xf32>
        %add3A_1697 = arith.addf %mul3A_1696, %get3A_31 : vector<16xf32>
        %swap3A_1698 = arith.index_cast %add3A_1596 : i32 to index
        %swap3A_1699 = arith.constant 32 : index
        %swap3A_1700 = tpu.vector_load %arg8[%swap3A_1698, %swap3A_1699] {strides = array<i32>} : memref<128x64xf32, #tpu.memory_space<vmem>>, vector<16xf32>,
        tpu.vector_store %arg8[%swap3A_1698, %swap3A_1699], %add3A_1697 {strides = array<i32>} : memref<128x64xf32, #tpu.memory_space<vmem>>, vector<16xf32>,
        %mul3A_1701 = arith.mulf %get3A_1608, %mul3A_1678 : vector<16xf32>
        %sub3A_1702 = arith.subf %mul3A_1701, %mul3A_1679 : vector<16xf32>
        %mul3A_1703 = arith.mulf %sub3A_1702, %get3A_19 : vector<16xf32>
        %add3A_1704 = arith.addf %mul3A_1703, %get3A_35 : vector<16xf32>
        %swap3A_1705 = arith.index_cast %add3A_1596 : i32 to index
        %swap3A_1706 = arith.constant 48 : index
        %swap3A_1707 = tpu.vector_load %arg8[%swap3A_1705, %swap3A_1706] {strides = array<i32>} : memref<128x64xf32, #tpu.memory_space<vmem>>, vector<16xf32>,
        tpu.vector_store %arg8[%swap3A_1705, %swap3A_1706], %add3A_1704 {strides = array<i32>} : memref<128x64xf32, #tpu.memory_space<vmem>>, vector<16xf32>,
      }
      %scan3A_83 = arith.constant 16 : i32
      %add3A_84 = arith.addi %mul3A_2, %add3A_71 : i32
      %mul3A_85 = arith.constant 128 : i32
      %mul3A_86 = arith.muli %add3A_84, %mul3A_85 : i32
      %add3A_87 = arith.constant 0 : i32
      %add3A_88 = arith.addi %mul3A_86, %add3A_87 : i32
      %add3A_89 = vector.broadcast %add3A_88 : i32 to vector<16xi32>
      %add3A_90 = arith.addi %add3A_89, %iota3A : vector<16xi32>
      %rem3A = arith.constant 50 : i32
      %rem3A_91 = vector.broadcast %rem3A : i32 to vector<16xi32>
      %rem3A_92 = arith.remsi %add3A_90, %rem3A_91 : vector<16xi32>
      %mul3A_93 = arith.constant 16384 : i32
      %mul3A_94 = vector.broadcast %mul3A_93 : i32 to vector<16xi32>
      %mul3A_95 = arith.muli %rem3A_92, %mul3A_94 : vector<16xi32>
      %div3A = arith.constant 50 : i32
      %div3A_96 = vector.broadcast %div3A : i32 to vector<16xi32>
      %div3A_97 = arith.divsi %add3A_90, %div3A_96 : vector<16xi32>
      %add3A_98 = arith.addi %mul3A_95, %div3A_97 : vector<16xi32>
      %swap3A = arith.constant 0 : i32
      %swap3A_99 = arith.index_cast %swap3A : i32 to index
      %swap3A_100 = arith.constant 0 : index
      %swap3A_101 = tpu.vector_load %arg12[%swap3A_99, %swap3A_100] {strides = array<i32>} : memref<1x128xi32, #tpu.memory_space<vmem>>, vector<16xi32>,
      tpu.vector_store %arg12[%swap3A_99, %swap3A_100], %add3A_98 {strides = array<i32>} : memref<1x128xi32, #tpu.memory_space<vmem>>, vector<16xi32>,
      %add3A_102 = arith.constant 16 : i32
      %add3A_103 = arith.addi %mul3A_86, %add3A_102 : i32
      %add3A_104 = vector.broadcast %add3A_103 : i32 to vector<16xi32>
      %add3A_105 = arith.addi %add3A_104, %iota3A : vector<16xi32>
      %rem3A_106 = arith.constant 50 : i32
      %rem3A_107 = vector.broadcast %rem3A_106 : i32 to vector<16xi32>
      %rem3A_108 = arith.remsi %add3A_105, %rem3A_107 : vector<16xi32>
      %mul3A_109 = arith.constant 16384 : i32
      %mul3A_110 = vector.broadcast %mul3A_109 : i32 to vector<16xi32>
      %mul3A_111 = arith.muli %rem3A_108, %mul3A_110 : vector<16xi32>
      %div3A_112 = arith.constant 50 : i32
      %div3A_113 = vector.broadcast %div3A_112 : i32 to vector<16xi32>
      %div3A_114 = arith.divsi %add3A_105, %div3A_113 : vector<16xi32>
      %add3A_115 = arith.addi %mul3A_111, %div3A_114 : vector<16xi32>
      %swap3A_116 = arith.constant 0 : i32
      %swap3A_117 = arith.index_cast %swap3A_116 : i32 to index
      %swap3A_118 = arith.constant 16 : index
      %swap3A_119 = tpu.vector_load %arg12[%swap3A_117, %swap3A_118] {strides = array<i32>} : memref<1x128xi32, #tpu.memory_space<vmem>>, vector<16xi32>,
      tpu.vector_store %arg12[%swap3A_117, %swap3A_118], %add3A_115 {strides = array<i32>} : memref<1x128xi32, #tpu.memory_space<vmem>>, vector<16xi32>,
      %add3A_120 = arith.constant 32 : i32
      %add3A_121 = arith.addi %mul3A_86, %add3A_120 : i32
      %add3A_122 = vector.broadcast %add3A_121 : i32 to vector<16xi32>
      %add3A_123 = arith.addi %add3A_122, %iota3A : vector<16xi32>
      %rem3A_124 = arith.constant 50 : i32
      %rem3A_125 = vector.broadcast %rem3A_124 : i32 to vector<16xi32>
      %rem3A_126 = arith.remsi %add3A_123, %rem3A_125 : vector<16xi32>
      %mul3A_127 = arith.constant 16384 : i32
      %mul3A_128 = vector.broadcast %mul3A_127 : i32 to vector<16xi32>
      %mul3A_129 = arith.muli %rem3A_126, %mul3A_128 : vector<16xi32>
      %div3A_130 = arith.constant 50 : i32
      %div3A_131 = vector.broadcast %div3A_130 : i32 to vector<16xi32>
      %div3A_132 = arith.divsi %add3A_123, %div3A_131 : vector<16xi32>
      %add3A_133 = arith.addi %mul3A_129, %div3A_132 : vector<16xi32>
      %swap3A_134 = arith.constant 0 : i32
      %swap3A_135 = arith.index_cast %swap3A_134 : i32 to index
      %swap3A_136 = arith.constant 32 : index
      %swap3A_137 = tpu.vector_load %arg12[%swap3A_135, %swap3A_136] {strides = array<i32>} : memref<1x128xi32, #tpu.memory_space<vmem>>, vector<16xi32>,
      tpu.vector_store %arg12[%swap3A_135, %swap3A_136], %add3A_133 {strides = array<i32>} : memref<1x128xi32, #tpu.memory_space<vmem>>, vector<16xi32>,
      %add3A_138 = arith.constant 48 : i32
      %add3A_139 = arith.addi %mul3A_86, %add3A_138 : i32
      %add3A_140 = vector.broadcast %add3A_139 : i32 to vector<16xi32>
      %add3A_141 = arith.addi %add3A_140, %iota3A : vector<16xi32>
      %rem3A_142 = arith.constant 50 : i32
      %rem3A_143 = vector.broadcast %rem3A_142 : i32 to vector<16xi32>
      %rem3A_144 = arith.remsi %add3A_141, %rem3A_143 : vector<16xi32>
      %mul3A_145 = arith.constant 16384 : i32
      %mul3A_146 = vector.broadcast %mul3A_145 : i32 to vector<16xi32>
      %mul3A_147 = arith.muli %rem3A_144, %mul3A_146 : vector<16xi32>
      %div3A_148 = arith.constant 50 : i32
      %div3A_149 = vector.broadcast %div3A_148 : i32 to vector<16xi32>
      %div3A_150 = arith.divsi %add3A_141, %div3A_149 : vector<16xi32>
      %add3A_151 = arith.addi %mul3A_147, %div3A_150 : vector<16xi32>
      %swap3A_152 = arith.constant 0 : i32
      %swap3A_153 = arith.index_cast %swap3A_152 : i32 to index
      %swap3A_154 = arith.constant 48 : index
      %swap3A_155 = tpu.vector_load %arg12[%swap3A_153, %swap3A_154] {strides = array<i32>} : memref<1x128xi32, #tpu.memory_space<vmem>>, vector<16xi32>,
      tpu.vector_store %arg12[%swap3A_153, %swap3A_154], %add3A_151 {strides = array<i32>} : memref<1x128xi32, #tpu.memory_space<vmem>>, vector<16xi32>,
      %add3A_156 = arith.constant 64 : i32
      %add3A_157 = arith.addi %mul3A_86, %add3A_156 : i32
      %add3A_158 = vector.broadcast %add3A_157 : i32 to vector<16xi32>
      %add3A_159 = arith.addi %add3A_158, %iota3A : vector<16xi32>
      %rem3A_160 = arith.constant 50 : i32
      %rem3A_161 = vector.broadcast %rem3A_160 : i32 to vector<16xi32>
      %rem3A_162 = arith.remsi %add3A_159, %rem3A_161 : vector<16xi32>
      %mul3A_163 = arith.constant 16384 : i32
      %mul3A_164 = vector.broadcast %mul3A_163 : i32 to vector<16xi32>
      %mul3A_165 = arith.muli %rem3A_162, %mul3A_164 : vector<16xi32>
      %div3A_166 = arith.constant 50 : i32
      %div3A_167 = vector.broadcast %div3A_166 : i32 to vector<16xi32>
      %div3A_168 = arith.divsi %add3A_159, %div3A_167 : vector<16xi32>
      %add3A_169 = arith.addi %mul3A_165, %div3A_168 : vector<16xi32>
      %swap3A_170 = arith.constant 0 : i32
      %swap3A_171 = arith.index_cast %swap3A_170 : i32 to index
      %swap3A_172 = arith.constant 64 : index
      %swap3A_173 = tpu.vector_load %arg12[%swap3A_171, %swap3A_172] {strides = array<i32>} : memref<1x128xi32, #tpu.memory_space<vmem>>, vector<16xi32>,
      tpu.vector_store %arg12[%swap3A_171, %swap3A_172], %add3A_169 {strides = array<i32>} : memref<1x128xi32, #tpu.memory_space<vmem>>, vector<16xi32>,
      %add3A_174 = arith.constant 80 : i32
      %add3A_175 = arith.addi %mul3A_86, %add3A_174 : i32
      %add3A_176 = vector.broadcast %add3A_175 : i32 to vector<16xi32>
      %add3A_177 = arith.addi %add3A_176, %iota3A : vector<16xi32>
      %rem3A_178 = arith.constant 50 : i32
      %rem3A_179 = vector.broadcast %rem3A_178 : i32 to vector<16xi32>
      %rem3A_180 = arith.remsi %add3A_177, %rem3A_179 : vector<16xi32>
      %mul3A_181 = arith.constant 16384 : i32
      %mul3A_182 = vector.broadcast %mul3A_181 : i32 to vector<16xi32>
      %mul3A_183 = arith.muli %rem3A_180, %mul3A_182 : vector<16xi32>
      %div3A_184 = arith.constant 50 : i32
      %div3A_185 = vector.broadcast %div3A_184 : i32 to vector<16xi32>
      %div3A_186 = arith.divsi %add3A_177, %div3A_185 : vector<16xi32>
      %add3A_187 = arith.addi %mul3A_183, %div3A_186 : vector<16xi32>
      %swap3A_188 = arith.constant 0 : i32
      %swap3A_189 = arith.index_cast %swap3A_188 : i32 to index
      %swap3A_190 = arith.constant 80 : index
      %swap3A_191 = tpu.vector_load %arg12[%swap3A_189, %swap3A_190] {strides = array<i32>} : memref<1x128xi32, #tpu.memory_space<vmem>>, vector<16xi32>,
      tpu.vector_store %arg12[%swap3A_189, %swap3A_190], %add3A_187 {strides = array<i32>} : memref<1x128xi32, #tpu.memory_space<vmem>>, vector<16xi32>,
      %add3A_192 = arith.constant 96 : i32
      %add3A_193 = arith.addi %mul3A_86, %add3A_192 : i32
      %add3A_194 = vector.broadcast %add3A_193 : i32 to vector<16xi32>
      %add3A_195 = arith.addi %add3A_194, %iota3A : vector<16xi32>
      %rem3A_196 = arith.constant 50 : i32
      %rem3A_197 = vector.broadcast %rem3A_196 : i32 to vector<16xi32>
      %rem3A_198 = arith.remsi %add3A_195, %rem3A_197 : vector<16xi32>
      %mul3A_199 = arith.constant 16384 : i32
      %mul3A_200 = vector.broadcast %mul3A_199 : i32 to vector<16xi32>
      %mul3A_201 = arith.muli %rem3A_198, %mul3A_200 : vector<16xi32>
      %div3A_202 = arith.constant 50 : i32
      %div3A_203 = vector.broadcast %div3A_202 : i32 to vector<16xi32>
      %div3A_204 = arith.divsi %add3A_195, %div3A_203 : vector<16xi32>
      %add3A_205 = arith.addi %mul3A_201, %div3A_204 : vector<16xi32>
      %swap3A_206 = arith.constant 0 : i32
      %swap3A_207 = arith.index_cast %swap3A_206 : i32 to index
      %swap3A_208 = arith.constant 96 : index
      %swap3A_209 = tpu.vector_load %arg12[%swap3A_207, %swap3A_208] {strides = array<i32>} : memref<1x128xi32, #tpu.memory_space<vmem>>, vector<16xi32>,
      tpu.vector_store %arg12[%swap3A_207, %swap3A_208], %add3A_205 {strides = array<i32>} : memref<1x128xi32, #tpu.memory_space<vmem>>, vector<16xi32>,
      %add3A_210 = arith.constant 112 : i32
      %add3A_211 = arith.addi %mul3A_86, %add3A_210 : i32
      %add3A_212 = vector.broadcast %add3A_211 : i32 to vector<16xi32>
      %add3A_213 = arith.addi %add3A_212, %iota3A : vector<16xi32>
      %rem3A_214 = arith.constant 50 : i32
      %rem3A_215 = vector.broadcast %rem3A_214 : i32 to vector<16xi32>
      %rem3A_216 = arith.remsi %add3A_213, %rem3A_215 : vector<16xi32>
      %mul3A_217 = arith.constant 16384 : i32
      %mul3A_218 = vector.broadcast %mul3A_217 : i32 to vector<16xi32>
      %mul3A_219 = arith.muli %rem3A_216, %mul3A_218 : vector<16xi32>
      %div3A_220 = arith.constant 50 : i32
      %div3A_221 = vector.broadcast %div3A_220 : i32 to vector<16xi32>
      %div3A_222 = arith.divsi %add3A_213, %div3A_221 : vector<16xi32>
      %add3A_223 = arith.addi %mul3A_219, %div3A_222 : vector<16xi32>
      %swap3A_224 = arith.constant 0 : i32
      %swap3A_225 = arith.index_cast %swap3A_224 : i32 to index
      %swap3A_226 = arith.constant 112 : index
      %swap3A_227 = tpu.vector_load %arg12[%swap3A_225, %swap3A_226] {strides = array<i32>} : memref<1x128xi32, #tpu.memory_space<vmem>>, vector<16xi32>,
      tpu.vector_store %arg12[%swap3A_225, %swap3A_226], %add3A_223 {strides = array<i32>} : memref<1x128xi32, #tpu.memory_space<vmem>>, vector<16xi32>,
      %dma_start3A_228 = arith.constant 0 : i32
      %dma_start3A_229 = arith.constant 0 : i32
      %dma_start3A_230 = tpu.memref_slice %arg12[%dma_start3A_228, %dma_start3A_229] : memref<1x128xi32, #tpu.memory_space<vmem>> -> memref<1x128xi32, #tpu.memory_space<vmem>>
      %dma_start3A_231 = tpu.memref_squeeze %dma_start3A_230 : memref<1x128xi32, #tpu.memory_space<vmem>> -> memref<128xi32, #tpu.memory_space<vmem>>
      %dma_start3A_232 = arith.constant 0 : i32
      %dma_start3A_233 = arith.constant 0 : i32
      %dma_start3A_234 = tpu.memref_slice %arg6[%dma_start3A_232, %dma_start3A_233] : memref<819200x64xf32, #tpu.memory_space<hbm>> -> memref<819200x64xf32, #tpu.memory_space<hbm>>
      tpu.enqueue_indirect_dma source(%arg8 : memref<128x64xf32, #tpu.memory_space<vmem>>) target(%dma_start3A_234 : memref<819200x64xf32, #tpu.memory_space<hbm>>) offsets(%dma_start3A_231 : memref<128xi32, #tpu.memory_space<vmem>>) semaphore(%arg21 : memref<!tpu.dma_semaphore, #tpu.memory_space<semaphore_mem>>)
      %ge3A = arith.constant 1 : i32
      %ge3A_235 = arith.cmpi sge, %scan3A_67, %ge3A : i32
      %convert_element_type3A = arith.extui %ge3A_235 : i1 to i32
      %cond3A = arith.constant 0 : i32
      %cond3A_236 = arith.cmpi ne, %convert_element_type3A, %cond3A : i32
      scf.if %cond3A_236 {
        %sub3A_794 = arith.constant 2 : i32
        %sub3A_795 = arith.subi %add3A_71, %sub3A_794 : i32
        %dma_wait3A_796 = arith.constant 0 : i32
        %dma_wait3A_797 = arith.constant 0 : i32
        %dma_wait3A_798 = tpu.memref_slice %arg14[%dma_wait3A_796, %dma_wait3A_797] : memref<1x128xi32, #tpu.memory_space<vmem>> -> memref<1x128xi32, #tpu.memory_space<vmem>>
        %dma_wait3A_799 = tpu.memref_squeeze %dma_wait3A_798 : memref<1x128xi32, #tpu.memory_space<vmem>> -> memref<128xi32, #tpu.memory_space<vmem>>
        %dma_wait3A_800 = arith.constant 0 : i32
        %dma_wait3A_801 = arith.constant 0 : i32
        %dma_wait3A_802 = tpu.memref_slice %arg6[%dma_wait3A_800, %dma_wait3A_801] : memref<819200x64xf32, #tpu.memory_space<hbm>> -> memref<819200x64xf32, #tpu.memory_space<hbm>>
        tpu.wait_indirect_dma semaphore(%arg23 : memref<!tpu.dma_semaphore, #tpu.memory_space<semaphore_mem>>) src(%arg10 : memref<128x64xf32, #tpu.memory_space<vmem>>) dst(%dma_wait3A_802 : memref<819200x64xf32, #tpu.memory_space<hbm>>)
      } else {
      }
      %add3A_237 = arith.constant 2 : i32
      %add3A_238 = arith.addi %add3A_71, %add3A_237 : i32
      %dma_start3A_239 = arith.constant 0 : i32
      %dma_start3A_240 = tpu.memref_slice %arg7[%add3A_238, %dma_start3A_239] : memref<200x128xi32, #tpu.memory_space<vmem>> -> memref<1x128xi32, #tpu.memory_space<vmem>>
      %dma_start3A_241 = tpu.memref_squeeze %dma_start3A_240 : memref<1x128xi32, #tpu.memory_space<vmem>> -> memref<128xi32, #tpu.memory_space<vmem>>
      %dma_start3A_242 = arith.constant 0 : i32
      %dma_start3A_243 = arith.constant 0 : i32
      %dma_start3A_244 = tpu.memref_slice %arg3[%dma_start3A_242, %dma_start3A_243] : memref<1000000x64xf32, #tpu.memory_space<hbm>> -> memref<1000000x64xf32, #tpu.memory_space<hbm>>
      tpu.enqueue_indirect_dma source(%dma_start3A_244 : memref<1000000x64xf32, #tpu.memory_space<hbm>>) target(%arg10 : memref<128x64xf32, #tpu.memory_space<vmem>>) offsets(%dma_start3A_241 : memref<128xi32, #tpu.memory_space<vmem>>) semaphore(%arg19 : memref<!tpu.dma_semaphore, #tpu.memory_space<semaphore_mem>>)
      %mul3A_245 = arith.constant 4 : i32
      %mul3A_246 = arith.muli %scan3A_67, %mul3A_245 : i32
      %add3A_247 = arith.constant 1 : i32
      %add3A_248 = arith.addi %mul3A_246, %add3A_247 : i32
      %dma_wait3A_249 = arith.constant 0 : i32
      %dma_wait3A_250 = tpu.memref_slice %arg7[%add3A_248, %dma_wait3A_249] : memref<200x128xi32, #tpu.memory_space<vmem>> -> memref<1x128xi32, #tpu.memory_space<vmem>>
      %dma_wait3A_251 = tpu.memref_squeeze %dma_wait3A_250 : memref<1x128xi32, #tpu.memory_space<vmem>> -> memref<128xi32, #tpu.memory_space<vmem>>
      %dma_wait3A_252 = arith.constant 0 : i32
      %dma_wait3A_253 = arith.constant 0 : i32
      %dma_wait3A_254 = tpu.memref_slice %arg3[%dma_wait3A_252, %dma_wait3A_253] : memref<1000000x64xf32, #tpu.memory_space<hbm>> -> memref<1000000x64xf32, #tpu.memory_space<hbm>>
      tpu.wait_indirect_dma semaphore(%arg18 : memref<!tpu.dma_semaphore, #tpu.memory_space<semaphore_mem>>) src(%dma_wait3A_254 : memref<1000000x64xf32, #tpu.memory_space<hbm>>) dst(%arg9 : memref<128x64xf32, #tpu.memory_space<vmem>>)
      %scan3A_255 = arith.constant 0 : i32
      %scan3A_256 = arith.constant 0 : i32
      %scan3A_257 = arith.constant 16 : i32
      %scan3A_258 = arith.addi %scan3A_256, %scan3A_257 : i32
      %scan3A_259 = arith.constant 1 : i32
      scf.for %scan3A_794 = %scan3A_256 to %scan3A_258 step %scan3A_259  : i32 {
        %mul3A_795 = arith.constant 8 : i32
        %mul3A_796 = arith.muli %scan3A_794, %mul3A_795 : i32
        %add3A_797 = arith.constant 0 : i32
        %add3A_798 = arith.addi %mul3A_796, %add3A_797 : i32
        %get3A_799 = arith.index_cast %add3A_798 : i32 to index
        %get3A_800 = arith.constant 0 : index
        %get3A_801 = tpu.vector_load %arg9[%get3A_799, %get3A_800] {strides = array<i32>} : memref<128x64xf32, #tpu.memory_space<vmem>>, vector<16xf32>,
        %get3A_802 = arith.index_cast %add3A_798 : i32 to index
        %get3A_803 = arith.constant 16 : index
        %get3A_804 = tpu.vector_load %arg9[%get3A_802, %get3A_803] {strides = array<i32>} : memref<128x64xf32, #tpu.memory_space<vmem>>, vector<16xf32>,
        %get3A_805 = arith.index_cast %add3A_798 : i32 to index
        %get3A_806 = arith.constant 32 : index
        %get3A_807 = tpu.vector_load %arg9[%get3A_805, %get3A_806] {strides = array<i32>} : memref<128x64xf32, #tpu.memory_space<vmem>>, vector<16xf32>,
        %get3A_808 = arith.index_cast %add3A_798 : i32 to index
        %get3A_809 = arith.constant 48 : index
        %get3A_810 = tpu.vector_load %arg9[%get3A_808, %get3A_809] {strides = array<i32>} : memref<128x64xf32, #tpu.memory_space<vmem>>, vector<16xf32>,
        %add3A_811 = arith.addf %get3A_801, %get3A_804 : vector<16xf32>
        %add3A_812 = arith.addf %get3A_807, %get3A_810 : vector<16xf32>
        %add3A_813 = arith.addf %add3A_811, %add3A_812 : vector<16xf32>
        %mul3A_814 = arith.mulf %get3A_801, %get3A_801 : vector<16xf32>
        %mul3A_815 = arith.mulf %get3A_804, %get3A_804 : vector<16xf32>
        %add3A_816 = arith.addf %mul3A_814, %mul3A_815 : vector<16xf32>
        %mul3A_817 = arith.mulf %get3A_807, %get3A_807 : vector<16xf32>
        %mul3A_818 = arith.mulf %get3A_810, %get3A_810 : vector<16xf32>
        %add3A_819 = arith.addf %mul3A_817, %mul3A_818 : vector<16xf32>
        %add3A_820 = arith.addf %add3A_816, %add3A_819 : vector<16xf32>
        %cumsum3A = arith.constant true
        %cumsum3A_821 = vector.broadcast %cumsum3A : i1 to vector<16xi1>
        %cumsum3A_822 = tpu.scan <sum>, %add3A_813 masked %cumsum3A_821 : vector<16xf32>, vector<16xi1> -> vector<16xf32>
        %lt3A = arith.constant 0 : i32
        %lt3A_823 = vector.broadcast %lt3A : i32 to vector<16xi32>
        %lt3A_824 = arith.cmpi slt, %broadcast_in_dim3A_4, %lt3A_823 : vector<16xi32>
        %add3A_825 = arith.constant 16 : i32
        %add3A_826 = vector.broadcast %add3A_825 : i32 to vector<16xi32>
        %add3A_827 = arith.addi %broadcast_in_dim3A_4, %add3A_826 : vector<16xi32>
        %select_n3A = arith.select %lt3A_824, %add3A_827, %broadcast_in_dim3A_4 : vector<16xi1>, vector<16xi32>
        %reshape3A = vector.shape_cast %select_n3A : vector<16xi32> to vector<16x1xi32>
        %gather3A = vector.shape_cast %reshape3A : vector<16x1xi32> to vector<16xi32>
        %gather3A_828 = tpu.dynamic_gather %cumsum3A_822[%gather3A] in [0] : vector<16xf32>, vector<16xi32> -> vector<16xf32>
        %cumsum3A_829 = arith.constant true
        %cumsum3A_830 = vector.broadcast %cumsum3A_829 : i1 to vector<16xi1>
        %cumsum3A_831 = tpu.scan <sum>, %add3A_820 masked %cumsum3A_830 : vector<16xf32>, vector<16xi1> -> vector<16xf32>
        %lt3A_832 = arith.constant 0 : i32
        %lt3A_833 = vector.broadcast %lt3A_832 : i32 to vector<16xi32>
        %lt3A_834 = arith.cmpi slt, %broadcast_in_dim3A_4, %lt3A_833 : vector<16xi32>
        %add3A_835 = arith.constant 16 : i32
        %add3A_836 = vector.broadcast %add3A_835 : i32 to vector<16xi32>
        %add3A_837 = arith.addi %broadcast_in_dim3A_4, %add3A_836 : vector<16xi32>
        %select_n3A_838 = arith.select %lt3A_834, %add3A_837, %broadcast_in_dim3A_4 : vector<16xi1>, vector<16xi32>
        %reshape3A_839 = vector.shape_cast %select_n3A_838 : vector<16xi32> to vector<16x1xi32>
        %gather3A_840 = vector.shape_cast %reshape3A_839 : vector<16x1xi32> to vector<16xi32>
        %gather3A_841 = tpu.dynamic_gather %cumsum3A_831[%gather3A_840] in [0] : vector<16xf32>, vector<16xi32> -> vector<16xf32>
        %mul3A_842 = arith.constant 1.562500e-02 : f32
        %mul3A_843 = vector.broadcast %mul3A_842 : f32 to vector<16xf32>
        %mul3A_844 = arith.mulf %gather3A_828, %mul3A_843 : vector<16xf32>
        %mul3A_845 = arith.constant 1.562500e-02 : f32
        %mul3A_846 = vector.broadcast %mul3A_845 : f32 to vector<16xf32>
        %mul3A_847 = arith.mulf %gather3A_841, %mul3A_846 : vector<16xf32>
        %mul3A_848 = arith.mulf %mul3A_844, %mul3A_844 : vector<16xf32>
        %sub3A_849 = arith.subf %mul3A_847, %mul3A_848 : vector<16xf32>
        %add3A_850 = arith.constant 1.562500e-07 : f32
        %add3A_851 = vector.broadcast %add3A_850 : f32 to vector<16xf32>
        %add3A_852 = arith.addf %sub3A_849, %add3A_851 : vector<16xf32>
        %bitcast3A = vector.bitcast %add3A_852 : vector<16xf32> to vector<16xi32>
        %shift_right_logical3A = arith.constant 1 : i32
        %shift_right_logical3A_853 = vector.broadcast %shift_right_logical3A : i32 to vector<16xi32>
        %shift_right_logical3A_854 = arith.shrui %bitcast3A, %shift_right_logical3A_853 : vector<16xi32>
        %sub3A_855 = arith.constant 1597463007 : i32
        %sub3A_856 = vector.broadcast %sub3A_855 : i32 to vector<16xi32>
        %sub3A_857 = arith.subi %sub3A_856, %shift_right_logical3A_854 : vector<16xi32>
        %bitcast3A_858 = vector.bitcast %sub3A_857 : vector<16xi32> to vector<16xf32>
        %mul3A_859 = arith.constant 5.000000e-01 : f32
        %mul3A_860 = vector.broadcast %mul3A_859 : f32 to vector<16xf32>
        %mul3A_861 = arith.mulf %add3A_852, %mul3A_860 : vector<16xf32>
        %mul3A_862 = arith.mulf %mul3A_861, %bitcast3A_858 : vector<16xf32>
        %mul3A_863 = arith.mulf %mul3A_862, %bitcast3A_858 : vector<16xf32>
        %sub3A_864 = arith.constant 1.500000e+00 : f32
        %sub3A_865 = vector.broadcast %sub3A_864 : f32 to vector<16xf32>
        %sub3A_866 = arith.subf %sub3A_865, %mul3A_863 : vector<16xf32>
        %mul3A_867 = arith.mulf %bitcast3A_858, %sub3A_866 : vector<16xf32>
        %mul3A_868 = arith.mulf %mul3A_861, %mul3A_867 : vector<16xf32>
        %mul3A_869 = arith.mulf %mul3A_868, %mul3A_867 : vector<16xf32>
        %sub3A_870 = arith.constant 1.500000e+00 : f32
        %sub3A_871 = vector.broadcast %sub3A_870 : f32 to vector<16xf32>
        %sub3A_872 = arith.subf %sub3A_871, %mul3A_869 : vector<16xf32>
        %mul3A_873 = arith.mulf %mul3A_867, %sub3A_872 : vector<16xf32>
        %mul3A_874 = arith.mulf %mul3A_844, %mul3A_873 : vector<16xf32>
        %mul3A_875 = arith.mulf %get3A_801, %mul3A_873 : vector<16xf32>
        %sub3A_876 = arith.subf %mul3A_875, %mul3A_874 : vector<16xf32>
        %mul3A_877 = arith.mulf %sub3A_876, %get3A_7 : vector<16xf32>
        %add3A_878 = arith.addf %mul3A_877, %get3A_23 : vector<16xf32>
        %swap3A_879 = arith.index_cast %add3A_798 : i32 to index
        %swap3A_880 = arith.constant 0 : index
        %swap3A_881 = tpu.vector_load %arg9[%swap3A_879, %swap3A_880] {strides = array<i32>} : memref<128x64xf32, #tpu.memory_space<vmem>>, vector<16xf32>,
        tpu.vector_store %arg9[%swap3A_879, %swap3A_880], %add3A_878 {strides = array<i32>} : memref<128x64xf32, #tpu.memory_space<vmem>>, vector<16xf32>,
        %mul3A_882 = arith.mulf %get3A_804, %mul3A_873 : vector<16xf32>
        %sub3A_883 = arith.subf %mul3A_882, %mul3A_874 : vector<16xf32>
        %mul3A_884 = arith.mulf %sub3A_883, %get3A_11 : vector<16xf32>
        %add3A_885 = arith.addf %mul3A_884, %get3A_27 : vector<16xf32>
        %swap3A_886 = arith.index_cast %add3A_798 : i32 to index
        %swap3A_887 = arith.constant 16 : index
        %swap3A_888 = tpu.vector_load %arg9[%swap3A_886, %swap3A_887] {strides = array<i32>} : memref<128x64xf32, #tpu.memory_space<vmem>>, vector<16xf32>,
        tpu.vector_store %arg9[%swap3A_886, %swap3A_887], %add3A_885 {strides = array<i32>} : memref<128x64xf32, #tpu.memory_space<vmem>>, vector<16xf32>,
        %mul3A_889 = arith.mulf %get3A_807, %mul3A_873 : vector<16xf32>
        %sub3A_890 = arith.subf %mul3A_889, %mul3A_874 : vector<16xf32>
        %mul3A_891 = arith.mulf %sub3A_890, %get3A_15 : vector<16xf32>
        %add3A_892 = arith.addf %mul3A_891, %get3A_31 : vector<16xf32>
        %swap3A_893 = arith.index_cast %add3A_798 : i32 to index
        %swap3A_894 = arith.constant 32 : index
        %swap3A_895 = tpu.vector_load %arg9[%swap3A_893, %swap3A_894] {strides = array<i32>} : memref<128x64xf32, #tpu.memory_space<vmem>>, vector<16xf32>,
        tpu.vector_store %arg9[%swap3A_893, %swap3A_894], %add3A_892 {strides = array<i32>} : memref<128x64xf32, #tpu.memory_space<vmem>>, vector<16xf32>,
        %mul3A_896 = arith.mulf %get3A_810, %mul3A_873 : vector<16xf32>
        %sub3A_897 = arith.subf %mul3A_896, %mul3A_874 : vector<16xf32>
        %mul3A_898 = arith.mulf %sub3A_897, %get3A_19 : vector<16xf32>
        %add3A_899 = arith.addf %mul3A_898, %get3A_35 : vector<16xf32>
        %swap3A_900 = arith.index_cast %add3A_798 : i32 to index
        %swap3A_901 = arith.constant 48 : index
        %swap3A_902 = tpu.vector_load %arg9[%swap3A_900, %swap3A_901] {strides = array<i32>} : memref<128x64xf32, #tpu.memory_space<vmem>>, vector<16xf32>,
        tpu.vector_store %arg9[%swap3A_900, %swap3A_901], %add3A_899 {strides = array<i32>} : memref<128x64xf32, #tpu.memory_space<vmem>>, vector<16xf32>,
        %mul3A_903 = arith.constant 8 : i32
        %mul3A_904 = arith.muli %scan3A_794, %mul3A_903 : i32
        %add3A_905 = arith.constant 1 : i32
        %add3A_906 = arith.addi %mul3A_904, %add3A_905 : i32
        %get3A_907 = arith.index_cast %add3A_906 : i32 to index
        %get3A_908 = arith.constant 0 : index
        %get3A_909 = tpu.vector_load %arg9[%get3A_907, %get3A_908] {strides = array<i32>} : memref<128x64xf32, #tpu.memory_space<vmem>>, vector<16xf32>,
        %get3A_910 = arith.index_cast %add3A_906 : i32 to index
        %get3A_911 = arith.constant 16 : index
        %get3A_912 = tpu.vector_load %arg9[%get3A_910, %get3A_911] {strides = array<i32>} : memref<128x64xf32, #tpu.memory_space<vmem>>, vector<16xf32>,
        %get3A_913 = arith.index_cast %add3A_906 : i32 to index
        %get3A_914 = arith.constant 32 : index
        %get3A_915 = tpu.vector_load %arg9[%get3A_913, %get3A_914] {strides = array<i32>} : memref<128x64xf32, #tpu.memory_space<vmem>>, vector<16xf32>,
        %get3A_916 = arith.index_cast %add3A_906 : i32 to index
        %get3A_917 = arith.constant 48 : index
        %get3A_918 = tpu.vector_load %arg9[%get3A_916, %get3A_917] {strides = array<i32>} : memref<128x64xf32, #tpu.memory_space<vmem>>, vector<16xf32>,
        %add3A_919 = arith.addf %get3A_909, %get3A_912 : vector<16xf32>
        %add3A_920 = arith.addf %get3A_915, %get3A_918 : vector<16xf32>
        %add3A_921 = arith.addf %add3A_919, %add3A_920 : vector<16xf32>
        %mul3A_922 = arith.mulf %get3A_909, %get3A_909 : vector<16xf32>
        %mul3A_923 = arith.mulf %get3A_912, %get3A_912 : vector<16xf32>
        %add3A_924 = arith.addf %mul3A_922, %mul3A_923 : vector<16xf32>
        %mul3A_925 = arith.mulf %get3A_915, %get3A_915 : vector<16xf32>
        %mul3A_926 = arith.mulf %get3A_918, %get3A_918 : vector<16xf32>
        %add3A_927 = arith.addf %mul3A_925, %mul3A_926 : vector<16xf32>
        %add3A_928 = arith.addf %add3A_924, %add3A_927 : vector<16xf32>
        %cumsum3A_929 = arith.constant true
        %cumsum3A_930 = vector.broadcast %cumsum3A_929 : i1 to vector<16xi1>
        %cumsum3A_931 = tpu.scan <sum>, %add3A_921 masked %cumsum3A_930 : vector<16xf32>, vector<16xi1> -> vector<16xf32>
        %lt3A_932 = arith.constant 0 : i32
        %lt3A_933 = vector.broadcast %lt3A_932 : i32 to vector<16xi32>
        %lt3A_934 = arith.cmpi slt, %broadcast_in_dim3A_4, %lt3A_933 : vector<16xi32>
        %add3A_935 = arith.constant 16 : i32
        %add3A_936 = vector.broadcast %add3A_935 : i32 to vector<16xi32>
        %add3A_937 = arith.addi %broadcast_in_dim3A_4, %add3A_936 : vector<16xi32>
        %select_n3A_938 = arith.select %lt3A_934, %add3A_937, %broadcast_in_dim3A_4 : vector<16xi1>, vector<16xi32>
        %reshape3A_939 = vector.shape_cast %select_n3A_938 : vector<16xi32> to vector<16x1xi32>
        %gather3A_940 = vector.shape_cast %reshape3A_939 : vector<16x1xi32> to vector<16xi32>
        %gather3A_941 = tpu.dynamic_gather %cumsum3A_931[%gather3A_940] in [0] : vector<16xf32>, vector<16xi32> -> vector<16xf32>
        %cumsum3A_942 = arith.constant true
        %cumsum3A_943 = vector.broadcast %cumsum3A_942 : i1 to vector<16xi1>
        %cumsum3A_944 = tpu.scan <sum>, %add3A_928 masked %cumsum3A_943 : vector<16xf32>, vector<16xi1> -> vector<16xf32>
        %lt3A_945 = arith.constant 0 : i32
        %lt3A_946 = vector.broadcast %lt3A_945 : i32 to vector<16xi32>
        %lt3A_947 = arith.cmpi slt, %broadcast_in_dim3A_4, %lt3A_946 : vector<16xi32>
        %add3A_948 = arith.constant 16 : i32
        %add3A_949 = vector.broadcast %add3A_948 : i32 to vector<16xi32>
        %add3A_950 = arith.addi %broadcast_in_dim3A_4, %add3A_949 : vector<16xi32>
        %select_n3A_951 = arith.select %lt3A_947, %add3A_950, %broadcast_in_dim3A_4 : vector<16xi1>, vector<16xi32>
        %reshape3A_952 = vector.shape_cast %select_n3A_951 : vector<16xi32> to vector<16x1xi32>
        %gather3A_953 = vector.shape_cast %reshape3A_952 : vector<16x1xi32> to vector<16xi32>
        %gather3A_954 = tpu.dynamic_gather %cumsum3A_944[%gather3A_953] in [0] : vector<16xf32>, vector<16xi32> -> vector<16xf32>
        %mul3A_955 = arith.constant 1.562500e-02 : f32
        %mul3A_956 = vector.broadcast %mul3A_955 : f32 to vector<16xf32>
        %mul3A_957 = arith.mulf %gather3A_941, %mul3A_956 : vector<16xf32>
        %mul3A_958 = arith.constant 1.562500e-02 : f32
        %mul3A_959 = vector.broadcast %mul3A_958 : f32 to vector<16xf32>
        %mul3A_960 = arith.mulf %gather3A_954, %mul3A_959 : vector<16xf32>
        %mul3A_961 = arith.mulf %mul3A_957, %mul3A_957 : vector<16xf32>
        %sub3A_962 = arith.subf %mul3A_960, %mul3A_961 : vector<16xf32>
        %add3A_963 = arith.constant 1.562500e-07 : f32
        %add3A_964 = vector.broadcast %add3A_963 : f32 to vector<16xf32>
        %add3A_965 = arith.addf %sub3A_962, %add3A_964 : vector<16xf32>
        %bitcast3A_966 = vector.bitcast %add3A_965 : vector<16xf32> to vector<16xi32>
        %shift_right_logical3A_967 = arith.constant 1 : i32
        %shift_right_logical3A_968 = vector.broadcast %shift_right_logical3A_967 : i32 to vector<16xi32>
        %shift_right_logical3A_969 = arith.shrui %bitcast3A_966, %shift_right_logical3A_968 : vector<16xi32>
        %sub3A_970 = arith.constant 1597463007 : i32
        %sub3A_971 = vector.broadcast %sub3A_970 : i32 to vector<16xi32>
        %sub3A_972 = arith.subi %sub3A_971, %shift_right_logical3A_969 : vector<16xi32>
        %bitcast3A_973 = vector.bitcast %sub3A_972 : vector<16xi32> to vector<16xf32>
        %mul3A_974 = arith.constant 5.000000e-01 : f32
        %mul3A_975 = vector.broadcast %mul3A_974 : f32 to vector<16xf32>
        %mul3A_976 = arith.mulf %add3A_965, %mul3A_975 : vector<16xf32>
        %mul3A_977 = arith.mulf %mul3A_976, %bitcast3A_973 : vector<16xf32>
        %mul3A_978 = arith.mulf %mul3A_977, %bitcast3A_973 : vector<16xf32>
        %sub3A_979 = arith.constant 1.500000e+00 : f32
        %sub3A_980 = vector.broadcast %sub3A_979 : f32 to vector<16xf32>
        %sub3A_981 = arith.subf %sub3A_980, %mul3A_978 : vector<16xf32>
        %mul3A_982 = arith.mulf %bitcast3A_973, %sub3A_981 : vector<16xf32>
        %mul3A_983 = arith.mulf %mul3A_976, %mul3A_982 : vector<16xf32>
        %mul3A_984 = arith.mulf %mul3A_983, %mul3A_982 : vector<16xf32>
        %sub3A_985 = arith.constant 1.500000e+00 : f32
        %sub3A_986 = vector.broadcast %sub3A_985 : f32 to vector<16xf32>
        %sub3A_987 = arith.subf %sub3A_986, %mul3A_984 : vector<16xf32>
        %mul3A_988 = arith.mulf %mul3A_982, %sub3A_987 : vector<16xf32>
        %mul3A_989 = arith.mulf %mul3A_957, %mul3A_988 : vector<16xf32>
        %mul3A_990 = arith.mulf %get3A_909, %mul3A_988 : vector<16xf32>
        %sub3A_991 = arith.subf %mul3A_990, %mul3A_989 : vector<16xf32>
        %mul3A_992 = arith.mulf %sub3A_991, %get3A_7 : vector<16xf32>
        %add3A_993 = arith.addf %mul3A_992, %get3A_23 : vector<16xf32>
        %swap3A_994 = arith.index_cast %add3A_906 : i32 to index
        %swap3A_995 = arith.constant 0 : index
        %swap3A_996 = tpu.vector_load %arg9[%swap3A_994, %swap3A_995] {strides = array<i32>} : memref<128x64xf32, #tpu.memory_space<vmem>>, vector<16xf32>,
        tpu.vector_store %arg9[%swap3A_994, %swap3A_995], %add3A_993 {strides = array<i32>} : memref<128x64xf32, #tpu.memory_space<vmem>>, vector<16xf32>,
        %mul3A_997 = arith.mulf %get3A_912, %mul3A_988 : vector<16xf32>
        %sub3A_998 = arith.subf %mul3A_997, %mul3A_989 : vector<16xf32>
        %mul3A_999 = arith.mulf %sub3A_998, %get3A_11 : vector<16xf32>
        %add3A_1000 = arith.addf %mul3A_999, %get3A_27 : vector<16xf32>
        %swap3A_1001 = arith.index_cast %add3A_906 : i32 to index
        %swap3A_1002 = arith.constant 16 : index
        %swap3A_1003 = tpu.vector_load %arg9[%swap3A_1001, %swap3A_1002] {strides = array<i32>} : memref<128x64xf32, #tpu.memory_space<vmem>>, vector<16xf32>,
        tpu.vector_store %arg9[%swap3A_1001, %swap3A_1002], %add3A_1000 {strides = array<i32>} : memref<128x64xf32, #tpu.memory_space<vmem>>, vector<16xf32>,
        %mul3A_1004 = arith.mulf %get3A_915, %mul3A_988 : vector<16xf32>
        %sub3A_1005 = arith.subf %mul3A_1004, %mul3A_989 : vector<16xf32>
        %mul3A_1006 = arith.mulf %sub3A_1005, %get3A_15 : vector<16xf32>
        %add3A_1007 = arith.addf %mul3A_1006, %get3A_31 : vector<16xf32>
        %swap3A_1008 = arith.index_cast %add3A_906 : i32 to index
        %swap3A_1009 = arith.constant 32 : index
        %swap3A_1010 = tpu.vector_load %arg9[%swap3A_1008, %swap3A_1009] {strides = array<i32>} : memref<128x64xf32, #tpu.memory_space<vmem>>, vector<16xf32>,
        tpu.vector_store %arg9[%swap3A_1008, %swap3A_1009], %add3A_1007 {strides = array<i32>} : memref<128x64xf32, #tpu.memory_space<vmem>>, vector<16xf32>,
        %mul3A_1011 = arith.mulf %get3A_918, %mul3A_988 : vector<16xf32>
        %sub3A_1012 = arith.subf %mul3A_1011, %mul3A_989 : vector<16xf32>
        %mul3A_1013 = arith.mulf %sub3A_1012, %get3A_19 : vector<16xf32>
        %add3A_1014 = arith.addf %mul3A_1013, %get3A_35 : vector<16xf32>
        %swap3A_1015 = arith.index_cast %add3A_906 : i32 to index
        %swap3A_1016 = arith.constant 48 : index
        %swap3A_1017 = tpu.vector_load %arg9[%swap3A_1015, %swap3A_1016] {strides = array<i32>} : memref<128x64xf32, #tpu.memory_space<vmem>>, vector<16xf32>,
        tpu.vector_store %arg9[%swap3A_1015, %swap3A_1016], %add3A_1014 {strides = array<i32>} : memref<128x64xf32, #tpu.memory_space<vmem>>, vector<16xf32>,
        %mul3A_1018 = arith.constant 8 : i32
        %mul3A_1019 = arith.muli %scan3A_794, %mul3A_1018 : i32
        %add3A_1020 = arith.constant 2 : i32
        %add3A_1021 = arith.addi %mul3A_1019, %add3A_1020 : i32
        %get3A_1022 = arith.index_cast %add3A_1021 : i32 to index
        %get3A_1023 = arith.constant 0 : index
        %get3A_1024 = tpu.vector_load %arg9[%get3A_1022, %get3A_1023] {strides = array<i32>} : memref<128x64xf32, #tpu.memory_space<vmem>>, vector<16xf32>,
        %get3A_1025 = arith.index_cast %add3A_1021 : i32 to index
        %get3A_1026 = arith.constant 16 : index
        %get3A_1027 = tpu.vector_load %arg9[%get3A_1025, %get3A_1026] {strides = array<i32>} : memref<128x64xf32, #tpu.memory_space<vmem>>, vector<16xf32>,
        %get3A_1028 = arith.index_cast %add3A_1021 : i32 to index
        %get3A_1029 = arith.constant 32 : index
        %get3A_1030 = tpu.vector_load %arg9[%get3A_1028, %get3A_1029] {strides = array<i32>} : memref<128x64xf32, #tpu.memory_space<vmem>>, vector<16xf32>,
        %get3A_1031 = arith.index_cast %add3A_1021 : i32 to index
        %get3A_1032 = arith.constant 48 : index
        %get3A_1033 = tpu.vector_load %arg9[%get3A_1031, %get3A_1032] {strides = array<i32>} : memref<128x64xf32, #tpu.memory_space<vmem>>, vector<16xf32>,
        %add3A_1034 = arith.addf %get3A_1024, %get3A_1027 : vector<16xf32>
        %add3A_1035 = arith.addf %get3A_1030, %get3A_1033 : vector<16xf32>
        %add3A_1036 = arith.addf %add3A_1034, %add3A_1035 : vector<16xf32>
        %mul3A_1037 = arith.mulf %get3A_1024, %get3A_1024 : vector<16xf32>
        %mul3A_1038 = arith.mulf %get3A_1027, %get3A_1027 : vector<16xf32>
        %add3A_1039 = arith.addf %mul3A_1037, %mul3A_1038 : vector<16xf32>
        %mul3A_1040 = arith.mulf %get3A_1030, %get3A_1030 : vector<16xf32>
        %mul3A_1041 = arith.mulf %get3A_1033, %get3A_1033 : vector<16xf32>
        %add3A_1042 = arith.addf %mul3A_1040, %mul3A_1041 : vector<16xf32>
        %add3A_1043 = arith.addf %add3A_1039, %add3A_1042 : vector<16xf32>
        %cumsum3A_1044 = arith.constant true
        %cumsum3A_1045 = vector.broadcast %cumsum3A_1044 : i1 to vector<16xi1>
        %cumsum3A_1046 = tpu.scan <sum>, %add3A_1036 masked %cumsum3A_1045 : vector<16xf32>, vector<16xi1> -> vector<16xf32>
        %lt3A_1047 = arith.constant 0 : i32
        %lt3A_1048 = vector.broadcast %lt3A_1047 : i32 to vector<16xi32>
        %lt3A_1049 = arith.cmpi slt, %broadcast_in_dim3A_4, %lt3A_1048 : vector<16xi32>
        %add3A_1050 = arith.constant 16 : i32
        %add3A_1051 = vector.broadcast %add3A_1050 : i32 to vector<16xi32>
        %add3A_1052 = arith.addi %broadcast_in_dim3A_4, %add3A_1051 : vector<16xi32>
        %select_n3A_1053 = arith.select %lt3A_1049, %add3A_1052, %broadcast_in_dim3A_4 : vector<16xi1>, vector<16xi32>
        %reshape3A_1054 = vector.shape_cast %select_n3A_1053 : vector<16xi32> to vector<16x1xi32>
        %gather3A_1055 = vector.shape_cast %reshape3A_1054 : vector<16x1xi32> to vector<16xi32>
        %gather3A_1056 = tpu.dynamic_gather %cumsum3A_1046[%gather3A_1055] in [0] : vector<16xf32>, vector<16xi32> -> vector<16xf32>
        %cumsum3A_1057 = arith.constant true
        %cumsum3A_1058 = vector.broadcast %cumsum3A_1057 : i1 to vector<16xi1>
        %cumsum3A_1059 = tpu.scan <sum>, %add3A_1043 masked %cumsum3A_1058 : vector<16xf32>, vector<16xi1> -> vector<16xf32>
        %lt3A_1060 = arith.constant 0 : i32
        %lt3A_1061 = vector.broadcast %lt3A_1060 : i32 to vector<16xi32>
        %lt3A_1062 = arith.cmpi slt, %broadcast_in_dim3A_4, %lt3A_1061 : vector<16xi32>
        %add3A_1063 = arith.constant 16 : i32
        %add3A_1064 = vector.broadcast %add3A_1063 : i32 to vector<16xi32>
        %add3A_1065 = arith.addi %broadcast_in_dim3A_4, %add3A_1064 : vector<16xi32>
        %select_n3A_1066 = arith.select %lt3A_1062, %add3A_1065, %broadcast_in_dim3A_4 : vector<16xi1>, vector<16xi32>
        %reshape3A_1067 = vector.shape_cast %select_n3A_1066 : vector<16xi32> to vector<16x1xi32>
        %gather3A_1068 = vector.shape_cast %reshape3A_1067 : vector<16x1xi32> to vector<16xi32>
        %gather3A_1069 = tpu.dynamic_gather %cumsum3A_1059[%gather3A_1068] in [0] : vector<16xf32>, vector<16xi32> -> vector<16xf32>
        %mul3A_1070 = arith.constant 1.562500e-02 : f32
        %mul3A_1071 = vector.broadcast %mul3A_1070 : f32 to vector<16xf32>
        %mul3A_1072 = arith.mulf %gather3A_1056, %mul3A_1071 : vector<16xf32>
        %mul3A_1073 = arith.constant 1.562500e-02 : f32
        %mul3A_1074 = vector.broadcast %mul3A_1073 : f32 to vector<16xf32>
        %mul3A_1075 = arith.mulf %gather3A_1069, %mul3A_1074 : vector<16xf32>
        %mul3A_1076 = arith.mulf %mul3A_1072, %mul3A_1072 : vector<16xf32>
        %sub3A_1077 = arith.subf %mul3A_1075, %mul3A_1076 : vector<16xf32>
        %add3A_1078 = arith.constant 1.562500e-07 : f32
        %add3A_1079 = vector.broadcast %add3A_1078 : f32 to vector<16xf32>
        %add3A_1080 = arith.addf %sub3A_1077, %add3A_1079 : vector<16xf32>
        %bitcast3A_1081 = vector.bitcast %add3A_1080 : vector<16xf32> to vector<16xi32>
        %shift_right_logical3A_1082 = arith.constant 1 : i32
        %shift_right_logical3A_1083 = vector.broadcast %shift_right_logical3A_1082 : i32 to vector<16xi32>
        %shift_right_logical3A_1084 = arith.shrui %bitcast3A_1081, %shift_right_logical3A_1083 : vector<16xi32>
        %sub3A_1085 = arith.constant 1597463007 : i32
        %sub3A_1086 = vector.broadcast %sub3A_1085 : i32 to vector<16xi32>
        %sub3A_1087 = arith.subi %sub3A_1086, %shift_right_logical3A_1084 : vector<16xi32>
        %bitcast3A_1088 = vector.bitcast %sub3A_1087 : vector<16xi32> to vector<16xf32>
        %mul3A_1089 = arith.constant 5.000000e-01 : f32
        %mul3A_1090 = vector.broadcast %mul3A_1089 : f32 to vector<16xf32>
        %mul3A_1091 = arith.mulf %add3A_1080, %mul3A_1090 : vector<16xf32>
        %mul3A_1092 = arith.mulf %mul3A_1091, %bitcast3A_1088 : vector<16xf32>
        %mul3A_1093 = arith.mulf %mul3A_1092, %bitcast3A_1088 : vector<16xf32>
        %sub3A_1094 = arith.constant 1.500000e+00 : f32
        %sub3A_1095 = vector.broadcast %sub3A_1094 : f32 to vector<16xf32>
        %sub3A_1096 = arith.subf %sub3A_1095, %mul3A_1093 : vector<16xf32>
        %mul3A_1097 = arith.mulf %bitcast3A_1088, %sub3A_1096 : vector<16xf32>
        %mul3A_1098 = arith.mulf %mul3A_1091, %mul3A_1097 : vector<16xf32>
        %mul3A_1099 = arith.mulf %mul3A_1098, %mul3A_1097 : vector<16xf32>
        %sub3A_1100 = arith.constant 1.500000e+00 : f32
        %sub3A_1101 = vector.broadcast %sub3A_1100 : f32 to vector<16xf32>
        %sub3A_1102 = arith.subf %sub3A_1101, %mul3A_1099 : vector<16xf32>
        %mul3A_1103 = arith.mulf %mul3A_1097, %sub3A_1102 : vector<16xf32>
        %mul3A_1104 = arith.mulf %mul3A_1072, %mul3A_1103 : vector<16xf32>
        %mul3A_1105 = arith.mulf %get3A_1024, %mul3A_1103 : vector<16xf32>
        %sub3A_1106 = arith.subf %mul3A_1105, %mul3A_1104 : vector<16xf32>
        %mul3A_1107 = arith.mulf %sub3A_1106, %get3A_7 : vector<16xf32>
        %add3A_1108 = arith.addf %mul3A_1107, %get3A_23 : vector<16xf32>
        %swap3A_1109 = arith.index_cast %add3A_1021 : i32 to index
        %swap3A_1110 = arith.constant 0 : index
        %swap3A_1111 = tpu.vector_load %arg9[%swap3A_1109, %swap3A_1110] {strides = array<i32>} : memref<128x64xf32, #tpu.memory_space<vmem>>, vector<16xf32>,
        tpu.vector_store %arg9[%swap3A_1109, %swap3A_1110], %add3A_1108 {strides = array<i32>} : memref<128x64xf32, #tpu.memory_space<vmem>>, vector<16xf32>,
        %mul3A_1112 = arith.mulf %get3A_1027, %mul3A_1103 : vector<16xf32>
        %sub3A_1113 = arith.subf %mul3A_1112, %mul3A_1104 : vector<16xf32>
        %mul3A_1114 = arith.mulf %sub3A_1113, %get3A_11 : vector<16xf32>
        %add3A_1115 = arith.addf %mul3A_1114, %get3A_27 : vector<16xf32>
        %swap3A_1116 = arith.index_cast %add3A_1021 : i32 to index
        %swap3A_1117 = arith.constant 16 : index
        %swap3A_1118 = tpu.vector_load %arg9[%swap3A_1116, %swap3A_1117] {strides = array<i32>} : memref<128x64xf32, #tpu.memory_space<vmem>>, vector<16xf32>,
        tpu.vector_store %arg9[%swap3A_1116, %swap3A_1117], %add3A_1115 {strides = array<i32>} : memref<128x64xf32, #tpu.memory_space<vmem>>, vector<16xf32>,
        %mul3A_1119 = arith.mulf %get3A_1030, %mul3A_1103 : vector<16xf32>
        %sub3A_1120 = arith.subf %mul3A_1119, %mul3A_1104 : vector<16xf32>
        %mul3A_1121 = arith.mulf %sub3A_1120, %get3A_15 : vector<16xf32>
        %add3A_1122 = arith.addf %mul3A_1121, %get3A_31 : vector<16xf32>
        %swap3A_1123 = arith.index_cast %add3A_1021 : i32 to index
        %swap3A_1124 = arith.constant 32 : index
        %swap3A_1125 = tpu.vector_load %arg9[%swap3A_1123, %swap3A_1124] {strides = array<i32>} : memref<128x64xf32, #tpu.memory_space<vmem>>, vector<16xf32>,
        tpu.vector_store %arg9[%swap3A_1123, %swap3A_1124], %add3A_1122 {strides = array<i32>} : memref<128x64xf32, #tpu.memory_space<vmem>>, vector<16xf32>,
        %mul3A_1126 = arith.mulf %get3A_1033, %mul3A_1103 : vector<16xf32>
        %sub3A_1127 = arith.subf %mul3A_1126, %mul3A_1104 : vector<16xf32>
        %mul3A_1128 = arith.mulf %sub3A_1127, %get3A_19 : vector<16xf32>
        %add3A_1129 = arith.addf %mul3A_1128, %get3A_35 : vector<16xf32>
        %swap3A_1130 = arith.index_cast %add3A_1021 : i32 to index
        %swap3A_1131 = arith.constant 48 : index
        %swap3A_1132 = tpu.vector_load %arg9[%swap3A_1130, %swap3A_1131] {strides = array<i32>} : memref<128x64xf32, #tpu.memory_space<vmem>>, vector<16xf32>,
        tpu.vector_store %arg9[%swap3A_1130, %swap3A_1131], %add3A_1129 {strides = array<i32>} : memref<128x64xf32, #tpu.memory_space<vmem>>, vector<16xf32>,
        %mul3A_1133 = arith.constant 8 : i32
        %mul3A_1134 = arith.muli %scan3A_794, %mul3A_1133 : i32
        %add3A_1135 = arith.constant 3 : i32
        %add3A_1136 = arith.addi %mul3A_1134, %add3A_1135 : i32
        %get3A_1137 = arith.index_cast %add3A_1136 : i32 to index
        %get3A_1138 = arith.constant 0 : index
        %get3A_1139 = tpu.vector_load %arg9[%get3A_1137, %get3A_1138] {strides = array<i32>} : memref<128x64xf32, #tpu.memory_space<vmem>>, vector<16xf32>,
        %get3A_1140 = arith.index_cast %add3A_1136 : i32 to index
        %get3A_1141 = arith.constant 16 : index
        %get3A_1142 = tpu.vector_load %arg9[%get3A_1140, %get3A_1141] {strides = array<i32>} : memref<128x64xf32, #tpu.memory_space<vmem>>, vector<16xf32>,
        %get3A_1143 = arith.index_cast %add3A_1136 : i32 to index
        %get3A_1144 = arith.constant 32 : index
        %get3A_1145 = tpu.vector_load %arg9[%get3A_1143, %get3A_1144] {strides = array<i32>} : memref<128x64xf32, #tpu.memory_space<vmem>>, vector<16xf32>,
        %get3A_1146 = arith.index_cast %add3A_1136 : i32 to index
        %get3A_1147 = arith.constant 48 : index
        %get3A_1148 = tpu.vector_load %arg9[%get3A_1146, %get3A_1147] {strides = array<i32>} : memref<128x64xf32, #tpu.memory_space<vmem>>, vector<16xf32>,
        %add3A_1149 = arith.addf %get3A_1139, %get3A_1142 : vector<16xf32>
        %add3A_1150 = arith.addf %get3A_1145, %get3A_1148 : vector<16xf32>
        %add3A_1151 = arith.addf %add3A_1149, %add3A_1150 : vector<16xf32>
        %mul3A_1152 = arith.mulf %get3A_1139, %get3A_1139 : vector<16xf32>
        %mul3A_1153 = arith.mulf %get3A_1142, %get3A_1142 : vector<16xf32>
        %add3A_1154 = arith.addf %mul3A_1152, %mul3A_1153 : vector<16xf32>
        %mul3A_1155 = arith.mulf %get3A_1145, %get3A_1145 : vector<16xf32>
        %mul3A_1156 = arith.mulf %get3A_1148, %get3A_1148 : vector<16xf32>
        %add3A_1157 = arith.addf %mul3A_1155, %mul3A_1156 : vector<16xf32>
        %add3A_1158 = arith.addf %add3A_1154, %add3A_1157 : vector<16xf32>
        %cumsum3A_1159 = arith.constant true
        %cumsum3A_1160 = vector.broadcast %cumsum3A_1159 : i1 to vector<16xi1>
        %cumsum3A_1161 = tpu.scan <sum>, %add3A_1151 masked %cumsum3A_1160 : vector<16xf32>, vector<16xi1> -> vector<16xf32>
        %lt3A_1162 = arith.constant 0 : i32
        %lt3A_1163 = vector.broadcast %lt3A_1162 : i32 to vector<16xi32>
        %lt3A_1164 = arith.cmpi slt, %broadcast_in_dim3A_4, %lt3A_1163 : vector<16xi32>
        %add3A_1165 = arith.constant 16 : i32
        %add3A_1166 = vector.broadcast %add3A_1165 : i32 to vector<16xi32>
        %add3A_1167 = arith.addi %broadcast_in_dim3A_4, %add3A_1166 : vector<16xi32>
        %select_n3A_1168 = arith.select %lt3A_1164, %add3A_1167, %broadcast_in_dim3A_4 : vector<16xi1>, vector<16xi32>
        %reshape3A_1169 = vector.shape_cast %select_n3A_1168 : vector<16xi32> to vector<16x1xi32>
        %gather3A_1170 = vector.shape_cast %reshape3A_1169 : vector<16x1xi32> to vector<16xi32>
        %gather3A_1171 = tpu.dynamic_gather %cumsum3A_1161[%gather3A_1170] in [0] : vector<16xf32>, vector<16xi32> -> vector<16xf32>
        %cumsum3A_1172 = arith.constant true
        %cumsum3A_1173 = vector.broadcast %cumsum3A_1172 : i1 to vector<16xi1>
        %cumsum3A_1174 = tpu.scan <sum>, %add3A_1158 masked %cumsum3A_1173 : vector<16xf32>, vector<16xi1> -> vector<16xf32>
        %lt3A_1175 = arith.constant 0 : i32
        %lt3A_1176 = vector.broadcast %lt3A_1175 : i32 to vector<16xi32>
        %lt3A_1177 = arith.cmpi slt, %broadcast_in_dim3A_4, %lt3A_1176 : vector<16xi32>
        %add3A_1178 = arith.constant 16 : i32
        %add3A_1179 = vector.broadcast %add3A_1178 : i32 to vector<16xi32>
        %add3A_1180 = arith.addi %broadcast_in_dim3A_4, %add3A_1179 : vector<16xi32>
        %select_n3A_1181 = arith.select %lt3A_1177, %add3A_1180, %broadcast_in_dim3A_4 : vector<16xi1>, vector<16xi32>
        %reshape3A_1182 = vector.shape_cast %select_n3A_1181 : vector<16xi32> to vector<16x1xi32>
        %gather3A_1183 = vector.shape_cast %reshape3A_1182 : vector<16x1xi32> to vector<16xi32>
        %gather3A_1184 = tpu.dynamic_gather %cumsum3A_1174[%gather3A_1183] in [0] : vector<16xf32>, vector<16xi32> -> vector<16xf32>
        %mul3A_1185 = arith.constant 1.562500e-02 : f32
        %mul3A_1186 = vector.broadcast %mul3A_1185 : f32 to vector<16xf32>
        %mul3A_1187 = arith.mulf %gather3A_1171, %mul3A_1186 : vector<16xf32>
        %mul3A_1188 = arith.constant 1.562500e-02 : f32
        %mul3A_1189 = vector.broadcast %mul3A_1188 : f32 to vector<16xf32>
        %mul3A_1190 = arith.mulf %gather3A_1184, %mul3A_1189 : vector<16xf32>
        %mul3A_1191 = arith.mulf %mul3A_1187, %mul3A_1187 : vector<16xf32>
        %sub3A_1192 = arith.subf %mul3A_1190, %mul3A_1191 : vector<16xf32>
        %add3A_1193 = arith.constant 1.562500e-07 : f32
        %add3A_1194 = vector.broadcast %add3A_1193 : f32 to vector<16xf32>
        %add3A_1195 = arith.addf %sub3A_1192, %add3A_1194 : vector<16xf32>
        %bitcast3A_1196 = vector.bitcast %add3A_1195 : vector<16xf32> to vector<16xi32>
        %shift_right_logical3A_1197 = arith.constant 1 : i32
        %shift_right_logical3A_1198 = vector.broadcast %shift_right_logical3A_1197 : i32 to vector<16xi32>
        %shift_right_logical3A_1199 = arith.shrui %bitcast3A_1196, %shift_right_logical3A_1198 : vector<16xi32>
        %sub3A_1200 = arith.constant 1597463007 : i32
        %sub3A_1201 = vector.broadcast %sub3A_1200 : i32 to vector<16xi32>
        %sub3A_1202 = arith.subi %sub3A_1201, %shift_right_logical3A_1199 : vector<16xi32>
        %bitcast3A_1203 = vector.bitcast %sub3A_1202 : vector<16xi32> to vector<16xf32>
        %mul3A_1204 = arith.constant 5.000000e-01 : f32
        %mul3A_1205 = vector.broadcast %mul3A_1204 : f32 to vector<16xf32>
        %mul3A_1206 = arith.mulf %add3A_1195, %mul3A_1205 : vector<16xf32>
        %mul3A_1207 = arith.mulf %mul3A_1206, %bitcast3A_1203 : vector<16xf32>
        %mul3A_1208 = arith.mulf %mul3A_1207, %bitcast3A_1203 : vector<16xf32>
        %sub3A_1209 = arith.constant 1.500000e+00 : f32
        %sub3A_1210 = vector.broadcast %sub3A_1209 : f32 to vector<16xf32>
        %sub3A_1211 = arith.subf %sub3A_1210, %mul3A_1208 : vector<16xf32>
        %mul3A_1212 = arith.mulf %bitcast3A_1203, %sub3A_1211 : vector<16xf32>
        %mul3A_1213 = arith.mulf %mul3A_1206, %mul3A_1212 : vector<16xf32>
        %mul3A_1214 = arith.mulf %mul3A_1213, %mul3A_1212 : vector<16xf32>
        %sub3A_1215 = arith.constant 1.500000e+00 : f32
        %sub3A_1216 = vector.broadcast %sub3A_1215 : f32 to vector<16xf32>
        %sub3A_1217 = arith.subf %sub3A_1216, %mul3A_1214 : vector<16xf32>
        %mul3A_1218 = arith.mulf %mul3A_1212, %sub3A_1217 : vector<16xf32>
        %mul3A_1219 = arith.mulf %mul3A_1187, %mul3A_1218 : vector<16xf32>
        %mul3A_1220 = arith.mulf %get3A_1139, %mul3A_1218 : vector<16xf32>
        %sub3A_1221 = arith.subf %mul3A_1220, %mul3A_1219 : vector<16xf32>
        %mul3A_1222 = arith.mulf %sub3A_1221, %get3A_7 : vector<16xf32>
        %add3A_1223 = arith.addf %mul3A_1222, %get3A_23 : vector<16xf32>
        %swap3A_1224 = arith.index_cast %add3A_1136 : i32 to index
        %swap3A_1225 = arith.constant 0 : index
        %swap3A_1226 = tpu.vector_load %arg9[%swap3A_1224, %swap3A_1225] {strides = array<i32>} : memref<128x64xf32, #tpu.memory_space<vmem>>, vector<16xf32>,
        tpu.vector_store %arg9[%swap3A_1224, %swap3A_1225], %add3A_1223 {strides = array<i32>} : memref<128x64xf32, #tpu.memory_space<vmem>>, vector<16xf32>,
        %mul3A_1227 = arith.mulf %get3A_1142, %mul3A_1218 : vector<16xf32>
        %sub3A_1228 = arith.subf %mul3A_1227, %mul3A_1219 : vector<16xf32>
        %mul3A_1229 = arith.mulf %sub3A_1228, %get3A_11 : vector<16xf32>
        %add3A_1230 = arith.addf %mul3A_1229, %get3A_27 : vector<16xf32>
        %swap3A_1231 = arith.index_cast %add3A_1136 : i32 to index
        %swap3A_1232 = arith.constant 16 : index
        %swap3A_1233 = tpu.vector_load %arg9[%swap3A_1231, %swap3A_1232] {strides = array<i32>} : memref<128x64xf32, #tpu.memory_space<vmem>>, vector<16xf32>,
        tpu.vector_store %arg9[%swap3A_1231, %swap3A_1232], %add3A_1230 {strides = array<i32>} : memref<128x64xf32, #tpu.memory_space<vmem>>, vector<16xf32>,
        %mul3A_1234 = arith.mulf %get3A_1145, %mul3A_1218 : vector<16xf32>
        %sub3A_1235 = arith.subf %mul3A_1234, %mul3A_1219 : vector<16xf32>
        %mul3A_1236 = arith.mulf %sub3A_1235, %get3A_15 : vector<16xf32>
        %add3A_1237 = arith.addf %mul3A_1236, %get3A_31 : vector<16xf32>
        %swap3A_1238 = arith.index_cast %add3A_1136 : i32 to index
        %swap3A_1239 = arith.constant 32 : index
        %swap3A_1240 = tpu.vector_load %arg9[%swap3A_1238, %swap3A_1239] {strides = array<i32>} : memref<128x64xf32, #tpu.memory_space<vmem>>, vector<16xf32>,
        tpu.vector_store %arg9[%swap3A_1238, %swap3A_1239], %add3A_1237 {strides = array<i32>} : memref<128x64xf32, #tpu.memory_space<vmem>>, vector<16xf32>,
        %mul3A_1241 = arith.mulf %get3A_1148, %mul3A_1218 : vector<16xf32>
        %sub3A_1242 = arith.subf %mul3A_1241, %mul3A_1219 : vector<16xf32>
        %mul3A_1243 = arith.mulf %sub3A_1242, %get3A_19 : vector<16xf32>
        %add3A_1244 = arith.addf %mul3A_1243, %get3A_35 : vector<16xf32>
        %swap3A_1245 = arith.index_cast %add3A_1136 : i32 to index
        %swap3A_1246 = arith.constant 48 : index
        %swap3A_1247 = tpu.vector_load %arg9[%swap3A_1245, %swap3A_1246] {strides = array<i32>} : memref<128x64xf32, #tpu.memory_space<vmem>>, vector<16xf32>,
        tpu.vector_store %arg9[%swap3A_1245, %swap3A_1246], %add3A_1244 {strides = array<i32>} : memref<128x64xf32, #tpu.memory_space<vmem>>, vector<16xf32>,
        %mul3A_1248 = arith.constant 8 : i32
        %mul3A_1249 = arith.muli %scan3A_794, %mul3A_1248 : i32
        %add3A_1250 = arith.constant 4 : i32
        %add3A_1251 = arith.addi %mul3A_1249, %add3A_1250 : i32
        %get3A_1252 = arith.index_cast %add3A_1251 : i32 to index
        %get3A_1253 = arith.constant 0 : index
        %get3A_1254 = tpu.vector_load %arg9[%get3A_1252, %get3A_1253] {strides = array<i32>} : memref<128x64xf32, #tpu.memory_space<vmem>>, vector<16xf32>,
        %get3A_1255 = arith.index_cast %add3A_1251 : i32 to index
        %get3A_1256 = arith.constant 16 : index
        %get3A_1257 = tpu.vector_load %arg9[%get3A_1255, %get3A_1256] {strides = array<i32>} : memref<128x64xf32, #tpu.memory_space<vmem>>, vector<16xf32>,
        %get3A_1258 = arith.index_cast %add3A_1251 : i32 to index
        %get3A_1259 = arith.constant 32 : index
        %get3A_1260 = tpu.vector_load %arg9[%get3A_1258, %get3A_1259] {strides = array<i32>} : memref<128x64xf32, #tpu.memory_space<vmem>>, vector<16xf32>,
        %get3A_1261 = arith.index_cast %add3A_1251 : i32 to index
        %get3A_1262 = arith.constant 48 : index
        %get3A_1263 = tpu.vector_load %arg9[%get3A_1261, %get3A_1262] {strides = array<i32>} : memref<128x64xf32, #tpu.memory_space<vmem>>, vector<16xf32>,
        %add3A_1264 = arith.addf %get3A_1254, %get3A_1257 : vector<16xf32>
        %add3A_1265 = arith.addf %get3A_1260, %get3A_1263 : vector<16xf32>
        %add3A_1266 = arith.addf %add3A_1264, %add3A_1265 : vector<16xf32>
        %mul3A_1267 = arith.mulf %get3A_1254, %get3A_1254 : vector<16xf32>
        %mul3A_1268 = arith.mulf %get3A_1257, %get3A_1257 : vector<16xf32>
        %add3A_1269 = arith.addf %mul3A_1267, %mul3A_1268 : vector<16xf32>
        %mul3A_1270 = arith.mulf %get3A_1260, %get3A_1260 : vector<16xf32>
        %mul3A_1271 = arith.mulf %get3A_1263, %get3A_1263 : vector<16xf32>
        %add3A_1272 = arith.addf %mul3A_1270, %mul3A_1271 : vector<16xf32>
        %add3A_1273 = arith.addf %add3A_1269, %add3A_1272 : vector<16xf32>
        %cumsum3A_1274 = arith.constant true
        %cumsum3A_1275 = vector.broadcast %cumsum3A_1274 : i1 to vector<16xi1>
        %cumsum3A_1276 = tpu.scan <sum>, %add3A_1266 masked %cumsum3A_1275 : vector<16xf32>, vector<16xi1> -> vector<16xf32>
        %lt3A_1277 = arith.constant 0 : i32
        %lt3A_1278 = vector.broadcast %lt3A_1277 : i32 to vector<16xi32>
        %lt3A_1279 = arith.cmpi slt, %broadcast_in_dim3A_4, %lt3A_1278 : vector<16xi32>
        %add3A_1280 = arith.constant 16 : i32
        %add3A_1281 = vector.broadcast %add3A_1280 : i32 to vector<16xi32>
        %add3A_1282 = arith.addi %broadcast_in_dim3A_4, %add3A_1281 : vector<16xi32>
        %select_n3A_1283 = arith.select %lt3A_1279, %add3A_1282, %broadcast_in_dim3A_4 : vector<16xi1>, vector<16xi32>
        %reshape3A_1284 = vector.shape_cast %select_n3A_1283 : vector<16xi32> to vector<16x1xi32>
        %gather3A_1285 = vector.shape_cast %reshape3A_1284 : vector<16x1xi32> to vector<16xi32>
        %gather3A_1286 = tpu.dynamic_gather %cumsum3A_1276[%gather3A_1285] in [0] : vector<16xf32>, vector<16xi32> -> vector<16xf32>
        %cumsum3A_1287 = arith.constant true
        %cumsum3A_1288 = vector.broadcast %cumsum3A_1287 : i1 to vector<16xi1>
        %cumsum3A_1289 = tpu.scan <sum>, %add3A_1273 masked %cumsum3A_1288 : vector<16xf32>, vector<16xi1> -> vector<16xf32>
        %lt3A_1290 = arith.constant 0 : i32
        %lt3A_1291 = vector.broadcast %lt3A_1290 : i32 to vector<16xi32>
        %lt3A_1292 = arith.cmpi slt, %broadcast_in_dim3A_4, %lt3A_1291 : vector<16xi32>
        %add3A_1293 = arith.constant 16 : i32
        %add3A_1294 = vector.broadcast %add3A_1293 : i32 to vector<16xi32>
        %add3A_1295 = arith.addi %broadcast_in_dim3A_4, %add3A_1294 : vector<16xi32>
        %select_n3A_1296 = arith.select %lt3A_1292, %add3A_1295, %broadcast_in_dim3A_4 : vector<16xi1>, vector<16xi32>
        %reshape3A_1297 = vector.shape_cast %select_n3A_1296 : vector<16xi32> to vector<16x1xi32>
        %gather3A_1298 = vector.shape_cast %reshape3A_1297 : vector<16x1xi32> to vector<16xi32>
        %gather3A_1299 = tpu.dynamic_gather %cumsum3A_1289[%gather3A_1298] in [0] : vector<16xf32>, vector<16xi32> -> vector<16xf32>
        %mul3A_1300 = arith.constant 1.562500e-02 : f32
        %mul3A_1301 = vector.broadcast %mul3A_1300 : f32 to vector<16xf32>
        %mul3A_1302 = arith.mulf %gather3A_1286, %mul3A_1301 : vector<16xf32>
        %mul3A_1303 = arith.constant 1.562500e-02 : f32
        %mul3A_1304 = vector.broadcast %mul3A_1303 : f32 to vector<16xf32>
        %mul3A_1305 = arith.mulf %gather3A_1299, %mul3A_1304 : vector<16xf32>
        %mul3A_1306 = arith.mulf %mul3A_1302, %mul3A_1302 : vector<16xf32>
        %sub3A_1307 = arith.subf %mul3A_1305, %mul3A_1306 : vector<16xf32>
        %add3A_1308 = arith.constant 1.562500e-07 : f32
        %add3A_1309 = vector.broadcast %add3A_1308 : f32 to vector<16xf32>
        %add3A_1310 = arith.addf %sub3A_1307, %add3A_1309 : vector<16xf32>
        %bitcast3A_1311 = vector.bitcast %add3A_1310 : vector<16xf32> to vector<16xi32>
        %shift_right_logical3A_1312 = arith.constant 1 : i32
        %shift_right_logical3A_1313 = vector.broadcast %shift_right_logical3A_1312 : i32 to vector<16xi32>
        %shift_right_logical3A_1314 = arith.shrui %bitcast3A_1311, %shift_right_logical3A_1313 : vector<16xi32>
        %sub3A_1315 = arith.constant 1597463007 : i32
        %sub3A_1316 = vector.broadcast %sub3A_1315 : i32 to vector<16xi32>
        %sub3A_1317 = arith.subi %sub3A_1316, %shift_right_logical3A_1314 : vector<16xi32>
        %bitcast3A_1318 = vector.bitcast %sub3A_1317 : vector<16xi32> to vector<16xf32>
        %mul3A_1319 = arith.constant 5.000000e-01 : f32
        %mul3A_1320 = vector.broadcast %mul3A_1319 : f32 to vector<16xf32>
        %mul3A_1321 = arith.mulf %add3A_1310, %mul3A_1320 : vector<16xf32>
        %mul3A_1322 = arith.mulf %mul3A_1321, %bitcast3A_1318 : vector<16xf32>
        %mul3A_1323 = arith.mulf %mul3A_1322, %bitcast3A_1318 : vector<16xf32>
        %sub3A_1324 = arith.constant 1.500000e+00 : f32
        %sub3A_1325 = vector.broadcast %sub3A_1324 : f32 to vector<16xf32>
        %sub3A_1326 = arith.subf %sub3A_1325, %mul3A_1323 : vector<16xf32>
        %mul3A_1327 = arith.mulf %bitcast3A_1318, %sub3A_1326 : vector<16xf32>
        %mul3A_1328 = arith.mulf %mul3A_1321, %mul3A_1327 : vector<16xf32>
        %mul3A_1329 = arith.mulf %mul3A_1328, %mul3A_1327 : vector<16xf32>
        %sub3A_1330 = arith.constant 1.500000e+00 : f32
        %sub3A_1331 = vector.broadcast %sub3A_1330 : f32 to vector<16xf32>
        %sub3A_1332 = arith.subf %sub3A_1331, %mul3A_1329 : vector<16xf32>
        %mul3A_1333 = arith.mulf %mul3A_1327, %sub3A_1332 : vector<16xf32>
        %mul3A_1334 = arith.mulf %mul3A_1302, %mul3A_1333 : vector<16xf32>
        %mul3A_1335 = arith.mulf %get3A_1254, %mul3A_1333 : vector<16xf32>
        %sub3A_1336 = arith.subf %mul3A_1335, %mul3A_1334 : vector<16xf32>
        %mul3A_1337 = arith.mulf %sub3A_1336, %get3A_7 : vector<16xf32>
        %add3A_1338 = arith.addf %mul3A_1337, %get3A_23 : vector<16xf32>
        %swap3A_1339 = arith.index_cast %add3A_1251 : i32 to index
        %swap3A_1340 = arith.constant 0 : index
        %swap3A_1341 = tpu.vector_load %arg9[%swap3A_1339, %swap3A_1340] {strides = array<i32>} : memref<128x64xf32, #tpu.memory_space<vmem>>, vector<16xf32>,
        tpu.vector_store %arg9[%swap3A_1339, %swap3A_1340], %add3A_1338 {strides = array<i32>} : memref<128x64xf32, #tpu.memory_space<vmem>>, vector<16xf32>,
        %mul3A_1342 = arith.mulf %get3A_1257, %mul3A_1333 : vector<16xf32>
        %sub3A_1343 = arith.subf %mul3A_1342, %mul3A_1334 : vector<16xf32>
        %mul3A_1344 = arith.mulf %sub3A_1343, %get3A_11 : vector<16xf32>
        %add3A_1345 = arith.addf %mul3A_1344, %get3A_27 : vector<16xf32>
        %swap3A_1346 = arith.index_cast %add3A_1251 : i32 to index
        %swap3A_1347 = arith.constant 16 : index
        %swap3A_1348 = tpu.vector_load %arg9[%swap3A_1346, %swap3A_1347] {strides = array<i32>} : memref<128x64xf32, #tpu.memory_space<vmem>>, vector<16xf32>,
        tpu.vector_store %arg9[%swap3A_1346, %swap3A_1347], %add3A_1345 {strides = array<i32>} : memref<128x64xf32, #tpu.memory_space<vmem>>, vector<16xf32>,
        %mul3A_1349 = arith.mulf %get3A_1260, %mul3A_1333 : vector<16xf32>
        %sub3A_1350 = arith.subf %mul3A_1349, %mul3A_1334 : vector<16xf32>
        %mul3A_1351 = arith.mulf %sub3A_1350, %get3A_15 : vector<16xf32>
        %add3A_1352 = arith.addf %mul3A_1351, %get3A_31 : vector<16xf32>
        %swap3A_1353 = arith.index_cast %add3A_1251 : i32 to index
        %swap3A_1354 = arith.constant 32 : index
        %swap3A_1355 = tpu.vector_load %arg9[%swap3A_1353, %swap3A_1354] {strides = array<i32>} : memref<128x64xf32, #tpu.memory_space<vmem>>, vector<16xf32>,
        tpu.vector_store %arg9[%swap3A_1353, %swap3A_1354], %add3A_1352 {strides = array<i32>} : memref<128x64xf32, #tpu.memory_space<vmem>>, vector<16xf32>,
        %mul3A_1356 = arith.mulf %get3A_1263, %mul3A_1333 : vector<16xf32>
        %sub3A_1357 = arith.subf %mul3A_1356, %mul3A_1334 : vector<16xf32>
        %mul3A_1358 = arith.mulf %sub3A_1357, %get3A_19 : vector<16xf32>
        %add3A_1359 = arith.addf %mul3A_1358, %get3A_35 : vector<16xf32>
        %swap3A_1360 = arith.index_cast %add3A_1251 : i32 to index
        %swap3A_1361 = arith.constant 48 : index
        %swap3A_1362 = tpu.vector_load %arg9[%swap3A_1360, %swap3A_1361] {strides = array<i32>} : memref<128x64xf32, #tpu.memory_space<vmem>>, vector<16xf32>,
        tpu.vector_store %arg9[%swap3A_1360, %swap3A_1361], %add3A_1359 {strides = array<i32>} : memref<128x64xf32, #tpu.memory_space<vmem>>, vector<16xf32>,
        %mul3A_1363 = arith.constant 8 : i32
        %mul3A_1364 = arith.muli %scan3A_794, %mul3A_1363 : i32
        %add3A_1365 = arith.constant 5 : i32
        %add3A_1366 = arith.addi %mul3A_1364, %add3A_1365 : i32
        %get3A_1367 = arith.index_cast %add3A_1366 : i32 to index
        %get3A_1368 = arith.constant 0 : index
        %get3A_1369 = tpu.vector_load %arg9[%get3A_1367, %get3A_1368] {strides = array<i32>} : memref<128x64xf32, #tpu.memory_space<vmem>>, vector<16xf32>,
        %get3A_1370 = arith.index_cast %add3A_1366 : i32 to index
        %get3A_1371 = arith.constant 16 : index
        %get3A_1372 = tpu.vector_load %arg9[%get3A_1370, %get3A_1371] {strides = array<i32>} : memref<128x64xf32, #tpu.memory_space<vmem>>, vector<16xf32>,
        %get3A_1373 = arith.index_cast %add3A_1366 : i32 to index
        %get3A_1374 = arith.constant 32 : index
        %get3A_1375 = tpu.vector_load %arg9[%get3A_1373, %get3A_1374] {strides = array<i32>} : memref<128x64xf32, #tpu.memory_space<vmem>>, vector<16xf32>,
        %get3A_1376 = arith.index_cast %add3A_1366 : i32 to index
        %get3A_1377 = arith.constant 48 : index
        %get3A_1378 = tpu.vector_load %arg9[%get3A_1376, %get3A_1377] {strides = array<i32>} : memref<128x64xf32, #tpu.memory_space<vmem>>, vector<16xf32>,
        %add3A_1379 = arith.addf %get3A_1369, %get3A_1372 : vector<16xf32>
        %add3A_1380 = arith.addf %get3A_1375, %get3A_1378 : vector<16xf32>
        %add3A_1381 = arith.addf %add3A_1379, %add3A_1380 : vector<16xf32>
        %mul3A_1382 = arith.mulf %get3A_1369, %get3A_1369 : vector<16xf32>
        %mul3A_1383 = arith.mulf %get3A_1372, %get3A_1372 : vector<16xf32>
        %add3A_1384 = arith.addf %mul3A_1382, %mul3A_1383 : vector<16xf32>
        %mul3A_1385 = arith.mulf %get3A_1375, %get3A_1375 : vector<16xf32>
        %mul3A_1386 = arith.mulf %get3A_1378, %get3A_1378 : vector<16xf32>
        %add3A_1387 = arith.addf %mul3A_1385, %mul3A_1386 : vector<16xf32>
        %add3A_1388 = arith.addf %add3A_1384, %add3A_1387 : vector<16xf32>
        %cumsum3A_1389 = arith.constant true
        %cumsum3A_1390 = vector.broadcast %cumsum3A_1389 : i1 to vector<16xi1>
        %cumsum3A_1391 = tpu.scan <sum>, %add3A_1381 masked %cumsum3A_1390 : vector<16xf32>, vector<16xi1> -> vector<16xf32>
        %lt3A_1392 = arith.constant 0 : i32
        %lt3A_1393 = vector.broadcast %lt3A_1392 : i32 to vector<16xi32>
        %lt3A_1394 = arith.cmpi slt, %broadcast_in_dim3A_4, %lt3A_1393 : vector<16xi32>
        %add3A_1395 = arith.constant 16 : i32
        %add3A_1396 = vector.broadcast %add3A_1395 : i32 to vector<16xi32>
        %add3A_1397 = arith.addi %broadcast_in_dim3A_4, %add3A_1396 : vector<16xi32>
        %select_n3A_1398 = arith.select %lt3A_1394, %add3A_1397, %broadcast_in_dim3A_4 : vector<16xi1>, vector<16xi32>
        %reshape3A_1399 = vector.shape_cast %select_n3A_1398 : vector<16xi32> to vector<16x1xi32>
        %gather3A_1400 = vector.shape_cast %reshape3A_1399 : vector<16x1xi32> to vector<16xi32>
        %gather3A_1401 = tpu.dynamic_gather %cumsum3A_1391[%gather3A_1400] in [0] : vector<16xf32>, vector<16xi32> -> vector<16xf32>
        %cumsum3A_1402 = arith.constant true
        %cumsum3A_1403 = vector.broadcast %cumsum3A_1402 : i1 to vector<16xi1>
        %cumsum3A_1404 = tpu.scan <sum>, %add3A_1388 masked %cumsum3A_1403 : vector<16xf32>, vector<16xi1> -> vector<16xf32>
        %lt3A_1405 = arith.constant 0 : i32
        %lt3A_1406 = vector.broadcast %lt3A_1405 : i32 to vector<16xi32>
        %lt3A_1407 = arith.cmpi slt, %broadcast_in_dim3A_4, %lt3A_1406 : vector<16xi32>
        %add3A_1408 = arith.constant 16 : i32
        %add3A_1409 = vector.broadcast %add3A_1408 : i32 to vector<16xi32>
        %add3A_1410 = arith.addi %broadcast_in_dim3A_4, %add3A_1409 : vector<16xi32>
        %select_n3A_1411 = arith.select %lt3A_1407, %add3A_1410, %broadcast_in_dim3A_4 : vector<16xi1>, vector<16xi32>
        %reshape3A_1412 = vector.shape_cast %select_n3A_1411 : vector<16xi32> to vector<16x1xi32>
        %gather3A_1413 = vector.shape_cast %reshape3A_1412 : vector<16x1xi32> to vector<16xi32>
        %gather3A_1414 = tpu.dynamic_gather %cumsum3A_1404[%gather3A_1413] in [0] : vector<16xf32>, vector<16xi32> -> vector<16xf32>
        %mul3A_1415 = arith.constant 1.562500e-02 : f32
        %mul3A_1416 = vector.broadcast %mul3A_1415 : f32 to vector<16xf32>
        %mul3A_1417 = arith.mulf %gather3A_1401, %mul3A_1416 : vector<16xf32>
        %mul3A_1418 = arith.constant 1.562500e-02 : f32
        %mul3A_1419 = vector.broadcast %mul3A_1418 : f32 to vector<16xf32>
        %mul3A_1420 = arith.mulf %gather3A_1414, %mul3A_1419 : vector<16xf32>
        %mul3A_1421 = arith.mulf %mul3A_1417, %mul3A_1417 : vector<16xf32>
        %sub3A_1422 = arith.subf %mul3A_1420, %mul3A_1421 : vector<16xf32>
        %add3A_1423 = arith.constant 1.562500e-07 : f32
        %add3A_1424 = vector.broadcast %add3A_1423 : f32 to vector<16xf32>
        %add3A_1425 = arith.addf %sub3A_1422, %add3A_1424 : vector<16xf32>
        %bitcast3A_1426 = vector.bitcast %add3A_1425 : vector<16xf32> to vector<16xi32>
        %shift_right_logical3A_1427 = arith.constant 1 : i32
        %shift_right_logical3A_1428 = vector.broadcast %shift_right_logical3A_1427 : i32 to vector<16xi32>
        %shift_right_logical3A_1429 = arith.shrui %bitcast3A_1426, %shift_right_logical3A_1428 : vector<16xi32>
        %sub3A_1430 = arith.constant 1597463007 : i32
        %sub3A_1431 = vector.broadcast %sub3A_1430 : i32 to vector<16xi32>
        %sub3A_1432 = arith.subi %sub3A_1431, %shift_right_logical3A_1429 : vector<16xi32>
        %bitcast3A_1433 = vector.bitcast %sub3A_1432 : vector<16xi32> to vector<16xf32>
        %mul3A_1434 = arith.constant 5.000000e-01 : f32
        %mul3A_1435 = vector.broadcast %mul3A_1434 : f32 to vector<16xf32>
        %mul3A_1436 = arith.mulf %add3A_1425, %mul3A_1435 : vector<16xf32>
        %mul3A_1437 = arith.mulf %mul3A_1436, %bitcast3A_1433 : vector<16xf32>
        %mul3A_1438 = arith.mulf %mul3A_1437, %bitcast3A_1433 : vector<16xf32>
        %sub3A_1439 = arith.constant 1.500000e+00 : f32
        %sub3A_1440 = vector.broadcast %sub3A_1439 : f32 to vector<16xf32>
        %sub3A_1441 = arith.subf %sub3A_1440, %mul3A_1438 : vector<16xf32>
        %mul3A_1442 = arith.mulf %bitcast3A_1433, %sub3A_1441 : vector<16xf32>
        %mul3A_1443 = arith.mulf %mul3A_1436, %mul3A_1442 : vector<16xf32>
        %mul3A_1444 = arith.mulf %mul3A_1443, %mul3A_1442 : vector<16xf32>
        %sub3A_1445 = arith.constant 1.500000e+00 : f32
        %sub3A_1446 = vector.broadcast %sub3A_1445 : f32 to vector<16xf32>
        %sub3A_1447 = arith.subf %sub3A_1446, %mul3A_1444 : vector<16xf32>
        %mul3A_1448 = arith.mulf %mul3A_1442, %sub3A_1447 : vector<16xf32>
        %mul3A_1449 = arith.mulf %mul3A_1417, %mul3A_1448 : vector<16xf32>
        %mul3A_1450 = arith.mulf %get3A_1369, %mul3A_1448 : vector<16xf32>
        %sub3A_1451 = arith.subf %mul3A_1450, %mul3A_1449 : vector<16xf32>
        %mul3A_1452 = arith.mulf %sub3A_1451, %get3A_7 : vector<16xf32>
        %add3A_1453 = arith.addf %mul3A_1452, %get3A_23 : vector<16xf32>
        %swap3A_1454 = arith.index_cast %add3A_1366 : i32 to index
        %swap3A_1455 = arith.constant 0 : index
        %swap3A_1456 = tpu.vector_load %arg9[%swap3A_1454, %swap3A_1455] {strides = array<i32>} : memref<128x64xf32, #tpu.memory_space<vmem>>, vector<16xf32>,
        tpu.vector_store %arg9[%swap3A_1454, %swap3A_1455], %add3A_1453 {strides = array<i32>} : memref<128x64xf32, #tpu.memory_space<vmem>>, vector<16xf32>,
        %mul3A_1457 = arith.mulf %get3A_1372, %mul3A_1448 : vector<16xf32>
        %sub3A_1458 = arith.subf %mul3A_1457, %mul3A_1449 : vector<16xf32>
        %mul3A_1459 = arith.mulf %sub3A_1458, %get3A_11 : vector<16xf32>
        %add3A_1460 = arith.addf %mul3A_1459, %get3A_27 : vector<16xf32>
        %swap3A_1461 = arith.index_cast %add3A_1366 : i32 to index
        %swap3A_1462 = arith.constant 16 : index
        %swap3A_1463 = tpu.vector_load %arg9[%swap3A_1461, %swap3A_1462] {strides = array<i32>} : memref<128x64xf32, #tpu.memory_space<vmem>>, vector<16xf32>,
        tpu.vector_store %arg9[%swap3A_1461, %swap3A_1462], %add3A_1460 {strides = array<i32>} : memref<128x64xf32, #tpu.memory_space<vmem>>, vector<16xf32>,
        %mul3A_1464 = arith.mulf %get3A_1375, %mul3A_1448 : vector<16xf32>
        %sub3A_1465 = arith.subf %mul3A_1464, %mul3A_1449 : vector<16xf32>
        %mul3A_1466 = arith.mulf %sub3A_1465, %get3A_15 : vector<16xf32>
        %add3A_1467 = arith.addf %mul3A_1466, %get3A_31 : vector<16xf32>
        %swap3A_1468 = arith.index_cast %add3A_1366 : i32 to index
        %swap3A_1469 = arith.constant 32 : index
        %swap3A_1470 = tpu.vector_load %arg9[%swap3A_1468, %swap3A_1469] {strides = array<i32>} : memref<128x64xf32, #tpu.memory_space<vmem>>, vector<16xf32>,
        tpu.vector_store %arg9[%swap3A_1468, %swap3A_1469], %add3A_1467 {strides = array<i32>} : memref<128x64xf32, #tpu.memory_space<vmem>>, vector<16xf32>,
        %mul3A_1471 = arith.mulf %get3A_1378, %mul3A_1448 : vector<16xf32>
        %sub3A_1472 = arith.subf %mul3A_1471, %mul3A_1449 : vector<16xf32>
        %mul3A_1473 = arith.mulf %sub3A_1472, %get3A_19 : vector<16xf32>
        %add3A_1474 = arith.addf %mul3A_1473, %get3A_35 : vector<16xf32>
        %swap3A_1475 = arith.index_cast %add3A_1366 : i32 to index
        %swap3A_1476 = arith.constant 48 : index
        %swap3A_1477 = tpu.vector_load %arg9[%swap3A_1475, %swap3A_1476] {strides = array<i32>} : memref<128x64xf32, #tpu.memory_space<vmem>>, vector<16xf32>,
        tpu.vector_store %arg9[%swap3A_1475, %swap3A_1476], %add3A_1474 {strides = array<i32>} : memref<128x64xf32, #tpu.memory_space<vmem>>, vector<16xf32>,
        %mul3A_1478 = arith.constant 8 : i32
        %mul3A_1479 = arith.muli %scan3A_794, %mul3A_1478 : i32
        %add3A_1480 = arith.constant 6 : i32
        %add3A_1481 = arith.addi %mul3A_1479, %add3A_1480 : i32
        %get3A_1482 = arith.index_cast %add3A_1481 : i32 to index
        %get3A_1483 = arith.constant 0 : index
        %get3A_1484 = tpu.vector_load %arg9[%get3A_1482, %get3A_1483] {strides = array<i32>} : memref<128x64xf32, #tpu.memory_space<vmem>>, vector<16xf32>,
        %get3A_1485 = arith.index_cast %add3A_1481 : i32 to index
        %get3A_1486 = arith.constant 16 : index
        %get3A_1487 = tpu.vector_load %arg9[%get3A_1485, %get3A_1486] {strides = array<i32>} : memref<128x64xf32, #tpu.memory_space<vmem>>, vector<16xf32>,
        %get3A_1488 = arith.index_cast %add3A_1481 : i32 to index
        %get3A_1489 = arith.constant 32 : index
        %get3A_1490 = tpu.vector_load %arg9[%get3A_1488, %get3A_1489] {strides = array<i32>} : memref<128x64xf32, #tpu.memory_space<vmem>>, vector<16xf32>,
        %get3A_1491 = arith.index_cast %add3A_1481 : i32 to index
        %get3A_1492 = arith.constant 48 : index
        %get3A_1493 = tpu.vector_load %arg9[%get3A_1491, %get3A_1492] {strides = array<i32>} : memref<128x64xf32, #tpu.memory_space<vmem>>, vector<16xf32>,
        %add3A_1494 = arith.addf %get3A_1484, %get3A_1487 : vector<16xf32>
        %add3A_1495 = arith.addf %get3A_1490, %get3A_1493 : vector<16xf32>
        %add3A_1496 = arith.addf %add3A_1494, %add3A_1495 : vector<16xf32>
        %mul3A_1497 = arith.mulf %get3A_1484, %get3A_1484 : vector<16xf32>
        %mul3A_1498 = arith.mulf %get3A_1487, %get3A_1487 : vector<16xf32>
        %add3A_1499 = arith.addf %mul3A_1497, %mul3A_1498 : vector<16xf32>
        %mul3A_1500 = arith.mulf %get3A_1490, %get3A_1490 : vector<16xf32>
        %mul3A_1501 = arith.mulf %get3A_1493, %get3A_1493 : vector<16xf32>
        %add3A_1502 = arith.addf %mul3A_1500, %mul3A_1501 : vector<16xf32>
        %add3A_1503 = arith.addf %add3A_1499, %add3A_1502 : vector<16xf32>
        %cumsum3A_1504 = arith.constant true
        %cumsum3A_1505 = vector.broadcast %cumsum3A_1504 : i1 to vector<16xi1>
        %cumsum3A_1506 = tpu.scan <sum>, %add3A_1496 masked %cumsum3A_1505 : vector<16xf32>, vector<16xi1> -> vector<16xf32>
        %lt3A_1507 = arith.constant 0 : i32
        %lt3A_1508 = vector.broadcast %lt3A_1507 : i32 to vector<16xi32>
        %lt3A_1509 = arith.cmpi slt, %broadcast_in_dim3A_4, %lt3A_1508 : vector<16xi32>
        %add3A_1510 = arith.constant 16 : i32
        %add3A_1511 = vector.broadcast %add3A_1510 : i32 to vector<16xi32>
        %add3A_1512 = arith.addi %broadcast_in_dim3A_4, %add3A_1511 : vector<16xi32>
        %select_n3A_1513 = arith.select %lt3A_1509, %add3A_1512, %broadcast_in_dim3A_4 : vector<16xi1>, vector<16xi32>
        %reshape3A_1514 = vector.shape_cast %select_n3A_1513 : vector<16xi32> to vector<16x1xi32>
        %gather3A_1515 = vector.shape_cast %reshape3A_1514 : vector<16x1xi32> to vector<16xi32>
        %gather3A_1516 = tpu.dynamic_gather %cumsum3A_1506[%gather3A_1515] in [0] : vector<16xf32>, vector<16xi32> -> vector<16xf32>
        %cumsum3A_1517 = arith.constant true
        %cumsum3A_1518 = vector.broadcast %cumsum3A_1517 : i1 to vector<16xi1>
        %cumsum3A_1519 = tpu.scan <sum>, %add3A_1503 masked %cumsum3A_1518 : vector<16xf32>, vector<16xi1> -> vector<16xf32>
        %lt3A_1520 = arith.constant 0 : i32
        %lt3A_1521 = vector.broadcast %lt3A_1520 : i32 to vector<16xi32>
        %lt3A_1522 = arith.cmpi slt, %broadcast_in_dim3A_4, %lt3A_1521 : vector<16xi32>
        %add3A_1523 = arith.constant 16 : i32
        %add3A_1524 = vector.broadcast %add3A_1523 : i32 to vector<16xi32>
        %add3A_1525 = arith.addi %broadcast_in_dim3A_4, %add3A_1524 : vector<16xi32>
        %select_n3A_1526 = arith.select %lt3A_1522, %add3A_1525, %broadcast_in_dim3A_4 : vector<16xi1>, vector<16xi32>
        %reshape3A_1527 = vector.shape_cast %select_n3A_1526 : vector<16xi32> to vector<16x1xi32>
        %gather3A_1528 = vector.shape_cast %reshape3A_1527 : vector<16x1xi32> to vector<16xi32>
        %gather3A_1529 = tpu.dynamic_gather %cumsum3A_1519[%gather3A_1528] in [0] : vector<16xf32>, vector<16xi32> -> vector<16xf32>
        %mul3A_1530 = arith.constant 1.562500e-02 : f32
        %mul3A_1531 = vector.broadcast %mul3A_1530 : f32 to vector<16xf32>
        %mul3A_1532 = arith.mulf %gather3A_1516, %mul3A_1531 : vector<16xf32>
        %mul3A_1533 = arith.constant 1.562500e-02 : f32
        %mul3A_1534 = vector.broadcast %mul3A_1533 : f32 to vector<16xf32>
        %mul3A_1535 = arith.mulf %gather3A_1529, %mul3A_1534 : vector<16xf32>
        %mul3A_1536 = arith.mulf %mul3A_1532, %mul3A_1532 : vector<16xf32>
        %sub3A_1537 = arith.subf %mul3A_1535, %mul3A_1536 : vector<16xf32>
        %add3A_1538 = arith.constant 1.562500e-07 : f32
        %add3A_1539 = vector.broadcast %add3A_1538 : f32 to vector<16xf32>
        %add3A_1540 = arith.addf %sub3A_1537, %add3A_1539 : vector<16xf32>
        %bitcast3A_1541 = vector.bitcast %add3A_1540 : vector<16xf32> to vector<16xi32>
        %shift_right_logical3A_1542 = arith.constant 1 : i32
        %shift_right_logical3A_1543 = vector.broadcast %shift_right_logical3A_1542 : i32 to vector<16xi32>
        %shift_right_logical3A_1544 = arith.shrui %bitcast3A_1541, %shift_right_logical3A_1543 : vector<16xi32>
        %sub3A_1545 = arith.constant 1597463007 : i32
        %sub3A_1546 = vector.broadcast %sub3A_1545 : i32 to vector<16xi32>
        %sub3A_1547 = arith.subi %sub3A_1546, %shift_right_logical3A_1544 : vector<16xi32>
        %bitcast3A_1548 = vector.bitcast %sub3A_1547 : vector<16xi32> to vector<16xf32>
        %mul3A_1549 = arith.constant 5.000000e-01 : f32
        %mul3A_1550 = vector.broadcast %mul3A_1549 : f32 to vector<16xf32>
        %mul3A_1551 = arith.mulf %add3A_1540, %mul3A_1550 : vector<16xf32>
        %mul3A_1552 = arith.mulf %mul3A_1551, %bitcast3A_1548 : vector<16xf32>
        %mul3A_1553 = arith.mulf %mul3A_1552, %bitcast3A_1548 : vector<16xf32>
        %sub3A_1554 = arith.constant 1.500000e+00 : f32
        %sub3A_1555 = vector.broadcast %sub3A_1554 : f32 to vector<16xf32>
        %sub3A_1556 = arith.subf %sub3A_1555, %mul3A_1553 : vector<16xf32>
        %mul3A_1557 = arith.mulf %bitcast3A_1548, %sub3A_1556 : vector<16xf32>
        %mul3A_1558 = arith.mulf %mul3A_1551, %mul3A_1557 : vector<16xf32>
        %mul3A_1559 = arith.mulf %mul3A_1558, %mul3A_1557 : vector<16xf32>
        %sub3A_1560 = arith.constant 1.500000e+00 : f32
        %sub3A_1561 = vector.broadcast %sub3A_1560 : f32 to vector<16xf32>
        %sub3A_1562 = arith.subf %sub3A_1561, %mul3A_1559 : vector<16xf32>
        %mul3A_1563 = arith.mulf %mul3A_1557, %sub3A_1562 : vector<16xf32>
        %mul3A_1564 = arith.mulf %mul3A_1532, %mul3A_1563 : vector<16xf32>
        %mul3A_1565 = arith.mulf %get3A_1484, %mul3A_1563 : vector<16xf32>
        %sub3A_1566 = arith.subf %mul3A_1565, %mul3A_1564 : vector<16xf32>
        %mul3A_1567 = arith.mulf %sub3A_1566, %get3A_7 : vector<16xf32>
        %add3A_1568 = arith.addf %mul3A_1567, %get3A_23 : vector<16xf32>
        %swap3A_1569 = arith.index_cast %add3A_1481 : i32 to index
        %swap3A_1570 = arith.constant 0 : index
        %swap3A_1571 = tpu.vector_load %arg9[%swap3A_1569, %swap3A_1570] {strides = array<i32>} : memref<128x64xf32, #tpu.memory_space<vmem>>, vector<16xf32>,
        tpu.vector_store %arg9[%swap3A_1569, %swap3A_1570], %add3A_1568 {strides = array<i32>} : memref<128x64xf32, #tpu.memory_space<vmem>>, vector<16xf32>,
        %mul3A_1572 = arith.mulf %get3A_1487, %mul3A_1563 : vector<16xf32>
        %sub3A_1573 = arith.subf %mul3A_1572, %mul3A_1564 : vector<16xf32>
        %mul3A_1574 = arith.mulf %sub3A_1573, %get3A_11 : vector<16xf32>
        %add3A_1575 = arith.addf %mul3A_1574, %get3A_27 : vector<16xf32>
        %swap3A_1576 = arith.index_cast %add3A_1481 : i32 to index
        %swap3A_1577 = arith.constant 16 : index
        %swap3A_1578 = tpu.vector_load %arg9[%swap3A_1576, %swap3A_1577] {strides = array<i32>} : memref<128x64xf32, #tpu.memory_space<vmem>>, vector<16xf32>,
        tpu.vector_store %arg9[%swap3A_1576, %swap3A_1577], %add3A_1575 {strides = array<i32>} : memref<128x64xf32, #tpu.memory_space<vmem>>, vector<16xf32>,
        %mul3A_1579 = arith.mulf %get3A_1490, %mul3A_1563 : vector<16xf32>
        %sub3A_1580 = arith.subf %mul3A_1579, %mul3A_1564 : vector<16xf32>
        %mul3A_1581 = arith.mulf %sub3A_1580, %get3A_15 : vector<16xf32>
        %add3A_1582 = arith.addf %mul3A_1581, %get3A_31 : vector<16xf32>
        %swap3A_1583 = arith.index_cast %add3A_1481 : i32 to index
        %swap3A_1584 = arith.constant 32 : index
        %swap3A_1585 = tpu.vector_load %arg9[%swap3A_1583, %swap3A_1584] {strides = array<i32>} : memref<128x64xf32, #tpu.memory_space<vmem>>, vector<16xf32>,
        tpu.vector_store %arg9[%swap3A_1583, %swap3A_1584], %add3A_1582 {strides = array<i32>} : memref<128x64xf32, #tpu.memory_space<vmem>>, vector<16xf32>,
        %mul3A_1586 = arith.mulf %get3A_1493, %mul3A_1563 : vector<16xf32>
        %sub3A_1587 = arith.subf %mul3A_1586, %mul3A_1564 : vector<16xf32>
        %mul3A_1588 = arith.mulf %sub3A_1587, %get3A_19 : vector<16xf32>
        %add3A_1589 = arith.addf %mul3A_1588, %get3A_35 : vector<16xf32>
        %swap3A_1590 = arith.index_cast %add3A_1481 : i32 to index
        %swap3A_1591 = arith.constant 48 : index
        %swap3A_1592 = tpu.vector_load %arg9[%swap3A_1590, %swap3A_1591] {strides = array<i32>} : memref<128x64xf32, #tpu.memory_space<vmem>>, vector<16xf32>,
        tpu.vector_store %arg9[%swap3A_1590, %swap3A_1591], %add3A_1589 {strides = array<i32>} : memref<128x64xf32, #tpu.memory_space<vmem>>, vector<16xf32>,
        %mul3A_1593 = arith.constant 8 : i32
        %mul3A_1594 = arith.muli %scan3A_794, %mul3A_1593 : i32
        %add3A_1595 = arith.constant 7 : i32
        %add3A_1596 = arith.addi %mul3A_1594, %add3A_1595 : i32
        %get3A_1597 = arith.index_cast %add3A_1596 : i32 to index
        %get3A_1598 = arith.constant 0 : index
        %get3A_1599 = tpu.vector_load %arg9[%get3A_1597, %get3A_1598] {strides = array<i32>} : memref<128x64xf32, #tpu.memory_space<vmem>>, vector<16xf32>,
        %get3A_1600 = arith.index_cast %add3A_1596 : i32 to index
        %get3A_1601 = arith.constant 16 : index
        %get3A_1602 = tpu.vector_load %arg9[%get3A_1600, %get3A_1601] {strides = array<i32>} : memref<128x64xf32, #tpu.memory_space<vmem>>, vector<16xf32>,
        %get3A_1603 = arith.index_cast %add3A_1596 : i32 to index
        %get3A_1604 = arith.constant 32 : index
        %get3A_1605 = tpu.vector_load %arg9[%get3A_1603, %get3A_1604] {strides = array<i32>} : memref<128x64xf32, #tpu.memory_space<vmem>>, vector<16xf32>,
        %get3A_1606 = arith.index_cast %add3A_1596 : i32 to index
        %get3A_1607 = arith.constant 48 : index
        %get3A_1608 = tpu.vector_load %arg9[%get3A_1606, %get3A_1607] {strides = array<i32>} : memref<128x64xf32, #tpu.memory_space<vmem>>, vector<16xf32>,
        %add3A_1609 = arith.addf %get3A_1599, %get3A_1602 : vector<16xf32>
        %add3A_1610 = arith.addf %get3A_1605, %get3A_1608 : vector<16xf32>
        %add3A_1611 = arith.addf %add3A_1609, %add3A_1610 : vector<16xf32>
        %mul3A_1612 = arith.mulf %get3A_1599, %get3A_1599 : vector<16xf32>
        %mul3A_1613 = arith.mulf %get3A_1602, %get3A_1602 : vector<16xf32>
        %add3A_1614 = arith.addf %mul3A_1612, %mul3A_1613 : vector<16xf32>
        %mul3A_1615 = arith.mulf %get3A_1605, %get3A_1605 : vector<16xf32>
        %mul3A_1616 = arith.mulf %get3A_1608, %get3A_1608 : vector<16xf32>
        %add3A_1617 = arith.addf %mul3A_1615, %mul3A_1616 : vector<16xf32>
        %add3A_1618 = arith.addf %add3A_1614, %add3A_1617 : vector<16xf32>
        %cumsum3A_1619 = arith.constant true
        %cumsum3A_1620 = vector.broadcast %cumsum3A_1619 : i1 to vector<16xi1>
        %cumsum3A_1621 = tpu.scan <sum>, %add3A_1611 masked %cumsum3A_1620 : vector<16xf32>, vector<16xi1> -> vector<16xf32>
        %lt3A_1622 = arith.constant 0 : i32
        %lt3A_1623 = vector.broadcast %lt3A_1622 : i32 to vector<16xi32>
        %lt3A_1624 = arith.cmpi slt, %broadcast_in_dim3A_4, %lt3A_1623 : vector<16xi32>
        %add3A_1625 = arith.constant 16 : i32
        %add3A_1626 = vector.broadcast %add3A_1625 : i32 to vector<16xi32>
        %add3A_1627 = arith.addi %broadcast_in_dim3A_4, %add3A_1626 : vector<16xi32>
        %select_n3A_1628 = arith.select %lt3A_1624, %add3A_1627, %broadcast_in_dim3A_4 : vector<16xi1>, vector<16xi32>
        %reshape3A_1629 = vector.shape_cast %select_n3A_1628 : vector<16xi32> to vector<16x1xi32>
        %gather3A_1630 = vector.shape_cast %reshape3A_1629 : vector<16x1xi32> to vector<16xi32>
        %gather3A_1631 = tpu.dynamic_gather %cumsum3A_1621[%gather3A_1630] in [0] : vector<16xf32>, vector<16xi32> -> vector<16xf32>
        %cumsum3A_1632 = arith.constant true
        %cumsum3A_1633 = vector.broadcast %cumsum3A_1632 : i1 to vector<16xi1>
        %cumsum3A_1634 = tpu.scan <sum>, %add3A_1618 masked %cumsum3A_1633 : vector<16xf32>, vector<16xi1> -> vector<16xf32>
        %lt3A_1635 = arith.constant 0 : i32
        %lt3A_1636 = vector.broadcast %lt3A_1635 : i32 to vector<16xi32>
        %lt3A_1637 = arith.cmpi slt, %broadcast_in_dim3A_4, %lt3A_1636 : vector<16xi32>
        %add3A_1638 = arith.constant 16 : i32
        %add3A_1639 = vector.broadcast %add3A_1638 : i32 to vector<16xi32>
        %add3A_1640 = arith.addi %broadcast_in_dim3A_4, %add3A_1639 : vector<16xi32>
        %select_n3A_1641 = arith.select %lt3A_1637, %add3A_1640, %broadcast_in_dim3A_4 : vector<16xi1>, vector<16xi32>
        %reshape3A_1642 = vector.shape_cast %select_n3A_1641 : vector<16xi32> to vector<16x1xi32>
        %gather3A_1643 = vector.shape_cast %reshape3A_1642 : vector<16x1xi32> to vector<16xi32>
        %gather3A_1644 = tpu.dynamic_gather %cumsum3A_1634[%gather3A_1643] in [0] : vector<16xf32>, vector<16xi32> -> vector<16xf32>
        %mul3A_1645 = arith.constant 1.562500e-02 : f32
        %mul3A_1646 = vector.broadcast %mul3A_1645 : f32 to vector<16xf32>
        %mul3A_1647 = arith.mulf %gather3A_1631, %mul3A_1646 : vector<16xf32>
        %mul3A_1648 = arith.constant 1.562500e-02 : f32
        %mul3A_1649 = vector.broadcast %mul3A_1648 : f32 to vector<16xf32>
        %mul3A_1650 = arith.mulf %gather3A_1644, %mul3A_1649 : vector<16xf32>
        %mul3A_1651 = arith.mulf %mul3A_1647, %mul3A_1647 : vector<16xf32>
        %sub3A_1652 = arith.subf %mul3A_1650, %mul3A_1651 : vector<16xf32>
        %add3A_1653 = arith.constant 1.562500e-07 : f32
        %add3A_1654 = vector.broadcast %add3A_1653 : f32 to vector<16xf32>
        %add3A_1655 = arith.addf %sub3A_1652, %add3A_1654 : vector<16xf32>
        %bitcast3A_1656 = vector.bitcast %add3A_1655 : vector<16xf32> to vector<16xi32>
        %shift_right_logical3A_1657 = arith.constant 1 : i32
        %shift_right_logical3A_1658 = vector.broadcast %shift_right_logical3A_1657 : i32 to vector<16xi32>
        %shift_right_logical3A_1659 = arith.shrui %bitcast3A_1656, %shift_right_logical3A_1658 : vector<16xi32>
        %sub3A_1660 = arith.constant 1597463007 : i32
        %sub3A_1661 = vector.broadcast %sub3A_1660 : i32 to vector<16xi32>
        %sub3A_1662 = arith.subi %sub3A_1661, %shift_right_logical3A_1659 : vector<16xi32>
        %bitcast3A_1663 = vector.bitcast %sub3A_1662 : vector<16xi32> to vector<16xf32>
        %mul3A_1664 = arith.constant 5.000000e-01 : f32
        %mul3A_1665 = vector.broadcast %mul3A_1664 : f32 to vector<16xf32>
        %mul3A_1666 = arith.mulf %add3A_1655, %mul3A_1665 : vector<16xf32>
        %mul3A_1667 = arith.mulf %mul3A_1666, %bitcast3A_1663 : vector<16xf32>
        %mul3A_1668 = arith.mulf %mul3A_1667, %bitcast3A_1663 : vector<16xf32>
        %sub3A_1669 = arith.constant 1.500000e+00 : f32
        %sub3A_1670 = vector.broadcast %sub3A_1669 : f32 to vector<16xf32>
        %sub3A_1671 = arith.subf %sub3A_1670, %mul3A_1668 : vector<16xf32>
        %mul3A_1672 = arith.mulf %bitcast3A_1663, %sub3A_1671 : vector<16xf32>
        %mul3A_1673 = arith.mulf %mul3A_1666, %mul3A_1672 : vector<16xf32>
        %mul3A_1674 = arith.mulf %mul3A_1673, %mul3A_1672 : vector<16xf32>
        %sub3A_1675 = arith.constant 1.500000e+00 : f32
        %sub3A_1676 = vector.broadcast %sub3A_1675 : f32 to vector<16xf32>
        %sub3A_1677 = arith.subf %sub3A_1676, %mul3A_1674 : vector<16xf32>
        %mul3A_1678 = arith.mulf %mul3A_1672, %sub3A_1677 : vector<16xf32>
        %mul3A_1679 = arith.mulf %mul3A_1647, %mul3A_1678 : vector<16xf32>
        %mul3A_1680 = arith.mulf %get3A_1599, %mul3A_1678 : vector<16xf32>
        %sub3A_1681 = arith.subf %mul3A_1680, %mul3A_1679 : vector<16xf32>
        %mul3A_1682 = arith.mulf %sub3A_1681, %get3A_7 : vector<16xf32>
        %add3A_1683 = arith.addf %mul3A_1682, %get3A_23 : vector<16xf32>
        %swap3A_1684 = arith.index_cast %add3A_1596 : i32 to index
        %swap3A_1685 = arith.constant 0 : index
        %swap3A_1686 = tpu.vector_load %arg9[%swap3A_1684, %swap3A_1685] {strides = array<i32>} : memref<128x64xf32, #tpu.memory_space<vmem>>, vector<16xf32>,
        tpu.vector_store %arg9[%swap3A_1684, %swap3A_1685], %add3A_1683 {strides = array<i32>} : memref<128x64xf32, #tpu.memory_space<vmem>>, vector<16xf32>,
        %mul3A_1687 = arith.mulf %get3A_1602, %mul3A_1678 : vector<16xf32>
        %sub3A_1688 = arith.subf %mul3A_1687, %mul3A_1679 : vector<16xf32>
        %mul3A_1689 = arith.mulf %sub3A_1688, %get3A_11 : vector<16xf32>
        %add3A_1690 = arith.addf %mul3A_1689, %get3A_27 : vector<16xf32>
        %swap3A_1691 = arith.index_cast %add3A_1596 : i32 to index
        %swap3A_1692 = arith.constant 16 : index
        %swap3A_1693 = tpu.vector_load %arg9[%swap3A_1691, %swap3A_1692] {strides = array<i32>} : memref<128x64xf32, #tpu.memory_space<vmem>>, vector<16xf32>,
        tpu.vector_store %arg9[%swap3A_1691, %swap3A_1692], %add3A_1690 {strides = array<i32>} : memref<128x64xf32, #tpu.memory_space<vmem>>, vector<16xf32>,
        %mul3A_1694 = arith.mulf %get3A_1605, %mul3A_1678 : vector<16xf32>
        %sub3A_1695 = arith.subf %mul3A_1694, %mul3A_1679 : vector<16xf32>
        %mul3A_1696 = arith.mulf %sub3A_1695, %get3A_15 : vector<16xf32>
        %add3A_1697 = arith.addf %mul3A_1696, %get3A_31 : vector<16xf32>
        %swap3A_1698 = arith.index_cast %add3A_1596 : i32 to index
        %swap3A_1699 = arith.constant 32 : index
        %swap3A_1700 = tpu.vector_load %arg9[%swap3A_1698, %swap3A_1699] {strides = array<i32>} : memref<128x64xf32, #tpu.memory_space<vmem>>, vector<16xf32>,
        tpu.vector_store %arg9[%swap3A_1698, %swap3A_1699], %add3A_1697 {strides = array<i32>} : memref<128x64xf32, #tpu.memory_space<vmem>>, vector<16xf32>,
        %mul3A_1701 = arith.mulf %get3A_1608, %mul3A_1678 : vector<16xf32>
        %sub3A_1702 = arith.subf %mul3A_1701, %mul3A_1679 : vector<16xf32>
        %mul3A_1703 = arith.mulf %sub3A_1702, %get3A_19 : vector<16xf32>
        %add3A_1704 = arith.addf %mul3A_1703, %get3A_35 : vector<16xf32>
        %swap3A_1705 = arith.index_cast %add3A_1596 : i32 to index
        %swap3A_1706 = arith.constant 48 : index
        %swap3A_1707 = tpu.vector_load %arg9[%swap3A_1705, %swap3A_1706] {strides = array<i32>} : memref<128x64xf32, #tpu.memory_space<vmem>>, vector<16xf32>,
        tpu.vector_store %arg9[%swap3A_1705, %swap3A_1706], %add3A_1704 {strides = array<i32>} : memref<128x64xf32, #tpu.memory_space<vmem>>, vector<16xf32>,
      }
      %scan3A_260 = arith.constant 16 : i32
      %add3A_261 = arith.addi %mul3A_2, %add3A_248 : i32
      %mul3A_262 = arith.constant 128 : i32
      %mul3A_263 = arith.muli %add3A_261, %mul3A_262 : i32
      %add3A_264 = arith.constant 0 : i32
      %add3A_265 = arith.addi %mul3A_263, %add3A_264 : i32
      %add3A_266 = vector.broadcast %add3A_265 : i32 to vector<16xi32>
      %add3A_267 = arith.addi %add3A_266, %iota3A : vector<16xi32>
      %rem3A_268 = arith.constant 50 : i32
      %rem3A_269 = vector.broadcast %rem3A_268 : i32 to vector<16xi32>
      %rem3A_270 = arith.remsi %add3A_267, %rem3A_269 : vector<16xi32>
      %mul3A_271 = arith.constant 16384 : i32
      %mul3A_272 = vector.broadcast %mul3A_271 : i32 to vector<16xi32>
      %mul3A_273 = arith.muli %rem3A_270, %mul3A_272 : vector<16xi32>
      %div3A_274 = arith.constant 50 : i32
      %div3A_275 = vector.broadcast %div3A_274 : i32 to vector<16xi32>
      %div3A_276 = arith.divsi %add3A_267, %div3A_275 : vector<16xi32>
      %add3A_277 = arith.addi %mul3A_273, %div3A_276 : vector<16xi32>
      %swap3A_278 = arith.constant 0 : i32
      %swap3A_279 = arith.index_cast %swap3A_278 : i32 to index
      %swap3A_280 = arith.constant 0 : index
      %swap3A_281 = tpu.vector_load %arg13[%swap3A_279, %swap3A_280] {strides = array<i32>} : memref<1x128xi32, #tpu.memory_space<vmem>>, vector<16xi32>,
      tpu.vector_store %arg13[%swap3A_279, %swap3A_280], %add3A_277 {strides = array<i32>} : memref<1x128xi32, #tpu.memory_space<vmem>>, vector<16xi32>,
      %add3A_282 = arith.constant 16 : i32
      %add3A_283 = arith.addi %mul3A_263, %add3A_282 : i32
      %add3A_284 = vector.broadcast %add3A_283 : i32 to vector<16xi32>
      %add3A_285 = arith.addi %add3A_284, %iota3A : vector<16xi32>
      %rem3A_286 = arith.constant 50 : i32
      %rem3A_287 = vector.broadcast %rem3A_286 : i32 to vector<16xi32>
      %rem3A_288 = arith.remsi %add3A_285, %rem3A_287 : vector<16xi32>
      %mul3A_289 = arith.constant 16384 : i32
      %mul3A_290 = vector.broadcast %mul3A_289 : i32 to vector<16xi32>
      %mul3A_291 = arith.muli %rem3A_288, %mul3A_290 : vector<16xi32>
      %div3A_292 = arith.constant 50 : i32
      %div3A_293 = vector.broadcast %div3A_292 : i32 to vector<16xi32>
      %div3A_294 = arith.divsi %add3A_285, %div3A_293 : vector<16xi32>
      %add3A_295 = arith.addi %mul3A_291, %div3A_294 : vector<16xi32>
      %swap3A_296 = arith.constant 0 : i32
      %swap3A_297 = arith.index_cast %swap3A_296 : i32 to index
      %swap3A_298 = arith.constant 16 : index
      %swap3A_299 = tpu.vector_load %arg13[%swap3A_297, %swap3A_298] {strides = array<i32>} : memref<1x128xi32, #tpu.memory_space<vmem>>, vector<16xi32>,
      tpu.vector_store %arg13[%swap3A_297, %swap3A_298], %add3A_295 {strides = array<i32>} : memref<1x128xi32, #tpu.memory_space<vmem>>, vector<16xi32>,
      %add3A_300 = arith.constant 32 : i32
      %add3A_301 = arith.addi %mul3A_263, %add3A_300 : i32
      %add3A_302 = vector.broadcast %add3A_301 : i32 to vector<16xi32>
      %add3A_303 = arith.addi %add3A_302, %iota3A : vector<16xi32>
      %rem3A_304 = arith.constant 50 : i32
      %rem3A_305 = vector.broadcast %rem3A_304 : i32 to vector<16xi32>
      %rem3A_306 = arith.remsi %add3A_303, %rem3A_305 : vector<16xi32>
      %mul3A_307 = arith.constant 16384 : i32
      %mul3A_308 = vector.broadcast %mul3A_307 : i32 to vector<16xi32>
      %mul3A_309 = arith.muli %rem3A_306, %mul3A_308 : vector<16xi32>
      %div3A_310 = arith.constant 50 : i32
      %div3A_311 = vector.broadcast %div3A_310 : i32 to vector<16xi32>
      %div3A_312 = arith.divsi %add3A_303, %div3A_311 : vector<16xi32>
      %add3A_313 = arith.addi %mul3A_309, %div3A_312 : vector<16xi32>
      %swap3A_314 = arith.constant 0 : i32
      %swap3A_315 = arith.index_cast %swap3A_314 : i32 to index
      %swap3A_316 = arith.constant 32 : index
      %swap3A_317 = tpu.vector_load %arg13[%swap3A_315, %swap3A_316] {strides = array<i32>} : memref<1x128xi32, #tpu.memory_space<vmem>>, vector<16xi32>,
      tpu.vector_store %arg13[%swap3A_315, %swap3A_316], %add3A_313 {strides = array<i32>} : memref<1x128xi32, #tpu.memory_space<vmem>>, vector<16xi32>,
      %add3A_318 = arith.constant 48 : i32
      %add3A_319 = arith.addi %mul3A_263, %add3A_318 : i32
      %add3A_320 = vector.broadcast %add3A_319 : i32 to vector<16xi32>
      %add3A_321 = arith.addi %add3A_320, %iota3A : vector<16xi32>
      %rem3A_322 = arith.constant 50 : i32
      %rem3A_323 = vector.broadcast %rem3A_322 : i32 to vector<16xi32>
      %rem3A_324 = arith.remsi %add3A_321, %rem3A_323 : vector<16xi32>
      %mul3A_325 = arith.constant 16384 : i32
      %mul3A_326 = vector.broadcast %mul3A_325 : i32 to vector<16xi32>
      %mul3A_327 = arith.muli %rem3A_324, %mul3A_326 : vector<16xi32>
      %div3A_328 = arith.constant 50 : i32
      %div3A_329 = vector.broadcast %div3A_328 : i32 to vector<16xi32>
      %div3A_330 = arith.divsi %add3A_321, %div3A_329 : vector<16xi32>
      %add3A_331 = arith.addi %mul3A_327, %div3A_330 : vector<16xi32>
      %swap3A_332 = arith.constant 0 : i32
      %swap3A_333 = arith.index_cast %swap3A_332 : i32 to index
      %swap3A_334 = arith.constant 48 : index
      %swap3A_335 = tpu.vector_load %arg13[%swap3A_333, %swap3A_334] {strides = array<i32>} : memref<1x128xi32, #tpu.memory_space<vmem>>, vector<16xi32>,
      tpu.vector_store %arg13[%swap3A_333, %swap3A_334], %add3A_331 {strides = array<i32>} : memref<1x128xi32, #tpu.memory_space<vmem>>, vector<16xi32>,
      %add3A_336 = arith.constant 64 : i32
      %add3A_337 = arith.addi %mul3A_263, %add3A_336 : i32
      %add3A_338 = vector.broadcast %add3A_337 : i32 to vector<16xi32>
      %add3A_339 = arith.addi %add3A_338, %iota3A : vector<16xi32>
      %rem3A_340 = arith.constant 50 : i32
      %rem3A_341 = vector.broadcast %rem3A_340 : i32 to vector<16xi32>
      %rem3A_342 = arith.remsi %add3A_339, %rem3A_341 : vector<16xi32>
      %mul3A_343 = arith.constant 16384 : i32
      %mul3A_344 = vector.broadcast %mul3A_343 : i32 to vector<16xi32>
      %mul3A_345 = arith.muli %rem3A_342, %mul3A_344 : vector<16xi32>
      %div3A_346 = arith.constant 50 : i32
      %div3A_347 = vector.broadcast %div3A_346 : i32 to vector<16xi32>
      %div3A_348 = arith.divsi %add3A_339, %div3A_347 : vector<16xi32>
      %add3A_349 = arith.addi %mul3A_345, %div3A_348 : vector<16xi32>
      %swap3A_350 = arith.constant 0 : i32
      %swap3A_351 = arith.index_cast %swap3A_350 : i32 to index
      %swap3A_352 = arith.constant 64 : index
      %swap3A_353 = tpu.vector_load %arg13[%swap3A_351, %swap3A_352] {strides = array<i32>} : memref<1x128xi32, #tpu.memory_space<vmem>>, vector<16xi32>,
      tpu.vector_store %arg13[%swap3A_351, %swap3A_352], %add3A_349 {strides = array<i32>} : memref<1x128xi32, #tpu.memory_space<vmem>>, vector<16xi32>,
      %add3A_354 = arith.constant 80 : i32
      %add3A_355 = arith.addi %mul3A_263, %add3A_354 : i32
      %add3A_356 = vector.broadcast %add3A_355 : i32 to vector<16xi32>
      %add3A_357 = arith.addi %add3A_356, %iota3A : vector<16xi32>
      %rem3A_358 = arith.constant 50 : i32
      %rem3A_359 = vector.broadcast %rem3A_358 : i32 to vector<16xi32>
      %rem3A_360 = arith.remsi %add3A_357, %rem3A_359 : vector<16xi32>
      %mul3A_361 = arith.constant 16384 : i32
      %mul3A_362 = vector.broadcast %mul3A_361 : i32 to vector<16xi32>
      %mul3A_363 = arith.muli %rem3A_360, %mul3A_362 : vector<16xi32>
      %div3A_364 = arith.constant 50 : i32
      %div3A_365 = vector.broadcast %div3A_364 : i32 to vector<16xi32>
      %div3A_366 = arith.divsi %add3A_357, %div3A_365 : vector<16xi32>
      %add3A_367 = arith.addi %mul3A_363, %div3A_366 : vector<16xi32>
      %swap3A_368 = arith.constant 0 : i32
      %swap3A_369 = arith.index_cast %swap3A_368 : i32 to index
      %swap3A_370 = arith.constant 80 : index
      %swap3A_371 = tpu.vector_load %arg13[%swap3A_369, %swap3A_370] {strides = array<i32>} : memref<1x128xi32, #tpu.memory_space<vmem>>, vector<16xi32>,
      tpu.vector_store %arg13[%swap3A_369, %swap3A_370], %add3A_367 {strides = array<i32>} : memref<1x128xi32, #tpu.memory_space<vmem>>, vector<16xi32>,
      %add3A_372 = arith.constant 96 : i32
      %add3A_373 = arith.addi %mul3A_263, %add3A_372 : i32
      %add3A_374 = vector.broadcast %add3A_373 : i32 to vector<16xi32>
      %add3A_375 = arith.addi %add3A_374, %iota3A : vector<16xi32>
      %rem3A_376 = arith.constant 50 : i32
      %rem3A_377 = vector.broadcast %rem3A_376 : i32 to vector<16xi32>
      %rem3A_378 = arith.remsi %add3A_375, %rem3A_377 : vector<16xi32>
      %mul3A_379 = arith.constant 16384 : i32
      %mul3A_380 = vector.broadcast %mul3A_379 : i32 to vector<16xi32>
      %mul3A_381 = arith.muli %rem3A_378, %mul3A_380 : vector<16xi32>
      %div3A_382 = arith.constant 50 : i32
      %div3A_383 = vector.broadcast %div3A_382 : i32 to vector<16xi32>
      %div3A_384 = arith.divsi %add3A_375, %div3A_383 : vector<16xi32>
      %add3A_385 = arith.addi %mul3A_381, %div3A_384 : vector<16xi32>
      %swap3A_386 = arith.constant 0 : i32
      %swap3A_387 = arith.index_cast %swap3A_386 : i32 to index
      %swap3A_388 = arith.constant 96 : index
      %swap3A_389 = tpu.vector_load %arg13[%swap3A_387, %swap3A_388] {strides = array<i32>} : memref<1x128xi32, #tpu.memory_space<vmem>>, vector<16xi32>,
      tpu.vector_store %arg13[%swap3A_387, %swap3A_388], %add3A_385 {strides = array<i32>} : memref<1x128xi32, #tpu.memory_space<vmem>>, vector<16xi32>,
      %add3A_390 = arith.constant 112 : i32
      %add3A_391 = arith.addi %mul3A_263, %add3A_390 : i32
      %add3A_392 = vector.broadcast %add3A_391 : i32 to vector<16xi32>
      %add3A_393 = arith.addi %add3A_392, %iota3A : vector<16xi32>
      %rem3A_394 = arith.constant 50 : i32
      %rem3A_395 = vector.broadcast %rem3A_394 : i32 to vector<16xi32>
      %rem3A_396 = arith.remsi %add3A_393, %rem3A_395 : vector<16xi32>
      %mul3A_397 = arith.constant 16384 : i32
      %mul3A_398 = vector.broadcast %mul3A_397 : i32 to vector<16xi32>
      %mul3A_399 = arith.muli %rem3A_396, %mul3A_398 : vector<16xi32>
      %div3A_400 = arith.constant 50 : i32
      %div3A_401 = vector.broadcast %div3A_400 : i32 to vector<16xi32>
      %div3A_402 = arith.divsi %add3A_393, %div3A_401 : vector<16xi32>
      %add3A_403 = arith.addi %mul3A_399, %div3A_402 : vector<16xi32>
      %swap3A_404 = arith.constant 0 : i32
      %swap3A_405 = arith.index_cast %swap3A_404 : i32 to index
      %swap3A_406 = arith.constant 112 : index
      %swap3A_407 = tpu.vector_load %arg13[%swap3A_405, %swap3A_406] {strides = array<i32>} : memref<1x128xi32, #tpu.memory_space<vmem>>, vector<16xi32>,
      tpu.vector_store %arg13[%swap3A_405, %swap3A_406], %add3A_403 {strides = array<i32>} : memref<1x128xi32, #tpu.memory_space<vmem>>, vector<16xi32>,
      %dma_start3A_408 = arith.constant 0 : i32
      %dma_start3A_409 = arith.constant 0 : i32
      %dma_start3A_410 = tpu.memref_slice %arg13[%dma_start3A_408, %dma_start3A_409] : memref<1x128xi32, #tpu.memory_space<vmem>> -> memref<1x128xi32, #tpu.memory_space<vmem>>
      %dma_start3A_411 = tpu.memref_squeeze %dma_start3A_410 : memref<1x128xi32, #tpu.memory_space<vmem>> -> memref<128xi32, #tpu.memory_space<vmem>>
      %dma_start3A_412 = arith.constant 0 : i32
      %dma_start3A_413 = arith.constant 0 : i32
      %dma_start3A_414 = tpu.memref_slice %arg6[%dma_start3A_412, %dma_start3A_413] : memref<819200x64xf32, #tpu.memory_space<hbm>> -> memref<819200x64xf32, #tpu.memory_space<hbm>>
      tpu.enqueue_indirect_dma source(%arg9 : memref<128x64xf32, #tpu.memory_space<vmem>>) target(%dma_start3A_414 : memref<819200x64xf32, #tpu.memory_space<hbm>>) offsets(%dma_start3A_411 : memref<128xi32, #tpu.memory_space<vmem>>) semaphore(%arg22 : memref<!tpu.dma_semaphore, #tpu.memory_space<semaphore_mem>>)
      %ge3A_415 = arith.constant 1 : i32
      %ge3A_416 = arith.cmpi sge, %scan3A_67, %ge3A_415 : i32
      %convert_element_type3A_417 = arith.extui %ge3A_416 : i1 to i32
      %cond3A_418 = arith.constant 0 : i32
      %cond3A_419 = arith.cmpi ne, %convert_element_type3A_417, %cond3A_418 : i32
      scf.if %cond3A_419 {
        %sub3A_794 = arith.constant 2 : i32
        %sub3A_795 = arith.subi %add3A_248, %sub3A_794 : i32
        %dma_wait3A_796 = arith.constant 0 : i32
        %dma_wait3A_797 = arith.constant 0 : i32
        %dma_wait3A_798 = tpu.memref_slice %arg15[%dma_wait3A_796, %dma_wait3A_797] : memref<1x128xi32, #tpu.memory_space<vmem>> -> memref<1x128xi32, #tpu.memory_space<vmem>>
        %dma_wait3A_799 = tpu.memref_squeeze %dma_wait3A_798 : memref<1x128xi32, #tpu.memory_space<vmem>> -> memref<128xi32, #tpu.memory_space<vmem>>
        %dma_wait3A_800 = arith.constant 0 : i32
        %dma_wait3A_801 = arith.constant 0 : i32
        %dma_wait3A_802 = tpu.memref_slice %arg6[%dma_wait3A_800, %dma_wait3A_801] : memref<819200x64xf32, #tpu.memory_space<hbm>> -> memref<819200x64xf32, #tpu.memory_space<hbm>>
        tpu.wait_indirect_dma semaphore(%arg24 : memref<!tpu.dma_semaphore, #tpu.memory_space<semaphore_mem>>) src(%arg11 : memref<128x64xf32, #tpu.memory_space<vmem>>) dst(%dma_wait3A_802 : memref<819200x64xf32, #tpu.memory_space<hbm>>)
      } else {
      }
      %add3A_420 = arith.constant 2 : i32
      %add3A_421 = arith.addi %add3A_248, %add3A_420 : i32
      %dma_start3A_422 = arith.constant 0 : i32
      %dma_start3A_423 = tpu.memref_slice %arg7[%add3A_421, %dma_start3A_422] : memref<200x128xi32, #tpu.memory_space<vmem>> -> memref<1x128xi32, #tpu.memory_space<vmem>>
      %dma_start3A_424 = tpu.memref_squeeze %dma_start3A_423 : memref<1x128xi32, #tpu.memory_space<vmem>> -> memref<128xi32, #tpu.memory_space<vmem>>
      %dma_start3A_425 = arith.constant 0 : i32
      %dma_start3A_426 = arith.constant 0 : i32
      %dma_start3A_427 = tpu.memref_slice %arg3[%dma_start3A_425, %dma_start3A_426] : memref<1000000x64xf32, #tpu.memory_space<hbm>> -> memref<1000000x64xf32, #tpu.memory_space<hbm>>
      tpu.enqueue_indirect_dma source(%dma_start3A_427 : memref<1000000x64xf32, #tpu.memory_space<hbm>>) target(%arg11 : memref<128x64xf32, #tpu.memory_space<vmem>>) offsets(%dma_start3A_424 : memref<128xi32, #tpu.memory_space<vmem>>) semaphore(%arg20 : memref<!tpu.dma_semaphore, #tpu.memory_space<semaphore_mem>>)
      %mul3A_428 = arith.constant 4 : i32
      %mul3A_429 = arith.muli %scan3A_67, %mul3A_428 : i32
      %add3A_430 = arith.constant 2 : i32
      %add3A_431 = arith.addi %mul3A_429, %add3A_430 : i32
      %dma_wait3A_432 = arith.constant 0 : i32
      %dma_wait3A_433 = tpu.memref_slice %arg7[%add3A_431, %dma_wait3A_432] : memref<200x128xi32, #tpu.memory_space<vmem>> -> memref<1x128xi32, #tpu.memory_space<vmem>>
      %dma_wait3A_434 = tpu.memref_squeeze %dma_wait3A_433 : memref<1x128xi32, #tpu.memory_space<vmem>> -> memref<128xi32, #tpu.memory_space<vmem>>
      %dma_wait3A_435 = arith.constant 0 : i32
      %dma_wait3A_436 = arith.constant 0 : i32
      %dma_wait3A_437 = tpu.memref_slice %arg3[%dma_wait3A_435, %dma_wait3A_436] : memref<1000000x64xf32, #tpu.memory_space<hbm>> -> memref<1000000x64xf32, #tpu.memory_space<hbm>>
      tpu.wait_indirect_dma semaphore(%arg19 : memref<!tpu.dma_semaphore, #tpu.memory_space<semaphore_mem>>) src(%dma_wait3A_437 : memref<1000000x64xf32, #tpu.memory_space<hbm>>) dst(%arg10 : memref<128x64xf32, #tpu.memory_space<vmem>>)
      %scan3A_438 = arith.constant 0 : i32
      %scan3A_439 = arith.constant 0 : i32
      %scan3A_440 = arith.constant 16 : i32
      %scan3A_441 = arith.addi %scan3A_439, %scan3A_440 : i32
      %scan3A_442 = arith.constant 1 : i32
      scf.for %scan3A_794 = %scan3A_439 to %scan3A_441 step %scan3A_442  : i32 {
        %mul3A_795 = arith.constant 8 : i32
        %mul3A_796 = arith.muli %scan3A_794, %mul3A_795 : i32
        %add3A_797 = arith.constant 0 : i32
        %add3A_798 = arith.addi %mul3A_796, %add3A_797 : i32
        %get3A_799 = arith.index_cast %add3A_798 : i32 to index
        %get3A_800 = arith.constant 0 : index
        %get3A_801 = tpu.vector_load %arg10[%get3A_799, %get3A_800] {strides = array<i32>} : memref<128x64xf32, #tpu.memory_space<vmem>>, vector<16xf32>,
        %get3A_802 = arith.index_cast %add3A_798 : i32 to index
        %get3A_803 = arith.constant 16 : index
        %get3A_804 = tpu.vector_load %arg10[%get3A_802, %get3A_803] {strides = array<i32>} : memref<128x64xf32, #tpu.memory_space<vmem>>, vector<16xf32>,
        %get3A_805 = arith.index_cast %add3A_798 : i32 to index
        %get3A_806 = arith.constant 32 : index
        %get3A_807 = tpu.vector_load %arg10[%get3A_805, %get3A_806] {strides = array<i32>} : memref<128x64xf32, #tpu.memory_space<vmem>>, vector<16xf32>,
        %get3A_808 = arith.index_cast %add3A_798 : i32 to index
        %get3A_809 = arith.constant 48 : index
        %get3A_810 = tpu.vector_load %arg10[%get3A_808, %get3A_809] {strides = array<i32>} : memref<128x64xf32, #tpu.memory_space<vmem>>, vector<16xf32>,
        %add3A_811 = arith.addf %get3A_801, %get3A_804 : vector<16xf32>
        %add3A_812 = arith.addf %get3A_807, %get3A_810 : vector<16xf32>
        %add3A_813 = arith.addf %add3A_811, %add3A_812 : vector<16xf32>
        %mul3A_814 = arith.mulf %get3A_801, %get3A_801 : vector<16xf32>
        %mul3A_815 = arith.mulf %get3A_804, %get3A_804 : vector<16xf32>
        %add3A_816 = arith.addf %mul3A_814, %mul3A_815 : vector<16xf32>
        %mul3A_817 = arith.mulf %get3A_807, %get3A_807 : vector<16xf32>
        %mul3A_818 = arith.mulf %get3A_810, %get3A_810 : vector<16xf32>
        %add3A_819 = arith.addf %mul3A_817, %mul3A_818 : vector<16xf32>
        %add3A_820 = arith.addf %add3A_816, %add3A_819 : vector<16xf32>
        %cumsum3A = arith.constant true
        %cumsum3A_821 = vector.broadcast %cumsum3A : i1 to vector<16xi1>
        %cumsum3A_822 = tpu.scan <sum>, %add3A_813 masked %cumsum3A_821 : vector<16xf32>, vector<16xi1> -> vector<16xf32>
        %lt3A = arith.constant 0 : i32
        %lt3A_823 = vector.broadcast %lt3A : i32 to vector<16xi32>
        %lt3A_824 = arith.cmpi slt, %broadcast_in_dim3A_4, %lt3A_823 : vector<16xi32>
        %add3A_825 = arith.constant 16 : i32
        %add3A_826 = vector.broadcast %add3A_825 : i32 to vector<16xi32>
        %add3A_827 = arith.addi %broadcast_in_dim3A_4, %add3A_826 : vector<16xi32>
        %select_n3A = arith.select %lt3A_824, %add3A_827, %broadcast_in_dim3A_4 : vector<16xi1>, vector<16xi32>
        %reshape3A = vector.shape_cast %select_n3A : vector<16xi32> to vector<16x1xi32>
        %gather3A = vector.shape_cast %reshape3A : vector<16x1xi32> to vector<16xi32>
        %gather3A_828 = tpu.dynamic_gather %cumsum3A_822[%gather3A] in [0] : vector<16xf32>, vector<16xi32> -> vector<16xf32>
        %cumsum3A_829 = arith.constant true
        %cumsum3A_830 = vector.broadcast %cumsum3A_829 : i1 to vector<16xi1>
        %cumsum3A_831 = tpu.scan <sum>, %add3A_820 masked %cumsum3A_830 : vector<16xf32>, vector<16xi1> -> vector<16xf32>
        %lt3A_832 = arith.constant 0 : i32
        %lt3A_833 = vector.broadcast %lt3A_832 : i32 to vector<16xi32>
        %lt3A_834 = arith.cmpi slt, %broadcast_in_dim3A_4, %lt3A_833 : vector<16xi32>
        %add3A_835 = arith.constant 16 : i32
        %add3A_836 = vector.broadcast %add3A_835 : i32 to vector<16xi32>
        %add3A_837 = arith.addi %broadcast_in_dim3A_4, %add3A_836 : vector<16xi32>
        %select_n3A_838 = arith.select %lt3A_834, %add3A_837, %broadcast_in_dim3A_4 : vector<16xi1>, vector<16xi32>
        %reshape3A_839 = vector.shape_cast %select_n3A_838 : vector<16xi32> to vector<16x1xi32>
        %gather3A_840 = vector.shape_cast %reshape3A_839 : vector<16x1xi32> to vector<16xi32>
        %gather3A_841 = tpu.dynamic_gather %cumsum3A_831[%gather3A_840] in [0] : vector<16xf32>, vector<16xi32> -> vector<16xf32>
        %mul3A_842 = arith.constant 1.562500e-02 : f32
        %mul3A_843 = vector.broadcast %mul3A_842 : f32 to vector<16xf32>
        %mul3A_844 = arith.mulf %gather3A_828, %mul3A_843 : vector<16xf32>
        %mul3A_845 = arith.constant 1.562500e-02 : f32
        %mul3A_846 = vector.broadcast %mul3A_845 : f32 to vector<16xf32>
        %mul3A_847 = arith.mulf %gather3A_841, %mul3A_846 : vector<16xf32>
        %mul3A_848 = arith.mulf %mul3A_844, %mul3A_844 : vector<16xf32>
        %sub3A_849 = arith.subf %mul3A_847, %mul3A_848 : vector<16xf32>
        %add3A_850 = arith.constant 1.562500e-07 : f32
        %add3A_851 = vector.broadcast %add3A_850 : f32 to vector<16xf32>
        %add3A_852 = arith.addf %sub3A_849, %add3A_851 : vector<16xf32>
        %bitcast3A = vector.bitcast %add3A_852 : vector<16xf32> to vector<16xi32>
        %shift_right_logical3A = arith.constant 1 : i32
        %shift_right_logical3A_853 = vector.broadcast %shift_right_logical3A : i32 to vector<16xi32>
        %shift_right_logical3A_854 = arith.shrui %bitcast3A, %shift_right_logical3A_853 : vector<16xi32>
        %sub3A_855 = arith.constant 1597463007 : i32
        %sub3A_856 = vector.broadcast %sub3A_855 : i32 to vector<16xi32>
        %sub3A_857 = arith.subi %sub3A_856, %shift_right_logical3A_854 : vector<16xi32>
        %bitcast3A_858 = vector.bitcast %sub3A_857 : vector<16xi32> to vector<16xf32>
        %mul3A_859 = arith.constant 5.000000e-01 : f32
        %mul3A_860 = vector.broadcast %mul3A_859 : f32 to vector<16xf32>
        %mul3A_861 = arith.mulf %add3A_852, %mul3A_860 : vector<16xf32>
        %mul3A_862 = arith.mulf %mul3A_861, %bitcast3A_858 : vector<16xf32>
        %mul3A_863 = arith.mulf %mul3A_862, %bitcast3A_858 : vector<16xf32>
        %sub3A_864 = arith.constant 1.500000e+00 : f32
        %sub3A_865 = vector.broadcast %sub3A_864 : f32 to vector<16xf32>
        %sub3A_866 = arith.subf %sub3A_865, %mul3A_863 : vector<16xf32>
        %mul3A_867 = arith.mulf %bitcast3A_858, %sub3A_866 : vector<16xf32>
        %mul3A_868 = arith.mulf %mul3A_861, %mul3A_867 : vector<16xf32>
        %mul3A_869 = arith.mulf %mul3A_868, %mul3A_867 : vector<16xf32>
        %sub3A_870 = arith.constant 1.500000e+00 : f32
        %sub3A_871 = vector.broadcast %sub3A_870 : f32 to vector<16xf32>
        %sub3A_872 = arith.subf %sub3A_871, %mul3A_869 : vector<16xf32>
        %mul3A_873 = arith.mulf %mul3A_867, %sub3A_872 : vector<16xf32>
        %mul3A_874 = arith.mulf %mul3A_844, %mul3A_873 : vector<16xf32>
        %mul3A_875 = arith.mulf %get3A_801, %mul3A_873 : vector<16xf32>
        %sub3A_876 = arith.subf %mul3A_875, %mul3A_874 : vector<16xf32>
        %mul3A_877 = arith.mulf %sub3A_876, %get3A_7 : vector<16xf32>
        %add3A_878 = arith.addf %mul3A_877, %get3A_23 : vector<16xf32>
        %swap3A_879 = arith.index_cast %add3A_798 : i32 to index
        %swap3A_880 = arith.constant 0 : index
        %swap3A_881 = tpu.vector_load %arg10[%swap3A_879, %swap3A_880] {strides = array<i32>} : memref<128x64xf32, #tpu.memory_space<vmem>>, vector<16xf32>,
        tpu.vector_store %arg10[%swap3A_879, %swap3A_880], %add3A_878 {strides = array<i32>} : memref<128x64xf32, #tpu.memory_space<vmem>>, vector<16xf32>,
        %mul3A_882 = arith.mulf %get3A_804, %mul3A_873 : vector<16xf32>
        %sub3A_883 = arith.subf %mul3A_882, %mul3A_874 : vector<16xf32>
        %mul3A_884 = arith.mulf %sub3A_883, %get3A_11 : vector<16xf32>
        %add3A_885 = arith.addf %mul3A_884, %get3A_27 : vector<16xf32>
        %swap3A_886 = arith.index_cast %add3A_798 : i32 to index
        %swap3A_887 = arith.constant 16 : index
        %swap3A_888 = tpu.vector_load %arg10[%swap3A_886, %swap3A_887] {strides = array<i32>} : memref<128x64xf32, #tpu.memory_space<vmem>>, vector<16xf32>,
        tpu.vector_store %arg10[%swap3A_886, %swap3A_887], %add3A_885 {strides = array<i32>} : memref<128x64xf32, #tpu.memory_space<vmem>>, vector<16xf32>,
        %mul3A_889 = arith.mulf %get3A_807, %mul3A_873 : vector<16xf32>
        %sub3A_890 = arith.subf %mul3A_889, %mul3A_874 : vector<16xf32>
        %mul3A_891 = arith.mulf %sub3A_890, %get3A_15 : vector<16xf32>
        %add3A_892 = arith.addf %mul3A_891, %get3A_31 : vector<16xf32>
        %swap3A_893 = arith.index_cast %add3A_798 : i32 to index
        %swap3A_894 = arith.constant 32 : index
        %swap3A_895 = tpu.vector_load %arg10[%swap3A_893, %swap3A_894] {strides = array<i32>} : memref<128x64xf32, #tpu.memory_space<vmem>>, vector<16xf32>,
        tpu.vector_store %arg10[%swap3A_893, %swap3A_894], %add3A_892 {strides = array<i32>} : memref<128x64xf32, #tpu.memory_space<vmem>>, vector<16xf32>,
        %mul3A_896 = arith.mulf %get3A_810, %mul3A_873 : vector<16xf32>
        %sub3A_897 = arith.subf %mul3A_896, %mul3A_874 : vector<16xf32>
        %mul3A_898 = arith.mulf %sub3A_897, %get3A_19 : vector<16xf32>
        %add3A_899 = arith.addf %mul3A_898, %get3A_35 : vector<16xf32>
        %swap3A_900 = arith.index_cast %add3A_798 : i32 to index
        %swap3A_901 = arith.constant 48 : index
        %swap3A_902 = tpu.vector_load %arg10[%swap3A_900, %swap3A_901] {strides = array<i32>} : memref<128x64xf32, #tpu.memory_space<vmem>>, vector<16xf32>,
        tpu.vector_store %arg10[%swap3A_900, %swap3A_901], %add3A_899 {strides = array<i32>} : memref<128x64xf32, #tpu.memory_space<vmem>>, vector<16xf32>,
        %mul3A_903 = arith.constant 8 : i32
        %mul3A_904 = arith.muli %scan3A_794, %mul3A_903 : i32
        %add3A_905 = arith.constant 1 : i32
        %add3A_906 = arith.addi %mul3A_904, %add3A_905 : i32
        %get3A_907 = arith.index_cast %add3A_906 : i32 to index
        %get3A_908 = arith.constant 0 : index
        %get3A_909 = tpu.vector_load %arg10[%get3A_907, %get3A_908] {strides = array<i32>} : memref<128x64xf32, #tpu.memory_space<vmem>>, vector<16xf32>,
        %get3A_910 = arith.index_cast %add3A_906 : i32 to index
        %get3A_911 = arith.constant 16 : index
        %get3A_912 = tpu.vector_load %arg10[%get3A_910, %get3A_911] {strides = array<i32>} : memref<128x64xf32, #tpu.memory_space<vmem>>, vector<16xf32>,
        %get3A_913 = arith.index_cast %add3A_906 : i32 to index
        %get3A_914 = arith.constant 32 : index
        %get3A_915 = tpu.vector_load %arg10[%get3A_913, %get3A_914] {strides = array<i32>} : memref<128x64xf32, #tpu.memory_space<vmem>>, vector<16xf32>,
        %get3A_916 = arith.index_cast %add3A_906 : i32 to index
        %get3A_917 = arith.constant 48 : index
        %get3A_918 = tpu.vector_load %arg10[%get3A_916, %get3A_917] {strides = array<i32>} : memref<128x64xf32, #tpu.memory_space<vmem>>, vector<16xf32>,
        %add3A_919 = arith.addf %get3A_909, %get3A_912 : vector<16xf32>
        %add3A_920 = arith.addf %get3A_915, %get3A_918 : vector<16xf32>
        %add3A_921 = arith.addf %add3A_919, %add3A_920 : vector<16xf32>
        %mul3A_922 = arith.mulf %get3A_909, %get3A_909 : vector<16xf32>
        %mul3A_923 = arith.mulf %get3A_912, %get3A_912 : vector<16xf32>
        %add3A_924 = arith.addf %mul3A_922, %mul3A_923 : vector<16xf32>
        %mul3A_925 = arith.mulf %get3A_915, %get3A_915 : vector<16xf32>
        %mul3A_926 = arith.mulf %get3A_918, %get3A_918 : vector<16xf32>
        %add3A_927 = arith.addf %mul3A_925, %mul3A_926 : vector<16xf32>
        %add3A_928 = arith.addf %add3A_924, %add3A_927 : vector<16xf32>
        %cumsum3A_929 = arith.constant true
        %cumsum3A_930 = vector.broadcast %cumsum3A_929 : i1 to vector<16xi1>
        %cumsum3A_931 = tpu.scan <sum>, %add3A_921 masked %cumsum3A_930 : vector<16xf32>, vector<16xi1> -> vector<16xf32>
        %lt3A_932 = arith.constant 0 : i32
        %lt3A_933 = vector.broadcast %lt3A_932 : i32 to vector<16xi32>
        %lt3A_934 = arith.cmpi slt, %broadcast_in_dim3A_4, %lt3A_933 : vector<16xi32>
        %add3A_935 = arith.constant 16 : i32
        %add3A_936 = vector.broadcast %add3A_935 : i32 to vector<16xi32>
        %add3A_937 = arith.addi %broadcast_in_dim3A_4, %add3A_936 : vector<16xi32>
        %select_n3A_938 = arith.select %lt3A_934, %add3A_937, %broadcast_in_dim3A_4 : vector<16xi1>, vector<16xi32>
        %reshape3A_939 = vector.shape_cast %select_n3A_938 : vector<16xi32> to vector<16x1xi32>
        %gather3A_940 = vector.shape_cast %reshape3A_939 : vector<16x1xi32> to vector<16xi32>
        %gather3A_941 = tpu.dynamic_gather %cumsum3A_931[%gather3A_940] in [0] : vector<16xf32>, vector<16xi32> -> vector<16xf32>
        %cumsum3A_942 = arith.constant true
        %cumsum3A_943 = vector.broadcast %cumsum3A_942 : i1 to vector<16xi1>
        %cumsum3A_944 = tpu.scan <sum>, %add3A_928 masked %cumsum3A_943 : vector<16xf32>, vector<16xi1> -> vector<16xf32>
        %lt3A_945 = arith.constant 0 : i32
        %lt3A_946 = vector.broadcast %lt3A_945 : i32 to vector<16xi32>
        %lt3A_947 = arith.cmpi slt, %broadcast_in_dim3A_4, %lt3A_946 : vector<16xi32>
        %add3A_948 = arith.constant 16 : i32
        %add3A_949 = vector.broadcast %add3A_948 : i32 to vector<16xi32>
        %add3A_950 = arith.addi %broadcast_in_dim3A_4, %add3A_949 : vector<16xi32>
        %select_n3A_951 = arith.select %lt3A_947, %add3A_950, %broadcast_in_dim3A_4 : vector<16xi1>, vector<16xi32>
        %reshape3A_952 = vector.shape_cast %select_n3A_951 : vector<16xi32> to vector<16x1xi32>
        %gather3A_953 = vector.shape_cast %reshape3A_952 : vector<16x1xi32> to vector<16xi32>
        %gather3A_954 = tpu.dynamic_gather %cumsum3A_944[%gather3A_953] in [0] : vector<16xf32>, vector<16xi32> -> vector<16xf32>
        %mul3A_955 = arith.constant 1.562500e-02 : f32
        %mul3A_956 = vector.broadcast %mul3A_955 : f32 to vector<16xf32>
        %mul3A_957 = arith.mulf %gather3A_941, %mul3A_956 : vector<16xf32>
        %mul3A_958 = arith.constant 1.562500e-02 : f32
        %mul3A_959 = vector.broadcast %mul3A_958 : f32 to vector<16xf32>
        %mul3A_960 = arith.mulf %gather3A_954, %mul3A_959 : vector<16xf32>
        %mul3A_961 = arith.mulf %mul3A_957, %mul3A_957 : vector<16xf32>
        %sub3A_962 = arith.subf %mul3A_960, %mul3A_961 : vector<16xf32>
        %add3A_963 = arith.constant 1.562500e-07 : f32
        %add3A_964 = vector.broadcast %add3A_963 : f32 to vector<16xf32>
        %add3A_965 = arith.addf %sub3A_962, %add3A_964 : vector<16xf32>
        %bitcast3A_966 = vector.bitcast %add3A_965 : vector<16xf32> to vector<16xi32>
        %shift_right_logical3A_967 = arith.constant 1 : i32
        %shift_right_logical3A_968 = vector.broadcast %shift_right_logical3A_967 : i32 to vector<16xi32>
        %shift_right_logical3A_969 = arith.shrui %bitcast3A_966, %shift_right_logical3A_968 : vector<16xi32>
        %sub3A_970 = arith.constant 1597463007 : i32
        %sub3A_971 = vector.broadcast %sub3A_970 : i32 to vector<16xi32>
        %sub3A_972 = arith.subi %sub3A_971, %shift_right_logical3A_969 : vector<16xi32>
        %bitcast3A_973 = vector.bitcast %sub3A_972 : vector<16xi32> to vector<16xf32>
        %mul3A_974 = arith.constant 5.000000e-01 : f32
        %mul3A_975 = vector.broadcast %mul3A_974 : f32 to vector<16xf32>
        %mul3A_976 = arith.mulf %add3A_965, %mul3A_975 : vector<16xf32>
        %mul3A_977 = arith.mulf %mul3A_976, %bitcast3A_973 : vector<16xf32>
        %mul3A_978 = arith.mulf %mul3A_977, %bitcast3A_973 : vector<16xf32>
        %sub3A_979 = arith.constant 1.500000e+00 : f32
        %sub3A_980 = vector.broadcast %sub3A_979 : f32 to vector<16xf32>
        %sub3A_981 = arith.subf %sub3A_980, %mul3A_978 : vector<16xf32>
        %mul3A_982 = arith.mulf %bitcast3A_973, %sub3A_981 : vector<16xf32>
        %mul3A_983 = arith.mulf %mul3A_976, %mul3A_982 : vector<16xf32>
        %mul3A_984 = arith.mulf %mul3A_983, %mul3A_982 : vector<16xf32>
        %sub3A_985 = arith.constant 1.500000e+00 : f32
        %sub3A_986 = vector.broadcast %sub3A_985 : f32 to vector<16xf32>
        %sub3A_987 = arith.subf %sub3A_986, %mul3A_984 : vector<16xf32>
        %mul3A_988 = arith.mulf %mul3A_982, %sub3A_987 : vector<16xf32>
        %mul3A_989 = arith.mulf %mul3A_957, %mul3A_988 : vector<16xf32>
        %mul3A_990 = arith.mulf %get3A_909, %mul3A_988 : vector<16xf32>
        %sub3A_991 = arith.subf %mul3A_990, %mul3A_989 : vector<16xf32>
        %mul3A_992 = arith.mulf %sub3A_991, %get3A_7 : vector<16xf32>
        %add3A_993 = arith.addf %mul3A_992, %get3A_23 : vector<16xf32>
        %swap3A_994 = arith.index_cast %add3A_906 : i32 to index
        %swap3A_995 = arith.constant 0 : index
        %swap3A_996 = tpu.vector_load %arg10[%swap3A_994, %swap3A_995] {strides = array<i32>} : memref<128x64xf32, #tpu.memory_space<vmem>>, vector<16xf32>,
        tpu.vector_store %arg10[%swap3A_994, %swap3A_995], %add3A_993 {strides = array<i32>} : memref<128x64xf32, #tpu.memory_space<vmem>>, vector<16xf32>,
        %mul3A_997 = arith.mulf %get3A_912, %mul3A_988 : vector<16xf32>
        %sub3A_998 = arith.subf %mul3A_997, %mul3A_989 : vector<16xf32>
        %mul3A_999 = arith.mulf %sub3A_998, %get3A_11 : vector<16xf32>
        %add3A_1000 = arith.addf %mul3A_999, %get3A_27 : vector<16xf32>
        %swap3A_1001 = arith.index_cast %add3A_906 : i32 to index
        %swap3A_1002 = arith.constant 16 : index
        %swap3A_1003 = tpu.vector_load %arg10[%swap3A_1001, %swap3A_1002] {strides = array<i32>} : memref<128x64xf32, #tpu.memory_space<vmem>>, vector<16xf32>,
        tpu.vector_store %arg10[%swap3A_1001, %swap3A_1002], %add3A_1000 {strides = array<i32>} : memref<128x64xf32, #tpu.memory_space<vmem>>, vector<16xf32>,
        %mul3A_1004 = arith.mulf %get3A_915, %mul3A_988 : vector<16xf32>
        %sub3A_1005 = arith.subf %mul3A_1004, %mul3A_989 : vector<16xf32>
        %mul3A_1006 = arith.mulf %sub3A_1005, %get3A_15 : vector<16xf32>
        %add3A_1007 = arith.addf %mul3A_1006, %get3A_31 : vector<16xf32>
        %swap3A_1008 = arith.index_cast %add3A_906 : i32 to index
        %swap3A_1009 = arith.constant 32 : index
        %swap3A_1010 = tpu.vector_load %arg10[%swap3A_1008, %swap3A_1009] {strides = array<i32>} : memref<128x64xf32, #tpu.memory_space<vmem>>, vector<16xf32>,
        tpu.vector_store %arg10[%swap3A_1008, %swap3A_1009], %add3A_1007 {strides = array<i32>} : memref<128x64xf32, #tpu.memory_space<vmem>>, vector<16xf32>,
        %mul3A_1011 = arith.mulf %get3A_918, %mul3A_988 : vector<16xf32>
        %sub3A_1012 = arith.subf %mul3A_1011, %mul3A_989 : vector<16xf32>
        %mul3A_1013 = arith.mulf %sub3A_1012, %get3A_19 : vector<16xf32>
        %add3A_1014 = arith.addf %mul3A_1013, %get3A_35 : vector<16xf32>
        %swap3A_1015 = arith.index_cast %add3A_906 : i32 to index
        %swap3A_1016 = arith.constant 48 : index
        %swap3A_1017 = tpu.vector_load %arg10[%swap3A_1015, %swap3A_1016] {strides = array<i32>} : memref<128x64xf32, #tpu.memory_space<vmem>>, vector<16xf32>,
        tpu.vector_store %arg10[%swap3A_1015, %swap3A_1016], %add3A_1014 {strides = array<i32>} : memref<128x64xf32, #tpu.memory_space<vmem>>, vector<16xf32>,
        %mul3A_1018 = arith.constant 8 : i32
        %mul3A_1019 = arith.muli %scan3A_794, %mul3A_1018 : i32
        %add3A_1020 = arith.constant 2 : i32
        %add3A_1021 = arith.addi %mul3A_1019, %add3A_1020 : i32
        %get3A_1022 = arith.index_cast %add3A_1021 : i32 to index
        %get3A_1023 = arith.constant 0 : index
        %get3A_1024 = tpu.vector_load %arg10[%get3A_1022, %get3A_1023] {strides = array<i32>} : memref<128x64xf32, #tpu.memory_space<vmem>>, vector<16xf32>,
        %get3A_1025 = arith.index_cast %add3A_1021 : i32 to index
        %get3A_1026 = arith.constant 16 : index
        %get3A_1027 = tpu.vector_load %arg10[%get3A_1025, %get3A_1026] {strides = array<i32>} : memref<128x64xf32, #tpu.memory_space<vmem>>, vector<16xf32>,
        %get3A_1028 = arith.index_cast %add3A_1021 : i32 to index
        %get3A_1029 = arith.constant 32 : index
        %get3A_1030 = tpu.vector_load %arg10[%get3A_1028, %get3A_1029] {strides = array<i32>} : memref<128x64xf32, #tpu.memory_space<vmem>>, vector<16xf32>,
        %get3A_1031 = arith.index_cast %add3A_1021 : i32 to index
        %get3A_1032 = arith.constant 48 : index
        %get3A_1033 = tpu.vector_load %arg10[%get3A_1031, %get3A_1032] {strides = array<i32>} : memref<128x64xf32, #tpu.memory_space<vmem>>, vector<16xf32>,
        %add3A_1034 = arith.addf %get3A_1024, %get3A_1027 : vector<16xf32>
        %add3A_1035 = arith.addf %get3A_1030, %get3A_1033 : vector<16xf32>
        %add3A_1036 = arith.addf %add3A_1034, %add3A_1035 : vector<16xf32>
        %mul3A_1037 = arith.mulf %get3A_1024, %get3A_1024 : vector<16xf32>
        %mul3A_1038 = arith.mulf %get3A_1027, %get3A_1027 : vector<16xf32>
        %add3A_1039 = arith.addf %mul3A_1037, %mul3A_1038 : vector<16xf32>
        %mul3A_1040 = arith.mulf %get3A_1030, %get3A_1030 : vector<16xf32>
        %mul3A_1041 = arith.mulf %get3A_1033, %get3A_1033 : vector<16xf32>
        %add3A_1042 = arith.addf %mul3A_1040, %mul3A_1041 : vector<16xf32>
        %add3A_1043 = arith.addf %add3A_1039, %add3A_1042 : vector<16xf32>
        %cumsum3A_1044 = arith.constant true
        %cumsum3A_1045 = vector.broadcast %cumsum3A_1044 : i1 to vector<16xi1>
        %cumsum3A_1046 = tpu.scan <sum>, %add3A_1036 masked %cumsum3A_1045 : vector<16xf32>, vector<16xi1> -> vector<16xf32>
        %lt3A_1047 = arith.constant 0 : i32
        %lt3A_1048 = vector.broadcast %lt3A_1047 : i32 to vector<16xi32>
        %lt3A_1049 = arith.cmpi slt, %broadcast_in_dim3A_4, %lt3A_1048 : vector<16xi32>
        %add3A_1050 = arith.constant 16 : i32
        %add3A_1051 = vector.broadcast %add3A_1050 : i32 to vector<16xi32>
        %add3A_1052 = arith.addi %broadcast_in_dim3A_4, %add3A_1051 : vector<16xi32>
        %select_n3A_1053 = arith.select %lt3A_1049, %add3A_1052, %broadcast_in_dim3A_4 : vector<16xi1>, vector<16xi32>
        %reshape3A_1054 = vector.shape_cast %select_n3A_1053 : vector<16xi32> to vector<16x1xi32>
        %gather3A_1055 = vector.shape_cast %reshape3A_1054 : vector<16x1xi32> to vector<16xi32>
        %gather3A_1056 = tpu.dynamic_gather %cumsum3A_1046[%gather3A_1055] in [0] : vector<16xf32>, vector<16xi32> -> vector<16xf32>
        %cumsum3A_1057 = arith.constant true
        %cumsum3A_1058 = vector.broadcast %cumsum3A_1057 : i1 to vector<16xi1>
        %cumsum3A_1059 = tpu.scan <sum>, %add3A_1043 masked %cumsum3A_1058 : vector<16xf32>, vector<16xi1> -> vector<16xf32>
        %lt3A_1060 = arith.constant 0 : i32
        %lt3A_1061 = vector.broadcast %lt3A_1060 : i32 to vector<16xi32>
        %lt3A_1062 = arith.cmpi slt, %broadcast_in_dim3A_4, %lt3A_1061 : vector<16xi32>
        %add3A_1063 = arith.constant 16 : i32
        %add3A_1064 = vector.broadcast %add3A_1063 : i32 to vector<16xi32>
        %add3A_1065 = arith.addi %broadcast_in_dim3A_4, %add3A_1064 : vector<16xi32>
        %select_n3A_1066 = arith.select %lt3A_1062, %add3A_1065, %broadcast_in_dim3A_4 : vector<16xi1>, vector<16xi32>
        %reshape3A_1067 = vector.shape_cast %select_n3A_1066 : vector<16xi32> to vector<16x1xi32>
        %gather3A_1068 = vector.shape_cast %reshape3A_1067 : vector<16x1xi32> to vector<16xi32>
        %gather3A_1069 = tpu.dynamic_gather %cumsum3A_1059[%gather3A_1068] in [0] : vector<16xf32>, vector<16xi32> -> vector<16xf32>
        %mul3A_1070 = arith.constant 1.562500e-02 : f32
        %mul3A_1071 = vector.broadcast %mul3A_1070 : f32 to vector<16xf32>
        %mul3A_1072 = arith.mulf %gather3A_1056, %mul3A_1071 : vector<16xf32>
        %mul3A_1073 = arith.constant 1.562500e-02 : f32
        %mul3A_1074 = vector.broadcast %mul3A_1073 : f32 to vector<16xf32>
        %mul3A_1075 = arith.mulf %gather3A_1069, %mul3A_1074 : vector<16xf32>
        %mul3A_1076 = arith.mulf %mul3A_1072, %mul3A_1072 : vector<16xf32>
        %sub3A_1077 = arith.subf %mul3A_1075, %mul3A_1076 : vector<16xf32>
        %add3A_1078 = arith.constant 1.562500e-07 : f32
        %add3A_1079 = vector.broadcast %add3A_1078 : f32 to vector<16xf32>
        %add3A_1080 = arith.addf %sub3A_1077, %add3A_1079 : vector<16xf32>
        %bitcast3A_1081 = vector.bitcast %add3A_1080 : vector<16xf32> to vector<16xi32>
        %shift_right_logical3A_1082 = arith.constant 1 : i32
        %shift_right_logical3A_1083 = vector.broadcast %shift_right_logical3A_1082 : i32 to vector<16xi32>
        %shift_right_logical3A_1084 = arith.shrui %bitcast3A_1081, %shift_right_logical3A_1083 : vector<16xi32>
        %sub3A_1085 = arith.constant 1597463007 : i32
        %sub3A_1086 = vector.broadcast %sub3A_1085 : i32 to vector<16xi32>
        %sub3A_1087 = arith.subi %sub3A_1086, %shift_right_logical3A_1084 : vector<16xi32>
        %bitcast3A_1088 = vector.bitcast %sub3A_1087 : vector<16xi32> to vector<16xf32>
        %mul3A_1089 = arith.constant 5.000000e-01 : f32
        %mul3A_1090 = vector.broadcast %mul3A_1089 : f32 to vector<16xf32>
        %mul3A_1091 = arith.mulf %add3A_1080, %mul3A_1090 : vector<16xf32>
        %mul3A_1092 = arith.mulf %mul3A_1091, %bitcast3A_1088 : vector<16xf32>
        %mul3A_1093 = arith.mulf %mul3A_1092, %bitcast3A_1088 : vector<16xf32>
        %sub3A_1094 = arith.constant 1.500000e+00 : f32
        %sub3A_1095 = vector.broadcast %sub3A_1094 : f32 to vector<16xf32>
        %sub3A_1096 = arith.subf %sub3A_1095, %mul3A_1093 : vector<16xf32>
        %mul3A_1097 = arith.mulf %bitcast3A_1088, %sub3A_1096 : vector<16xf32>
        %mul3A_1098 = arith.mulf %mul3A_1091, %mul3A_1097 : vector<16xf32>
        %mul3A_1099 = arith.mulf %mul3A_1098, %mul3A_1097 : vector<16xf32>
        %sub3A_1100 = arith.constant 1.500000e+00 : f32
        %sub3A_1101 = vector.broadcast %sub3A_1100 : f32 to vector<16xf32>
        %sub3A_1102 = arith.subf %sub3A_1101, %mul3A_1099 : vector<16xf32>
        %mul3A_1103 = arith.mulf %mul3A_1097, %sub3A_1102 : vector<16xf32>
        %mul3A_1104 = arith.mulf %mul3A_1072, %mul3A_1103 : vector<16xf32>
        %mul3A_1105 = arith.mulf %get3A_1024, %mul3A_1103 : vector<16xf32>
        %sub3A_1106 = arith.subf %mul3A_1105, %mul3A_1104 : vector<16xf32>
        %mul3A_1107 = arith.mulf %sub3A_1106, %get3A_7 : vector<16xf32>
        %add3A_1108 = arith.addf %mul3A_1107, %get3A_23 : vector<16xf32>
        %swap3A_1109 = arith.index_cast %add3A_1021 : i32 to index
        %swap3A_1110 = arith.constant 0 : index
        %swap3A_1111 = tpu.vector_load %arg10[%swap3A_1109, %swap3A_1110] {strides = array<i32>} : memref<128x64xf32, #tpu.memory_space<vmem>>, vector<16xf32>,
        tpu.vector_store %arg10[%swap3A_1109, %swap3A_1110], %add3A_1108 {strides = array<i32>} : memref<128x64xf32, #tpu.memory_space<vmem>>, vector<16xf32>,
        %mul3A_1112 = arith.mulf %get3A_1027, %mul3A_1103 : vector<16xf32>
        %sub3A_1113 = arith.subf %mul3A_1112, %mul3A_1104 : vector<16xf32>
        %mul3A_1114 = arith.mulf %sub3A_1113, %get3A_11 : vector<16xf32>
        %add3A_1115 = arith.addf %mul3A_1114, %get3A_27 : vector<16xf32>
        %swap3A_1116 = arith.index_cast %add3A_1021 : i32 to index
        %swap3A_1117 = arith.constant 16 : index
        %swap3A_1118 = tpu.vector_load %arg10[%swap3A_1116, %swap3A_1117] {strides = array<i32>} : memref<128x64xf32, #tpu.memory_space<vmem>>, vector<16xf32>,
        tpu.vector_store %arg10[%swap3A_1116, %swap3A_1117], %add3A_1115 {strides = array<i32>} : memref<128x64xf32, #tpu.memory_space<vmem>>, vector<16xf32>,
        %mul3A_1119 = arith.mulf %get3A_1030, %mul3A_1103 : vector<16xf32>
        %sub3A_1120 = arith.subf %mul3A_1119, %mul3A_1104 : vector<16xf32>
        %mul3A_1121 = arith.mulf %sub3A_1120, %get3A_15 : vector<16xf32>
        %add3A_1122 = arith.addf %mul3A_1121, %get3A_31 : vector<16xf32>
        %swap3A_1123 = arith.index_cast %add3A_1021 : i32 to index
        %swap3A_1124 = arith.constant 32 : index
        %swap3A_1125 = tpu.vector_load %arg10[%swap3A_1123, %swap3A_1124] {strides = array<i32>} : memref<128x64xf32, #tpu.memory_space<vmem>>, vector<16xf32>,
        tpu.vector_store %arg10[%swap3A_1123, %swap3A_1124], %add3A_1122 {strides = array<i32>} : memref<128x64xf32, #tpu.memory_space<vmem>>, vector<16xf32>,
        %mul3A_1126 = arith.mulf %get3A_1033, %mul3A_1103 : vector<16xf32>
        %sub3A_1127 = arith.subf %mul3A_1126, %mul3A_1104 : vector<16xf32>
        %mul3A_1128 = arith.mulf %sub3A_1127, %get3A_19 : vector<16xf32>
        %add3A_1129 = arith.addf %mul3A_1128, %get3A_35 : vector<16xf32>
        %swap3A_1130 = arith.index_cast %add3A_1021 : i32 to index
        %swap3A_1131 = arith.constant 48 : index
        %swap3A_1132 = tpu.vector_load %arg10[%swap3A_1130, %swap3A_1131] {strides = array<i32>} : memref<128x64xf32, #tpu.memory_space<vmem>>, vector<16xf32>,
        tpu.vector_store %arg10[%swap3A_1130, %swap3A_1131], %add3A_1129 {strides = array<i32>} : memref<128x64xf32, #tpu.memory_space<vmem>>, vector<16xf32>,
        %mul3A_1133 = arith.constant 8 : i32
        %mul3A_1134 = arith.muli %scan3A_794, %mul3A_1133 : i32
        %add3A_1135 = arith.constant 3 : i32
        %add3A_1136 = arith.addi %mul3A_1134, %add3A_1135 : i32
        %get3A_1137 = arith.index_cast %add3A_1136 : i32 to index
        %get3A_1138 = arith.constant 0 : index
        %get3A_1139 = tpu.vector_load %arg10[%get3A_1137, %get3A_1138] {strides = array<i32>} : memref<128x64xf32, #tpu.memory_space<vmem>>, vector<16xf32>,
        %get3A_1140 = arith.index_cast %add3A_1136 : i32 to index
        %get3A_1141 = arith.constant 16 : index
        %get3A_1142 = tpu.vector_load %arg10[%get3A_1140, %get3A_1141] {strides = array<i32>} : memref<128x64xf32, #tpu.memory_space<vmem>>, vector<16xf32>,
        %get3A_1143 = arith.index_cast %add3A_1136 : i32 to index
        %get3A_1144 = arith.constant 32 : index
        %get3A_1145 = tpu.vector_load %arg10[%get3A_1143, %get3A_1144] {strides = array<i32>} : memref<128x64xf32, #tpu.memory_space<vmem>>, vector<16xf32>,
        %get3A_1146 = arith.index_cast %add3A_1136 : i32 to index
        %get3A_1147 = arith.constant 48 : index
        %get3A_1148 = tpu.vector_load %arg10[%get3A_1146, %get3A_1147] {strides = array<i32>} : memref<128x64xf32, #tpu.memory_space<vmem>>, vector<16xf32>,
        %add3A_1149 = arith.addf %get3A_1139, %get3A_1142 : vector<16xf32>
        %add3A_1150 = arith.addf %get3A_1145, %get3A_1148 : vector<16xf32>
        %add3A_1151 = arith.addf %add3A_1149, %add3A_1150 : vector<16xf32>
        %mul3A_1152 = arith.mulf %get3A_1139, %get3A_1139 : vector<16xf32>
        %mul3A_1153 = arith.mulf %get3A_1142, %get3A_1142 : vector<16xf32>
        %add3A_1154 = arith.addf %mul3A_1152, %mul3A_1153 : vector<16xf32>
        %mul3A_1155 = arith.mulf %get3A_1145, %get3A_1145 : vector<16xf32>
        %mul3A_1156 = arith.mulf %get3A_1148, %get3A_1148 : vector<16xf32>
        %add3A_1157 = arith.addf %mul3A_1155, %mul3A_1156 : vector<16xf32>
        %add3A_1158 = arith.addf %add3A_1154, %add3A_1157 : vector<16xf32>
        %cumsum3A_1159 = arith.constant true
        %cumsum3A_1160 = vector.broadcast %cumsum3A_1159 : i1 to vector<16xi1>
        %cumsum3A_1161 = tpu.scan <sum>, %add3A_1151 masked %cumsum3A_1160 : vector<16xf32>, vector<16xi1> -> vector<16xf32>
        %lt3A_1162 = arith.constant 0 : i32
        %lt3A_1163 = vector.broadcast %lt3A_1162 : i32 to vector<16xi32>
        %lt3A_1164 = arith.cmpi slt, %broadcast_in_dim3A_4, %lt3A_1163 : vector<16xi32>
        %add3A_1165 = arith.constant 16 : i32
        %add3A_1166 = vector.broadcast %add3A_1165 : i32 to vector<16xi32>
        %add3A_1167 = arith.addi %broadcast_in_dim3A_4, %add3A_1166 : vector<16xi32>
        %select_n3A_1168 = arith.select %lt3A_1164, %add3A_1167, %broadcast_in_dim3A_4 : vector<16xi1>, vector<16xi32>
        %reshape3A_1169 = vector.shape_cast %select_n3A_1168 : vector<16xi32> to vector<16x1xi32>
        %gather3A_1170 = vector.shape_cast %reshape3A_1169 : vector<16x1xi32> to vector<16xi32>
        %gather3A_1171 = tpu.dynamic_gather %cumsum3A_1161[%gather3A_1170] in [0] : vector<16xf32>, vector<16xi32> -> vector<16xf32>
        %cumsum3A_1172 = arith.constant true
        %cumsum3A_1173 = vector.broadcast %cumsum3A_1172 : i1 to vector<16xi1>
        %cumsum3A_1174 = tpu.scan <sum>, %add3A_1158 masked %cumsum3A_1173 : vector<16xf32>, vector<16xi1> -> vector<16xf32>
        %lt3A_1175 = arith.constant 0 : i32
        %lt3A_1176 = vector.broadcast %lt3A_1175 : i32 to vector<16xi32>
        %lt3A_1177 = arith.cmpi slt, %broadcast_in_dim3A_4, %lt3A_1176 : vector<16xi32>
        %add3A_1178 = arith.constant 16 : i32
        %add3A_1179 = vector.broadcast %add3A_1178 : i32 to vector<16xi32>
        %add3A_1180 = arith.addi %broadcast_in_dim3A_4, %add3A_1179 : vector<16xi32>
        %select_n3A_1181 = arith.select %lt3A_1177, %add3A_1180, %broadcast_in_dim3A_4 : vector<16xi1>, vector<16xi32>
        %reshape3A_1182 = vector.shape_cast %select_n3A_1181 : vector<16xi32> to vector<16x1xi32>
        %gather3A_1183 = vector.shape_cast %reshape3A_1182 : vector<16x1xi32> to vector<16xi32>
        %gather3A_1184 = tpu.dynamic_gather %cumsum3A_1174[%gather3A_1183] in [0] : vector<16xf32>, vector<16xi32> -> vector<16xf32>
        %mul3A_1185 = arith.constant 1.562500e-02 : f32
        %mul3A_1186 = vector.broadcast %mul3A_1185 : f32 to vector<16xf32>
        %mul3A_1187 = arith.mulf %gather3A_1171, %mul3A_1186 : vector<16xf32>
        %mul3A_1188 = arith.constant 1.562500e-02 : f32
        %mul3A_1189 = vector.broadcast %mul3A_1188 : f32 to vector<16xf32>
        %mul3A_1190 = arith.mulf %gather3A_1184, %mul3A_1189 : vector<16xf32>
        %mul3A_1191 = arith.mulf %mul3A_1187, %mul3A_1187 : vector<16xf32>
        %sub3A_1192 = arith.subf %mul3A_1190, %mul3A_1191 : vector<16xf32>
        %add3A_1193 = arith.constant 1.562500e-07 : f32
        %add3A_1194 = vector.broadcast %add3A_1193 : f32 to vector<16xf32>
        %add3A_1195 = arith.addf %sub3A_1192, %add3A_1194 : vector<16xf32>
        %bitcast3A_1196 = vector.bitcast %add3A_1195 : vector<16xf32> to vector<16xi32>
        %shift_right_logical3A_1197 = arith.constant 1 : i32
        %shift_right_logical3A_1198 = vector.broadcast %shift_right_logical3A_1197 : i32 to vector<16xi32>
        %shift_right_logical3A_1199 = arith.shrui %bitcast3A_1196, %shift_right_logical3A_1198 : vector<16xi32>
        %sub3A_1200 = arith.constant 1597463007 : i32
        %sub3A_1201 = vector.broadcast %sub3A_1200 : i32 to vector<16xi32>
        %sub3A_1202 = arith.subi %sub3A_1201, %shift_right_logical3A_1199 : vector<16xi32>
        %bitcast3A_1203 = vector.bitcast %sub3A_1202 : vector<16xi32> to vector<16xf32>
        %mul3A_1204 = arith.constant 5.000000e-01 : f32
        %mul3A_1205 = vector.broadcast %mul3A_1204 : f32 to vector<16xf32>
        %mul3A_1206 = arith.mulf %add3A_1195, %mul3A_1205 : vector<16xf32>
        %mul3A_1207 = arith.mulf %mul3A_1206, %bitcast3A_1203 : vector<16xf32>
        %mul3A_1208 = arith.mulf %mul3A_1207, %bitcast3A_1203 : vector<16xf32>
        %sub3A_1209 = arith.constant 1.500000e+00 : f32
        %sub3A_1210 = vector.broadcast %sub3A_1209 : f32 to vector<16xf32>
        %sub3A_1211 = arith.subf %sub3A_1210, %mul3A_1208 : vector<16xf32>
        %mul3A_1212 = arith.mulf %bitcast3A_1203, %sub3A_1211 : vector<16xf32>
        %mul3A_1213 = arith.mulf %mul3A_1206, %mul3A_1212 : vector<16xf32>
        %mul3A_1214 = arith.mulf %mul3A_1213, %mul3A_1212 : vector<16xf32>
        %sub3A_1215 = arith.constant 1.500000e+00 : f32
        %sub3A_1216 = vector.broadcast %sub3A_1215 : f32 to vector<16xf32>
        %sub3A_1217 = arith.subf %sub3A_1216, %mul3A_1214 : vector<16xf32>
        %mul3A_1218 = arith.mulf %mul3A_1212, %sub3A_1217 : vector<16xf32>
        %mul3A_1219 = arith.mulf %mul3A_1187, %mul3A_1218 : vector<16xf32>
        %mul3A_1220 = arith.mulf %get3A_1139, %mul3A_1218 : vector<16xf32>
        %sub3A_1221 = arith.subf %mul3A_1220, %mul3A_1219 : vector<16xf32>
        %mul3A_1222 = arith.mulf %sub3A_1221, %get3A_7 : vector<16xf32>
        %add3A_1223 = arith.addf %mul3A_1222, %get3A_23 : vector<16xf32>
        %swap3A_1224 = arith.index_cast %add3A_1136 : i32 to index
        %swap3A_1225 = arith.constant 0 : index
        %swap3A_1226 = tpu.vector_load %arg10[%swap3A_1224, %swap3A_1225] {strides = array<i32>} : memref<128x64xf32, #tpu.memory_space<vmem>>, vector<16xf32>,
        tpu.vector_store %arg10[%swap3A_1224, %swap3A_1225], %add3A_1223 {strides = array<i32>} : memref<128x64xf32, #tpu.memory_space<vmem>>, vector<16xf32>,
        %mul3A_1227 = arith.mulf %get3A_1142, %mul3A_1218 : vector<16xf32>
        %sub3A_1228 = arith.subf %mul3A_1227, %mul3A_1219 : vector<16xf32>
        %mul3A_1229 = arith.mulf %sub3A_1228, %get3A_11 : vector<16xf32>
        %add3A_1230 = arith.addf %mul3A_1229, %get3A_27 : vector<16xf32>
        %swap3A_1231 = arith.index_cast %add3A_1136 : i32 to index
        %swap3A_1232 = arith.constant 16 : index
        %swap3A_1233 = tpu.vector_load %arg10[%swap3A_1231, %swap3A_1232] {strides = array<i32>} : memref<128x64xf32, #tpu.memory_space<vmem>>, vector<16xf32>,
        tpu.vector_store %arg10[%swap3A_1231, %swap3A_1232], %add3A_1230 {strides = array<i32>} : memref<128x64xf32, #tpu.memory_space<vmem>>, vector<16xf32>,
        %mul3A_1234 = arith.mulf %get3A_1145, %mul3A_1218 : vector<16xf32>
        %sub3A_1235 = arith.subf %mul3A_1234, %mul3A_1219 : vector<16xf32>
        %mul3A_1236 = arith.mulf %sub3A_1235, %get3A_15 : vector<16xf32>
        %add3A_1237 = arith.addf %mul3A_1236, %get3A_31 : vector<16xf32>
        %swap3A_1238 = arith.index_cast %add3A_1136 : i32 to index
        %swap3A_1239 = arith.constant 32 : index
        %swap3A_1240 = tpu.vector_load %arg10[%swap3A_1238, %swap3A_1239] {strides = array<i32>} : memref<128x64xf32, #tpu.memory_space<vmem>>, vector<16xf32>,
        tpu.vector_store %arg10[%swap3A_1238, %swap3A_1239], %add3A_1237 {strides = array<i32>} : memref<128x64xf32, #tpu.memory_space<vmem>>, vector<16xf32>,
        %mul3A_1241 = arith.mulf %get3A_1148, %mul3A_1218 : vector<16xf32>
        %sub3A_1242 = arith.subf %mul3A_1241, %mul3A_1219 : vector<16xf32>
        %mul3A_1243 = arith.mulf %sub3A_1242, %get3A_19 : vector<16xf32>
        %add3A_1244 = arith.addf %mul3A_1243, %get3A_35 : vector<16xf32>
        %swap3A_1245 = arith.index_cast %add3A_1136 : i32 to index
        %swap3A_1246 = arith.constant 48 : index
        %swap3A_1247 = tpu.vector_load %arg10[%swap3A_1245, %swap3A_1246] {strides = array<i32>} : memref<128x64xf32, #tpu.memory_space<vmem>>, vector<16xf32>,
        tpu.vector_store %arg10[%swap3A_1245, %swap3A_1246], %add3A_1244 {strides = array<i32>} : memref<128x64xf32, #tpu.memory_space<vmem>>, vector<16xf32>,
        %mul3A_1248 = arith.constant 8 : i32
        %mul3A_1249 = arith.muli %scan3A_794, %mul3A_1248 : i32
        %add3A_1250 = arith.constant 4 : i32
        %add3A_1251 = arith.addi %mul3A_1249, %add3A_1250 : i32
        %get3A_1252 = arith.index_cast %add3A_1251 : i32 to index
        %get3A_1253 = arith.constant 0 : index
        %get3A_1254 = tpu.vector_load %arg10[%get3A_1252, %get3A_1253] {strides = array<i32>} : memref<128x64xf32, #tpu.memory_space<vmem>>, vector<16xf32>,
        %get3A_1255 = arith.index_cast %add3A_1251 : i32 to index
        %get3A_1256 = arith.constant 16 : index
        %get3A_1257 = tpu.vector_load %arg10[%get3A_1255, %get3A_1256] {strides = array<i32>} : memref<128x64xf32, #tpu.memory_space<vmem>>, vector<16xf32>,
        %get3A_1258 = arith.index_cast %add3A_1251 : i32 to index
        %get3A_1259 = arith.constant 32 : index
        %get3A_1260 = tpu.vector_load %arg10[%get3A_1258, %get3A_1259] {strides = array<i32>} : memref<128x64xf32, #tpu.memory_space<vmem>>, vector<16xf32>,
        %get3A_1261 = arith.index_cast %add3A_1251 : i32 to index
        %get3A_1262 = arith.constant 48 : index
        %get3A_1263 = tpu.vector_load %arg10[%get3A_1261, %get3A_1262] {strides = array<i32>} : memref<128x64xf32, #tpu.memory_space<vmem>>, vector<16xf32>,
        %add3A_1264 = arith.addf %get3A_1254, %get3A_1257 : vector<16xf32>
        %add3A_1265 = arith.addf %get3A_1260, %get3A_1263 : vector<16xf32>
        %add3A_1266 = arith.addf %add3A_1264, %add3A_1265 : vector<16xf32>
        %mul3A_1267 = arith.mulf %get3A_1254, %get3A_1254 : vector<16xf32>
        %mul3A_1268 = arith.mulf %get3A_1257, %get3A_1257 : vector<16xf32>
        %add3A_1269 = arith.addf %mul3A_1267, %mul3A_1268 : vector<16xf32>
        %mul3A_1270 = arith.mulf %get3A_1260, %get3A_1260 : vector<16xf32>
        %mul3A_1271 = arith.mulf %get3A_1263, %get3A_1263 : vector<16xf32>
        %add3A_1272 = arith.addf %mul3A_1270, %mul3A_1271 : vector<16xf32>
        %add3A_1273 = arith.addf %add3A_1269, %add3A_1272 : vector<16xf32>
        %cumsum3A_1274 = arith.constant true
        %cumsum3A_1275 = vector.broadcast %cumsum3A_1274 : i1 to vector<16xi1>
        %cumsum3A_1276 = tpu.scan <sum>, %add3A_1266 masked %cumsum3A_1275 : vector<16xf32>, vector<16xi1> -> vector<16xf32>
        %lt3A_1277 = arith.constant 0 : i32
        %lt3A_1278 = vector.broadcast %lt3A_1277 : i32 to vector<16xi32>
        %lt3A_1279 = arith.cmpi slt, %broadcast_in_dim3A_4, %lt3A_1278 : vector<16xi32>
        %add3A_1280 = arith.constant 16 : i32
        %add3A_1281 = vector.broadcast %add3A_1280 : i32 to vector<16xi32>
        %add3A_1282 = arith.addi %broadcast_in_dim3A_4, %add3A_1281 : vector<16xi32>
        %select_n3A_1283 = arith.select %lt3A_1279, %add3A_1282, %broadcast_in_dim3A_4 : vector<16xi1>, vector<16xi32>
        %reshape3A_1284 = vector.shape_cast %select_n3A_1283 : vector<16xi32> to vector<16x1xi32>
        %gather3A_1285 = vector.shape_cast %reshape3A_1284 : vector<16x1xi32> to vector<16xi32>
        %gather3A_1286 = tpu.dynamic_gather %cumsum3A_1276[%gather3A_1285] in [0] : vector<16xf32>, vector<16xi32> -> vector<16xf32>
        %cumsum3A_1287 = arith.constant true
        %cumsum3A_1288 = vector.broadcast %cumsum3A_1287 : i1 to vector<16xi1>
        %cumsum3A_1289 = tpu.scan <sum>, %add3A_1273 masked %cumsum3A_1288 : vector<16xf32>, vector<16xi1> -> vector<16xf32>
        %lt3A_1290 = arith.constant 0 : i32
        %lt3A_1291 = vector.broadcast %lt3A_1290 : i32 to vector<16xi32>
        %lt3A_1292 = arith.cmpi slt, %broadcast_in_dim3A_4, %lt3A_1291 : vector<16xi32>
        %add3A_1293 = arith.constant 16 : i32
        %add3A_1294 = vector.broadcast %add3A_1293 : i32 to vector<16xi32>
        %add3A_1295 = arith.addi %broadcast_in_dim3A_4, %add3A_1294 : vector<16xi32>
        %select_n3A_1296 = arith.select %lt3A_1292, %add3A_1295, %broadcast_in_dim3A_4 : vector<16xi1>, vector<16xi32>
        %reshape3A_1297 = vector.shape_cast %select_n3A_1296 : vector<16xi32> to vector<16x1xi32>
        %gather3A_1298 = vector.shape_cast %reshape3A_1297 : vector<16x1xi32> to vector<16xi32>
        %gather3A_1299 = tpu.dynamic_gather %cumsum3A_1289[%gather3A_1298] in [0] : vector<16xf32>, vector<16xi32> -> vector<16xf32>
        %mul3A_1300 = arith.constant 1.562500e-02 : f32
        %mul3A_1301 = vector.broadcast %mul3A_1300 : f32 to vector<16xf32>
        %mul3A_1302 = arith.mulf %gather3A_1286, %mul3A_1301 : vector<16xf32>
        %mul3A_1303 = arith.constant 1.562500e-02 : f32
        %mul3A_1304 = vector.broadcast %mul3A_1303 : f32 to vector<16xf32>
        %mul3A_1305 = arith.mulf %gather3A_1299, %mul3A_1304 : vector<16xf32>
        %mul3A_1306 = arith.mulf %mul3A_1302, %mul3A_1302 : vector<16xf32>
        %sub3A_1307 = arith.subf %mul3A_1305, %mul3A_1306 : vector<16xf32>
        %add3A_1308 = arith.constant 1.562500e-07 : f32
        %add3A_1309 = vector.broadcast %add3A_1308 : f32 to vector<16xf32>
        %add3A_1310 = arith.addf %sub3A_1307, %add3A_1309 : vector<16xf32>
        %bitcast3A_1311 = vector.bitcast %add3A_1310 : vector<16xf32> to vector<16xi32>
        %shift_right_logical3A_1312 = arith.constant 1 : i32
        %shift_right_logical3A_1313 = vector.broadcast %shift_right_logical3A_1312 : i32 to vector<16xi32>
        %shift_right_logical3A_1314 = arith.shrui %bitcast3A_1311, %shift_right_logical3A_1313 : vector<16xi32>
        %sub3A_1315 = arith.constant 1597463007 : i32
        %sub3A_1316 = vector.broadcast %sub3A_1315 : i32 to vector<16xi32>
        %sub3A_1317 = arith.subi %sub3A_1316, %shift_right_logical3A_1314 : vector<16xi32>
        %bitcast3A_1318 = vector.bitcast %sub3A_1317 : vector<16xi32> to vector<16xf32>
        %mul3A_1319 = arith.constant 5.000000e-01 : f32
        %mul3A_1320 = vector.broadcast %mul3A_1319 : f32 to vector<16xf32>
        %mul3A_1321 = arith.mulf %add3A_1310, %mul3A_1320 : vector<16xf32>
        %mul3A_1322 = arith.mulf %mul3A_1321, %bitcast3A_1318 : vector<16xf32>
        %mul3A_1323 = arith.mulf %mul3A_1322, %bitcast3A_1318 : vector<16xf32>
        %sub3A_1324 = arith.constant 1.500000e+00 : f32
        %sub3A_1325 = vector.broadcast %sub3A_1324 : f32 to vector<16xf32>
        %sub3A_1326 = arith.subf %sub3A_1325, %mul3A_1323 : vector<16xf32>
        %mul3A_1327 = arith.mulf %bitcast3A_1318, %sub3A_1326 : vector<16xf32>
        %mul3A_1328 = arith.mulf %mul3A_1321, %mul3A_1327 : vector<16xf32>
        %mul3A_1329 = arith.mulf %mul3A_1328, %mul3A_1327 : vector<16xf32>
        %sub3A_1330 = arith.constant 1.500000e+00 : f32
        %sub3A_1331 = vector.broadcast %sub3A_1330 : f32 to vector<16xf32>
        %sub3A_1332 = arith.subf %sub3A_1331, %mul3A_1329 : vector<16xf32>
        %mul3A_1333 = arith.mulf %mul3A_1327, %sub3A_1332 : vector<16xf32>
        %mul3A_1334 = arith.mulf %mul3A_1302, %mul3A_1333 : vector<16xf32>
        %mul3A_1335 = arith.mulf %get3A_1254, %mul3A_1333 : vector<16xf32>
        %sub3A_1336 = arith.subf %mul3A_1335, %mul3A_1334 : vector<16xf32>
        %mul3A_1337 = arith.mulf %sub3A_1336, %get3A_7 : vector<16xf32>
        %add3A_1338 = arith.addf %mul3A_1337, %get3A_23 : vector<16xf32>
        %swap3A_1339 = arith.index_cast %add3A_1251 : i32 to index
        %swap3A_1340 = arith.constant 0 : index
        %swap3A_1341 = tpu.vector_load %arg10[%swap3A_1339, %swap3A_1340] {strides = array<i32>} : memref<128x64xf32, #tpu.memory_space<vmem>>, vector<16xf32>,
        tpu.vector_store %arg10[%swap3A_1339, %swap3A_1340], %add3A_1338 {strides = array<i32>} : memref<128x64xf32, #tpu.memory_space<vmem>>, vector<16xf32>,
        %mul3A_1342 = arith.mulf %get3A_1257, %mul3A_1333 : vector<16xf32>
        %sub3A_1343 = arith.subf %mul3A_1342, %mul3A_1334 : vector<16xf32>
        %mul3A_1344 = arith.mulf %sub3A_1343, %get3A_11 : vector<16xf32>
        %add3A_1345 = arith.addf %mul3A_1344, %get3A_27 : vector<16xf32>
        %swap3A_1346 = arith.index_cast %add3A_1251 : i32 to index
        %swap3A_1347 = arith.constant 16 : index
        %swap3A_1348 = tpu.vector_load %arg10[%swap3A_1346, %swap3A_1347] {strides = array<i32>} : memref<128x64xf32, #tpu.memory_space<vmem>>, vector<16xf32>,
        tpu.vector_store %arg10[%swap3A_1346, %swap3A_1347], %add3A_1345 {strides = array<i32>} : memref<128x64xf32, #tpu.memory_space<vmem>>, vector<16xf32>,
        %mul3A_1349 = arith.mulf %get3A_1260, %mul3A_1333 : vector<16xf32>
        %sub3A_1350 = arith.subf %mul3A_1349, %mul3A_1334 : vector<16xf32>
        %mul3A_1351 = arith.mulf %sub3A_1350, %get3A_15 : vector<16xf32>
        %add3A_1352 = arith.addf %mul3A_1351, %get3A_31 : vector<16xf32>
        %swap3A_1353 = arith.index_cast %add3A_1251 : i32 to index
        %swap3A_1354 = arith.constant 32 : index
        %swap3A_1355 = tpu.vector_load %arg10[%swap3A_1353, %swap3A_1354] {strides = array<i32>} : memref<128x64xf32, #tpu.memory_space<vmem>>, vector<16xf32>,
        tpu.vector_store %arg10[%swap3A_1353, %swap3A_1354], %add3A_1352 {strides = array<i32>} : memref<128x64xf32, #tpu.memory_space<vmem>>, vector<16xf32>,
        %mul3A_1356 = arith.mulf %get3A_1263, %mul3A_1333 : vector<16xf32>
        %sub3A_1357 = arith.subf %mul3A_1356, %mul3A_1334 : vector<16xf32>
        %mul3A_1358 = arith.mulf %sub3A_1357, %get3A_19 : vector<16xf32>
        %add3A_1359 = arith.addf %mul3A_1358, %get3A_35 : vector<16xf32>
        %swap3A_1360 = arith.index_cast %add3A_1251 : i32 to index
        %swap3A_1361 = arith.constant 48 : index
        %swap3A_1362 = tpu.vector_load %arg10[%swap3A_1360, %swap3A_1361] {strides = array<i32>} : memref<128x64xf32, #tpu.memory_space<vmem>>, vector<16xf32>,
        tpu.vector_store %arg10[%swap3A_1360, %swap3A_1361], %add3A_1359 {strides = array<i32>} : memref<128x64xf32, #tpu.memory_space<vmem>>, vector<16xf32>,
        %mul3A_1363 = arith.constant 8 : i32
        %mul3A_1364 = arith.muli %scan3A_794, %mul3A_1363 : i32
        %add3A_1365 = arith.constant 5 : i32
        %add3A_1366 = arith.addi %mul3A_1364, %add3A_1365 : i32
        %get3A_1367 = arith.index_cast %add3A_1366 : i32 to index
        %get3A_1368 = arith.constant 0 : index
        %get3A_1369 = tpu.vector_load %arg10[%get3A_1367, %get3A_1368] {strides = array<i32>} : memref<128x64xf32, #tpu.memory_space<vmem>>, vector<16xf32>,
        %get3A_1370 = arith.index_cast %add3A_1366 : i32 to index
        %get3A_1371 = arith.constant 16 : index
        %get3A_1372 = tpu.vector_load %arg10[%get3A_1370, %get3A_1371] {strides = array<i32>} : memref<128x64xf32, #tpu.memory_space<vmem>>, vector<16xf32>,
        %get3A_1373 = arith.index_cast %add3A_1366 : i32 to index
        %get3A_1374 = arith.constant 32 : index
        %get3A_1375 = tpu.vector_load %arg10[%get3A_1373, %get3A_1374] {strides = array<i32>} : memref<128x64xf32, #tpu.memory_space<vmem>>, vector<16xf32>,
        %get3A_1376 = arith.index_cast %add3A_1366 : i32 to index
        %get3A_1377 = arith.constant 48 : index
        %get3A_1378 = tpu.vector_load %arg10[%get3A_1376, %get3A_1377] {strides = array<i32>} : memref<128x64xf32, #tpu.memory_space<vmem>>, vector<16xf32>,
        %add3A_1379 = arith.addf %get3A_1369, %get3A_1372 : vector<16xf32>
        %add3A_1380 = arith.addf %get3A_1375, %get3A_1378 : vector<16xf32>
        %add3A_1381 = arith.addf %add3A_1379, %add3A_1380 : vector<16xf32>
        %mul3A_1382 = arith.mulf %get3A_1369, %get3A_1369 : vector<16xf32>
        %mul3A_1383 = arith.mulf %get3A_1372, %get3A_1372 : vector<16xf32>
        %add3A_1384 = arith.addf %mul3A_1382, %mul3A_1383 : vector<16xf32>
        %mul3A_1385 = arith.mulf %get3A_1375, %get3A_1375 : vector<16xf32>
        %mul3A_1386 = arith.mulf %get3A_1378, %get3A_1378 : vector<16xf32>
        %add3A_1387 = arith.addf %mul3A_1385, %mul3A_1386 : vector<16xf32>
        %add3A_1388 = arith.addf %add3A_1384, %add3A_1387 : vector<16xf32>
        %cumsum3A_1389 = arith.constant true
        %cumsum3A_1390 = vector.broadcast %cumsum3A_1389 : i1 to vector<16xi1>
        %cumsum3A_1391 = tpu.scan <sum>, %add3A_1381 masked %cumsum3A_1390 : vector<16xf32>, vector<16xi1> -> vector<16xf32>
        %lt3A_1392 = arith.constant 0 : i32
        %lt3A_1393 = vector.broadcast %lt3A_1392 : i32 to vector<16xi32>
        %lt3A_1394 = arith.cmpi slt, %broadcast_in_dim3A_4, %lt3A_1393 : vector<16xi32>
        %add3A_1395 = arith.constant 16 : i32
        %add3A_1396 = vector.broadcast %add3A_1395 : i32 to vector<16xi32>
        %add3A_1397 = arith.addi %broadcast_in_dim3A_4, %add3A_1396 : vector<16xi32>
        %select_n3A_1398 = arith.select %lt3A_1394, %add3A_1397, %broadcast_in_dim3A_4 : vector<16xi1>, vector<16xi32>
        %reshape3A_1399 = vector.shape_cast %select_n3A_1398 : vector<16xi32> to vector<16x1xi32>
        %gather3A_1400 = vector.shape_cast %reshape3A_1399 : vector<16x1xi32> to vector<16xi32>
        %gather3A_1401 = tpu.dynamic_gather %cumsum3A_1391[%gather3A_1400] in [0] : vector<16xf32>, vector<16xi32> -> vector<16xf32>
        %cumsum3A_1402 = arith.constant true
        %cumsum3A_1403 = vector.broadcast %cumsum3A_1402 : i1 to vector<16xi1>
        %cumsum3A_1404 = tpu.scan <sum>, %add3A_1388 masked %cumsum3A_1403 : vector<16xf32>, vector<16xi1> -> vector<16xf32>
        %lt3A_1405 = arith.constant 0 : i32
        %lt3A_1406 = vector.broadcast %lt3A_1405 : i32 to vector<16xi32>
        %lt3A_1407 = arith.cmpi slt, %broadcast_in_dim3A_4, %lt3A_1406 : vector<16xi32>
        %add3A_1408 = arith.constant 16 : i32
        %add3A_1409 = vector.broadcast %add3A_1408 : i32 to vector<16xi32>
        %add3A_1410 = arith.addi %broadcast_in_dim3A_4, %add3A_1409 : vector<16xi32>
        %select_n3A_1411 = arith.select %lt3A_1407, %add3A_1410, %broadcast_in_dim3A_4 : vector<16xi1>, vector<16xi32>
        %reshape3A_1412 = vector.shape_cast %select_n3A_1411 : vector<16xi32> to vector<16x1xi32>
        %gather3A_1413 = vector.shape_cast %reshape3A_1412 : vector<16x1xi32> to vector<16xi32>
        %gather3A_1414 = tpu.dynamic_gather %cumsum3A_1404[%gather3A_1413] in [0] : vector<16xf32>, vector<16xi32> -> vector<16xf32>
        %mul3A_1415 = arith.constant 1.562500e-02 : f32
        %mul3A_1416 = vector.broadcast %mul3A_1415 : f32 to vector<16xf32>
        %mul3A_1417 = arith.mulf %gather3A_1401, %mul3A_1416 : vector<16xf32>
        %mul3A_1418 = arith.constant 1.562500e-02 : f32
        %mul3A_1419 = vector.broadcast %mul3A_1418 : f32 to vector<16xf32>
        %mul3A_1420 = arith.mulf %gather3A_1414, %mul3A_1419 : vector<16xf32>
        %mul3A_1421 = arith.mulf %mul3A_1417, %mul3A_1417 : vector<16xf32>
        %sub3A_1422 = arith.subf %mul3A_1420, %mul3A_1421 : vector<16xf32>
        %add3A_1423 = arith.constant 1.562500e-07 : f32
        %add3A_1424 = vector.broadcast %add3A_1423 : f32 to vector<16xf32>
        %add3A_1425 = arith.addf %sub3A_1422, %add3A_1424 : vector<16xf32>
        %bitcast3A_1426 = vector.bitcast %add3A_1425 : vector<16xf32> to vector<16xi32>
        %shift_right_logical3A_1427 = arith.constant 1 : i32
        %shift_right_logical3A_1428 = vector.broadcast %shift_right_logical3A_1427 : i32 to vector<16xi32>
        %shift_right_logical3A_1429 = arith.shrui %bitcast3A_1426, %shift_right_logical3A_1428 : vector<16xi32>
        %sub3A_1430 = arith.constant 1597463007 : i32
        %sub3A_1431 = vector.broadcast %sub3A_1430 : i32 to vector<16xi32>
        %sub3A_1432 = arith.subi %sub3A_1431, %shift_right_logical3A_1429 : vector<16xi32>
        %bitcast3A_1433 = vector.bitcast %sub3A_1432 : vector<16xi32> to vector<16xf32>
        %mul3A_1434 = arith.constant 5.000000e-01 : f32
        %mul3A_1435 = vector.broadcast %mul3A_1434 : f32 to vector<16xf32>
        %mul3A_1436 = arith.mulf %add3A_1425, %mul3A_1435 : vector<16xf32>
        %mul3A_1437 = arith.mulf %mul3A_1436, %bitcast3A_1433 : vector<16xf32>
        %mul3A_1438 = arith.mulf %mul3A_1437, %bitcast3A_1433 : vector<16xf32>
        %sub3A_1439 = arith.constant 1.500000e+00 : f32
        %sub3A_1440 = vector.broadcast %sub3A_1439 : f32 to vector<16xf32>
        %sub3A_1441 = arith.subf %sub3A_1440, %mul3A_1438 : vector<16xf32>
        %mul3A_1442 = arith.mulf %bitcast3A_1433, %sub3A_1441 : vector<16xf32>
        %mul3A_1443 = arith.mulf %mul3A_1436, %mul3A_1442 : vector<16xf32>
        %mul3A_1444 = arith.mulf %mul3A_1443, %mul3A_1442 : vector<16xf32>
        %sub3A_1445 = arith.constant 1.500000e+00 : f32
        %sub3A_1446 = vector.broadcast %sub3A_1445 : f32 to vector<16xf32>
        %sub3A_1447 = arith.subf %sub3A_1446, %mul3A_1444 : vector<16xf32>
        %mul3A_1448 = arith.mulf %mul3A_1442, %sub3A_1447 : vector<16xf32>
        %mul3A_1449 = arith.mulf %mul3A_1417, %mul3A_1448 : vector<16xf32>
        %mul3A_1450 = arith.mulf %get3A_1369, %mul3A_1448 : vector<16xf32>
        %sub3A_1451 = arith.subf %mul3A_1450, %mul3A_1449 : vector<16xf32>
        %mul3A_1452 = arith.mulf %sub3A_1451, %get3A_7 : vector<16xf32>
        %add3A_1453 = arith.addf %mul3A_1452, %get3A_23 : vector<16xf32>
        %swap3A_1454 = arith.index_cast %add3A_1366 : i32 to index
        %swap3A_1455 = arith.constant 0 : index
        %swap3A_1456 = tpu.vector_load %arg10[%swap3A_1454, %swap3A_1455] {strides = array<i32>} : memref<128x64xf32, #tpu.memory_space<vmem>>, vector<16xf32>,
        tpu.vector_store %arg10[%swap3A_1454, %swap3A_1455], %add3A_1453 {strides = array<i32>} : memref<128x64xf32, #tpu.memory_space<vmem>>, vector<16xf32>,
        %mul3A_1457 = arith.mulf %get3A_1372, %mul3A_1448 : vector<16xf32>
        %sub3A_1458 = arith.subf %mul3A_1457, %mul3A_1449 : vector<16xf32>
        %mul3A_1459 = arith.mulf %sub3A_1458, %get3A_11 : vector<16xf32>
        %add3A_1460 = arith.addf %mul3A_1459, %get3A_27 : vector<16xf32>
        %swap3A_1461 = arith.index_cast %add3A_1366 : i32 to index
        %swap3A_1462 = arith.constant 16 : index
        %swap3A_1463 = tpu.vector_load %arg10[%swap3A_1461, %swap3A_1462] {strides = array<i32>} : memref<128x64xf32, #tpu.memory_space<vmem>>, vector<16xf32>,
        tpu.vector_store %arg10[%swap3A_1461, %swap3A_1462], %add3A_1460 {strides = array<i32>} : memref<128x64xf32, #tpu.memory_space<vmem>>, vector<16xf32>,
        %mul3A_1464 = arith.mulf %get3A_1375, %mul3A_1448 : vector<16xf32>
        %sub3A_1465 = arith.subf %mul3A_1464, %mul3A_1449 : vector<16xf32>
        %mul3A_1466 = arith.mulf %sub3A_1465, %get3A_15 : vector<16xf32>
        %add3A_1467 = arith.addf %mul3A_1466, %get3A_31 : vector<16xf32>
        %swap3A_1468 = arith.index_cast %add3A_1366 : i32 to index
        %swap3A_1469 = arith.constant 32 : index
        %swap3A_1470 = tpu.vector_load %arg10[%swap3A_1468, %swap3A_1469] {strides = array<i32>} : memref<128x64xf32, #tpu.memory_space<vmem>>, vector<16xf32>,
        tpu.vector_store %arg10[%swap3A_1468, %swap3A_1469], %add3A_1467 {strides = array<i32>} : memref<128x64xf32, #tpu.memory_space<vmem>>, vector<16xf32>,
        %mul3A_1471 = arith.mulf %get3A_1378, %mul3A_1448 : vector<16xf32>
        %sub3A_1472 = arith.subf %mul3A_1471, %mul3A_1449 : vector<16xf32>
        %mul3A_1473 = arith.mulf %sub3A_1472, %get3A_19 : vector<16xf32>
        %add3A_1474 = arith.addf %mul3A_1473, %get3A_35 : vector<16xf32>
        %swap3A_1475 = arith.index_cast %add3A_1366 : i32 to index
        %swap3A_1476 = arith.constant 48 : index
        %swap3A_1477 = tpu.vector_load %arg10[%swap3A_1475, %swap3A_1476] {strides = array<i32>} : memref<128x64xf32, #tpu.memory_space<vmem>>, vector<16xf32>,
        tpu.vector_store %arg10[%swap3A_1475, %swap3A_1476], %add3A_1474 {strides = array<i32>} : memref<128x64xf32, #tpu.memory_space<vmem>>, vector<16xf32>,
        %mul3A_1478 = arith.constant 8 : i32
        %mul3A_1479 = arith.muli %scan3A_794, %mul3A_1478 : i32
        %add3A_1480 = arith.constant 6 : i32
        %add3A_1481 = arith.addi %mul3A_1479, %add3A_1480 : i32
        %get3A_1482 = arith.index_cast %add3A_1481 : i32 to index
        %get3A_1483 = arith.constant 0 : index
        %get3A_1484 = tpu.vector_load %arg10[%get3A_1482, %get3A_1483] {strides = array<i32>} : memref<128x64xf32, #tpu.memory_space<vmem>>, vector<16xf32>,
        %get3A_1485 = arith.index_cast %add3A_1481 : i32 to index
        %get3A_1486 = arith.constant 16 : index
        %get3A_1487 = tpu.vector_load %arg10[%get3A_1485, %get3A_1486] {strides = array<i32>} : memref<128x64xf32, #tpu.memory_space<vmem>>, vector<16xf32>,
        %get3A_1488 = arith.index_cast %add3A_1481 : i32 to index
        %get3A_1489 = arith.constant 32 : index
        %get3A_1490 = tpu.vector_load %arg10[%get3A_1488, %get3A_1489] {strides = array<i32>} : memref<128x64xf32, #tpu.memory_space<vmem>>, vector<16xf32>,
        %get3A_1491 = arith.index_cast %add3A_1481 : i32 to index
        %get3A_1492 = arith.constant 48 : index
        %get3A_1493 = tpu.vector_load %arg10[%get3A_1491, %get3A_1492] {strides = array<i32>} : memref<128x64xf32, #tpu.memory_space<vmem>>, vector<16xf32>,
        %add3A_1494 = arith.addf %get3A_1484, %get3A_1487 : vector<16xf32>
        %add3A_1495 = arith.addf %get3A_1490, %get3A_1493 : vector<16xf32>
        %add3A_1496 = arith.addf %add3A_1494, %add3A_1495 : vector<16xf32>
        %mul3A_1497 = arith.mulf %get3A_1484, %get3A_1484 : vector<16xf32>
        %mul3A_1498 = arith.mulf %get3A_1487, %get3A_1487 : vector<16xf32>
        %add3A_1499 = arith.addf %mul3A_1497, %mul3A_1498 : vector<16xf32>
        %mul3A_1500 = arith.mulf %get3A_1490, %get3A_1490 : vector<16xf32>
        %mul3A_1501 = arith.mulf %get3A_1493, %get3A_1493 : vector<16xf32>
        %add3A_1502 = arith.addf %mul3A_1500, %mul3A_1501 : vector<16xf32>
        %add3A_1503 = arith.addf %add3A_1499, %add3A_1502 : vector<16xf32>
        %cumsum3A_1504 = arith.constant true
        %cumsum3A_1505 = vector.broadcast %cumsum3A_1504 : i1 to vector<16xi1>
        %cumsum3A_1506 = tpu.scan <sum>, %add3A_1496 masked %cumsum3A_1505 : vector<16xf32>, vector<16xi1> -> vector<16xf32>
        %lt3A_1507 = arith.constant 0 : i32
        %lt3A_1508 = vector.broadcast %lt3A_1507 : i32 to vector<16xi32>
        %lt3A_1509 = arith.cmpi slt, %broadcast_in_dim3A_4, %lt3A_1508 : vector<16xi32>
        %add3A_1510 = arith.constant 16 : i32
        %add3A_1511 = vector.broadcast %add3A_1510 : i32 to vector<16xi32>
        %add3A_1512 = arith.addi %broadcast_in_dim3A_4, %add3A_1511 : vector<16xi32>
        %select_n3A_1513 = arith.select %lt3A_1509, %add3A_1512, %broadcast_in_dim3A_4 : vector<16xi1>, vector<16xi32>
        %reshape3A_1514 = vector.shape_cast %select_n3A_1513 : vector<16xi32> to vector<16x1xi32>
        %gather3A_1515 = vector.shape_cast %reshape3A_1514 : vector<16x1xi32> to vector<16xi32>
        %gather3A_1516 = tpu.dynamic_gather %cumsum3A_1506[%gather3A_1515] in [0] : vector<16xf32>, vector<16xi32> -> vector<16xf32>
        %cumsum3A_1517 = arith.constant true
        %cumsum3A_1518 = vector.broadcast %cumsum3A_1517 : i1 to vector<16xi1>
        %cumsum3A_1519 = tpu.scan <sum>, %add3A_1503 masked %cumsum3A_1518 : vector<16xf32>, vector<16xi1> -> vector<16xf32>
        %lt3A_1520 = arith.constant 0 : i32
        %lt3A_1521 = vector.broadcast %lt3A_1520 : i32 to vector<16xi32>
        %lt3A_1522 = arith.cmpi slt, %broadcast_in_dim3A_4, %lt3A_1521 : vector<16xi32>
        %add3A_1523 = arith.constant 16 : i32
        %add3A_1524 = vector.broadcast %add3A_1523 : i32 to vector<16xi32>
        %add3A_1525 = arith.addi %broadcast_in_dim3A_4, %add3A_1524 : vector<16xi32>
        %select_n3A_1526 = arith.select %lt3A_1522, %add3A_1525, %broadcast_in_dim3A_4 : vector<16xi1>, vector<16xi32>
        %reshape3A_1527 = vector.shape_cast %select_n3A_1526 : vector<16xi32> to vector<16x1xi32>
        %gather3A_1528 = vector.shape_cast %reshape3A_1527 : vector<16x1xi32> to vector<16xi32>
        %gather3A_1529 = tpu.dynamic_gather %cumsum3A_1519[%gather3A_1528] in [0] : vector<16xf32>, vector<16xi32> -> vector<16xf32>
        %mul3A_1530 = arith.constant 1.562500e-02 : f32
        %mul3A_1531 = vector.broadcast %mul3A_1530 : f32 to vector<16xf32>
        %mul3A_1532 = arith.mulf %gather3A_1516, %mul3A_1531 : vector<16xf32>
        %mul3A_1533 = arith.constant 1.562500e-02 : f32
        %mul3A_1534 = vector.broadcast %mul3A_1533 : f32 to vector<16xf32>
        %mul3A_1535 = arith.mulf %gather3A_1529, %mul3A_1534 : vector<16xf32>
        %mul3A_1536 = arith.mulf %mul3A_1532, %mul3A_1532 : vector<16xf32>
        %sub3A_1537 = arith.subf %mul3A_1535, %mul3A_1536 : vector<16xf32>
        %add3A_1538 = arith.constant 1.562500e-07 : f32
        %add3A_1539 = vector.broadcast %add3A_1538 : f32 to vector<16xf32>
        %add3A_1540 = arith.addf %sub3A_1537, %add3A_1539 : vector<16xf32>
        %bitcast3A_1541 = vector.bitcast %add3A_1540 : vector<16xf32> to vector<16xi32>
        %shift_right_logical3A_1542 = arith.constant 1 : i32
        %shift_right_logical3A_1543 = vector.broadcast %shift_right_logical3A_1542 : i32 to vector<16xi32>
        %shift_right_logical3A_1544 = arith.shrui %bitcast3A_1541, %shift_right_logical3A_1543 : vector<16xi32>
        %sub3A_1545 = arith.constant 1597463007 : i32
        %sub3A_1546 = vector.broadcast %sub3A_1545 : i32 to vector<16xi32>
        %sub3A_1547 = arith.subi %sub3A_1546, %shift_right_logical3A_1544 : vector<16xi32>
        %bitcast3A_1548 = vector.bitcast %sub3A_1547 : vector<16xi32> to vector<16xf32>
        %mul3A_1549 = arith.constant 5.000000e-01 : f32
        %mul3A_1550 = vector.broadcast %mul3A_1549 : f32 to vector<16xf32>
        %mul3A_1551 = arith.mulf %add3A_1540, %mul3A_1550 : vector<16xf32>
        %mul3A_1552 = arith.mulf %mul3A_1551, %bitcast3A_1548 : vector<16xf32>
        %mul3A_1553 = arith.mulf %mul3A_1552, %bitcast3A_1548 : vector<16xf32>
        %sub3A_1554 = arith.constant 1.500000e+00 : f32
        %sub3A_1555 = vector.broadcast %sub3A_1554 : f32 to vector<16xf32>
        %sub3A_1556 = arith.subf %sub3A_1555, %mul3A_1553 : vector<16xf32>
        %mul3A_1557 = arith.mulf %bitcast3A_1548, %sub3A_1556 : vector<16xf32>
        %mul3A_1558 = arith.mulf %mul3A_1551, %mul3A_1557 : vector<16xf32>
        %mul3A_1559 = arith.mulf %mul3A_1558, %mul3A_1557 : vector<16xf32>
        %sub3A_1560 = arith.constant 1.500000e+00 : f32
        %sub3A_1561 = vector.broadcast %sub3A_1560 : f32 to vector<16xf32>
        %sub3A_1562 = arith.subf %sub3A_1561, %mul3A_1559 : vector<16xf32>
        %mul3A_1563 = arith.mulf %mul3A_1557, %sub3A_1562 : vector<16xf32>
        %mul3A_1564 = arith.mulf %mul3A_1532, %mul3A_1563 : vector<16xf32>
        %mul3A_1565 = arith.mulf %get3A_1484, %mul3A_1563 : vector<16xf32>
        %sub3A_1566 = arith.subf %mul3A_1565, %mul3A_1564 : vector<16xf32>
        %mul3A_1567 = arith.mulf %sub3A_1566, %get3A_7 : vector<16xf32>
        %add3A_1568 = arith.addf %mul3A_1567, %get3A_23 : vector<16xf32>
        %swap3A_1569 = arith.index_cast %add3A_1481 : i32 to index
        %swap3A_1570 = arith.constant 0 : index
        %swap3A_1571 = tpu.vector_load %arg10[%swap3A_1569, %swap3A_1570] {strides = array<i32>} : memref<128x64xf32, #tpu.memory_space<vmem>>, vector<16xf32>,
        tpu.vector_store %arg10[%swap3A_1569, %swap3A_1570], %add3A_1568 {strides = array<i32>} : memref<128x64xf32, #tpu.memory_space<vmem>>, vector<16xf32>,
        %mul3A_1572 = arith.mulf %get3A_1487, %mul3A_1563 : vector<16xf32>
        %sub3A_1573 = arith.subf %mul3A_1572, %mul3A_1564 : vector<16xf32>
        %mul3A_1574 = arith.mulf %sub3A_1573, %get3A_11 : vector<16xf32>
        %add3A_1575 = arith.addf %mul3A_1574, %get3A_27 : vector<16xf32>
        %swap3A_1576 = arith.index_cast %add3A_1481 : i32 to index
        %swap3A_1577 = arith.constant 16 : index
        %swap3A_1578 = tpu.vector_load %arg10[%swap3A_1576, %swap3A_1577] {strides = array<i32>} : memref<128x64xf32, #tpu.memory_space<vmem>>, vector<16xf32>,
        tpu.vector_store %arg10[%swap3A_1576, %swap3A_1577], %add3A_1575 {strides = array<i32>} : memref<128x64xf32, #tpu.memory_space<vmem>>, vector<16xf32>,
        %mul3A_1579 = arith.mulf %get3A_1490, %mul3A_1563 : vector<16xf32>
        %sub3A_1580 = arith.subf %mul3A_1579, %mul3A_1564 : vector<16xf32>
        %mul3A_1581 = arith.mulf %sub3A_1580, %get3A_15 : vector<16xf32>
        %add3A_1582 = arith.addf %mul3A_1581, %get3A_31 : vector<16xf32>
        %swap3A_1583 = arith.index_cast %add3A_1481 : i32 to index
        %swap3A_1584 = arith.constant 32 : index
        %swap3A_1585 = tpu.vector_load %arg10[%swap3A_1583, %swap3A_1584] {strides = array<i32>} : memref<128x64xf32, #tpu.memory_space<vmem>>, vector<16xf32>,
        tpu.vector_store %arg10[%swap3A_1583, %swap3A_1584], %add3A_1582 {strides = array<i32>} : memref<128x64xf32, #tpu.memory_space<vmem>>, vector<16xf32>,
        %mul3A_1586 = arith.mulf %get3A_1493, %mul3A_1563 : vector<16xf32>
        %sub3A_1587 = arith.subf %mul3A_1586, %mul3A_1564 : vector<16xf32>
        %mul3A_1588 = arith.mulf %sub3A_1587, %get3A_19 : vector<16xf32>
        %add3A_1589 = arith.addf %mul3A_1588, %get3A_35 : vector<16xf32>
        %swap3A_1590 = arith.index_cast %add3A_1481 : i32 to index
        %swap3A_1591 = arith.constant 48 : index
        %swap3A_1592 = tpu.vector_load %arg10[%swap3A_1590, %swap3A_1591] {strides = array<i32>} : memref<128x64xf32, #tpu.memory_space<vmem>>, vector<16xf32>,
        tpu.vector_store %arg10[%swap3A_1590, %swap3A_1591], %add3A_1589 {strides = array<i32>} : memref<128x64xf32, #tpu.memory_space<vmem>>, vector<16xf32>,
        %mul3A_1593 = arith.constant 8 : i32
        %mul3A_1594 = arith.muli %scan3A_794, %mul3A_1593 : i32
        %add3A_1595 = arith.constant 7 : i32
        %add3A_1596 = arith.addi %mul3A_1594, %add3A_1595 : i32
        %get3A_1597 = arith.index_cast %add3A_1596 : i32 to index
        %get3A_1598 = arith.constant 0 : index
        %get3A_1599 = tpu.vector_load %arg10[%get3A_1597, %get3A_1598] {strides = array<i32>} : memref<128x64xf32, #tpu.memory_space<vmem>>, vector<16xf32>,
        %get3A_1600 = arith.index_cast %add3A_1596 : i32 to index
        %get3A_1601 = arith.constant 16 : index
        %get3A_1602 = tpu.vector_load %arg10[%get3A_1600, %get3A_1601] {strides = array<i32>} : memref<128x64xf32, #tpu.memory_space<vmem>>, vector<16xf32>,
        %get3A_1603 = arith.index_cast %add3A_1596 : i32 to index
        %get3A_1604 = arith.constant 32 : index
        %get3A_1605 = tpu.vector_load %arg10[%get3A_1603, %get3A_1604] {strides = array<i32>} : memref<128x64xf32, #tpu.memory_space<vmem>>, vector<16xf32>,
        %get3A_1606 = arith.index_cast %add3A_1596 : i32 to index
        %get3A_1607 = arith.constant 48 : index
        %get3A_1608 = tpu.vector_load %arg10[%get3A_1606, %get3A_1607] {strides = array<i32>} : memref<128x64xf32, #tpu.memory_space<vmem>>, vector<16xf32>,
        %add3A_1609 = arith.addf %get3A_1599, %get3A_1602 : vector<16xf32>
        %add3A_1610 = arith.addf %get3A_1605, %get3A_1608 : vector<16xf32>
        %add3A_1611 = arith.addf %add3A_1609, %add3A_1610 : vector<16xf32>
        %mul3A_1612 = arith.mulf %get3A_1599, %get3A_1599 : vector<16xf32>
        %mul3A_1613 = arith.mulf %get3A_1602, %get3A_1602 : vector<16xf32>
        %add3A_1614 = arith.addf %mul3A_1612, %mul3A_1613 : vector<16xf32>
        %mul3A_1615 = arith.mulf %get3A_1605, %get3A_1605 : vector<16xf32>
        %mul3A_1616 = arith.mulf %get3A_1608, %get3A_1608 : vector<16xf32>
        %add3A_1617 = arith.addf %mul3A_1615, %mul3A_1616 : vector<16xf32>
        %add3A_1618 = arith.addf %add3A_1614, %add3A_1617 : vector<16xf32>
        %cumsum3A_1619 = arith.constant true
        %cumsum3A_1620 = vector.broadcast %cumsum3A_1619 : i1 to vector<16xi1>
        %cumsum3A_1621 = tpu.scan <sum>, %add3A_1611 masked %cumsum3A_1620 : vector<16xf32>, vector<16xi1> -> vector<16xf32>
        %lt3A_1622 = arith.constant 0 : i32
        %lt3A_1623 = vector.broadcast %lt3A_1622 : i32 to vector<16xi32>
        %lt3A_1624 = arith.cmpi slt, %broadcast_in_dim3A_4, %lt3A_1623 : vector<16xi32>
        %add3A_1625 = arith.constant 16 : i32
        %add3A_1626 = vector.broadcast %add3A_1625 : i32 to vector<16xi32>
        %add3A_1627 = arith.addi %broadcast_in_dim3A_4, %add3A_1626 : vector<16xi32>
        %select_n3A_1628 = arith.select %lt3A_1624, %add3A_1627, %broadcast_in_dim3A_4 : vector<16xi1>, vector<16xi32>
        %reshape3A_1629 = vector.shape_cast %select_n3A_1628 : vector<16xi32> to vector<16x1xi32>
        %gather3A_1630 = vector.shape_cast %reshape3A_1629 : vector<16x1xi32> to vector<16xi32>
        %gather3A_1631 = tpu.dynamic_gather %cumsum3A_1621[%gather3A_1630] in [0] : vector<16xf32>, vector<16xi32> -> vector<16xf32>
        %cumsum3A_1632 = arith.constant true
        %cumsum3A_1633 = vector.broadcast %cumsum3A_1632 : i1 to vector<16xi1>
        %cumsum3A_1634 = tpu.scan <sum>, %add3A_1618 masked %cumsum3A_1633 : vector<16xf32>, vector<16xi1> -> vector<16xf32>
        %lt3A_1635 = arith.constant 0 : i32
        %lt3A_1636 = vector.broadcast %lt3A_1635 : i32 to vector<16xi32>
        %lt3A_1637 = arith.cmpi slt, %broadcast_in_dim3A_4, %lt3A_1636 : vector<16xi32>
        %add3A_1638 = arith.constant 16 : i32
        %add3A_1639 = vector.broadcast %add3A_1638 : i32 to vector<16xi32>
        %add3A_1640 = arith.addi %broadcast_in_dim3A_4, %add3A_1639 : vector<16xi32>
        %select_n3A_1641 = arith.select %lt3A_1637, %add3A_1640, %broadcast_in_dim3A_4 : vector<16xi1>, vector<16xi32>
        %reshape3A_1642 = vector.shape_cast %select_n3A_1641 : vector<16xi32> to vector<16x1xi32>
        %gather3A_1643 = vector.shape_cast %reshape3A_1642 : vector<16x1xi32> to vector<16xi32>
        %gather3A_1644 = tpu.dynamic_gather %cumsum3A_1634[%gather3A_1643] in [0] : vector<16xf32>, vector<16xi32> -> vector<16xf32>
        %mul3A_1645 = arith.constant 1.562500e-02 : f32
        %mul3A_1646 = vector.broadcast %mul3A_1645 : f32 to vector<16xf32>
        %mul3A_1647 = arith.mulf %gather3A_1631, %mul3A_1646 : vector<16xf32>
        %mul3A_1648 = arith.constant 1.562500e-02 : f32
        %mul3A_1649 = vector.broadcast %mul3A_1648 : f32 to vector<16xf32>
        %mul3A_1650 = arith.mulf %gather3A_1644, %mul3A_1649 : vector<16xf32>
        %mul3A_1651 = arith.mulf %mul3A_1647, %mul3A_1647 : vector<16xf32>
        %sub3A_1652 = arith.subf %mul3A_1650, %mul3A_1651 : vector<16xf32>
        %add3A_1653 = arith.constant 1.562500e-07 : f32
        %add3A_1654 = vector.broadcast %add3A_1653 : f32 to vector<16xf32>
        %add3A_1655 = arith.addf %sub3A_1652, %add3A_1654 : vector<16xf32>
        %bitcast3A_1656 = vector.bitcast %add3A_1655 : vector<16xf32> to vector<16xi32>
        %shift_right_logical3A_1657 = arith.constant 1 : i32
        %shift_right_logical3A_1658 = vector.broadcast %shift_right_logical3A_1657 : i32 to vector<16xi32>
        %shift_right_logical3A_1659 = arith.shrui %bitcast3A_1656, %shift_right_logical3A_1658 : vector<16xi32>
        %sub3A_1660 = arith.constant 1597463007 : i32
        %sub3A_1661 = vector.broadcast %sub3A_1660 : i32 to vector<16xi32>
        %sub3A_1662 = arith.subi %sub3A_1661, %shift_right_logical3A_1659 : vector<16xi32>
        %bitcast3A_1663 = vector.bitcast %sub3A_1662 : vector<16xi32> to vector<16xf32>
        %mul3A_1664 = arith.constant 5.000000e-01 : f32
        %mul3A_1665 = vector.broadcast %mul3A_1664 : f32 to vector<16xf32>
        %mul3A_1666 = arith.mulf %add3A_1655, %mul3A_1665 : vector<16xf32>
        %mul3A_1667 = arith.mulf %mul3A_1666, %bitcast3A_1663 : vector<16xf32>
        %mul3A_1668 = arith.mulf %mul3A_1667, %bitcast3A_1663 : vector<16xf32>
        %sub3A_1669 = arith.constant 1.500000e+00 : f32
        %sub3A_1670 = vector.broadcast %sub3A_1669 : f32 to vector<16xf32>
        %sub3A_1671 = arith.subf %sub3A_1670, %mul3A_1668 : vector<16xf32>
        %mul3A_1672 = arith.mulf %bitcast3A_1663, %sub3A_1671 : vector<16xf32>
        %mul3A_1673 = arith.mulf %mul3A_1666, %mul3A_1672 : vector<16xf32>
        %mul3A_1674 = arith.mulf %mul3A_1673, %mul3A_1672 : vector<16xf32>
        %sub3A_1675 = arith.constant 1.500000e+00 : f32
        %sub3A_1676 = vector.broadcast %sub3A_1675 : f32 to vector<16xf32>
        %sub3A_1677 = arith.subf %sub3A_1676, %mul3A_1674 : vector<16xf32>
        %mul3A_1678 = arith.mulf %mul3A_1672, %sub3A_1677 : vector<16xf32>
        %mul3A_1679 = arith.mulf %mul3A_1647, %mul3A_1678 : vector<16xf32>
        %mul3A_1680 = arith.mulf %get3A_1599, %mul3A_1678 : vector<16xf32>
        %sub3A_1681 = arith.subf %mul3A_1680, %mul3A_1679 : vector<16xf32>
        %mul3A_1682 = arith.mulf %sub3A_1681, %get3A_7 : vector<16xf32>
        %add3A_1683 = arith.addf %mul3A_1682, %get3A_23 : vector<16xf32>
        %swap3A_1684 = arith.index_cast %add3A_1596 : i32 to index
        %swap3A_1685 = arith.constant 0 : index
        %swap3A_1686 = tpu.vector_load %arg10[%swap3A_1684, %swap3A_1685] {strides = array<i32>} : memref<128x64xf32, #tpu.memory_space<vmem>>, vector<16xf32>,
        tpu.vector_store %arg10[%swap3A_1684, %swap3A_1685], %add3A_1683 {strides = array<i32>} : memref<128x64xf32, #tpu.memory_space<vmem>>, vector<16xf32>,
        %mul3A_1687 = arith.mulf %get3A_1602, %mul3A_1678 : vector<16xf32>
        %sub3A_1688 = arith.subf %mul3A_1687, %mul3A_1679 : vector<16xf32>
        %mul3A_1689 = arith.mulf %sub3A_1688, %get3A_11 : vector<16xf32>
        %add3A_1690 = arith.addf %mul3A_1689, %get3A_27 : vector<16xf32>
        %swap3A_1691 = arith.index_cast %add3A_1596 : i32 to index
        %swap3A_1692 = arith.constant 16 : index
        %swap3A_1693 = tpu.vector_load %arg10[%swap3A_1691, %swap3A_1692] {strides = array<i32>} : memref<128x64xf32, #tpu.memory_space<vmem>>, vector<16xf32>,
        tpu.vector_store %arg10[%swap3A_1691, %swap3A_1692], %add3A_1690 {strides = array<i32>} : memref<128x64xf32, #tpu.memory_space<vmem>>, vector<16xf32>,
        %mul3A_1694 = arith.mulf %get3A_1605, %mul3A_1678 : vector<16xf32>
        %sub3A_1695 = arith.subf %mul3A_1694, %mul3A_1679 : vector<16xf32>
        %mul3A_1696 = arith.mulf %sub3A_1695, %get3A_15 : vector<16xf32>
        %add3A_1697 = arith.addf %mul3A_1696, %get3A_31 : vector<16xf32>
        %swap3A_1698 = arith.index_cast %add3A_1596 : i32 to index
        %swap3A_1699 = arith.constant 32 : index
        %swap3A_1700 = tpu.vector_load %arg10[%swap3A_1698, %swap3A_1699] {strides = array<i32>} : memref<128x64xf32, #tpu.memory_space<vmem>>, vector<16xf32>,
        tpu.vector_store %arg10[%swap3A_1698, %swap3A_1699], %add3A_1697 {strides = array<i32>} : memref<128x64xf32, #tpu.memory_space<vmem>>, vector<16xf32>,
        %mul3A_1701 = arith.mulf %get3A_1608, %mul3A_1678 : vector<16xf32>
        %sub3A_1702 = arith.subf %mul3A_1701, %mul3A_1679 : vector<16xf32>
        %mul3A_1703 = arith.mulf %sub3A_1702, %get3A_19 : vector<16xf32>
        %add3A_1704 = arith.addf %mul3A_1703, %get3A_35 : vector<16xf32>
        %swap3A_1705 = arith.index_cast %add3A_1596 : i32 to index
        %swap3A_1706 = arith.constant 48 : index
        %swap3A_1707 = tpu.vector_load %arg10[%swap3A_1705, %swap3A_1706] {strides = array<i32>} : memref<128x64xf32, #tpu.memory_space<vmem>>, vector<16xf32>,
        tpu.vector_store %arg10[%swap3A_1705, %swap3A_1706], %add3A_1704 {strides = array<i32>} : memref<128x64xf32, #tpu.memory_space<vmem>>, vector<16xf32>,
      }
      %scan3A_443 = arith.constant 16 : i32
      %add3A_444 = arith.addi %mul3A_2, %add3A_431 : i32
      %mul3A_445 = arith.constant 128 : i32
      %mul3A_446 = arith.muli %add3A_444, %mul3A_445 : i32
      %add3A_447 = arith.constant 0 : i32
      %add3A_448 = arith.addi %mul3A_446, %add3A_447 : i32
      %add3A_449 = vector.broadcast %add3A_448 : i32 to vector<16xi32>
      %add3A_450 = arith.addi %add3A_449, %iota3A : vector<16xi32>
      %rem3A_451 = arith.constant 50 : i32
      %rem3A_452 = vector.broadcast %rem3A_451 : i32 to vector<16xi32>
      %rem3A_453 = arith.remsi %add3A_450, %rem3A_452 : vector<16xi32>
      %mul3A_454 = arith.constant 16384 : i32
      %mul3A_455 = vector.broadcast %mul3A_454 : i32 to vector<16xi32>
      %mul3A_456 = arith.muli %rem3A_453, %mul3A_455 : vector<16xi32>
      %div3A_457 = arith.constant 50 : i32
      %div3A_458 = vector.broadcast %div3A_457 : i32 to vector<16xi32>
      %div3A_459 = arith.divsi %add3A_450, %div3A_458 : vector<16xi32>
      %add3A_460 = arith.addi %mul3A_456, %div3A_459 : vector<16xi32>
      %swap3A_461 = arith.constant 0 : i32
      %swap3A_462 = arith.index_cast %swap3A_461 : i32 to index
      %swap3A_463 = arith.constant 0 : index
      %swap3A_464 = tpu.vector_load %arg14[%swap3A_462, %swap3A_463] {strides = array<i32>} : memref<1x128xi32, #tpu.memory_space<vmem>>, vector<16xi32>,
      tpu.vector_store %arg14[%swap3A_462, %swap3A_463], %add3A_460 {strides = array<i32>} : memref<1x128xi32, #tpu.memory_space<vmem>>, vector<16xi32>,
      %add3A_465 = arith.constant 16 : i32
      %add3A_466 = arith.addi %mul3A_446, %add3A_465 : i32
      %add3A_467 = vector.broadcast %add3A_466 : i32 to vector<16xi32>
      %add3A_468 = arith.addi %add3A_467, %iota3A : vector<16xi32>
      %rem3A_469 = arith.constant 50 : i32
      %rem3A_470 = vector.broadcast %rem3A_469 : i32 to vector<16xi32>
      %rem3A_471 = arith.remsi %add3A_468, %rem3A_470 : vector<16xi32>
      %mul3A_472 = arith.constant 16384 : i32
      %mul3A_473 = vector.broadcast %mul3A_472 : i32 to vector<16xi32>
      %mul3A_474 = arith.muli %rem3A_471, %mul3A_473 : vector<16xi32>
      %div3A_475 = arith.constant 50 : i32
      %div3A_476 = vector.broadcast %div3A_475 : i32 to vector<16xi32>
      %div3A_477 = arith.divsi %add3A_468, %div3A_476 : vector<16xi32>
      %add3A_478 = arith.addi %mul3A_474, %div3A_477 : vector<16xi32>
      %swap3A_479 = arith.constant 0 : i32
      %swap3A_480 = arith.index_cast %swap3A_479 : i32 to index
      %swap3A_481 = arith.constant 16 : index
      %swap3A_482 = tpu.vector_load %arg14[%swap3A_480, %swap3A_481] {strides = array<i32>} : memref<1x128xi32, #tpu.memory_space<vmem>>, vector<16xi32>,
      tpu.vector_store %arg14[%swap3A_480, %swap3A_481], %add3A_478 {strides = array<i32>} : memref<1x128xi32, #tpu.memory_space<vmem>>, vector<16xi32>,
      %add3A_483 = arith.constant 32 : i32
      %add3A_484 = arith.addi %mul3A_446, %add3A_483 : i32
      %add3A_485 = vector.broadcast %add3A_484 : i32 to vector<16xi32>
      %add3A_486 = arith.addi %add3A_485, %iota3A : vector<16xi32>
      %rem3A_487 = arith.constant 50 : i32
      %rem3A_488 = vector.broadcast %rem3A_487 : i32 to vector<16xi32>
      %rem3A_489 = arith.remsi %add3A_486, %rem3A_488 : vector<16xi32>
      %mul3A_490 = arith.constant 16384 : i32
      %mul3A_491 = vector.broadcast %mul3A_490 : i32 to vector<16xi32>
      %mul3A_492 = arith.muli %rem3A_489, %mul3A_491 : vector<16xi32>
      %div3A_493 = arith.constant 50 : i32
      %div3A_494 = vector.broadcast %div3A_493 : i32 to vector<16xi32>
      %div3A_495 = arith.divsi %add3A_486, %div3A_494 : vector<16xi32>
      %add3A_496 = arith.addi %mul3A_492, %div3A_495 : vector<16xi32>
      %swap3A_497 = arith.constant 0 : i32
      %swap3A_498 = arith.index_cast %swap3A_497 : i32 to index
      %swap3A_499 = arith.constant 32 : index
      %swap3A_500 = tpu.vector_load %arg14[%swap3A_498, %swap3A_499] {strides = array<i32>} : memref<1x128xi32, #tpu.memory_space<vmem>>, vector<16xi32>,
      tpu.vector_store %arg14[%swap3A_498, %swap3A_499], %add3A_496 {strides = array<i32>} : memref<1x128xi32, #tpu.memory_space<vmem>>, vector<16xi32>,
      %add3A_501 = arith.constant 48 : i32
      %add3A_502 = arith.addi %mul3A_446, %add3A_501 : i32
      %add3A_503 = vector.broadcast %add3A_502 : i32 to vector<16xi32>
      %add3A_504 = arith.addi %add3A_503, %iota3A : vector<16xi32>
      %rem3A_505 = arith.constant 50 : i32
      %rem3A_506 = vector.broadcast %rem3A_505 : i32 to vector<16xi32>
      %rem3A_507 = arith.remsi %add3A_504, %rem3A_506 : vector<16xi32>
      %mul3A_508 = arith.constant 16384 : i32
      %mul3A_509 = vector.broadcast %mul3A_508 : i32 to vector<16xi32>
      %mul3A_510 = arith.muli %rem3A_507, %mul3A_509 : vector<16xi32>
      %div3A_511 = arith.constant 50 : i32
      %div3A_512 = vector.broadcast %div3A_511 : i32 to vector<16xi32>
      %div3A_513 = arith.divsi %add3A_504, %div3A_512 : vector<16xi32>
      %add3A_514 = arith.addi %mul3A_510, %div3A_513 : vector<16xi32>
      %swap3A_515 = arith.constant 0 : i32
      %swap3A_516 = arith.index_cast %swap3A_515 : i32 to index
      %swap3A_517 = arith.constant 48 : index
      %swap3A_518 = tpu.vector_load %arg14[%swap3A_516, %swap3A_517] {strides = array<i32>} : memref<1x128xi32, #tpu.memory_space<vmem>>, vector<16xi32>,
      tpu.vector_store %arg14[%swap3A_516, %swap3A_517], %add3A_514 {strides = array<i32>} : memref<1x128xi32, #tpu.memory_space<vmem>>, vector<16xi32>,
      %add3A_519 = arith.constant 64 : i32
      %add3A_520 = arith.addi %mul3A_446, %add3A_519 : i32
      %add3A_521 = vector.broadcast %add3A_520 : i32 to vector<16xi32>
      %add3A_522 = arith.addi %add3A_521, %iota3A : vector<16xi32>
      %rem3A_523 = arith.constant 50 : i32
      %rem3A_524 = vector.broadcast %rem3A_523 : i32 to vector<16xi32>
      %rem3A_525 = arith.remsi %add3A_522, %rem3A_524 : vector<16xi32>
      %mul3A_526 = arith.constant 16384 : i32
      %mul3A_527 = vector.broadcast %mul3A_526 : i32 to vector<16xi32>
      %mul3A_528 = arith.muli %rem3A_525, %mul3A_527 : vector<16xi32>
      %div3A_529 = arith.constant 50 : i32
      %div3A_530 = vector.broadcast %div3A_529 : i32 to vector<16xi32>
      %div3A_531 = arith.divsi %add3A_522, %div3A_530 : vector<16xi32>
      %add3A_532 = arith.addi %mul3A_528, %div3A_531 : vector<16xi32>
      %swap3A_533 = arith.constant 0 : i32
      %swap3A_534 = arith.index_cast %swap3A_533 : i32 to index
      %swap3A_535 = arith.constant 64 : index
      %swap3A_536 = tpu.vector_load %arg14[%swap3A_534, %swap3A_535] {strides = array<i32>} : memref<1x128xi32, #tpu.memory_space<vmem>>, vector<16xi32>,
      tpu.vector_store %arg14[%swap3A_534, %swap3A_535], %add3A_532 {strides = array<i32>} : memref<1x128xi32, #tpu.memory_space<vmem>>, vector<16xi32>,
      %add3A_537 = arith.constant 80 : i32
      %add3A_538 = arith.addi %mul3A_446, %add3A_537 : i32
      %add3A_539 = vector.broadcast %add3A_538 : i32 to vector<16xi32>
      %add3A_540 = arith.addi %add3A_539, %iota3A : vector<16xi32>
      %rem3A_541 = arith.constant 50 : i32
      %rem3A_542 = vector.broadcast %rem3A_541 : i32 to vector<16xi32>
      %rem3A_543 = arith.remsi %add3A_540, %rem3A_542 : vector<16xi32>
      %mul3A_544 = arith.constant 16384 : i32
      %mul3A_545 = vector.broadcast %mul3A_544 : i32 to vector<16xi32>
      %mul3A_546 = arith.muli %rem3A_543, %mul3A_545 : vector<16xi32>
      %div3A_547 = arith.constant 50 : i32
      %div3A_548 = vector.broadcast %div3A_547 : i32 to vector<16xi32>
      %div3A_549 = arith.divsi %add3A_540, %div3A_548 : vector<16xi32>
      %add3A_550 = arith.addi %mul3A_546, %div3A_549 : vector<16xi32>
      %swap3A_551 = arith.constant 0 : i32
      %swap3A_552 = arith.index_cast %swap3A_551 : i32 to index
      %swap3A_553 = arith.constant 80 : index
      %swap3A_554 = tpu.vector_load %arg14[%swap3A_552, %swap3A_553] {strides = array<i32>} : memref<1x128xi32, #tpu.memory_space<vmem>>, vector<16xi32>,
      tpu.vector_store %arg14[%swap3A_552, %swap3A_553], %add3A_550 {strides = array<i32>} : memref<1x128xi32, #tpu.memory_space<vmem>>, vector<16xi32>,
      %add3A_555 = arith.constant 96 : i32
      %add3A_556 = arith.addi %mul3A_446, %add3A_555 : i32
      %add3A_557 = vector.broadcast %add3A_556 : i32 to vector<16xi32>
      %add3A_558 = arith.addi %add3A_557, %iota3A : vector<16xi32>
      %rem3A_559 = arith.constant 50 : i32
      %rem3A_560 = vector.broadcast %rem3A_559 : i32 to vector<16xi32>
      %rem3A_561 = arith.remsi %add3A_558, %rem3A_560 : vector<16xi32>
      %mul3A_562 = arith.constant 16384 : i32
      %mul3A_563 = vector.broadcast %mul3A_562 : i32 to vector<16xi32>
      %mul3A_564 = arith.muli %rem3A_561, %mul3A_563 : vector<16xi32>
      %div3A_565 = arith.constant 50 : i32
      %div3A_566 = vector.broadcast %div3A_565 : i32 to vector<16xi32>
      %div3A_567 = arith.divsi %add3A_558, %div3A_566 : vector<16xi32>
      %add3A_568 = arith.addi %mul3A_564, %div3A_567 : vector<16xi32>
      %swap3A_569 = arith.constant 0 : i32
      %swap3A_570 = arith.index_cast %swap3A_569 : i32 to index
      %swap3A_571 = arith.constant 96 : index
      %swap3A_572 = tpu.vector_load %arg14[%swap3A_570, %swap3A_571] {strides = array<i32>} : memref<1x128xi32, #tpu.memory_space<vmem>>, vector<16xi32>,
      tpu.vector_store %arg14[%swap3A_570, %swap3A_571], %add3A_568 {strides = array<i32>} : memref<1x128xi32, #tpu.memory_space<vmem>>, vector<16xi32>,
      %add3A_573 = arith.constant 112 : i32
      %add3A_574 = arith.addi %mul3A_446, %add3A_573 : i32
      %add3A_575 = vector.broadcast %add3A_574 : i32 to vector<16xi32>
      %add3A_576 = arith.addi %add3A_575, %iota3A : vector<16xi32>
      %rem3A_577 = arith.constant 50 : i32
      %rem3A_578 = vector.broadcast %rem3A_577 : i32 to vector<16xi32>
      %rem3A_579 = arith.remsi %add3A_576, %rem3A_578 : vector<16xi32>
      %mul3A_580 = arith.constant 16384 : i32
      %mul3A_581 = vector.broadcast %mul3A_580 : i32 to vector<16xi32>
      %mul3A_582 = arith.muli %rem3A_579, %mul3A_581 : vector<16xi32>
      %div3A_583 = arith.constant 50 : i32
      %div3A_584 = vector.broadcast %div3A_583 : i32 to vector<16xi32>
      %div3A_585 = arith.divsi %add3A_576, %div3A_584 : vector<16xi32>
      %add3A_586 = arith.addi %mul3A_582, %div3A_585 : vector<16xi32>
      %swap3A_587 = arith.constant 0 : i32
      %swap3A_588 = arith.index_cast %swap3A_587 : i32 to index
      %swap3A_589 = arith.constant 112 : index
      %swap3A_590 = tpu.vector_load %arg14[%swap3A_588, %swap3A_589] {strides = array<i32>} : memref<1x128xi32, #tpu.memory_space<vmem>>, vector<16xi32>,
      tpu.vector_store %arg14[%swap3A_588, %swap3A_589], %add3A_586 {strides = array<i32>} : memref<1x128xi32, #tpu.memory_space<vmem>>, vector<16xi32>,
      %dma_start3A_591 = arith.constant 0 : i32
      %dma_start3A_592 = arith.constant 0 : i32
      %dma_start3A_593 = tpu.memref_slice %arg14[%dma_start3A_591, %dma_start3A_592] : memref<1x128xi32, #tpu.memory_space<vmem>> -> memref<1x128xi32, #tpu.memory_space<vmem>>
      %dma_start3A_594 = tpu.memref_squeeze %dma_start3A_593 : memref<1x128xi32, #tpu.memory_space<vmem>> -> memref<128xi32, #tpu.memory_space<vmem>>
      %dma_start3A_595 = arith.constant 0 : i32
      %dma_start3A_596 = arith.constant 0 : i32
      %dma_start3A_597 = tpu.memref_slice %arg6[%dma_start3A_595, %dma_start3A_596] : memref<819200x64xf32, #tpu.memory_space<hbm>> -> memref<819200x64xf32, #tpu.memory_space<hbm>>
      tpu.enqueue_indirect_dma source(%arg10 : memref<128x64xf32, #tpu.memory_space<vmem>>) target(%dma_start3A_597 : memref<819200x64xf32, #tpu.memory_space<hbm>>) offsets(%dma_start3A_594 : memref<128xi32, #tpu.memory_space<vmem>>) semaphore(%arg23 : memref<!tpu.dma_semaphore, #tpu.memory_space<semaphore_mem>>)
      %sub3A = arith.constant 2 : i32
      %sub3A_598 = arith.subi %add3A_431, %sub3A : i32
      %dma_wait3A_599 = arith.constant 0 : i32
      %dma_wait3A_600 = arith.constant 0 : i32
      %dma_wait3A_601 = tpu.memref_slice %arg12[%dma_wait3A_599, %dma_wait3A_600] : memref<1x128xi32, #tpu.memory_space<vmem>> -> memref<1x128xi32, #tpu.memory_space<vmem>>
      %dma_wait3A_602 = tpu.memref_squeeze %dma_wait3A_601 : memref<1x128xi32, #tpu.memory_space<vmem>> -> memref<128xi32, #tpu.memory_space<vmem>>
      %dma_wait3A_603 = arith.constant 0 : i32
      %dma_wait3A_604 = arith.constant 0 : i32
      %dma_wait3A_605 = tpu.memref_slice %arg6[%dma_wait3A_603, %dma_wait3A_604] : memref<819200x64xf32, #tpu.memory_space<hbm>> -> memref<819200x64xf32, #tpu.memory_space<hbm>>
      tpu.wait_indirect_dma semaphore(%arg21 : memref<!tpu.dma_semaphore, #tpu.memory_space<semaphore_mem>>) src(%arg8 : memref<128x64xf32, #tpu.memory_space<vmem>>) dst(%dma_wait3A_605 : memref<819200x64xf32, #tpu.memory_space<hbm>>)
      %le3A = arith.constant 48 : i32
      %le3A_606 = arith.cmpi sle, %scan3A_67, %le3A : i32
      %convert_element_type3A_607 = arith.extui %le3A_606 : i1 to i32
      %cond3A_608 = arith.constant 0 : i32
      %cond3A_609 = arith.cmpi ne, %convert_element_type3A_607, %cond3A_608 : i32
      scf.if %cond3A_609 {
        %add3A_794 = arith.constant 2 : i32
        %add3A_795 = arith.addi %add3A_431, %add3A_794 : i32
        %dma_start3A_796 = arith.constant 0 : i32
        %dma_start3A_797 = tpu.memref_slice %arg7[%add3A_795, %dma_start3A_796] : memref<200x128xi32, #tpu.memory_space<vmem>> -> memref<1x128xi32, #tpu.memory_space<vmem>>
        %dma_start3A_798 = tpu.memref_squeeze %dma_start3A_797 : memref<1x128xi32, #tpu.memory_space<vmem>> -> memref<128xi32, #tpu.memory_space<vmem>>
        %dma_start3A_799 = arith.constant 0 : i32
        %dma_start3A_800 = arith.constant 0 : i32
        %dma_start3A_801 = tpu.memref_slice %arg3[%dma_start3A_799, %dma_start3A_800] : memref<1000000x64xf32, #tpu.memory_space<hbm>> -> memref<1000000x64xf32, #tpu.memory_space<hbm>>
        tpu.enqueue_indirect_dma source(%dma_start3A_801 : memref<1000000x64xf32, #tpu.memory_space<hbm>>) target(%arg8 : memref<128x64xf32, #tpu.memory_space<vmem>>) offsets(%dma_start3A_798 : memref<128xi32, #tpu.memory_space<vmem>>) semaphore(%arg17 : memref<!tpu.dma_semaphore, #tpu.memory_space<semaphore_mem>>)
      } else {
      }
      %mul3A_610 = arith.constant 4 : i32
      %mul3A_611 = arith.muli %scan3A_67, %mul3A_610 : i32
      %add3A_612 = arith.constant 3 : i32
      %add3A_613 = arith.addi %mul3A_611, %add3A_612 : i32
      %dma_wait3A_614 = arith.constant 0 : i32
      %dma_wait3A_615 = tpu.memref_slice %arg7[%add3A_613, %dma_wait3A_614] : memref<200x128xi32, #tpu.memory_space<vmem>> -> memref<1x128xi32, #tpu.memory_space<vmem>>
      %dma_wait3A_616 = tpu.memref_squeeze %dma_wait3A_615 : memref<1x128xi32, #tpu.memory_space<vmem>> -> memref<128xi32, #tpu.memory_space<vmem>>
      %dma_wait3A_617 = arith.constant 0 : i32
      %dma_wait3A_618 = arith.constant 0 : i32
      %dma_wait3A_619 = tpu.memref_slice %arg3[%dma_wait3A_617, %dma_wait3A_618] : memref<1000000x64xf32, #tpu.memory_space<hbm>> -> memref<1000000x64xf32, #tpu.memory_space<hbm>>
      tpu.wait_indirect_dma semaphore(%arg20 : memref<!tpu.dma_semaphore, #tpu.memory_space<semaphore_mem>>) src(%dma_wait3A_619 : memref<1000000x64xf32, #tpu.memory_space<hbm>>) dst(%arg11 : memref<128x64xf32, #tpu.memory_space<vmem>>)
      %scan3A_620 = arith.constant 0 : i32
      %scan3A_621 = arith.constant 0 : i32
      %scan3A_622 = arith.constant 16 : i32
      %scan3A_623 = arith.addi %scan3A_621, %scan3A_622 : i32
      %scan3A_624 = arith.constant 1 : i32
      scf.for %scan3A_794 = %scan3A_621 to %scan3A_623 step %scan3A_624  : i32 {
        %mul3A_795 = arith.constant 8 : i32
        %mul3A_796 = arith.muli %scan3A_794, %mul3A_795 : i32
        %add3A_797 = arith.constant 0 : i32
        %add3A_798 = arith.addi %mul3A_796, %add3A_797 : i32
        %get3A_799 = arith.index_cast %add3A_798 : i32 to index
        %get3A_800 = arith.constant 0 : index
        %get3A_801 = tpu.vector_load %arg11[%get3A_799, %get3A_800] {strides = array<i32>} : memref<128x64xf32, #tpu.memory_space<vmem>>, vector<16xf32>,
        %get3A_802 = arith.index_cast %add3A_798 : i32 to index
        %get3A_803 = arith.constant 16 : index
        %get3A_804 = tpu.vector_load %arg11[%get3A_802, %get3A_803] {strides = array<i32>} : memref<128x64xf32, #tpu.memory_space<vmem>>, vector<16xf32>,
        %get3A_805 = arith.index_cast %add3A_798 : i32 to index
        %get3A_806 = arith.constant 32 : index
        %get3A_807 = tpu.vector_load %arg11[%get3A_805, %get3A_806] {strides = array<i32>} : memref<128x64xf32, #tpu.memory_space<vmem>>, vector<16xf32>,
        %get3A_808 = arith.index_cast %add3A_798 : i32 to index
        %get3A_809 = arith.constant 48 : index
        %get3A_810 = tpu.vector_load %arg11[%get3A_808, %get3A_809] {strides = array<i32>} : memref<128x64xf32, #tpu.memory_space<vmem>>, vector<16xf32>,
        %add3A_811 = arith.addf %get3A_801, %get3A_804 : vector<16xf32>
        %add3A_812 = arith.addf %get3A_807, %get3A_810 : vector<16xf32>
        %add3A_813 = arith.addf %add3A_811, %add3A_812 : vector<16xf32>
        %mul3A_814 = arith.mulf %get3A_801, %get3A_801 : vector<16xf32>
        %mul3A_815 = arith.mulf %get3A_804, %get3A_804 : vector<16xf32>
        %add3A_816 = arith.addf %mul3A_814, %mul3A_815 : vector<16xf32>
        %mul3A_817 = arith.mulf %get3A_807, %get3A_807 : vector<16xf32>
        %mul3A_818 = arith.mulf %get3A_810, %get3A_810 : vector<16xf32>
        %add3A_819 = arith.addf %mul3A_817, %mul3A_818 : vector<16xf32>
        %add3A_820 = arith.addf %add3A_816, %add3A_819 : vector<16xf32>
        %cumsum3A = arith.constant true
        %cumsum3A_821 = vector.broadcast %cumsum3A : i1 to vector<16xi1>
        %cumsum3A_822 = tpu.scan <sum>, %add3A_813 masked %cumsum3A_821 : vector<16xf32>, vector<16xi1> -> vector<16xf32>
        %lt3A = arith.constant 0 : i32
        %lt3A_823 = vector.broadcast %lt3A : i32 to vector<16xi32>
        %lt3A_824 = arith.cmpi slt, %broadcast_in_dim3A_4, %lt3A_823 : vector<16xi32>
        %add3A_825 = arith.constant 16 : i32
        %add3A_826 = vector.broadcast %add3A_825 : i32 to vector<16xi32>
        %add3A_827 = arith.addi %broadcast_in_dim3A_4, %add3A_826 : vector<16xi32>
        %select_n3A = arith.select %lt3A_824, %add3A_827, %broadcast_in_dim3A_4 : vector<16xi1>, vector<16xi32>
        %reshape3A = vector.shape_cast %select_n3A : vector<16xi32> to vector<16x1xi32>
        %gather3A = vector.shape_cast %reshape3A : vector<16x1xi32> to vector<16xi32>
        %gather3A_828 = tpu.dynamic_gather %cumsum3A_822[%gather3A] in [0] : vector<16xf32>, vector<16xi32> -> vector<16xf32>
        %cumsum3A_829 = arith.constant true
        %cumsum3A_830 = vector.broadcast %cumsum3A_829 : i1 to vector<16xi1>
        %cumsum3A_831 = tpu.scan <sum>, %add3A_820 masked %cumsum3A_830 : vector<16xf32>, vector<16xi1> -> vector<16xf32>
        %lt3A_832 = arith.constant 0 : i32
        %lt3A_833 = vector.broadcast %lt3A_832 : i32 to vector<16xi32>
        %lt3A_834 = arith.cmpi slt, %broadcast_in_dim3A_4, %lt3A_833 : vector<16xi32>
        %add3A_835 = arith.constant 16 : i32
        %add3A_836 = vector.broadcast %add3A_835 : i32 to vector<16xi32>
        %add3A_837 = arith.addi %broadcast_in_dim3A_4, %add3A_836 : vector<16xi32>
        %select_n3A_838 = arith.select %lt3A_834, %add3A_837, %broadcast_in_dim3A_4 : vector<16xi1>, vector<16xi32>
        %reshape3A_839 = vector.shape_cast %select_n3A_838 : vector<16xi32> to vector<16x1xi32>
        %gather3A_840 = vector.shape_cast %reshape3A_839 : vector<16x1xi32> to vector<16xi32>
        %gather3A_841 = tpu.dynamic_gather %cumsum3A_831[%gather3A_840] in [0] : vector<16xf32>, vector<16xi32> -> vector<16xf32>
        %mul3A_842 = arith.constant 1.562500e-02 : f32
        %mul3A_843 = vector.broadcast %mul3A_842 : f32 to vector<16xf32>
        %mul3A_844 = arith.mulf %gather3A_828, %mul3A_843 : vector<16xf32>
        %mul3A_845 = arith.constant 1.562500e-02 : f32
        %mul3A_846 = vector.broadcast %mul3A_845 : f32 to vector<16xf32>
        %mul3A_847 = arith.mulf %gather3A_841, %mul3A_846 : vector<16xf32>
        %mul3A_848 = arith.mulf %mul3A_844, %mul3A_844 : vector<16xf32>
        %sub3A_849 = arith.subf %mul3A_847, %mul3A_848 : vector<16xf32>
        %add3A_850 = arith.constant 1.562500e-07 : f32
        %add3A_851 = vector.broadcast %add3A_850 : f32 to vector<16xf32>
        %add3A_852 = arith.addf %sub3A_849, %add3A_851 : vector<16xf32>
        %bitcast3A = vector.bitcast %add3A_852 : vector<16xf32> to vector<16xi32>
        %shift_right_logical3A = arith.constant 1 : i32
        %shift_right_logical3A_853 = vector.broadcast %shift_right_logical3A : i32 to vector<16xi32>
        %shift_right_logical3A_854 = arith.shrui %bitcast3A, %shift_right_logical3A_853 : vector<16xi32>
        %sub3A_855 = arith.constant 1597463007 : i32
        %sub3A_856 = vector.broadcast %sub3A_855 : i32 to vector<16xi32>
        %sub3A_857 = arith.subi %sub3A_856, %shift_right_logical3A_854 : vector<16xi32>
        %bitcast3A_858 = vector.bitcast %sub3A_857 : vector<16xi32> to vector<16xf32>
        %mul3A_859 = arith.constant 5.000000e-01 : f32
        %mul3A_860 = vector.broadcast %mul3A_859 : f32 to vector<16xf32>
        %mul3A_861 = arith.mulf %add3A_852, %mul3A_860 : vector<16xf32>
        %mul3A_862 = arith.mulf %mul3A_861, %bitcast3A_858 : vector<16xf32>
        %mul3A_863 = arith.mulf %mul3A_862, %bitcast3A_858 : vector<16xf32>
        %sub3A_864 = arith.constant 1.500000e+00 : f32
        %sub3A_865 = vector.broadcast %sub3A_864 : f32 to vector<16xf32>
        %sub3A_866 = arith.subf %sub3A_865, %mul3A_863 : vector<16xf32>
        %mul3A_867 = arith.mulf %bitcast3A_858, %sub3A_866 : vector<16xf32>
        %mul3A_868 = arith.mulf %mul3A_861, %mul3A_867 : vector<16xf32>
        %mul3A_869 = arith.mulf %mul3A_868, %mul3A_867 : vector<16xf32>
        %sub3A_870 = arith.constant 1.500000e+00 : f32
        %sub3A_871 = vector.broadcast %sub3A_870 : f32 to vector<16xf32>
        %sub3A_872 = arith.subf %sub3A_871, %mul3A_869 : vector<16xf32>
        %mul3A_873 = arith.mulf %mul3A_867, %sub3A_872 : vector<16xf32>
        %mul3A_874 = arith.mulf %mul3A_844, %mul3A_873 : vector<16xf32>
        %mul3A_875 = arith.mulf %get3A_801, %mul3A_873 : vector<16xf32>
        %sub3A_876 = arith.subf %mul3A_875, %mul3A_874 : vector<16xf32>
        %mul3A_877 = arith.mulf %sub3A_876, %get3A_7 : vector<16xf32>
        %add3A_878 = arith.addf %mul3A_877, %get3A_23 : vector<16xf32>
        %swap3A_879 = arith.index_cast %add3A_798 : i32 to index
        %swap3A_880 = arith.constant 0 : index
        %swap3A_881 = tpu.vector_load %arg11[%swap3A_879, %swap3A_880] {strides = array<i32>} : memref<128x64xf32, #tpu.memory_space<vmem>>, vector<16xf32>,
        tpu.vector_store %arg11[%swap3A_879, %swap3A_880], %add3A_878 {strides = array<i32>} : memref<128x64xf32, #tpu.memory_space<vmem>>, vector<16xf32>,
        %mul3A_882 = arith.mulf %get3A_804, %mul3A_873 : vector<16xf32>
        %sub3A_883 = arith.subf %mul3A_882, %mul3A_874 : vector<16xf32>
        %mul3A_884 = arith.mulf %sub3A_883, %get3A_11 : vector<16xf32>
        %add3A_885 = arith.addf %mul3A_884, %get3A_27 : vector<16xf32>
        %swap3A_886 = arith.index_cast %add3A_798 : i32 to index
        %swap3A_887 = arith.constant 16 : index
        %swap3A_888 = tpu.vector_load %arg11[%swap3A_886, %swap3A_887] {strides = array<i32>} : memref<128x64xf32, #tpu.memory_space<vmem>>, vector<16xf32>,
        tpu.vector_store %arg11[%swap3A_886, %swap3A_887], %add3A_885 {strides = array<i32>} : memref<128x64xf32, #tpu.memory_space<vmem>>, vector<16xf32>,
        %mul3A_889 = arith.mulf %get3A_807, %mul3A_873 : vector<16xf32>
        %sub3A_890 = arith.subf %mul3A_889, %mul3A_874 : vector<16xf32>
        %mul3A_891 = arith.mulf %sub3A_890, %get3A_15 : vector<16xf32>
        %add3A_892 = arith.addf %mul3A_891, %get3A_31 : vector<16xf32>
        %swap3A_893 = arith.index_cast %add3A_798 : i32 to index
        %swap3A_894 = arith.constant 32 : index
        %swap3A_895 = tpu.vector_load %arg11[%swap3A_893, %swap3A_894] {strides = array<i32>} : memref<128x64xf32, #tpu.memory_space<vmem>>, vector<16xf32>,
        tpu.vector_store %arg11[%swap3A_893, %swap3A_894], %add3A_892 {strides = array<i32>} : memref<128x64xf32, #tpu.memory_space<vmem>>, vector<16xf32>,
        %mul3A_896 = arith.mulf %get3A_810, %mul3A_873 : vector<16xf32>
        %sub3A_897 = arith.subf %mul3A_896, %mul3A_874 : vector<16xf32>
        %mul3A_898 = arith.mulf %sub3A_897, %get3A_19 : vector<16xf32>
        %add3A_899 = arith.addf %mul3A_898, %get3A_35 : vector<16xf32>
        %swap3A_900 = arith.index_cast %add3A_798 : i32 to index
        %swap3A_901 = arith.constant 48 : index
        %swap3A_902 = tpu.vector_load %arg11[%swap3A_900, %swap3A_901] {strides = array<i32>} : memref<128x64xf32, #tpu.memory_space<vmem>>, vector<16xf32>,
        tpu.vector_store %arg11[%swap3A_900, %swap3A_901], %add3A_899 {strides = array<i32>} : memref<128x64xf32, #tpu.memory_space<vmem>>, vector<16xf32>,
        %mul3A_903 = arith.constant 8 : i32
        %mul3A_904 = arith.muli %scan3A_794, %mul3A_903 : i32
        %add3A_905 = arith.constant 1 : i32
        %add3A_906 = arith.addi %mul3A_904, %add3A_905 : i32
        %get3A_907 = arith.index_cast %add3A_906 : i32 to index
        %get3A_908 = arith.constant 0 : index
        %get3A_909 = tpu.vector_load %arg11[%get3A_907, %get3A_908] {strides = array<i32>} : memref<128x64xf32, #tpu.memory_space<vmem>>, vector<16xf32>,
        %get3A_910 = arith.index_cast %add3A_906 : i32 to index
        %get3A_911 = arith.constant 16 : index
        %get3A_912 = tpu.vector_load %arg11[%get3A_910, %get3A_911] {strides = array<i32>} : memref<128x64xf32, #tpu.memory_space<vmem>>, vector<16xf32>,
        %get3A_913 = arith.index_cast %add3A_906 : i32 to index
        %get3A_914 = arith.constant 32 : index
        %get3A_915 = tpu.vector_load %arg11[%get3A_913, %get3A_914] {strides = array<i32>} : memref<128x64xf32, #tpu.memory_space<vmem>>, vector<16xf32>,
        %get3A_916 = arith.index_cast %add3A_906 : i32 to index
        %get3A_917 = arith.constant 48 : index
        %get3A_918 = tpu.vector_load %arg11[%get3A_916, %get3A_917] {strides = array<i32>} : memref<128x64xf32, #tpu.memory_space<vmem>>, vector<16xf32>,
        %add3A_919 = arith.addf %get3A_909, %get3A_912 : vector<16xf32>
        %add3A_920 = arith.addf %get3A_915, %get3A_918 : vector<16xf32>
        %add3A_921 = arith.addf %add3A_919, %add3A_920 : vector<16xf32>
        %mul3A_922 = arith.mulf %get3A_909, %get3A_909 : vector<16xf32>
        %mul3A_923 = arith.mulf %get3A_912, %get3A_912 : vector<16xf32>
        %add3A_924 = arith.addf %mul3A_922, %mul3A_923 : vector<16xf32>
        %mul3A_925 = arith.mulf %get3A_915, %get3A_915 : vector<16xf32>
        %mul3A_926 = arith.mulf %get3A_918, %get3A_918 : vector<16xf32>
        %add3A_927 = arith.addf %mul3A_925, %mul3A_926 : vector<16xf32>
        %add3A_928 = arith.addf %add3A_924, %add3A_927 : vector<16xf32>
        %cumsum3A_929 = arith.constant true
        %cumsum3A_930 = vector.broadcast %cumsum3A_929 : i1 to vector<16xi1>
        %cumsum3A_931 = tpu.scan <sum>, %add3A_921 masked %cumsum3A_930 : vector<16xf32>, vector<16xi1> -> vector<16xf32>
        %lt3A_932 = arith.constant 0 : i32
        %lt3A_933 = vector.broadcast %lt3A_932 : i32 to vector<16xi32>
        %lt3A_934 = arith.cmpi slt, %broadcast_in_dim3A_4, %lt3A_933 : vector<16xi32>
        %add3A_935 = arith.constant 16 : i32
        %add3A_936 = vector.broadcast %add3A_935 : i32 to vector<16xi32>
        %add3A_937 = arith.addi %broadcast_in_dim3A_4, %add3A_936 : vector<16xi32>
        %select_n3A_938 = arith.select %lt3A_934, %add3A_937, %broadcast_in_dim3A_4 : vector<16xi1>, vector<16xi32>
        %reshape3A_939 = vector.shape_cast %select_n3A_938 : vector<16xi32> to vector<16x1xi32>
        %gather3A_940 = vector.shape_cast %reshape3A_939 : vector<16x1xi32> to vector<16xi32>
        %gather3A_941 = tpu.dynamic_gather %cumsum3A_931[%gather3A_940] in [0] : vector<16xf32>, vector<16xi32> -> vector<16xf32>
        %cumsum3A_942 = arith.constant true
        %cumsum3A_943 = vector.broadcast %cumsum3A_942 : i1 to vector<16xi1>
        %cumsum3A_944 = tpu.scan <sum>, %add3A_928 masked %cumsum3A_943 : vector<16xf32>, vector<16xi1> -> vector<16xf32>
        %lt3A_945 = arith.constant 0 : i32
        %lt3A_946 = vector.broadcast %lt3A_945 : i32 to vector<16xi32>
        %lt3A_947 = arith.cmpi slt, %broadcast_in_dim3A_4, %lt3A_946 : vector<16xi32>
        %add3A_948 = arith.constant 16 : i32
        %add3A_949 = vector.broadcast %add3A_948 : i32 to vector<16xi32>
        %add3A_950 = arith.addi %broadcast_in_dim3A_4, %add3A_949 : vector<16xi32>
        %select_n3A_951 = arith.select %lt3A_947, %add3A_950, %broadcast_in_dim3A_4 : vector<16xi1>, vector<16xi32>
        %reshape3A_952 = vector.shape_cast %select_n3A_951 : vector<16xi32> to vector<16x1xi32>
        %gather3A_953 = vector.shape_cast %reshape3A_952 : vector<16x1xi32> to vector<16xi32>
        %gather3A_954 = tpu.dynamic_gather %cumsum3A_944[%gather3A_953] in [0] : vector<16xf32>, vector<16xi32> -> vector<16xf32>
        %mul3A_955 = arith.constant 1.562500e-02 : f32
        %mul3A_956 = vector.broadcast %mul3A_955 : f32 to vector<16xf32>
        %mul3A_957 = arith.mulf %gather3A_941, %mul3A_956 : vector<16xf32>
        %mul3A_958 = arith.constant 1.562500e-02 : f32
        %mul3A_959 = vector.broadcast %mul3A_958 : f32 to vector<16xf32>
        %mul3A_960 = arith.mulf %gather3A_954, %mul3A_959 : vector<16xf32>
        %mul3A_961 = arith.mulf %mul3A_957, %mul3A_957 : vector<16xf32>
        %sub3A_962 = arith.subf %mul3A_960, %mul3A_961 : vector<16xf32>
        %add3A_963 = arith.constant 1.562500e-07 : f32
        %add3A_964 = vector.broadcast %add3A_963 : f32 to vector<16xf32>
        %add3A_965 = arith.addf %sub3A_962, %add3A_964 : vector<16xf32>
        %bitcast3A_966 = vector.bitcast %add3A_965 : vector<16xf32> to vector<16xi32>
        %shift_right_logical3A_967 = arith.constant 1 : i32
        %shift_right_logical3A_968 = vector.broadcast %shift_right_logical3A_967 : i32 to vector<16xi32>
        %shift_right_logical3A_969 = arith.shrui %bitcast3A_966, %shift_right_logical3A_968 : vector<16xi32>
        %sub3A_970 = arith.constant 1597463007 : i32
        %sub3A_971 = vector.broadcast %sub3A_970 : i32 to vector<16xi32>
        %sub3A_972 = arith.subi %sub3A_971, %shift_right_logical3A_969 : vector<16xi32>
        %bitcast3A_973 = vector.bitcast %sub3A_972 : vector<16xi32> to vector<16xf32>
        %mul3A_974 = arith.constant 5.000000e-01 : f32
        %mul3A_975 = vector.broadcast %mul3A_974 : f32 to vector<16xf32>
        %mul3A_976 = arith.mulf %add3A_965, %mul3A_975 : vector<16xf32>
        %mul3A_977 = arith.mulf %mul3A_976, %bitcast3A_973 : vector<16xf32>
        %mul3A_978 = arith.mulf %mul3A_977, %bitcast3A_973 : vector<16xf32>
        %sub3A_979 = arith.constant 1.500000e+00 : f32
        %sub3A_980 = vector.broadcast %sub3A_979 : f32 to vector<16xf32>
        %sub3A_981 = arith.subf %sub3A_980, %mul3A_978 : vector<16xf32>
        %mul3A_982 = arith.mulf %bitcast3A_973, %sub3A_981 : vector<16xf32>
        %mul3A_983 = arith.mulf %mul3A_976, %mul3A_982 : vector<16xf32>
        %mul3A_984 = arith.mulf %mul3A_983, %mul3A_982 : vector<16xf32>
        %sub3A_985 = arith.constant 1.500000e+00 : f32
        %sub3A_986 = vector.broadcast %sub3A_985 : f32 to vector<16xf32>
        %sub3A_987 = arith.subf %sub3A_986, %mul3A_984 : vector<16xf32>
        %mul3A_988 = arith.mulf %mul3A_982, %sub3A_987 : vector<16xf32>
        %mul3A_989 = arith.mulf %mul3A_957, %mul3A_988 : vector<16xf32>
        %mul3A_990 = arith.mulf %get3A_909, %mul3A_988 : vector<16xf32>
        %sub3A_991 = arith.subf %mul3A_990, %mul3A_989 : vector<16xf32>
        %mul3A_992 = arith.mulf %sub3A_991, %get3A_7 : vector<16xf32>
        %add3A_993 = arith.addf %mul3A_992, %get3A_23 : vector<16xf32>
        %swap3A_994 = arith.index_cast %add3A_906 : i32 to index
        %swap3A_995 = arith.constant 0 : index
        %swap3A_996 = tpu.vector_load %arg11[%swap3A_994, %swap3A_995] {strides = array<i32>} : memref<128x64xf32, #tpu.memory_space<vmem>>, vector<16xf32>,
        tpu.vector_store %arg11[%swap3A_994, %swap3A_995], %add3A_993 {strides = array<i32>} : memref<128x64xf32, #tpu.memory_space<vmem>>, vector<16xf32>,
        %mul3A_997 = arith.mulf %get3A_912, %mul3A_988 : vector<16xf32>
        %sub3A_998 = arith.subf %mul3A_997, %mul3A_989 : vector<16xf32>
        %mul3A_999 = arith.mulf %sub3A_998, %get3A_11 : vector<16xf32>
        %add3A_1000 = arith.addf %mul3A_999, %get3A_27 : vector<16xf32>
        %swap3A_1001 = arith.index_cast %add3A_906 : i32 to index
        %swap3A_1002 = arith.constant 16 : index
        %swap3A_1003 = tpu.vector_load %arg11[%swap3A_1001, %swap3A_1002] {strides = array<i32>} : memref<128x64xf32, #tpu.memory_space<vmem>>, vector<16xf32>,
        tpu.vector_store %arg11[%swap3A_1001, %swap3A_1002], %add3A_1000 {strides = array<i32>} : memref<128x64xf32, #tpu.memory_space<vmem>>, vector<16xf32>,
        %mul3A_1004 = arith.mulf %get3A_915, %mul3A_988 : vector<16xf32>
        %sub3A_1005 = arith.subf %mul3A_1004, %mul3A_989 : vector<16xf32>
        %mul3A_1006 = arith.mulf %sub3A_1005, %get3A_15 : vector<16xf32>
        %add3A_1007 = arith.addf %mul3A_1006, %get3A_31 : vector<16xf32>
        %swap3A_1008 = arith.index_cast %add3A_906 : i32 to index
        %swap3A_1009 = arith.constant 32 : index
        %swap3A_1010 = tpu.vector_load %arg11[%swap3A_1008, %swap3A_1009] {strides = array<i32>} : memref<128x64xf32, #tpu.memory_space<vmem>>, vector<16xf32>,
        tpu.vector_store %arg11[%swap3A_1008, %swap3A_1009], %add3A_1007 {strides = array<i32>} : memref<128x64xf32, #tpu.memory_space<vmem>>, vector<16xf32>,
        %mul3A_1011 = arith.mulf %get3A_918, %mul3A_988 : vector<16xf32>
        %sub3A_1012 = arith.subf %mul3A_1011, %mul3A_989 : vector<16xf32>
        %mul3A_1013 = arith.mulf %sub3A_1012, %get3A_19 : vector<16xf32>
        %add3A_1014 = arith.addf %mul3A_1013, %get3A_35 : vector<16xf32>
        %swap3A_1015 = arith.index_cast %add3A_906 : i32 to index
        %swap3A_1016 = arith.constant 48 : index
        %swap3A_1017 = tpu.vector_load %arg11[%swap3A_1015, %swap3A_1016] {strides = array<i32>} : memref<128x64xf32, #tpu.memory_space<vmem>>, vector<16xf32>,
        tpu.vector_store %arg11[%swap3A_1015, %swap3A_1016], %add3A_1014 {strides = array<i32>} : memref<128x64xf32, #tpu.memory_space<vmem>>, vector<16xf32>,
        %mul3A_1018 = arith.constant 8 : i32
        %mul3A_1019 = arith.muli %scan3A_794, %mul3A_1018 : i32
        %add3A_1020 = arith.constant 2 : i32
        %add3A_1021 = arith.addi %mul3A_1019, %add3A_1020 : i32
        %get3A_1022 = arith.index_cast %add3A_1021 : i32 to index
        %get3A_1023 = arith.constant 0 : index
        %get3A_1024 = tpu.vector_load %arg11[%get3A_1022, %get3A_1023] {strides = array<i32>} : memref<128x64xf32, #tpu.memory_space<vmem>>, vector<16xf32>,
        %get3A_1025 = arith.index_cast %add3A_1021 : i32 to index
        %get3A_1026 = arith.constant 16 : index
        %get3A_1027 = tpu.vector_load %arg11[%get3A_1025, %get3A_1026] {strides = array<i32>} : memref<128x64xf32, #tpu.memory_space<vmem>>, vector<16xf32>,
        %get3A_1028 = arith.index_cast %add3A_1021 : i32 to index
        %get3A_1029 = arith.constant 32 : index
        %get3A_1030 = tpu.vector_load %arg11[%get3A_1028, %get3A_1029] {strides = array<i32>} : memref<128x64xf32, #tpu.memory_space<vmem>>, vector<16xf32>,
        %get3A_1031 = arith.index_cast %add3A_1021 : i32 to index
        %get3A_1032 = arith.constant 48 : index
        %get3A_1033 = tpu.vector_load %arg11[%get3A_1031, %get3A_1032] {strides = array<i32>} : memref<128x64xf32, #tpu.memory_space<vmem>>, vector<16xf32>,
        %add3A_1034 = arith.addf %get3A_1024, %get3A_1027 : vector<16xf32>
        %add3A_1035 = arith.addf %get3A_1030, %get3A_1033 : vector<16xf32>
        %add3A_1036 = arith.addf %add3A_1034, %add3A_1035 : vector<16xf32>
        %mul3A_1037 = arith.mulf %get3A_1024, %get3A_1024 : vector<16xf32>
        %mul3A_1038 = arith.mulf %get3A_1027, %get3A_1027 : vector<16xf32>
        %add3A_1039 = arith.addf %mul3A_1037, %mul3A_1038 : vector<16xf32>
        %mul3A_1040 = arith.mulf %get3A_1030, %get3A_1030 : vector<16xf32>
        %mul3A_1041 = arith.mulf %get3A_1033, %get3A_1033 : vector<16xf32>
        %add3A_1042 = arith.addf %mul3A_1040, %mul3A_1041 : vector<16xf32>
        %add3A_1043 = arith.addf %add3A_1039, %add3A_1042 : vector<16xf32>
        %cumsum3A_1044 = arith.constant true
        %cumsum3A_1045 = vector.broadcast %cumsum3A_1044 : i1 to vector<16xi1>
        %cumsum3A_1046 = tpu.scan <sum>, %add3A_1036 masked %cumsum3A_1045 : vector<16xf32>, vector<16xi1> -> vector<16xf32>
        %lt3A_1047 = arith.constant 0 : i32
        %lt3A_1048 = vector.broadcast %lt3A_1047 : i32 to vector<16xi32>
        %lt3A_1049 = arith.cmpi slt, %broadcast_in_dim3A_4, %lt3A_1048 : vector<16xi32>
        %add3A_1050 = arith.constant 16 : i32
        %add3A_1051 = vector.broadcast %add3A_1050 : i32 to vector<16xi32>
        %add3A_1052 = arith.addi %broadcast_in_dim3A_4, %add3A_1051 : vector<16xi32>
        %select_n3A_1053 = arith.select %lt3A_1049, %add3A_1052, %broadcast_in_dim3A_4 : vector<16xi1>, vector<16xi32>
        %reshape3A_1054 = vector.shape_cast %select_n3A_1053 : vector<16xi32> to vector<16x1xi32>
        %gather3A_1055 = vector.shape_cast %reshape3A_1054 : vector<16x1xi32> to vector<16xi32>
        %gather3A_1056 = tpu.dynamic_gather %cumsum3A_1046[%gather3A_1055] in [0] : vector<16xf32>, vector<16xi32> -> vector<16xf32>
        %cumsum3A_1057 = arith.constant true
        %cumsum3A_1058 = vector.broadcast %cumsum3A_1057 : i1 to vector<16xi1>
        %cumsum3A_1059 = tpu.scan <sum>, %add3A_1043 masked %cumsum3A_1058 : vector<16xf32>, vector<16xi1> -> vector<16xf32>
        %lt3A_1060 = arith.constant 0 : i32
        %lt3A_1061 = vector.broadcast %lt3A_1060 : i32 to vector<16xi32>
        %lt3A_1062 = arith.cmpi slt, %broadcast_in_dim3A_4, %lt3A_1061 : vector<16xi32>
        %add3A_1063 = arith.constant 16 : i32
        %add3A_1064 = vector.broadcast %add3A_1063 : i32 to vector<16xi32>
        %add3A_1065 = arith.addi %broadcast_in_dim3A_4, %add3A_1064 : vector<16xi32>
        %select_n3A_1066 = arith.select %lt3A_1062, %add3A_1065, %broadcast_in_dim3A_4 : vector<16xi1>, vector<16xi32>
        %reshape3A_1067 = vector.shape_cast %select_n3A_1066 : vector<16xi32> to vector<16x1xi32>
        %gather3A_1068 = vector.shape_cast %reshape3A_1067 : vector<16x1xi32> to vector<16xi32>
        %gather3A_1069 = tpu.dynamic_gather %cumsum3A_1059[%gather3A_1068] in [0] : vector<16xf32>, vector<16xi32> -> vector<16xf32>
        %mul3A_1070 = arith.constant 1.562500e-02 : f32
        %mul3A_1071 = vector.broadcast %mul3A_1070 : f32 to vector<16xf32>
        %mul3A_1072 = arith.mulf %gather3A_1056, %mul3A_1071 : vector<16xf32>
        %mul3A_1073 = arith.constant 1.562500e-02 : f32
        %mul3A_1074 = vector.broadcast %mul3A_1073 : f32 to vector<16xf32>
        %mul3A_1075 = arith.mulf %gather3A_1069, %mul3A_1074 : vector<16xf32>
        %mul3A_1076 = arith.mulf %mul3A_1072, %mul3A_1072 : vector<16xf32>
        %sub3A_1077 = arith.subf %mul3A_1075, %mul3A_1076 : vector<16xf32>
        %add3A_1078 = arith.constant 1.562500e-07 : f32
        %add3A_1079 = vector.broadcast %add3A_1078 : f32 to vector<16xf32>
        %add3A_1080 = arith.addf %sub3A_1077, %add3A_1079 : vector<16xf32>
        %bitcast3A_1081 = vector.bitcast %add3A_1080 : vector<16xf32> to vector<16xi32>
        %shift_right_logical3A_1082 = arith.constant 1 : i32
        %shift_right_logical3A_1083 = vector.broadcast %shift_right_logical3A_1082 : i32 to vector<16xi32>
        %shift_right_logical3A_1084 = arith.shrui %bitcast3A_1081, %shift_right_logical3A_1083 : vector<16xi32>
        %sub3A_1085 = arith.constant 1597463007 : i32
        %sub3A_1086 = vector.broadcast %sub3A_1085 : i32 to vector<16xi32>
        %sub3A_1087 = arith.subi %sub3A_1086, %shift_right_logical3A_1084 : vector<16xi32>
        %bitcast3A_1088 = vector.bitcast %sub3A_1087 : vector<16xi32> to vector<16xf32>
        %mul3A_1089 = arith.constant 5.000000e-01 : f32
        %mul3A_1090 = vector.broadcast %mul3A_1089 : f32 to vector<16xf32>
        %mul3A_1091 = arith.mulf %add3A_1080, %mul3A_1090 : vector<16xf32>
        %mul3A_1092 = arith.mulf %mul3A_1091, %bitcast3A_1088 : vector<16xf32>
        %mul3A_1093 = arith.mulf %mul3A_1092, %bitcast3A_1088 : vector<16xf32>
        %sub3A_1094 = arith.constant 1.500000e+00 : f32
        %sub3A_1095 = vector.broadcast %sub3A_1094 : f32 to vector<16xf32>
        %sub3A_1096 = arith.subf %sub3A_1095, %mul3A_1093 : vector<16xf32>
        %mul3A_1097 = arith.mulf %bitcast3A_1088, %sub3A_1096 : vector<16xf32>
        %mul3A_1098 = arith.mulf %mul3A_1091, %mul3A_1097 : vector<16xf32>
        %mul3A_1099 = arith.mulf %mul3A_1098, %mul3A_1097 : vector<16xf32>
        %sub3A_1100 = arith.constant 1.500000e+00 : f32
        %sub3A_1101 = vector.broadcast %sub3A_1100 : f32 to vector<16xf32>
        %sub3A_1102 = arith.subf %sub3A_1101, %mul3A_1099 : vector<16xf32>
        %mul3A_1103 = arith.mulf %mul3A_1097, %sub3A_1102 : vector<16xf32>
        %mul3A_1104 = arith.mulf %mul3A_1072, %mul3A_1103 : vector<16xf32>
        %mul3A_1105 = arith.mulf %get3A_1024, %mul3A_1103 : vector<16xf32>
        %sub3A_1106 = arith.subf %mul3A_1105, %mul3A_1104 : vector<16xf32>
        %mul3A_1107 = arith.mulf %sub3A_1106, %get3A_7 : vector<16xf32>
        %add3A_1108 = arith.addf %mul3A_1107, %get3A_23 : vector<16xf32>
        %swap3A_1109 = arith.index_cast %add3A_1021 : i32 to index
        %swap3A_1110 = arith.constant 0 : index
        %swap3A_1111 = tpu.vector_load %arg11[%swap3A_1109, %swap3A_1110] {strides = array<i32>} : memref<128x64xf32, #tpu.memory_space<vmem>>, vector<16xf32>,
        tpu.vector_store %arg11[%swap3A_1109, %swap3A_1110], %add3A_1108 {strides = array<i32>} : memref<128x64xf32, #tpu.memory_space<vmem>>, vector<16xf32>,
        %mul3A_1112 = arith.mulf %get3A_1027, %mul3A_1103 : vector<16xf32>
        %sub3A_1113 = arith.subf %mul3A_1112, %mul3A_1104 : vector<16xf32>
        %mul3A_1114 = arith.mulf %sub3A_1113, %get3A_11 : vector<16xf32>
        %add3A_1115 = arith.addf %mul3A_1114, %get3A_27 : vector<16xf32>
        %swap3A_1116 = arith.index_cast %add3A_1021 : i32 to index
        %swap3A_1117 = arith.constant 16 : index
        %swap3A_1118 = tpu.vector_load %arg11[%swap3A_1116, %swap3A_1117] {strides = array<i32>} : memref<128x64xf32, #tpu.memory_space<vmem>>, vector<16xf32>,
        tpu.vector_store %arg11[%swap3A_1116, %swap3A_1117], %add3A_1115 {strides = array<i32>} : memref<128x64xf32, #tpu.memory_space<vmem>>, vector<16xf32>,
        %mul3A_1119 = arith.mulf %get3A_1030, %mul3A_1103 : vector<16xf32>
        %sub3A_1120 = arith.subf %mul3A_1119, %mul3A_1104 : vector<16xf32>
        %mul3A_1121 = arith.mulf %sub3A_1120, %get3A_15 : vector<16xf32>
        %add3A_1122 = arith.addf %mul3A_1121, %get3A_31 : vector<16xf32>
        %swap3A_1123 = arith.index_cast %add3A_1021 : i32 to index
        %swap3A_1124 = arith.constant 32 : index
        %swap3A_1125 = tpu.vector_load %arg11[%swap3A_1123, %swap3A_1124] {strides = array<i32>} : memref<128x64xf32, #tpu.memory_space<vmem>>, vector<16xf32>,
        tpu.vector_store %arg11[%swap3A_1123, %swap3A_1124], %add3A_1122 {strides = array<i32>} : memref<128x64xf32, #tpu.memory_space<vmem>>, vector<16xf32>,
        %mul3A_1126 = arith.mulf %get3A_1033, %mul3A_1103 : vector<16xf32>
        %sub3A_1127 = arith.subf %mul3A_1126, %mul3A_1104 : vector<16xf32>
        %mul3A_1128 = arith.mulf %sub3A_1127, %get3A_19 : vector<16xf32>
        %add3A_1129 = arith.addf %mul3A_1128, %get3A_35 : vector<16xf32>
        %swap3A_1130 = arith.index_cast %add3A_1021 : i32 to index
        %swap3A_1131 = arith.constant 48 : index
        %swap3A_1132 = tpu.vector_load %arg11[%swap3A_1130, %swap3A_1131] {strides = array<i32>} : memref<128x64xf32, #tpu.memory_space<vmem>>, vector<16xf32>,
        tpu.vector_store %arg11[%swap3A_1130, %swap3A_1131], %add3A_1129 {strides = array<i32>} : memref<128x64xf32, #tpu.memory_space<vmem>>, vector<16xf32>,
        %mul3A_1133 = arith.constant 8 : i32
        %mul3A_1134 = arith.muli %scan3A_794, %mul3A_1133 : i32
        %add3A_1135 = arith.constant 3 : i32
        %add3A_1136 = arith.addi %mul3A_1134, %add3A_1135 : i32
        %get3A_1137 = arith.index_cast %add3A_1136 : i32 to index
        %get3A_1138 = arith.constant 0 : index
        %get3A_1139 = tpu.vector_load %arg11[%get3A_1137, %get3A_1138] {strides = array<i32>} : memref<128x64xf32, #tpu.memory_space<vmem>>, vector<16xf32>,
        %get3A_1140 = arith.index_cast %add3A_1136 : i32 to index
        %get3A_1141 = arith.constant 16 : index
        %get3A_1142 = tpu.vector_load %arg11[%get3A_1140, %get3A_1141] {strides = array<i32>} : memref<128x64xf32, #tpu.memory_space<vmem>>, vector<16xf32>,
        %get3A_1143 = arith.index_cast %add3A_1136 : i32 to index
        %get3A_1144 = arith.constant 32 : index
        %get3A_1145 = tpu.vector_load %arg11[%get3A_1143, %get3A_1144] {strides = array<i32>} : memref<128x64xf32, #tpu.memory_space<vmem>>, vector<16xf32>,
        %get3A_1146 = arith.index_cast %add3A_1136 : i32 to index
        %get3A_1147 = arith.constant 48 : index
        %get3A_1148 = tpu.vector_load %arg11[%get3A_1146, %get3A_1147] {strides = array<i32>} : memref<128x64xf32, #tpu.memory_space<vmem>>, vector<16xf32>,
        %add3A_1149 = arith.addf %get3A_1139, %get3A_1142 : vector<16xf32>
        %add3A_1150 = arith.addf %get3A_1145, %get3A_1148 : vector<16xf32>
        %add3A_1151 = arith.addf %add3A_1149, %add3A_1150 : vector<16xf32>
        %mul3A_1152 = arith.mulf %get3A_1139, %get3A_1139 : vector<16xf32>
        %mul3A_1153 = arith.mulf %get3A_1142, %get3A_1142 : vector<16xf32>
        %add3A_1154 = arith.addf %mul3A_1152, %mul3A_1153 : vector<16xf32>
        %mul3A_1155 = arith.mulf %get3A_1145, %get3A_1145 : vector<16xf32>
        %mul3A_1156 = arith.mulf %get3A_1148, %get3A_1148 : vector<16xf32>
        %add3A_1157 = arith.addf %mul3A_1155, %mul3A_1156 : vector<16xf32>
        %add3A_1158 = arith.addf %add3A_1154, %add3A_1157 : vector<16xf32>
        %cumsum3A_1159 = arith.constant true
        %cumsum3A_1160 = vector.broadcast %cumsum3A_1159 : i1 to vector<16xi1>
        %cumsum3A_1161 = tpu.scan <sum>, %add3A_1151 masked %cumsum3A_1160 : vector<16xf32>, vector<16xi1> -> vector<16xf32>
        %lt3A_1162 = arith.constant 0 : i32
        %lt3A_1163 = vector.broadcast %lt3A_1162 : i32 to vector<16xi32>
        %lt3A_1164 = arith.cmpi slt, %broadcast_in_dim3A_4, %lt3A_1163 : vector<16xi32>
        %add3A_1165 = arith.constant 16 : i32
        %add3A_1166 = vector.broadcast %add3A_1165 : i32 to vector<16xi32>
        %add3A_1167 = arith.addi %broadcast_in_dim3A_4, %add3A_1166 : vector<16xi32>
        %select_n3A_1168 = arith.select %lt3A_1164, %add3A_1167, %broadcast_in_dim3A_4 : vector<16xi1>, vector<16xi32>
        %reshape3A_1169 = vector.shape_cast %select_n3A_1168 : vector<16xi32> to vector<16x1xi32>
        %gather3A_1170 = vector.shape_cast %reshape3A_1169 : vector<16x1xi32> to vector<16xi32>
        %gather3A_1171 = tpu.dynamic_gather %cumsum3A_1161[%gather3A_1170] in [0] : vector<16xf32>, vector<16xi32> -> vector<16xf32>
        %cumsum3A_1172 = arith.constant true
        %cumsum3A_1173 = vector.broadcast %cumsum3A_1172 : i1 to vector<16xi1>
        %cumsum3A_1174 = tpu.scan <sum>, %add3A_1158 masked %cumsum3A_1173 : vector<16xf32>, vector<16xi1> -> vector<16xf32>
        %lt3A_1175 = arith.constant 0 : i32
        %lt3A_1176 = vector.broadcast %lt3A_1175 : i32 to vector<16xi32>
        %lt3A_1177 = arith.cmpi slt, %broadcast_in_dim3A_4, %lt3A_1176 : vector<16xi32>
        %add3A_1178 = arith.constant 16 : i32
        %add3A_1179 = vector.broadcast %add3A_1178 : i32 to vector<16xi32>
        %add3A_1180 = arith.addi %broadcast_in_dim3A_4, %add3A_1179 : vector<16xi32>
        %select_n3A_1181 = arith.select %lt3A_1177, %add3A_1180, %broadcast_in_dim3A_4 : vector<16xi1>, vector<16xi32>
        %reshape3A_1182 = vector.shape_cast %select_n3A_1181 : vector<16xi32> to vector<16x1xi32>
        %gather3A_1183 = vector.shape_cast %reshape3A_1182 : vector<16x1xi32> to vector<16xi32>
        %gather3A_1184 = tpu.dynamic_gather %cumsum3A_1174[%gather3A_1183] in [0] : vector<16xf32>, vector<16xi32> -> vector<16xf32>
        %mul3A_1185 = arith.constant 1.562500e-02 : f32
        %mul3A_1186 = vector.broadcast %mul3A_1185 : f32 to vector<16xf32>
        %mul3A_1187 = arith.mulf %gather3A_1171, %mul3A_1186 : vector<16xf32>
        %mul3A_1188 = arith.constant 1.562500e-02 : f32
        %mul3A_1189 = vector.broadcast %mul3A_1188 : f32 to vector<16xf32>
        %mul3A_1190 = arith.mulf %gather3A_1184, %mul3A_1189 : vector<16xf32>
        %mul3A_1191 = arith.mulf %mul3A_1187, %mul3A_1187 : vector<16xf32>
        %sub3A_1192 = arith.subf %mul3A_1190, %mul3A_1191 : vector<16xf32>
        %add3A_1193 = arith.constant 1.562500e-07 : f32
        %add3A_1194 = vector.broadcast %add3A_1193 : f32 to vector<16xf32>
        %add3A_1195 = arith.addf %sub3A_1192, %add3A_1194 : vector<16xf32>
        %bitcast3A_1196 = vector.bitcast %add3A_1195 : vector<16xf32> to vector<16xi32>
        %shift_right_logical3A_1197 = arith.constant 1 : i32
        %shift_right_logical3A_1198 = vector.broadcast %shift_right_logical3A_1197 : i32 to vector<16xi32>
        %shift_right_logical3A_1199 = arith.shrui %bitcast3A_1196, %shift_right_logical3A_1198 : vector<16xi32>
        %sub3A_1200 = arith.constant 1597463007 : i32
        %sub3A_1201 = vector.broadcast %sub3A_1200 : i32 to vector<16xi32>
        %sub3A_1202 = arith.subi %sub3A_1201, %shift_right_logical3A_1199 : vector<16xi32>
        %bitcast3A_1203 = vector.bitcast %sub3A_1202 : vector<16xi32> to vector<16xf32>
        %mul3A_1204 = arith.constant 5.000000e-01 : f32
        %mul3A_1205 = vector.broadcast %mul3A_1204 : f32 to vector<16xf32>
        %mul3A_1206 = arith.mulf %add3A_1195, %mul3A_1205 : vector<16xf32>
        %mul3A_1207 = arith.mulf %mul3A_1206, %bitcast3A_1203 : vector<16xf32>
        %mul3A_1208 = arith.mulf %mul3A_1207, %bitcast3A_1203 : vector<16xf32>
        %sub3A_1209 = arith.constant 1.500000e+00 : f32
        %sub3A_1210 = vector.broadcast %sub3A_1209 : f32 to vector<16xf32>
        %sub3A_1211 = arith.subf %sub3A_1210, %mul3A_1208 : vector<16xf32>
        %mul3A_1212 = arith.mulf %bitcast3A_1203, %sub3A_1211 : vector<16xf32>
        %mul3A_1213 = arith.mulf %mul3A_1206, %mul3A_1212 : vector<16xf32>
        %mul3A_1214 = arith.mulf %mul3A_1213, %mul3A_1212 : vector<16xf32>
        %sub3A_1215 = arith.constant 1.500000e+00 : f32
        %sub3A_1216 = vector.broadcast %sub3A_1215 : f32 to vector<16xf32>
        %sub3A_1217 = arith.subf %sub3A_1216, %mul3A_1214 : vector<16xf32>
        %mul3A_1218 = arith.mulf %mul3A_1212, %sub3A_1217 : vector<16xf32>
        %mul3A_1219 = arith.mulf %mul3A_1187, %mul3A_1218 : vector<16xf32>
        %mul3A_1220 = arith.mulf %get3A_1139, %mul3A_1218 : vector<16xf32>
        %sub3A_1221 = arith.subf %mul3A_1220, %mul3A_1219 : vector<16xf32>
        %mul3A_1222 = arith.mulf %sub3A_1221, %get3A_7 : vector<16xf32>
        %add3A_1223 = arith.addf %mul3A_1222, %get3A_23 : vector<16xf32>
        %swap3A_1224 = arith.index_cast %add3A_1136 : i32 to index
        %swap3A_1225 = arith.constant 0 : index
        %swap3A_1226 = tpu.vector_load %arg11[%swap3A_1224, %swap3A_1225] {strides = array<i32>} : memref<128x64xf32, #tpu.memory_space<vmem>>, vector<16xf32>,
        tpu.vector_store %arg11[%swap3A_1224, %swap3A_1225], %add3A_1223 {strides = array<i32>} : memref<128x64xf32, #tpu.memory_space<vmem>>, vector<16xf32>,
        %mul3A_1227 = arith.mulf %get3A_1142, %mul3A_1218 : vector<16xf32>
        %sub3A_1228 = arith.subf %mul3A_1227, %mul3A_1219 : vector<16xf32>
        %mul3A_1229 = arith.mulf %sub3A_1228, %get3A_11 : vector<16xf32>
        %add3A_1230 = arith.addf %mul3A_1229, %get3A_27 : vector<16xf32>
        %swap3A_1231 = arith.index_cast %add3A_1136 : i32 to index
        %swap3A_1232 = arith.constant 16 : index
        %swap3A_1233 = tpu.vector_load %arg11[%swap3A_1231, %swap3A_1232] {strides = array<i32>} : memref<128x64xf32, #tpu.memory_space<vmem>>, vector<16xf32>,
        tpu.vector_store %arg11[%swap3A_1231, %swap3A_1232], %add3A_1230 {strides = array<i32>} : memref<128x64xf32, #tpu.memory_space<vmem>>, vector<16xf32>,
        %mul3A_1234 = arith.mulf %get3A_1145, %mul3A_1218 : vector<16xf32>
        %sub3A_1235 = arith.subf %mul3A_1234, %mul3A_1219 : vector<16xf32>
        %mul3A_1236 = arith.mulf %sub3A_1235, %get3A_15 : vector<16xf32>
        %add3A_1237 = arith.addf %mul3A_1236, %get3A_31 : vector<16xf32>
        %swap3A_1238 = arith.index_cast %add3A_1136 : i32 to index
        %swap3A_1239 = arith.constant 32 : index
        %swap3A_1240 = tpu.vector_load %arg11[%swap3A_1238, %swap3A_1239] {strides = array<i32>} : memref<128x64xf32, #tpu.memory_space<vmem>>, vector<16xf32>,
        tpu.vector_store %arg11[%swap3A_1238, %swap3A_1239], %add3A_1237 {strides = array<i32>} : memref<128x64xf32, #tpu.memory_space<vmem>>, vector<16xf32>,
        %mul3A_1241 = arith.mulf %get3A_1148, %mul3A_1218 : vector<16xf32>
        %sub3A_1242 = arith.subf %mul3A_1241, %mul3A_1219 : vector<16xf32>
        %mul3A_1243 = arith.mulf %sub3A_1242, %get3A_19 : vector<16xf32>
        %add3A_1244 = arith.addf %mul3A_1243, %get3A_35 : vector<16xf32>
        %swap3A_1245 = arith.index_cast %add3A_1136 : i32 to index
        %swap3A_1246 = arith.constant 48 : index
        %swap3A_1247 = tpu.vector_load %arg11[%swap3A_1245, %swap3A_1246] {strides = array<i32>} : memref<128x64xf32, #tpu.memory_space<vmem>>, vector<16xf32>,
        tpu.vector_store %arg11[%swap3A_1245, %swap3A_1246], %add3A_1244 {strides = array<i32>} : memref<128x64xf32, #tpu.memory_space<vmem>>, vector<16xf32>,
        %mul3A_1248 = arith.constant 8 : i32
        %mul3A_1249 = arith.muli %scan3A_794, %mul3A_1248 : i32
        %add3A_1250 = arith.constant 4 : i32
        %add3A_1251 = arith.addi %mul3A_1249, %add3A_1250 : i32
        %get3A_1252 = arith.index_cast %add3A_1251 : i32 to index
        %get3A_1253 = arith.constant 0 : index
        %get3A_1254 = tpu.vector_load %arg11[%get3A_1252, %get3A_1253] {strides = array<i32>} : memref<128x64xf32, #tpu.memory_space<vmem>>, vector<16xf32>,
        %get3A_1255 = arith.index_cast %add3A_1251 : i32 to index
        %get3A_1256 = arith.constant 16 : index
        %get3A_1257 = tpu.vector_load %arg11[%get3A_1255, %get3A_1256] {strides = array<i32>} : memref<128x64xf32, #tpu.memory_space<vmem>>, vector<16xf32>,
        %get3A_1258 = arith.index_cast %add3A_1251 : i32 to index
        %get3A_1259 = arith.constant 32 : index
        %get3A_1260 = tpu.vector_load %arg11[%get3A_1258, %get3A_1259] {strides = array<i32>} : memref<128x64xf32, #tpu.memory_space<vmem>>, vector<16xf32>,
        %get3A_1261 = arith.index_cast %add3A_1251 : i32 to index
        %get3A_1262 = arith.constant 48 : index
        %get3A_1263 = tpu.vector_load %arg11[%get3A_1261, %get3A_1262] {strides = array<i32>} : memref<128x64xf32, #tpu.memory_space<vmem>>, vector<16xf32>,
        %add3A_1264 = arith.addf %get3A_1254, %get3A_1257 : vector<16xf32>
        %add3A_1265 = arith.addf %get3A_1260, %get3A_1263 : vector<16xf32>
        %add3A_1266 = arith.addf %add3A_1264, %add3A_1265 : vector<16xf32>
        %mul3A_1267 = arith.mulf %get3A_1254, %get3A_1254 : vector<16xf32>
        %mul3A_1268 = arith.mulf %get3A_1257, %get3A_1257 : vector<16xf32>
        %add3A_1269 = arith.addf %mul3A_1267, %mul3A_1268 : vector<16xf32>
        %mul3A_1270 = arith.mulf %get3A_1260, %get3A_1260 : vector<16xf32>
        %mul3A_1271 = arith.mulf %get3A_1263, %get3A_1263 : vector<16xf32>
        %add3A_1272 = arith.addf %mul3A_1270, %mul3A_1271 : vector<16xf32>
        %add3A_1273 = arith.addf %add3A_1269, %add3A_1272 : vector<16xf32>
        %cumsum3A_1274 = arith.constant true
        %cumsum3A_1275 = vector.broadcast %cumsum3A_1274 : i1 to vector<16xi1>
        %cumsum3A_1276 = tpu.scan <sum>, %add3A_1266 masked %cumsum3A_1275 : vector<16xf32>, vector<16xi1> -> vector<16xf32>
        %lt3A_1277 = arith.constant 0 : i32
        %lt3A_1278 = vector.broadcast %lt3A_1277 : i32 to vector<16xi32>
        %lt3A_1279 = arith.cmpi slt, %broadcast_in_dim3A_4, %lt3A_1278 : vector<16xi32>
        %add3A_1280 = arith.constant 16 : i32
        %add3A_1281 = vector.broadcast %add3A_1280 : i32 to vector<16xi32>
        %add3A_1282 = arith.addi %broadcast_in_dim3A_4, %add3A_1281 : vector<16xi32>
        %select_n3A_1283 = arith.select %lt3A_1279, %add3A_1282, %broadcast_in_dim3A_4 : vector<16xi1>, vector<16xi32>
        %reshape3A_1284 = vector.shape_cast %select_n3A_1283 : vector<16xi32> to vector<16x1xi32>
        %gather3A_1285 = vector.shape_cast %reshape3A_1284 : vector<16x1xi32> to vector<16xi32>
        %gather3A_1286 = tpu.dynamic_gather %cumsum3A_1276[%gather3A_1285] in [0] : vector<16xf32>, vector<16xi32> -> vector<16xf32>
        %cumsum3A_1287 = arith.constant true
        %cumsum3A_1288 = vector.broadcast %cumsum3A_1287 : i1 to vector<16xi1>
        %cumsum3A_1289 = tpu.scan <sum>, %add3A_1273 masked %cumsum3A_1288 : vector<16xf32>, vector<16xi1> -> vector<16xf32>
        %lt3A_1290 = arith.constant 0 : i32
        %lt3A_1291 = vector.broadcast %lt3A_1290 : i32 to vector<16xi32>
        %lt3A_1292 = arith.cmpi slt, %broadcast_in_dim3A_4, %lt3A_1291 : vector<16xi32>
        %add3A_1293 = arith.constant 16 : i32
        %add3A_1294 = vector.broadcast %add3A_1293 : i32 to vector<16xi32>
        %add3A_1295 = arith.addi %broadcast_in_dim3A_4, %add3A_1294 : vector<16xi32>
        %select_n3A_1296 = arith.select %lt3A_1292, %add3A_1295, %broadcast_in_dim3A_4 : vector<16xi1>, vector<16xi32>
        %reshape3A_1297 = vector.shape_cast %select_n3A_1296 : vector<16xi32> to vector<16x1xi32>
        %gather3A_1298 = vector.shape_cast %reshape3A_1297 : vector<16x1xi32> to vector<16xi32>
        %gather3A_1299 = tpu.dynamic_gather %cumsum3A_1289[%gather3A_1298] in [0] : vector<16xf32>, vector<16xi32> -> vector<16xf32>
        %mul3A_1300 = arith.constant 1.562500e-02 : f32
        %mul3A_1301 = vector.broadcast %mul3A_1300 : f32 to vector<16xf32>
        %mul3A_1302 = arith.mulf %gather3A_1286, %mul3A_1301 : vector<16xf32>
        %mul3A_1303 = arith.constant 1.562500e-02 : f32
        %mul3A_1304 = vector.broadcast %mul3A_1303 : f32 to vector<16xf32>
        %mul3A_1305 = arith.mulf %gather3A_1299, %mul3A_1304 : vector<16xf32>
        %mul3A_1306 = arith.mulf %mul3A_1302, %mul3A_1302 : vector<16xf32>
        %sub3A_1307 = arith.subf %mul3A_1305, %mul3A_1306 : vector<16xf32>
        %add3A_1308 = arith.constant 1.562500e-07 : f32
        %add3A_1309 = vector.broadcast %add3A_1308 : f32 to vector<16xf32>
        %add3A_1310 = arith.addf %sub3A_1307, %add3A_1309 : vector<16xf32>
        %bitcast3A_1311 = vector.bitcast %add3A_1310 : vector<16xf32> to vector<16xi32>
        %shift_right_logical3A_1312 = arith.constant 1 : i32
        %shift_right_logical3A_1313 = vector.broadcast %shift_right_logical3A_1312 : i32 to vector<16xi32>
        %shift_right_logical3A_1314 = arith.shrui %bitcast3A_1311, %shift_right_logical3A_1313 : vector<16xi32>
        %sub3A_1315 = arith.constant 1597463007 : i32
        %sub3A_1316 = vector.broadcast %sub3A_1315 : i32 to vector<16xi32>
        %sub3A_1317 = arith.subi %sub3A_1316, %shift_right_logical3A_1314 : vector<16xi32>
        %bitcast3A_1318 = vector.bitcast %sub3A_1317 : vector<16xi32> to vector<16xf32>
        %mul3A_1319 = arith.constant 5.000000e-01 : f32
        %mul3A_1320 = vector.broadcast %mul3A_1319 : f32 to vector<16xf32>
        %mul3A_1321 = arith.mulf %add3A_1310, %mul3A_1320 : vector<16xf32>
        %mul3A_1322 = arith.mulf %mul3A_1321, %bitcast3A_1318 : vector<16xf32>
        %mul3A_1323 = arith.mulf %mul3A_1322, %bitcast3A_1318 : vector<16xf32>
        %sub3A_1324 = arith.constant 1.500000e+00 : f32
        %sub3A_1325 = vector.broadcast %sub3A_1324 : f32 to vector<16xf32>
        %sub3A_1326 = arith.subf %sub3A_1325, %mul3A_1323 : vector<16xf32>
        %mul3A_1327 = arith.mulf %bitcast3A_1318, %sub3A_1326 : vector<16xf32>
        %mul3A_1328 = arith.mulf %mul3A_1321, %mul3A_1327 : vector<16xf32>
        %mul3A_1329 = arith.mulf %mul3A_1328, %mul3A_1327 : vector<16xf32>
        %sub3A_1330 = arith.constant 1.500000e+00 : f32
        %sub3A_1331 = vector.broadcast %sub3A_1330 : f32 to vector<16xf32>
        %sub3A_1332 = arith.subf %sub3A_1331, %mul3A_1329 : vector<16xf32>
        %mul3A_1333 = arith.mulf %mul3A_1327, %sub3A_1332 : vector<16xf32>
        %mul3A_1334 = arith.mulf %mul3A_1302, %mul3A_1333 : vector<16xf32>
        %mul3A_1335 = arith.mulf %get3A_1254, %mul3A_1333 : vector<16xf32>
        %sub3A_1336 = arith.subf %mul3A_1335, %mul3A_1334 : vector<16xf32>
        %mul3A_1337 = arith.mulf %sub3A_1336, %get3A_7 : vector<16xf32>
        %add3A_1338 = arith.addf %mul3A_1337, %get3A_23 : vector<16xf32>
        %swap3A_1339 = arith.index_cast %add3A_1251 : i32 to index
        %swap3A_1340 = arith.constant 0 : index
        %swap3A_1341 = tpu.vector_load %arg11[%swap3A_1339, %swap3A_1340] {strides = array<i32>} : memref<128x64xf32, #tpu.memory_space<vmem>>, vector<16xf32>,
        tpu.vector_store %arg11[%swap3A_1339, %swap3A_1340], %add3A_1338 {strides = array<i32>} : memref<128x64xf32, #tpu.memory_space<vmem>>, vector<16xf32>,
        %mul3A_1342 = arith.mulf %get3A_1257, %mul3A_1333 : vector<16xf32>
        %sub3A_1343 = arith.subf %mul3A_1342, %mul3A_1334 : vector<16xf32>
        %mul3A_1344 = arith.mulf %sub3A_1343, %get3A_11 : vector<16xf32>
        %add3A_1345 = arith.addf %mul3A_1344, %get3A_27 : vector<16xf32>
        %swap3A_1346 = arith.index_cast %add3A_1251 : i32 to index
        %swap3A_1347 = arith.constant 16 : index
        %swap3A_1348 = tpu.vector_load %arg11[%swap3A_1346, %swap3A_1347] {strides = array<i32>} : memref<128x64xf32, #tpu.memory_space<vmem>>, vector<16xf32>,
        tpu.vector_store %arg11[%swap3A_1346, %swap3A_1347], %add3A_1345 {strides = array<i32>} : memref<128x64xf32, #tpu.memory_space<vmem>>, vector<16xf32>,
        %mul3A_1349 = arith.mulf %get3A_1260, %mul3A_1333 : vector<16xf32>
        %sub3A_1350 = arith.subf %mul3A_1349, %mul3A_1334 : vector<16xf32>
        %mul3A_1351 = arith.mulf %sub3A_1350, %get3A_15 : vector<16xf32>
        %add3A_1352 = arith.addf %mul3A_1351, %get3A_31 : vector<16xf32>
        %swap3A_1353 = arith.index_cast %add3A_1251 : i32 to index
        %swap3A_1354 = arith.constant 32 : index
        %swap3A_1355 = tpu.vector_load %arg11[%swap3A_1353, %swap3A_1354] {strides = array<i32>} : memref<128x64xf32, #tpu.memory_space<vmem>>, vector<16xf32>,
        tpu.vector_store %arg11[%swap3A_1353, %swap3A_1354], %add3A_1352 {strides = array<i32>} : memref<128x64xf32, #tpu.memory_space<vmem>>, vector<16xf32>,
        %mul3A_1356 = arith.mulf %get3A_1263, %mul3A_1333 : vector<16xf32>
        %sub3A_1357 = arith.subf %mul3A_1356, %mul3A_1334 : vector<16xf32>
        %mul3A_1358 = arith.mulf %sub3A_1357, %get3A_19 : vector<16xf32>
        %add3A_1359 = arith.addf %mul3A_1358, %get3A_35 : vector<16xf32>
        %swap3A_1360 = arith.index_cast %add3A_1251 : i32 to index
        %swap3A_1361 = arith.constant 48 : index
        %swap3A_1362 = tpu.vector_load %arg11[%swap3A_1360, %swap3A_1361] {strides = array<i32>} : memref<128x64xf32, #tpu.memory_space<vmem>>, vector<16xf32>,
        tpu.vector_store %arg11[%swap3A_1360, %swap3A_1361], %add3A_1359 {strides = array<i32>} : memref<128x64xf32, #tpu.memory_space<vmem>>, vector<16xf32>,
        %mul3A_1363 = arith.constant 8 : i32
        %mul3A_1364 = arith.muli %scan3A_794, %mul3A_1363 : i32
        %add3A_1365 = arith.constant 5 : i32
        %add3A_1366 = arith.addi %mul3A_1364, %add3A_1365 : i32
        %get3A_1367 = arith.index_cast %add3A_1366 : i32 to index
        %get3A_1368 = arith.constant 0 : index
        %get3A_1369 = tpu.vector_load %arg11[%get3A_1367, %get3A_1368] {strides = array<i32>} : memref<128x64xf32, #tpu.memory_space<vmem>>, vector<16xf32>,
        %get3A_1370 = arith.index_cast %add3A_1366 : i32 to index
        %get3A_1371 = arith.constant 16 : index
        %get3A_1372 = tpu.vector_load %arg11[%get3A_1370, %get3A_1371] {strides = array<i32>} : memref<128x64xf32, #tpu.memory_space<vmem>>, vector<16xf32>,
        %get3A_1373 = arith.index_cast %add3A_1366 : i32 to index
        %get3A_1374 = arith.constant 32 : index
        %get3A_1375 = tpu.vector_load %arg11[%get3A_1373, %get3A_1374] {strides = array<i32>} : memref<128x64xf32, #tpu.memory_space<vmem>>, vector<16xf32>,
        %get3A_1376 = arith.index_cast %add3A_1366 : i32 to index
        %get3A_1377 = arith.constant 48 : index
        %get3A_1378 = tpu.vector_load %arg11[%get3A_1376, %get3A_1377] {strides = array<i32>} : memref<128x64xf32, #tpu.memory_space<vmem>>, vector<16xf32>,
        %add3A_1379 = arith.addf %get3A_1369, %get3A_1372 : vector<16xf32>
        %add3A_1380 = arith.addf %get3A_1375, %get3A_1378 : vector<16xf32>
        %add3A_1381 = arith.addf %add3A_1379, %add3A_1380 : vector<16xf32>
        %mul3A_1382 = arith.mulf %get3A_1369, %get3A_1369 : vector<16xf32>
        %mul3A_1383 = arith.mulf %get3A_1372, %get3A_1372 : vector<16xf32>
        %add3A_1384 = arith.addf %mul3A_1382, %mul3A_1383 : vector<16xf32>
        %mul3A_1385 = arith.mulf %get3A_1375, %get3A_1375 : vector<16xf32>
        %mul3A_1386 = arith.mulf %get3A_1378, %get3A_1378 : vector<16xf32>
        %add3A_1387 = arith.addf %mul3A_1385, %mul3A_1386 : vector<16xf32>
        %add3A_1388 = arith.addf %add3A_1384, %add3A_1387 : vector<16xf32>
        %cumsum3A_1389 = arith.constant true
        %cumsum3A_1390 = vector.broadcast %cumsum3A_1389 : i1 to vector<16xi1>
        %cumsum3A_1391 = tpu.scan <sum>, %add3A_1381 masked %cumsum3A_1390 : vector<16xf32>, vector<16xi1> -> vector<16xf32>
        %lt3A_1392 = arith.constant 0 : i32
        %lt3A_1393 = vector.broadcast %lt3A_1392 : i32 to vector<16xi32>
        %lt3A_1394 = arith.cmpi slt, %broadcast_in_dim3A_4, %lt3A_1393 : vector<16xi32>
        %add3A_1395 = arith.constant 16 : i32
        %add3A_1396 = vector.broadcast %add3A_1395 : i32 to vector<16xi32>
        %add3A_1397 = arith.addi %broadcast_in_dim3A_4, %add3A_1396 : vector<16xi32>
        %select_n3A_1398 = arith.select %lt3A_1394, %add3A_1397, %broadcast_in_dim3A_4 : vector<16xi1>, vector<16xi32>
        %reshape3A_1399 = vector.shape_cast %select_n3A_1398 : vector<16xi32> to vector<16x1xi32>
        %gather3A_1400 = vector.shape_cast %reshape3A_1399 : vector<16x1xi32> to vector<16xi32>
        %gather3A_1401 = tpu.dynamic_gather %cumsum3A_1391[%gather3A_1400] in [0] : vector<16xf32>, vector<16xi32> -> vector<16xf32>
        %cumsum3A_1402 = arith.constant true
        %cumsum3A_1403 = vector.broadcast %cumsum3A_1402 : i1 to vector<16xi1>
        %cumsum3A_1404 = tpu.scan <sum>, %add3A_1388 masked %cumsum3A_1403 : vector<16xf32>, vector<16xi1> -> vector<16xf32>
        %lt3A_1405 = arith.constant 0 : i32
        %lt3A_1406 = vector.broadcast %lt3A_1405 : i32 to vector<16xi32>
        %lt3A_1407 = arith.cmpi slt, %broadcast_in_dim3A_4, %lt3A_1406 : vector<16xi32>
        %add3A_1408 = arith.constant 16 : i32
        %add3A_1409 = vector.broadcast %add3A_1408 : i32 to vector<16xi32>
        %add3A_1410 = arith.addi %broadcast_in_dim3A_4, %add3A_1409 : vector<16xi32>
        %select_n3A_1411 = arith.select %lt3A_1407, %add3A_1410, %broadcast_in_dim3A_4 : vector<16xi1>, vector<16xi32>
        %reshape3A_1412 = vector.shape_cast %select_n3A_1411 : vector<16xi32> to vector<16x1xi32>
        %gather3A_1413 = vector.shape_cast %reshape3A_1412 : vector<16x1xi32> to vector<16xi32>
        %gather3A_1414 = tpu.dynamic_gather %cumsum3A_1404[%gather3A_1413] in [0] : vector<16xf32>, vector<16xi32> -> vector<16xf32>
        %mul3A_1415 = arith.constant 1.562500e-02 : f32
        %mul3A_1416 = vector.broadcast %mul3A_1415 : f32 to vector<16xf32>
        %mul3A_1417 = arith.mulf %gather3A_1401, %mul3A_1416 : vector<16xf32>
        %mul3A_1418 = arith.constant 1.562500e-02 : f32
        %mul3A_1419 = vector.broadcast %mul3A_1418 : f32 to vector<16xf32>
        %mul3A_1420 = arith.mulf %gather3A_1414, %mul3A_1419 : vector<16xf32>
        %mul3A_1421 = arith.mulf %mul3A_1417, %mul3A_1417 : vector<16xf32>
        %sub3A_1422 = arith.subf %mul3A_1420, %mul3A_1421 : vector<16xf32>
        %add3A_1423 = arith.constant 1.562500e-07 : f32
        %add3A_1424 = vector.broadcast %add3A_1423 : f32 to vector<16xf32>
        %add3A_1425 = arith.addf %sub3A_1422, %add3A_1424 : vector<16xf32>
        %bitcast3A_1426 = vector.bitcast %add3A_1425 : vector<16xf32> to vector<16xi32>
        %shift_right_logical3A_1427 = arith.constant 1 : i32
        %shift_right_logical3A_1428 = vector.broadcast %shift_right_logical3A_1427 : i32 to vector<16xi32>
        %shift_right_logical3A_1429 = arith.shrui %bitcast3A_1426, %shift_right_logical3A_1428 : vector<16xi32>
        %sub3A_1430 = arith.constant 1597463007 : i32
        %sub3A_1431 = vector.broadcast %sub3A_1430 : i32 to vector<16xi32>
        %sub3A_1432 = arith.subi %sub3A_1431, %shift_right_logical3A_1429 : vector<16xi32>
        %bitcast3A_1433 = vector.bitcast %sub3A_1432 : vector<16xi32> to vector<16xf32>
        %mul3A_1434 = arith.constant 5.000000e-01 : f32
        %mul3A_1435 = vector.broadcast %mul3A_1434 : f32 to vector<16xf32>
        %mul3A_1436 = arith.mulf %add3A_1425, %mul3A_1435 : vector<16xf32>
        %mul3A_1437 = arith.mulf %mul3A_1436, %bitcast3A_1433 : vector<16xf32>
        %mul3A_1438 = arith.mulf %mul3A_1437, %bitcast3A_1433 : vector<16xf32>
        %sub3A_1439 = arith.constant 1.500000e+00 : f32
        %sub3A_1440 = vector.broadcast %sub3A_1439 : f32 to vector<16xf32>
        %sub3A_1441 = arith.subf %sub3A_1440, %mul3A_1438 : vector<16xf32>
        %mul3A_1442 = arith.mulf %bitcast3A_1433, %sub3A_1441 : vector<16xf32>
        %mul3A_1443 = arith.mulf %mul3A_1436, %mul3A_1442 : vector<16xf32>
        %mul3A_1444 = arith.mulf %mul3A_1443, %mul3A_1442 : vector<16xf32>
        %sub3A_1445 = arith.constant 1.500000e+00 : f32
        %sub3A_1446 = vector.broadcast %sub3A_1445 : f32 to vector<16xf32>
        %sub3A_1447 = arith.subf %sub3A_1446, %mul3A_1444 : vector<16xf32>
        %mul3A_1448 = arith.mulf %mul3A_1442, %sub3A_1447 : vector<16xf32>
        %mul3A_1449 = arith.mulf %mul3A_1417, %mul3A_1448 : vector<16xf32>
        %mul3A_1450 = arith.mulf %get3A_1369, %mul3A_1448 : vector<16xf32>
        %sub3A_1451 = arith.subf %mul3A_1450, %mul3A_1449 : vector<16xf32>
        %mul3A_1452 = arith.mulf %sub3A_1451, %get3A_7 : vector<16xf32>
        %add3A_1453 = arith.addf %mul3A_1452, %get3A_23 : vector<16xf32>
        %swap3A_1454 = arith.index_cast %add3A_1366 : i32 to index
        %swap3A_1455 = arith.constant 0 : index
        %swap3A_1456 = tpu.vector_load %arg11[%swap3A_1454, %swap3A_1455] {strides = array<i32>} : memref<128x64xf32, #tpu.memory_space<vmem>>, vector<16xf32>,
        tpu.vector_store %arg11[%swap3A_1454, %swap3A_1455], %add3A_1453 {strides = array<i32>} : memref<128x64xf32, #tpu.memory_space<vmem>>, vector<16xf32>,
        %mul3A_1457 = arith.mulf %get3A_1372, %mul3A_1448 : vector<16xf32>
        %sub3A_1458 = arith.subf %mul3A_1457, %mul3A_1449 : vector<16xf32>
        %mul3A_1459 = arith.mulf %sub3A_1458, %get3A_11 : vector<16xf32>
        %add3A_1460 = arith.addf %mul3A_1459, %get3A_27 : vector<16xf32>
        %swap3A_1461 = arith.index_cast %add3A_1366 : i32 to index
        %swap3A_1462 = arith.constant 16 : index
        %swap3A_1463 = tpu.vector_load %arg11[%swap3A_1461, %swap3A_1462] {strides = array<i32>} : memref<128x64xf32, #tpu.memory_space<vmem>>, vector<16xf32>,
        tpu.vector_store %arg11[%swap3A_1461, %swap3A_1462], %add3A_1460 {strides = array<i32>} : memref<128x64xf32, #tpu.memory_space<vmem>>, vector<16xf32>,
        %mul3A_1464 = arith.mulf %get3A_1375, %mul3A_1448 : vector<16xf32>
        %sub3A_1465 = arith.subf %mul3A_1464, %mul3A_1449 : vector<16xf32>
        %mul3A_1466 = arith.mulf %sub3A_1465, %get3A_15 : vector<16xf32>
        %add3A_1467 = arith.addf %mul3A_1466, %get3A_31 : vector<16xf32>
        %swap3A_1468 = arith.index_cast %add3A_1366 : i32 to index
        %swap3A_1469 = arith.constant 32 : index
        %swap3A_1470 = tpu.vector_load %arg11[%swap3A_1468, %swap3A_1469] {strides = array<i32>} : memref<128x64xf32, #tpu.memory_space<vmem>>, vector<16xf32>,
        tpu.vector_store %arg11[%swap3A_1468, %swap3A_1469], %add3A_1467 {strides = array<i32>} : memref<128x64xf32, #tpu.memory_space<vmem>>, vector<16xf32>,
        %mul3A_1471 = arith.mulf %get3A_1378, %mul3A_1448 : vector<16xf32>
        %sub3A_1472 = arith.subf %mul3A_1471, %mul3A_1449 : vector<16xf32>
        %mul3A_1473 = arith.mulf %sub3A_1472, %get3A_19 : vector<16xf32>
        %add3A_1474 = arith.addf %mul3A_1473, %get3A_35 : vector<16xf32>
        %swap3A_1475 = arith.index_cast %add3A_1366 : i32 to index
        %swap3A_1476 = arith.constant 48 : index
        %swap3A_1477 = tpu.vector_load %arg11[%swap3A_1475, %swap3A_1476] {strides = array<i32>} : memref<128x64xf32, #tpu.memory_space<vmem>>, vector<16xf32>,
        tpu.vector_store %arg11[%swap3A_1475, %swap3A_1476], %add3A_1474 {strides = array<i32>} : memref<128x64xf32, #tpu.memory_space<vmem>>, vector<16xf32>,
        %mul3A_1478 = arith.constant 8 : i32
        %mul3A_1479 = arith.muli %scan3A_794, %mul3A_1478 : i32
        %add3A_1480 = arith.constant 6 : i32
        %add3A_1481 = arith.addi %mul3A_1479, %add3A_1480 : i32
        %get3A_1482 = arith.index_cast %add3A_1481 : i32 to index
        %get3A_1483 = arith.constant 0 : index
        %get3A_1484 = tpu.vector_load %arg11[%get3A_1482, %get3A_1483] {strides = array<i32>} : memref<128x64xf32, #tpu.memory_space<vmem>>, vector<16xf32>,
        %get3A_1485 = arith.index_cast %add3A_1481 : i32 to index
        %get3A_1486 = arith.constant 16 : index
        %get3A_1487 = tpu.vector_load %arg11[%get3A_1485, %get3A_1486] {strides = array<i32>} : memref<128x64xf32, #tpu.memory_space<vmem>>, vector<16xf32>,
        %get3A_1488 = arith.index_cast %add3A_1481 : i32 to index
        %get3A_1489 = arith.constant 32 : index
        %get3A_1490 = tpu.vector_load %arg11[%get3A_1488, %get3A_1489] {strides = array<i32>} : memref<128x64xf32, #tpu.memory_space<vmem>>, vector<16xf32>,
        %get3A_1491 = arith.index_cast %add3A_1481 : i32 to index
        %get3A_1492 = arith.constant 48 : index
        %get3A_1493 = tpu.vector_load %arg11[%get3A_1491, %get3A_1492] {strides = array<i32>} : memref<128x64xf32, #tpu.memory_space<vmem>>, vector<16xf32>,
        %add3A_1494 = arith.addf %get3A_1484, %get3A_1487 : vector<16xf32>
        %add3A_1495 = arith.addf %get3A_1490, %get3A_1493 : vector<16xf32>
        %add3A_1496 = arith.addf %add3A_1494, %add3A_1495 : vector<16xf32>
        %mul3A_1497 = arith.mulf %get3A_1484, %get3A_1484 : vector<16xf32>
        %mul3A_1498 = arith.mulf %get3A_1487, %get3A_1487 : vector<16xf32>
        %add3A_1499 = arith.addf %mul3A_1497, %mul3A_1498 : vector<16xf32>
        %mul3A_1500 = arith.mulf %get3A_1490, %get3A_1490 : vector<16xf32>
        %mul3A_1501 = arith.mulf %get3A_1493, %get3A_1493 : vector<16xf32>
        %add3A_1502 = arith.addf %mul3A_1500, %mul3A_1501 : vector<16xf32>
        %add3A_1503 = arith.addf %add3A_1499, %add3A_1502 : vector<16xf32>
        %cumsum3A_1504 = arith.constant true
        %cumsum3A_1505 = vector.broadcast %cumsum3A_1504 : i1 to vector<16xi1>
        %cumsum3A_1506 = tpu.scan <sum>, %add3A_1496 masked %cumsum3A_1505 : vector<16xf32>, vector<16xi1> -> vector<16xf32>
        %lt3A_1507 = arith.constant 0 : i32
        %lt3A_1508 = vector.broadcast %lt3A_1507 : i32 to vector<16xi32>
        %lt3A_1509 = arith.cmpi slt, %broadcast_in_dim3A_4, %lt3A_1508 : vector<16xi32>
        %add3A_1510 = arith.constant 16 : i32
        %add3A_1511 = vector.broadcast %add3A_1510 : i32 to vector<16xi32>
        %add3A_1512 = arith.addi %broadcast_in_dim3A_4, %add3A_1511 : vector<16xi32>
        %select_n3A_1513 = arith.select %lt3A_1509, %add3A_1512, %broadcast_in_dim3A_4 : vector<16xi1>, vector<16xi32>
        %reshape3A_1514 = vector.shape_cast %select_n3A_1513 : vector<16xi32> to vector<16x1xi32>
        %gather3A_1515 = vector.shape_cast %reshape3A_1514 : vector<16x1xi32> to vector<16xi32>
        %gather3A_1516 = tpu.dynamic_gather %cumsum3A_1506[%gather3A_1515] in [0] : vector<16xf32>, vector<16xi32> -> vector<16xf32>
        %cumsum3A_1517 = arith.constant true
        %cumsum3A_1518 = vector.broadcast %cumsum3A_1517 : i1 to vector<16xi1>
        %cumsum3A_1519 = tpu.scan <sum>, %add3A_1503 masked %cumsum3A_1518 : vector<16xf32>, vector<16xi1> -> vector<16xf32>
        %lt3A_1520 = arith.constant 0 : i32
        %lt3A_1521 = vector.broadcast %lt3A_1520 : i32 to vector<16xi32>
        %lt3A_1522 = arith.cmpi slt, %broadcast_in_dim3A_4, %lt3A_1521 : vector<16xi32>
        %add3A_1523 = arith.constant 16 : i32
        %add3A_1524 = vector.broadcast %add3A_1523 : i32 to vector<16xi32>
        %add3A_1525 = arith.addi %broadcast_in_dim3A_4, %add3A_1524 : vector<16xi32>
        %select_n3A_1526 = arith.select %lt3A_1522, %add3A_1525, %broadcast_in_dim3A_4 : vector<16xi1>, vector<16xi32>
        %reshape3A_1527 = vector.shape_cast %select_n3A_1526 : vector<16xi32> to vector<16x1xi32>
        %gather3A_1528 = vector.shape_cast %reshape3A_1527 : vector<16x1xi32> to vector<16xi32>
        %gather3A_1529 = tpu.dynamic_gather %cumsum3A_1519[%gather3A_1528] in [0] : vector<16xf32>, vector<16xi32> -> vector<16xf32>
        %mul3A_1530 = arith.constant 1.562500e-02 : f32
        %mul3A_1531 = vector.broadcast %mul3A_1530 : f32 to vector<16xf32>
        %mul3A_1532 = arith.mulf %gather3A_1516, %mul3A_1531 : vector<16xf32>
        %mul3A_1533 = arith.constant 1.562500e-02 : f32
        %mul3A_1534 = vector.broadcast %mul3A_1533 : f32 to vector<16xf32>
        %mul3A_1535 = arith.mulf %gather3A_1529, %mul3A_1534 : vector<16xf32>
        %mul3A_1536 = arith.mulf %mul3A_1532, %mul3A_1532 : vector<16xf32>
        %sub3A_1537 = arith.subf %mul3A_1535, %mul3A_1536 : vector<16xf32>
        %add3A_1538 = arith.constant 1.562500e-07 : f32
        %add3A_1539 = vector.broadcast %add3A_1538 : f32 to vector<16xf32>
        %add3A_1540 = arith.addf %sub3A_1537, %add3A_1539 : vector<16xf32>
        %bitcast3A_1541 = vector.bitcast %add3A_1540 : vector<16xf32> to vector<16xi32>
        %shift_right_logical3A_1542 = arith.constant 1 : i32
        %shift_right_logical3A_1543 = vector.broadcast %shift_right_logical3A_1542 : i32 to vector<16xi32>
        %shift_right_logical3A_1544 = arith.shrui %bitcast3A_1541, %shift_right_logical3A_1543 : vector<16xi32>
        %sub3A_1545 = arith.constant 1597463007 : i32
        %sub3A_1546 = vector.broadcast %sub3A_1545 : i32 to vector<16xi32>
        %sub3A_1547 = arith.subi %sub3A_1546, %shift_right_logical3A_1544 : vector<16xi32>
        %bitcast3A_1548 = vector.bitcast %sub3A_1547 : vector<16xi32> to vector<16xf32>
        %mul3A_1549 = arith.constant 5.000000e-01 : f32
        %mul3A_1550 = vector.broadcast %mul3A_1549 : f32 to vector<16xf32>
        %mul3A_1551 = arith.mulf %add3A_1540, %mul3A_1550 : vector<16xf32>
        %mul3A_1552 = arith.mulf %mul3A_1551, %bitcast3A_1548 : vector<16xf32>
        %mul3A_1553 = arith.mulf %mul3A_1552, %bitcast3A_1548 : vector<16xf32>
        %sub3A_1554 = arith.constant 1.500000e+00 : f32
        %sub3A_1555 = vector.broadcast %sub3A_1554 : f32 to vector<16xf32>
        %sub3A_1556 = arith.subf %sub3A_1555, %mul3A_1553 : vector<16xf32>
        %mul3A_1557 = arith.mulf %bitcast3A_1548, %sub3A_1556 : vector<16xf32>
        %mul3A_1558 = arith.mulf %mul3A_1551, %mul3A_1557 : vector<16xf32>
        %mul3A_1559 = arith.mulf %mul3A_1558, %mul3A_1557 : vector<16xf32>
        %sub3A_1560 = arith.constant 1.500000e+00 : f32
        %sub3A_1561 = vector.broadcast %sub3A_1560 : f32 to vector<16xf32>
        %sub3A_1562 = arith.subf %sub3A_1561, %mul3A_1559 : vector<16xf32>
        %mul3A_1563 = arith.mulf %mul3A_1557, %sub3A_1562 : vector<16xf32>
        %mul3A_1564 = arith.mulf %mul3A_1532, %mul3A_1563 : vector<16xf32>
        %mul3A_1565 = arith.mulf %get3A_1484, %mul3A_1563 : vector<16xf32>
        %sub3A_1566 = arith.subf %mul3A_1565, %mul3A_1564 : vector<16xf32>
        %mul3A_1567 = arith.mulf %sub3A_1566, %get3A_7 : vector<16xf32>
        %add3A_1568 = arith.addf %mul3A_1567, %get3A_23 : vector<16xf32>
        %swap3A_1569 = arith.index_cast %add3A_1481 : i32 to index
        %swap3A_1570 = arith.constant 0 : index
        %swap3A_1571 = tpu.vector_load %arg11[%swap3A_1569, %swap3A_1570] {strides = array<i32>} : memref<128x64xf32, #tpu.memory_space<vmem>>, vector<16xf32>,
        tpu.vector_store %arg11[%swap3A_1569, %swap3A_1570], %add3A_1568 {strides = array<i32>} : memref<128x64xf32, #tpu.memory_space<vmem>>, vector<16xf32>,
        %mul3A_1572 = arith.mulf %get3A_1487, %mul3A_1563 : vector<16xf32>
        %sub3A_1573 = arith.subf %mul3A_1572, %mul3A_1564 : vector<16xf32>
        %mul3A_1574 = arith.mulf %sub3A_1573, %get3A_11 : vector<16xf32>
        %add3A_1575 = arith.addf %mul3A_1574, %get3A_27 : vector<16xf32>
        %swap3A_1576 = arith.index_cast %add3A_1481 : i32 to index
        %swap3A_1577 = arith.constant 16 : index
        %swap3A_1578 = tpu.vector_load %arg11[%swap3A_1576, %swap3A_1577] {strides = array<i32>} : memref<128x64xf32, #tpu.memory_space<vmem>>, vector<16xf32>,
        tpu.vector_store %arg11[%swap3A_1576, %swap3A_1577], %add3A_1575 {strides = array<i32>} : memref<128x64xf32, #tpu.memory_space<vmem>>, vector<16xf32>,
        %mul3A_1579 = arith.mulf %get3A_1490, %mul3A_1563 : vector<16xf32>
        %sub3A_1580 = arith.subf %mul3A_1579, %mul3A_1564 : vector<16xf32>
        %mul3A_1581 = arith.mulf %sub3A_1580, %get3A_15 : vector<16xf32>
        %add3A_1582 = arith.addf %mul3A_1581, %get3A_31 : vector<16xf32>
        %swap3A_1583 = arith.index_cast %add3A_1481 : i32 to index
        %swap3A_1584 = arith.constant 32 : index
        %swap3A_1585 = tpu.vector_load %arg11[%swap3A_1583, %swap3A_1584] {strides = array<i32>} : memref<128x64xf32, #tpu.memory_space<vmem>>, vector<16xf32>,
        tpu.vector_store %arg11[%swap3A_1583, %swap3A_1584], %add3A_1582 {strides = array<i32>} : memref<128x64xf32, #tpu.memory_space<vmem>>, vector<16xf32>,
        %mul3A_1586 = arith.mulf %get3A_1493, %mul3A_1563 : vector<16xf32>
        %sub3A_1587 = arith.subf %mul3A_1586, %mul3A_1564 : vector<16xf32>
        %mul3A_1588 = arith.mulf %sub3A_1587, %get3A_19 : vector<16xf32>
        %add3A_1589 = arith.addf %mul3A_1588, %get3A_35 : vector<16xf32>
        %swap3A_1590 = arith.index_cast %add3A_1481 : i32 to index
        %swap3A_1591 = arith.constant 48 : index
        %swap3A_1592 = tpu.vector_load %arg11[%swap3A_1590, %swap3A_1591] {strides = array<i32>} : memref<128x64xf32, #tpu.memory_space<vmem>>, vector<16xf32>,
        tpu.vector_store %arg11[%swap3A_1590, %swap3A_1591], %add3A_1589 {strides = array<i32>} : memref<128x64xf32, #tpu.memory_space<vmem>>, vector<16xf32>,
        %mul3A_1593 = arith.constant 8 : i32
        %mul3A_1594 = arith.muli %scan3A_794, %mul3A_1593 : i32
        %add3A_1595 = arith.constant 7 : i32
        %add3A_1596 = arith.addi %mul3A_1594, %add3A_1595 : i32
        %get3A_1597 = arith.index_cast %add3A_1596 : i32 to index
        %get3A_1598 = arith.constant 0 : index
        %get3A_1599 = tpu.vector_load %arg11[%get3A_1597, %get3A_1598] {strides = array<i32>} : memref<128x64xf32, #tpu.memory_space<vmem>>, vector<16xf32>,
        %get3A_1600 = arith.index_cast %add3A_1596 : i32 to index
        %get3A_1601 = arith.constant 16 : index
        %get3A_1602 = tpu.vector_load %arg11[%get3A_1600, %get3A_1601] {strides = array<i32>} : memref<128x64xf32, #tpu.memory_space<vmem>>, vector<16xf32>,
        %get3A_1603 = arith.index_cast %add3A_1596 : i32 to index
        %get3A_1604 = arith.constant 32 : index
        %get3A_1605 = tpu.vector_load %arg11[%get3A_1603, %get3A_1604] {strides = array<i32>} : memref<128x64xf32, #tpu.memory_space<vmem>>, vector<16xf32>,
        %get3A_1606 = arith.index_cast %add3A_1596 : i32 to index
        %get3A_1607 = arith.constant 48 : index
        %get3A_1608 = tpu.vector_load %arg11[%get3A_1606, %get3A_1607] {strides = array<i32>} : memref<128x64xf32, #tpu.memory_space<vmem>>, vector<16xf32>,
        %add3A_1609 = arith.addf %get3A_1599, %get3A_1602 : vector<16xf32>
        %add3A_1610 = arith.addf %get3A_1605, %get3A_1608 : vector<16xf32>
        %add3A_1611 = arith.addf %add3A_1609, %add3A_1610 : vector<16xf32>
        %mul3A_1612 = arith.mulf %get3A_1599, %get3A_1599 : vector<16xf32>
        %mul3A_1613 = arith.mulf %get3A_1602, %get3A_1602 : vector<16xf32>
        %add3A_1614 = arith.addf %mul3A_1612, %mul3A_1613 : vector<16xf32>
        %mul3A_1615 = arith.mulf %get3A_1605, %get3A_1605 : vector<16xf32>
        %mul3A_1616 = arith.mulf %get3A_1608, %get3A_1608 : vector<16xf32>
        %add3A_1617 = arith.addf %mul3A_1615, %mul3A_1616 : vector<16xf32>
        %add3A_1618 = arith.addf %add3A_1614, %add3A_1617 : vector<16xf32>
        %cumsum3A_1619 = arith.constant true
        %cumsum3A_1620 = vector.broadcast %cumsum3A_1619 : i1 to vector<16xi1>
        %cumsum3A_1621 = tpu.scan <sum>, %add3A_1611 masked %cumsum3A_1620 : vector<16xf32>, vector<16xi1> -> vector<16xf32>
        %lt3A_1622 = arith.constant 0 : i32
        %lt3A_1623 = vector.broadcast %lt3A_1622 : i32 to vector<16xi32>
        %lt3A_1624 = arith.cmpi slt, %broadcast_in_dim3A_4, %lt3A_1623 : vector<16xi32>
        %add3A_1625 = arith.constant 16 : i32
        %add3A_1626 = vector.broadcast %add3A_1625 : i32 to vector<16xi32>
        %add3A_1627 = arith.addi %broadcast_in_dim3A_4, %add3A_1626 : vector<16xi32>
        %select_n3A_1628 = arith.select %lt3A_1624, %add3A_1627, %broadcast_in_dim3A_4 : vector<16xi1>, vector<16xi32>
        %reshape3A_1629 = vector.shape_cast %select_n3A_1628 : vector<16xi32> to vector<16x1xi32>
        %gather3A_1630 = vector.shape_cast %reshape3A_1629 : vector<16x1xi32> to vector<16xi32>
        %gather3A_1631 = tpu.dynamic_gather %cumsum3A_1621[%gather3A_1630] in [0] : vector<16xf32>, vector<16xi32> -> vector<16xf32>
        %cumsum3A_1632 = arith.constant true
        %cumsum3A_1633 = vector.broadcast %cumsum3A_1632 : i1 to vector<16xi1>
        %cumsum3A_1634 = tpu.scan <sum>, %add3A_1618 masked %cumsum3A_1633 : vector<16xf32>, vector<16xi1> -> vector<16xf32>
        %lt3A_1635 = arith.constant 0 : i32
        %lt3A_1636 = vector.broadcast %lt3A_1635 : i32 to vector<16xi32>
        %lt3A_1637 = arith.cmpi slt, %broadcast_in_dim3A_4, %lt3A_1636 : vector<16xi32>
        %add3A_1638 = arith.constant 16 : i32
        %add3A_1639 = vector.broadcast %add3A_1638 : i32 to vector<16xi32>
        %add3A_1640 = arith.addi %broadcast_in_dim3A_4, %add3A_1639 : vector<16xi32>
        %select_n3A_1641 = arith.select %lt3A_1637, %add3A_1640, %broadcast_in_dim3A_4 : vector<16xi1>, vector<16xi32>
        %reshape3A_1642 = vector.shape_cast %select_n3A_1641 : vector<16xi32> to vector<16x1xi32>
        %gather3A_1643 = vector.shape_cast %reshape3A_1642 : vector<16x1xi32> to vector<16xi32>
        %gather3A_1644 = tpu.dynamic_gather %cumsum3A_1634[%gather3A_1643] in [0] : vector<16xf32>, vector<16xi32> -> vector<16xf32>
        %mul3A_1645 = arith.constant 1.562500e-02 : f32
        %mul3A_1646 = vector.broadcast %mul3A_1645 : f32 to vector<16xf32>
        %mul3A_1647 = arith.mulf %gather3A_1631, %mul3A_1646 : vector<16xf32>
        %mul3A_1648 = arith.constant 1.562500e-02 : f32
        %mul3A_1649 = vector.broadcast %mul3A_1648 : f32 to vector<16xf32>
        %mul3A_1650 = arith.mulf %gather3A_1644, %mul3A_1649 : vector<16xf32>
        %mul3A_1651 = arith.mulf %mul3A_1647, %mul3A_1647 : vector<16xf32>
        %sub3A_1652 = arith.subf %mul3A_1650, %mul3A_1651 : vector<16xf32>
        %add3A_1653 = arith.constant 1.562500e-07 : f32
        %add3A_1654 = vector.broadcast %add3A_1653 : f32 to vector<16xf32>
        %add3A_1655 = arith.addf %sub3A_1652, %add3A_1654 : vector<16xf32>
        %bitcast3A_1656 = vector.bitcast %add3A_1655 : vector<16xf32> to vector<16xi32>
        %shift_right_logical3A_1657 = arith.constant 1 : i32
        %shift_right_logical3A_1658 = vector.broadcast %shift_right_logical3A_1657 : i32 to vector<16xi32>
        %shift_right_logical3A_1659 = arith.shrui %bitcast3A_1656, %shift_right_logical3A_1658 : vector<16xi32>
        %sub3A_1660 = arith.constant 1597463007 : i32
        %sub3A_1661 = vector.broadcast %sub3A_1660 : i32 to vector<16xi32>
        %sub3A_1662 = arith.subi %sub3A_1661, %shift_right_logical3A_1659 : vector<16xi32>
        %bitcast3A_1663 = vector.bitcast %sub3A_1662 : vector<16xi32> to vector<16xf32>
        %mul3A_1664 = arith.constant 5.000000e-01 : f32
        %mul3A_1665 = vector.broadcast %mul3A_1664 : f32 to vector<16xf32>
        %mul3A_1666 = arith.mulf %add3A_1655, %mul3A_1665 : vector<16xf32>
        %mul3A_1667 = arith.mulf %mul3A_1666, %bitcast3A_1663 : vector<16xf32>
        %mul3A_1668 = arith.mulf %mul3A_1667, %bitcast3A_1663 : vector<16xf32>
        %sub3A_1669 = arith.constant 1.500000e+00 : f32
        %sub3A_1670 = vector.broadcast %sub3A_1669 : f32 to vector<16xf32>
        %sub3A_1671 = arith.subf %sub3A_1670, %mul3A_1668 : vector<16xf32>
        %mul3A_1672 = arith.mulf %bitcast3A_1663, %sub3A_1671 : vector<16xf32>
        %mul3A_1673 = arith.mulf %mul3A_1666, %mul3A_1672 : vector<16xf32>
        %mul3A_1674 = arith.mulf %mul3A_1673, %mul3A_1672 : vector<16xf32>
        %sub3A_1675 = arith.constant 1.500000e+00 : f32
        %sub3A_1676 = vector.broadcast %sub3A_1675 : f32 to vector<16xf32>
        %sub3A_1677 = arith.subf %sub3A_1676, %mul3A_1674 : vector<16xf32>
        %mul3A_1678 = arith.mulf %mul3A_1672, %sub3A_1677 : vector<16xf32>
        %mul3A_1679 = arith.mulf %mul3A_1647, %mul3A_1678 : vector<16xf32>
        %mul3A_1680 = arith.mulf %get3A_1599, %mul3A_1678 : vector<16xf32>
        %sub3A_1681 = arith.subf %mul3A_1680, %mul3A_1679 : vector<16xf32>
        %mul3A_1682 = arith.mulf %sub3A_1681, %get3A_7 : vector<16xf32>
        %add3A_1683 = arith.addf %mul3A_1682, %get3A_23 : vector<16xf32>
        %swap3A_1684 = arith.index_cast %add3A_1596 : i32 to index
        %swap3A_1685 = arith.constant 0 : index
        %swap3A_1686 = tpu.vector_load %arg11[%swap3A_1684, %swap3A_1685] {strides = array<i32>} : memref<128x64xf32, #tpu.memory_space<vmem>>, vector<16xf32>,
        tpu.vector_store %arg11[%swap3A_1684, %swap3A_1685], %add3A_1683 {strides = array<i32>} : memref<128x64xf32, #tpu.memory_space<vmem>>, vector<16xf32>,
        %mul3A_1687 = arith.mulf %get3A_1602, %mul3A_1678 : vector<16xf32>
        %sub3A_1688 = arith.subf %mul3A_1687, %mul3A_1679 : vector<16xf32>
        %mul3A_1689 = arith.mulf %sub3A_1688, %get3A_11 : vector<16xf32>
        %add3A_1690 = arith.addf %mul3A_1689, %get3A_27 : vector<16xf32>
        %swap3A_1691 = arith.index_cast %add3A_1596 : i32 to index
        %swap3A_1692 = arith.constant 16 : index
        %swap3A_1693 = tpu.vector_load %arg11[%swap3A_1691, %swap3A_1692] {strides = array<i32>} : memref<128x64xf32, #tpu.memory_space<vmem>>, vector<16xf32>,
        tpu.vector_store %arg11[%swap3A_1691, %swap3A_1692], %add3A_1690 {strides = array<i32>} : memref<128x64xf32, #tpu.memory_space<vmem>>, vector<16xf32>,
        %mul3A_1694 = arith.mulf %get3A_1605, %mul3A_1678 : vector<16xf32>
        %sub3A_1695 = arith.subf %mul3A_1694, %mul3A_1679 : vector<16xf32>
        %mul3A_1696 = arith.mulf %sub3A_1695, %get3A_15 : vector<16xf32>
        %add3A_1697 = arith.addf %mul3A_1696, %get3A_31 : vector<16xf32>
        %swap3A_1698 = arith.index_cast %add3A_1596 : i32 to index
        %swap3A_1699 = arith.constant 32 : index
        %swap3A_1700 = tpu.vector_load %arg11[%swap3A_1698, %swap3A_1699] {strides = array<i32>} : memref<128x64xf32, #tpu.memory_space<vmem>>, vector<16xf32>,
        tpu.vector_store %arg11[%swap3A_1698, %swap3A_1699], %add3A_1697 {strides = array<i32>} : memref<128x64xf32, #tpu.memory_space<vmem>>, vector<16xf32>,
        %mul3A_1701 = arith.mulf %get3A_1608, %mul3A_1678 : vector<16xf32>
        %sub3A_1702 = arith.subf %mul3A_1701, %mul3A_1679 : vector<16xf32>
        %mul3A_1703 = arith.mulf %sub3A_1702, %get3A_19 : vector<16xf32>
        %add3A_1704 = arith.addf %mul3A_1703, %get3A_35 : vector<16xf32>
        %swap3A_1705 = arith.index_cast %add3A_1596 : i32 to index
        %swap3A_1706 = arith.constant 48 : index
        %swap3A_1707 = tpu.vector_load %arg11[%swap3A_1705, %swap3A_1706] {strides = array<i32>} : memref<128x64xf32, #tpu.memory_space<vmem>>, vector<16xf32>,
        tpu.vector_store %arg11[%swap3A_1705, %swap3A_1706], %add3A_1704 {strides = array<i32>} : memref<128x64xf32, #tpu.memory_space<vmem>>, vector<16xf32>,
      }
      %scan3A_625 = arith.constant 16 : i32
      %add3A_626 = arith.addi %mul3A_2, %add3A_613 : i32
      %mul3A_627 = arith.constant 128 : i32
      %mul3A_628 = arith.muli %add3A_626, %mul3A_627 : i32
      %add3A_629 = arith.constant 0 : i32
      %add3A_630 = arith.addi %mul3A_628, %add3A_629 : i32
      %add3A_631 = vector.broadcast %add3A_630 : i32 to vector<16xi32>
      %add3A_632 = arith.addi %add3A_631, %iota3A : vector<16xi32>
      %rem3A_633 = arith.constant 50 : i32
      %rem3A_634 = vector.broadcast %rem3A_633 : i32 to vector<16xi32>
      %rem3A_635 = arith.remsi %add3A_632, %rem3A_634 : vector<16xi32>
      %mul3A_636 = arith.constant 16384 : i32
      %mul3A_637 = vector.broadcast %mul3A_636 : i32 to vector<16xi32>
      %mul3A_638 = arith.muli %rem3A_635, %mul3A_637 : vector<16xi32>
      %div3A_639 = arith.constant 50 : i32
      %div3A_640 = vector.broadcast %div3A_639 : i32 to vector<16xi32>
      %div3A_641 = arith.divsi %add3A_632, %div3A_640 : vector<16xi32>
      %add3A_642 = arith.addi %mul3A_638, %div3A_641 : vector<16xi32>
      %swap3A_643 = arith.constant 0 : i32
      %swap3A_644 = arith.index_cast %swap3A_643 : i32 to index
      %swap3A_645 = arith.constant 0 : index
      %swap3A_646 = tpu.vector_load %arg15[%swap3A_644, %swap3A_645] {strides = array<i32>} : memref<1x128xi32, #tpu.memory_space<vmem>>, vector<16xi32>,
      tpu.vector_store %arg15[%swap3A_644, %swap3A_645], %add3A_642 {strides = array<i32>} : memref<1x128xi32, #tpu.memory_space<vmem>>, vector<16xi32>,
      %add3A_647 = arith.constant 16 : i32
      %add3A_648 = arith.addi %mul3A_628, %add3A_647 : i32
      %add3A_649 = vector.broadcast %add3A_648 : i32 to vector<16xi32>
      %add3A_650 = arith.addi %add3A_649, %iota3A : vector<16xi32>
      %rem3A_651 = arith.constant 50 : i32
      %rem3A_652 = vector.broadcast %rem3A_651 : i32 to vector<16xi32>
      %rem3A_653 = arith.remsi %add3A_650, %rem3A_652 : vector<16xi32>
      %mul3A_654 = arith.constant 16384 : i32
      %mul3A_655 = vector.broadcast %mul3A_654 : i32 to vector<16xi32>
      %mul3A_656 = arith.muli %rem3A_653, %mul3A_655 : vector<16xi32>
      %div3A_657 = arith.constant 50 : i32
      %div3A_658 = vector.broadcast %div3A_657 : i32 to vector<16xi32>
      %div3A_659 = arith.divsi %add3A_650, %div3A_658 : vector<16xi32>
      %add3A_660 = arith.addi %mul3A_656, %div3A_659 : vector<16xi32>
      %swap3A_661 = arith.constant 0 : i32
      %swap3A_662 = arith.index_cast %swap3A_661 : i32 to index
      %swap3A_663 = arith.constant 16 : index
      %swap3A_664 = tpu.vector_load %arg15[%swap3A_662, %swap3A_663] {strides = array<i32>} : memref<1x128xi32, #tpu.memory_space<vmem>>, vector<16xi32>,
      tpu.vector_store %arg15[%swap3A_662, %swap3A_663], %add3A_660 {strides = array<i32>} : memref<1x128xi32, #tpu.memory_space<vmem>>, vector<16xi32>,
      %add3A_665 = arith.constant 32 : i32
      %add3A_666 = arith.addi %mul3A_628, %add3A_665 : i32
      %add3A_667 = vector.broadcast %add3A_666 : i32 to vector<16xi32>
      %add3A_668 = arith.addi %add3A_667, %iota3A : vector<16xi32>
      %rem3A_669 = arith.constant 50 : i32
      %rem3A_670 = vector.broadcast %rem3A_669 : i32 to vector<16xi32>
      %rem3A_671 = arith.remsi %add3A_668, %rem3A_670 : vector<16xi32>
      %mul3A_672 = arith.constant 16384 : i32
      %mul3A_673 = vector.broadcast %mul3A_672 : i32 to vector<16xi32>
      %mul3A_674 = arith.muli %rem3A_671, %mul3A_673 : vector<16xi32>
      %div3A_675 = arith.constant 50 : i32
      %div3A_676 = vector.broadcast %div3A_675 : i32 to vector<16xi32>
      %div3A_677 = arith.divsi %add3A_668, %div3A_676 : vector<16xi32>
      %add3A_678 = arith.addi %mul3A_674, %div3A_677 : vector<16xi32>
      %swap3A_679 = arith.constant 0 : i32
      %swap3A_680 = arith.index_cast %swap3A_679 : i32 to index
      %swap3A_681 = arith.constant 32 : index
      %swap3A_682 = tpu.vector_load %arg15[%swap3A_680, %swap3A_681] {strides = array<i32>} : memref<1x128xi32, #tpu.memory_space<vmem>>, vector<16xi32>,
      tpu.vector_store %arg15[%swap3A_680, %swap3A_681], %add3A_678 {strides = array<i32>} : memref<1x128xi32, #tpu.memory_space<vmem>>, vector<16xi32>,
      %add3A_683 = arith.constant 48 : i32
      %add3A_684 = arith.addi %mul3A_628, %add3A_683 : i32
      %add3A_685 = vector.broadcast %add3A_684 : i32 to vector<16xi32>
      %add3A_686 = arith.addi %add3A_685, %iota3A : vector<16xi32>
      %rem3A_687 = arith.constant 50 : i32
      %rem3A_688 = vector.broadcast %rem3A_687 : i32 to vector<16xi32>
      %rem3A_689 = arith.remsi %add3A_686, %rem3A_688 : vector<16xi32>
      %mul3A_690 = arith.constant 16384 : i32
      %mul3A_691 = vector.broadcast %mul3A_690 : i32 to vector<16xi32>
      %mul3A_692 = arith.muli %rem3A_689, %mul3A_691 : vector<16xi32>
      %div3A_693 = arith.constant 50 : i32
      %div3A_694 = vector.broadcast %div3A_693 : i32 to vector<16xi32>
      %div3A_695 = arith.divsi %add3A_686, %div3A_694 : vector<16xi32>
      %add3A_696 = arith.addi %mul3A_692, %div3A_695 : vector<16xi32>
      %swap3A_697 = arith.constant 0 : i32
      %swap3A_698 = arith.index_cast %swap3A_697 : i32 to index
      %swap3A_699 = arith.constant 48 : index
      %swap3A_700 = tpu.vector_load %arg15[%swap3A_698, %swap3A_699] {strides = array<i32>} : memref<1x128xi32, #tpu.memory_space<vmem>>, vector<16xi32>,
      tpu.vector_store %arg15[%swap3A_698, %swap3A_699], %add3A_696 {strides = array<i32>} : memref<1x128xi32, #tpu.memory_space<vmem>>, vector<16xi32>,
      %add3A_701 = arith.constant 64 : i32
      %add3A_702 = arith.addi %mul3A_628, %add3A_701 : i32
      %add3A_703 = vector.broadcast %add3A_702 : i32 to vector<16xi32>
      %add3A_704 = arith.addi %add3A_703, %iota3A : vector<16xi32>
      %rem3A_705 = arith.constant 50 : i32
      %rem3A_706 = vector.broadcast %rem3A_705 : i32 to vector<16xi32>
      %rem3A_707 = arith.remsi %add3A_704, %rem3A_706 : vector<16xi32>
      %mul3A_708 = arith.constant 16384 : i32
      %mul3A_709 = vector.broadcast %mul3A_708 : i32 to vector<16xi32>
      %mul3A_710 = arith.muli %rem3A_707, %mul3A_709 : vector<16xi32>
      %div3A_711 = arith.constant 50 : i32
      %div3A_712 = vector.broadcast %div3A_711 : i32 to vector<16xi32>
      %div3A_713 = arith.divsi %add3A_704, %div3A_712 : vector<16xi32>
      %add3A_714 = arith.addi %mul3A_710, %div3A_713 : vector<16xi32>
      %swap3A_715 = arith.constant 0 : i32
      %swap3A_716 = arith.index_cast %swap3A_715 : i32 to index
      %swap3A_717 = arith.constant 64 : index
      %swap3A_718 = tpu.vector_load %arg15[%swap3A_716, %swap3A_717] {strides = array<i32>} : memref<1x128xi32, #tpu.memory_space<vmem>>, vector<16xi32>,
      tpu.vector_store %arg15[%swap3A_716, %swap3A_717], %add3A_714 {strides = array<i32>} : memref<1x128xi32, #tpu.memory_space<vmem>>, vector<16xi32>,
      %add3A_719 = arith.constant 80 : i32
      %add3A_720 = arith.addi %mul3A_628, %add3A_719 : i32
      %add3A_721 = vector.broadcast %add3A_720 : i32 to vector<16xi32>
      %add3A_722 = arith.addi %add3A_721, %iota3A : vector<16xi32>
      %rem3A_723 = arith.constant 50 : i32
      %rem3A_724 = vector.broadcast %rem3A_723 : i32 to vector<16xi32>
      %rem3A_725 = arith.remsi %add3A_722, %rem3A_724 : vector<16xi32>
      %mul3A_726 = arith.constant 16384 : i32
      %mul3A_727 = vector.broadcast %mul3A_726 : i32 to vector<16xi32>
      %mul3A_728 = arith.muli %rem3A_725, %mul3A_727 : vector<16xi32>
      %div3A_729 = arith.constant 50 : i32
      %div3A_730 = vector.broadcast %div3A_729 : i32 to vector<16xi32>
      %div3A_731 = arith.divsi %add3A_722, %div3A_730 : vector<16xi32>
      %add3A_732 = arith.addi %mul3A_728, %div3A_731 : vector<16xi32>
      %swap3A_733 = arith.constant 0 : i32
      %swap3A_734 = arith.index_cast %swap3A_733 : i32 to index
      %swap3A_735 = arith.constant 80 : index
      %swap3A_736 = tpu.vector_load %arg15[%swap3A_734, %swap3A_735] {strides = array<i32>} : memref<1x128xi32, #tpu.memory_space<vmem>>, vector<16xi32>,
      tpu.vector_store %arg15[%swap3A_734, %swap3A_735], %add3A_732 {strides = array<i32>} : memref<1x128xi32, #tpu.memory_space<vmem>>, vector<16xi32>,
      %add3A_737 = arith.constant 96 : i32
      %add3A_738 = arith.addi %mul3A_628, %add3A_737 : i32
      %add3A_739 = vector.broadcast %add3A_738 : i32 to vector<16xi32>
      %add3A_740 = arith.addi %add3A_739, %iota3A : vector<16xi32>
      %rem3A_741 = arith.constant 50 : i32
      %rem3A_742 = vector.broadcast %rem3A_741 : i32 to vector<16xi32>
      %rem3A_743 = arith.remsi %add3A_740, %rem3A_742 : vector<16xi32>
      %mul3A_744 = arith.constant 16384 : i32
      %mul3A_745 = vector.broadcast %mul3A_744 : i32 to vector<16xi32>
      %mul3A_746 = arith.muli %rem3A_743, %mul3A_745 : vector<16xi32>
      %div3A_747 = arith.constant 50 : i32
      %div3A_748 = vector.broadcast %div3A_747 : i32 to vector<16xi32>
      %div3A_749 = arith.divsi %add3A_740, %div3A_748 : vector<16xi32>
      %add3A_750 = arith.addi %mul3A_746, %div3A_749 : vector<16xi32>
      %swap3A_751 = arith.constant 0 : i32
      %swap3A_752 = arith.index_cast %swap3A_751 : i32 to index
      %swap3A_753 = arith.constant 96 : index
      %swap3A_754 = tpu.vector_load %arg15[%swap3A_752, %swap3A_753] {strides = array<i32>} : memref<1x128xi32, #tpu.memory_space<vmem>>, vector<16xi32>,
      tpu.vector_store %arg15[%swap3A_752, %swap3A_753], %add3A_750 {strides = array<i32>} : memref<1x128xi32, #tpu.memory_space<vmem>>, vector<16xi32>,
      %add3A_755 = arith.constant 112 : i32
      %add3A_756 = arith.addi %mul3A_628, %add3A_755 : i32
      %add3A_757 = vector.broadcast %add3A_756 : i32 to vector<16xi32>
      %add3A_758 = arith.addi %add3A_757, %iota3A : vector<16xi32>
      %rem3A_759 = arith.constant 50 : i32
      %rem3A_760 = vector.broadcast %rem3A_759 : i32 to vector<16xi32>
      %rem3A_761 = arith.remsi %add3A_758, %rem3A_760 : vector<16xi32>
      %mul3A_762 = arith.constant 16384 : i32
      %mul3A_763 = vector.broadcast %mul3A_762 : i32 to vector<16xi32>
      %mul3A_764 = arith.muli %rem3A_761, %mul3A_763 : vector<16xi32>
      %div3A_765 = arith.constant 50 : i32
      %div3A_766 = vector.broadcast %div3A_765 : i32 to vector<16xi32>
      %div3A_767 = arith.divsi %add3A_758, %div3A_766 : vector<16xi32>
      %add3A_768 = arith.addi %mul3A_764, %div3A_767 : vector<16xi32>
      %swap3A_769 = arith.constant 0 : i32
      %swap3A_770 = arith.index_cast %swap3A_769 : i32 to index
      %swap3A_771 = arith.constant 112 : index
      %swap3A_772 = tpu.vector_load %arg15[%swap3A_770, %swap3A_771] {strides = array<i32>} : memref<1x128xi32, #tpu.memory_space<vmem>>, vector<16xi32>,
      tpu.vector_store %arg15[%swap3A_770, %swap3A_771], %add3A_768 {strides = array<i32>} : memref<1x128xi32, #tpu.memory_space<vmem>>, vector<16xi32>,
      %dma_start3A_773 = arith.constant 0 : i32
      %dma_start3A_774 = arith.constant 0 : i32
      %dma_start3A_775 = tpu.memref_slice %arg15[%dma_start3A_773, %dma_start3A_774] : memref<1x128xi32, #tpu.memory_space<vmem>> -> memref<1x128xi32, #tpu.memory_space<vmem>>
      %dma_start3A_776 = tpu.memref_squeeze %dma_start3A_775 : memref<1x128xi32, #tpu.memory_space<vmem>> -> memref<128xi32, #tpu.memory_space<vmem>>
      %dma_start3A_777 = arith.constant 0 : i32
      %dma_start3A_778 = arith.constant 0 : i32
      %dma_start3A_779 = tpu.memref_slice %arg6[%dma_start3A_777, %dma_start3A_778] : memref<819200x64xf32, #tpu.memory_space<hbm>> -> memref<819200x64xf32, #tpu.memory_space<hbm>>
      tpu.enqueue_indirect_dma source(%arg11 : memref<128x64xf32, #tpu.memory_space<vmem>>) target(%dma_start3A_779 : memref<819200x64xf32, #tpu.memory_space<hbm>>) offsets(%dma_start3A_776 : memref<128xi32, #tpu.memory_space<vmem>>) semaphore(%arg24 : memref<!tpu.dma_semaphore, #tpu.memory_space<semaphore_mem>>)
      %sub3A_780 = arith.constant 2 : i32
      %sub3A_781 = arith.subi %add3A_613, %sub3A_780 : i32
      %dma_wait3A_782 = arith.constant 0 : i32
      %dma_wait3A_783 = arith.constant 0 : i32
      %dma_wait3A_784 = tpu.memref_slice %arg13[%dma_wait3A_782, %dma_wait3A_783] : memref<1x128xi32, #tpu.memory_space<vmem>> -> memref<1x128xi32, #tpu.memory_space<vmem>>
      %dma_wait3A_785 = tpu.memref_squeeze %dma_wait3A_784 : memref<1x128xi32, #tpu.memory_space<vmem>> -> memref<128xi32, #tpu.memory_space<vmem>>
      %dma_wait3A_786 = arith.constant 0 : i32
      %dma_wait3A_787 = arith.constant 0 : i32
      %dma_wait3A_788 = tpu.memref_slice %arg6[%dma_wait3A_786, %dma_wait3A_787] : memref<819200x64xf32, #tpu.memory_space<hbm>> -> memref<819200x64xf32, #tpu.memory_space<hbm>>
      tpu.wait_indirect_dma semaphore(%arg22 : memref<!tpu.dma_semaphore, #tpu.memory_space<semaphore_mem>>) src(%arg9 : memref<128x64xf32, #tpu.memory_space<vmem>>) dst(%dma_wait3A_788 : memref<819200x64xf32, #tpu.memory_space<hbm>>)
      %le3A_789 = arith.constant 48 : i32
      %le3A_790 = arith.cmpi sle, %scan3A_67, %le3A_789 : i32
      %convert_element_type3A_791 = arith.extui %le3A_790 : i1 to i32
      %cond3A_792 = arith.constant 0 : i32
      %cond3A_793 = arith.cmpi ne, %convert_element_type3A_791, %cond3A_792 : i32
      scf.if %cond3A_793 {
        %add3A_794 = arith.constant 2 : i32
        %add3A_795 = arith.addi %add3A_613, %add3A_794 : i32
        %dma_start3A_796 = arith.constant 0 : i32
        %dma_start3A_797 = tpu.memref_slice %arg7[%add3A_795, %dma_start3A_796] : memref<200x128xi32, #tpu.memory_space<vmem>> -> memref<1x128xi32, #tpu.memory_space<vmem>>
        %dma_start3A_798 = tpu.memref_squeeze %dma_start3A_797 : memref<1x128xi32, #tpu.memory_space<vmem>> -> memref<128xi32, #tpu.memory_space<vmem>>
        %dma_start3A_799 = arith.constant 0 : i32
        %dma_start3A_800 = arith.constant 0 : i32
        %dma_start3A_801 = tpu.memref_slice %arg3[%dma_start3A_799, %dma_start3A_800] : memref<1000000x64xf32, #tpu.memory_space<hbm>> -> memref<1000000x64xf32, #tpu.memory_space<hbm>>
        tpu.enqueue_indirect_dma source(%dma_start3A_801 : memref<1000000x64xf32, #tpu.memory_space<hbm>>) target(%arg9 : memref<128x64xf32, #tpu.memory_space<vmem>>) offsets(%dma_start3A_798 : memref<128xi32, #tpu.memory_space<vmem>>) semaphore(%arg18 : memref<!tpu.dma_semaphore, #tpu.memory_space<semaphore_mem>>)
      } else {
      }
    }
    %scan3A_53 = arith.constant 50 : i32
    %dma_wait3A = arith.constant 0 : i32
    %dma_wait3A_54 = arith.constant 0 : i32
    %dma_wait3A_55 = tpu.memref_slice %arg14[%dma_wait3A, %dma_wait3A_54] : memref<1x128xi32, #tpu.memory_space<vmem>> -> memref<1x128xi32, #tpu.memory_space<vmem>>
    %dma_wait3A_56 = tpu.memref_squeeze %dma_wait3A_55 : memref<1x128xi32, #tpu.memory_space<vmem>> -> memref<128xi32, #tpu.memory_space<vmem>>
    %dma_wait3A_57 = arith.constant 0 : i32
    %dma_wait3A_58 = arith.constant 0 : i32
    %dma_wait3A_59 = tpu.memref_slice %arg6[%dma_wait3A_57, %dma_wait3A_58] : memref<819200x64xf32, #tpu.memory_space<hbm>> -> memref<819200x64xf32, #tpu.memory_space<hbm>>
    tpu.wait_indirect_dma semaphore(%arg23 : memref<!tpu.dma_semaphore, #tpu.memory_space<semaphore_mem>>) src(%arg10 : memref<128x64xf32, #tpu.memory_space<vmem>>) dst(%dma_wait3A_59 : memref<819200x64xf32, #tpu.memory_space<hbm>>)
    %dma_wait3A_60 = arith.constant 0 : i32
    %dma_wait3A_61 = arith.constant 0 : i32
    %dma_wait3A_62 = tpu.memref_slice %arg15[%dma_wait3A_60, %dma_wait3A_61] : memref<1x128xi32, #tpu.memory_space<vmem>> -> memref<1x128xi32, #tpu.memory_space<vmem>>
    %dma_wait3A_63 = tpu.memref_squeeze %dma_wait3A_62 : memref<1x128xi32, #tpu.memory_space<vmem>> -> memref<128xi32, #tpu.memory_space<vmem>>
    %dma_wait3A_64 = arith.constant 0 : i32
    %dma_wait3A_65 = arith.constant 0 : i32
    %dma_wait3A_66 = tpu.memref_slice %arg6[%dma_wait3A_64, %dma_wait3A_65] : memref<819200x64xf32, #tpu.memory_space<hbm>> -> memref<819200x64xf32, #tpu.memory_space<hbm>>
    tpu.wait_indirect_dma semaphore(%arg24 : memref<!tpu.dma_semaphore, #tpu.memory_space<semaphore_mem>>) src(%arg11 : memref<128x64xf32, #tpu.memory_space<vmem>>) dst(%dma_wait3A_66 : memref<819200x64xf32, #tpu.memory_space<hbm>>)
    return
  }
}

</mosaic_0001>

<sc_bundles>
// kernel: kernel.3.cloned.1.call-start
scs
__scs_entry_jumppad:
0x0: {  	(pc) =	sbr.rel $0x88, $3  }
0x1: {  	(tag) =	ssettag $0x0;
	lr =	simm.s32 $0x1  }
0x2: {  	[smem:$0x3F9D] =	sst lr;
	_ =	strace $0xD0000000  }
0x3: {  	_ = 	snop  }
0x4: {  	_ = 	snop  }
0x5: {  	_ = 	snop  }
0x6: {  	_ = 	snop  }
0x7: {  	_ = 	snop  }
__scs_overlays_trampoline_lowered:
0x8: {  	[smem:$0x3FAC] =	sst s0  }
0x9: {  	[smem:$0x3FAD] =	sst s1  }
0xa: {  	[smem:$0x3FAE] =	sst s2  }
0xb: {  	[smem:$0x3FAF] =	sst s3  }
0xc: {  	[smem:$0x3FB0] =	sst s4  }
0xd: {  	[smem:$0x3FB1] =	sst s5  }
0xe: {  	[smem:$0x3FB2] =	sst s6  }
0xf: {  	[smem:$0x3FB3] =	sst s7  }
0x10: {  	[smem:$0x3FB4] =	sst s8  }
0x11: {  	[smem:$0x3FB5] =	sst s9;
	s0 =	simm.s32 @!p0 $0x0  }
0x12: {  	s1 =	sld [smem:$0x3F9B];
	s0 =	simm.s32 @p0 $0x1  }
0x13: {  	[smem:$0x3FB6] =	sst s0;
	s0 =	simm.s32 @!p1 $0x0  }
0x14: {  	s2 =	sld [smem:$0x3F9A];
	s0 =	simm.s32 @p1 $0x1  }
0x15: {  	[smem:$0x3FB7] =	sst s0;
	s0 =	simm.s32 @!p2 $0x0  }
0x16: {  	s3 =	sld [smem:$0x3FDB];
	s0 =	simm.s32 @p2 $0x1  }
0x17: {  	s4 =	simm.s32 $0x1BF5;
	[smem:$0x3FB9] =	sst s0  }
0x18: {  	s0 =	sld [smem:$0x3F9C];
	_ =	swait.ge [sflag:s4], $0x0  }
0x19: {  	s7 =	sld [smem:$0x3F9D]  }
0x1a: {  	s8 =	sadd.s32 $0xFFFFE003, lr  }
0x1b: {  	s9 =	sadd.s32 $0xFFFFFEF7, lr;
	s5 =	simm.s32 $0xFFFFFFFF;
	p2 =	slt.u32 s8, $0xFFFFF086  }
0x1c: {  	p1 =	slt.u32 s9, $0xF7A;
	s5 =	simm.s32 @!p2 $0x0  }
0x1d: {  	s5 =	simm.s32 @p1 $0x1;
	p0 =	seq.s32 s7, s2  }
0x1e: {  	s7 =	smul.u32 @!p0 $0xF7A, s2;
	p2 =	seq.s32 @!p0 s5, $0x0  }
0x1f: {  	s9 =	smul.u32 $0xF7A, s1;
	s8 =	simm.s32 @!p0 $0x1BF5;
	p2 =	por !p2, p0  }
0x20: {  	[sflag:s8] =	ssyncset.s32 @!p0 $0xFFFFF086;
	s6 =	sadd.s32 @!p0 s3, s7;
	s7 =	simm.s32 @!p0 $0x108  }
0x21: {  	s3 =	sadd.s32 s3, s9;
	s6 =	sadd.s32 @!p0 $0x88, s6;
	s7 =	simm.s32 @p2 $0x1082  }
0x22: {  	[simem:s7], [sflag:s8] =	dma.local @!p0 [hbm:s6], $0xF7A  }
0x23: {  	s9 =	sor.u32 $0xD0000000, s2;
	s6 =	simm.s32 $0x108;
	_ =	swait.ge @!p0 [sflag:s8], $0x0  }
0x24: {  	s3 =	sadd.s32 $0x88, s3;
	s6 =	simm.s32 @!p1 $0x1082;
	[sflag:s4] =	ssyncset.s32 $0xFFFFF086  }
0x25: {  	[simem:s6], [sflag:s4] =	dma.local [hbm:s3], $0xF7A  }
0x26: {  	[smem:$0x3F9D] =	sst s1;
	(tag) =	ssettag s2;
	_ =	strace s9  }
0x27: {  	s1 =	sld [smem:$0x3FAD]  }
0x28: {  	s2 =	sld [smem:$0x3FAE]  }
0x29: {  	s4 =	sld [smem:$0x3FB0]  }
0x2a: {  	p0 =	seq.s32 s5, $0x0;
	s5 =	sld [smem:$0x3FB1]  }
0x2b: {  	s6 =	sld [smem:$0x3FB2]  }
0x2c: {  	s7 =	sld [smem:$0x3FB3]  }
0x2d: {  	s3 =	simm.s32 $0x108;
	s8 =	sld [smem:$0x3FB4]  }
0x2e: {  	s3 =	simm.s32 @!p0 $0x1082;
	s9 =	sld [smem:$0x3FB5]  }
0x2f: {  	lr =	sadd.s32 s0, s3;
	s0 =	sld [smem:$0x3FAC]  }
0x30: {  	s3 =	sld [smem:$0x3FAF]  }
0x31: {  	[smem:$0x3FB8] =	sst s10  }
0x32: {  	s10 =	sld [smem:$0x3FB6];
	_ =	sdelay $0x3  }
0x33: {  	p0 =	seq.s32 s10, $0x1;
	s10 =	sld [smem:$0x3FB8];
	_ =	sdelay $0x3  }
0x34: {  	[smem:$0x3FB8] =	sst s10  }
0x35: {  	s10 =	sld [smem:$0x3FB7];
	_ =	sdelay $0x3  }
0x36: {  	p1 =	seq.s32 s10, $0x1;
	s10 =	sld [smem:$0x3FB8];
	_ =	sdelay $0x3  }
0x37: {  	[smem:$0x3FB8] =	sst s10  }
0x38: {  	s10 =	sld [smem:$0x3FB9]  }
0x39: {  	_ = 	snop;
	(pc) =	sbr.ind lr, $3  }
0x3a: {  	_ = 	snop  }
0x3b: {  	_ = 	snop  }
0x3c: {  	p2 =	seq.s32 s10, $0x1;
	s10 =	sld [smem:$0x3FB8]  }
0x3d: {  	_ =	shalt  }
0x3e: {  	_ =	shalt  }
0x3f: {  	_ =	shalt  }
0x40: {  	_ =	shalt  }
0x41: {  	_ =	shalt  }
0x42: {  	_ =	shalt  }
0x43: {  	_ =	shalt  }
0x44: {  	_ =	shalt  }
0x45: {  	_ =	shalt  }
0x46: {  	_ =	shalt  }
0x47: {  	_ =	shalt  }
0x48: {  	_ =	shalt  }
0x49: {  	_ =	shalt  }
0x4a: {  	_ =	shalt  }
0x4b: {  	_ =	shalt  }
0x4c: {  	_ =	shalt  }
0x4d: {  	_ =	shalt  }
0x4e: {  	_ =	shalt  }
0x4f: {  	_ =	shalt  }
0x50: {  	_ =	shalt  }
0x51: {  	_ =	shalt  }
0x52: {  	_ =	shalt  }
0x53: {  	_ =	shalt  }
0x54: {  	_ =	shalt  }
0x55: {  	_ =	shalt  }
0x56: {  	_ =	shalt  }
0x57: {  	_ =	shalt  }
0x58: {  	_ =	shalt  }
0x59: {  	_ =	shalt  }
0x5a: {  	_ =	shalt  }
0x5b: {  	_ =	shalt  }
0x5c: {  	_ =	shalt  }
0x5d: {  	_ =	shalt  }
0x5e: {  	_ =	shalt  }
0x5f: {  	_ =	shalt  }
0x60: {  	_ =	shalt  }
0x61: {  	_ =	shalt  }
0x62: {  	_ =	shalt  }
0x63: {  	_ =	shalt  }
0x64: {  	_ =	shalt  }
0x65: {  	_ =	shalt  }
0x66: {  	_ =	shalt  }
0x67: {  	_ =	shalt  }
0x68: {  	_ =	shalt  }
0x69: {  	_ =	shalt  }
0x6a: {  	_ =	shalt  }
0x6b: {  	_ =	shalt  }
0x6c: {  	_ =	shalt  }
0x6d: {  	_ =	shalt  }
0x6e: {  	_ =	shalt  }
0x6f: {  	_ =	shalt  }
0x70: {  	_ =	shalt  }
0x71: {  	_ =	shalt  }
0x72: {  	_ =	shalt  }
0x73: {  	_ =	shalt  }
0x74: {  	_ =	shalt  }
0x75: {  	_ =	shalt  }
0x76: {  	_ =	shalt  }
0x77: {  	_ =	shalt  }
0x78: {  	_ =	shalt  }
0x79: {  	_ =	shalt  }
0x7a: {  	_ =	shalt  }
0x7b: {  	_ =	shalt  }
0x7c: {  	_ =	shalt  }
0x7d: {  	_ =	shalt  }
0x7e: {  	_ =	shalt  }
0x7f: {  	_ =	shalt  }
0x80: {  	_ =	shalt  }
0x81: {  	_ =	shalt  }
0x82: {  	_ =	shalt  }
0x83: {  	_ =	shalt  }
0x84: {  	_ =	shalt  }
0x85: {  	_ =	shalt  }
0x86: {  	_ =	shalt  }
0x87: {  	_ =	shalt  }
.Lfunc_end0:
.L_simem_size_0:
called_computation.1_lowered:
.L_overlay_start_0:
0x88: {  	s2 =	sld [smem:$0x3FD9]  }
0x89: {  	s3 =	sld [smem:$0x3FFE];
	_ =	sdelay $0x1  }
0x8a: {  	s1 =	srdreg.scid  }
0x8b: {  	s0 =	sand.u32 $0x1, s1  }
0x8c: {  	s17 =	sshll.u32 s0, $0xA;
	s2 =	sadd.s32 s3, s2  }
0x8d: {  	s2 =	sadd.s32 s2, s17  }
0x8e: {  	[smem:$0x3FC4] =	sst s2  }
0x8f: {  	_ = 	snop  }
0x90: {  	s2 =	sld [smem:$0x3FC7]  }
0x91: {  	s18 =	sld [smem:$0x3FC6]  }
0x92: {  	s4 =	sld [smem:$0x3FD0];
	(tm) =	ssettm $0x1  }
0x93: {  	s5 =	sld [smem:$0x3FFB];
	_ =	sdelay $0x3  }
0x94: {  	_ =	strace s5  }
0x95: {  	s5 =	sld [smem:$0x3FFC];
	_ =	sdelay $0x3  }
0x96: {  	_ =	strace s5  }
0x97: {  	s5 =	sld [smem:$0x3FFD];
	_ =	sdelay $0x3  }
0x98: {  	_ =	strace s5  }
0x99: {  	_ =	strace $0x8FFFFFFF  }
0x9a: {  	s19 =	sld [smem:$0x3FDB];
	_ =	sdelay $0x1  }
0x9b: {  	s6 =	simm.s32 $_scs_section_size  }
0x9c: {  	s7 =	simm.s32 $_size__tile_overlayer_lowered;
	s8 =	simm.s32 $_tile_overlayer_lowered  }
0x9d: {  	s22 =	simm.s32 $0x1BFF;
	s21 =	sshll.u32 s8, $0x1;
	s5 =	sadd.s32 s6, s19  }
0x9e: {  	s9 =	simm.s32 $0x0;
	s20 =	sshll.u32 s7, $0x1;
	s7 =	sadd.s32 s21, s5  }
0x9f: {  	[timem:s9], [sflag:s22] =	dma.local [hbm:s7], s20  }
0xa0: {  	_ =	swait.ge [sflag:s22], s20  }
0xa1: {  	s6 =	ssub.s32 $0x0, s20;
	[sflag:s22] =	ssyncset.done $0x0  }
0xa2: {  	[sflag:s22] =	ssyncadd.s32 s6;
	_ =	sdelay $0x1  }
0xa3: {  	s23 =	simm.s32 $0x1B8B  }
0xa4: {  	_ =	swait.ge [sflag:s23], $0x1  }
0xa5: {  	[sflag:s23] =	ssyncset.done $0x0  }
0xa6: {  	s25 =	simm.s32 $0x1B8E;
	s24 =	sld [smem:$0x3FFE];
	[sflag:s23] =	ssyncadd.s32 $0xFFFFFFFF  }
0xa7: {  	s26 =	simm.s32 $execute0_lowered;
	[smem:$0x3FD2] =	sst s25  }
0xa8: {  	s7 =	sshll.u32 s26, $0x1;
	_ =	strace $0x80000046;
	[dreg:$0x1] =	wrdreg $0xFFFFFFFF  }
0xa9: {  	s28 =	simm.s32 $_size_execute0_lowered;
	s5 =	sadd.s32 s5, s7;
	[dreg:$0x0] =	wrdreg $0x0  }
0xaa: {  	s7 =	sshll.u32 s28, $0x1;
	[dreg:$0x2] =	wrdreg s5  }
0xab: {  	[dreg:$0x3] =	wrdreg s7  }
0xac: {  	[dreg:$0x4] =	wrdreg $0xC0  }
0xad: {  	_ =	task [dreg:s9], $0x5FFFF  }
0xae: {  	[dreg:$0x1] =	wrdreg $0xFFFFFFFF  }
0xaf: {  	[dreg:$0x0] =	wrdreg $0x60  }
0xb0: {  	[dreg:$0x2] =	wrdreg s24  }
0xb1: {  	[dreg:$0x3] =	wrdreg s2  }
0xb2: {  	[dreg:$0x4] =	wrdreg s18  }
0xb3: {  	[dreg:$0x5] =	wrdreg s4  }
0xb4: {  	[dreg:$0x6] =	wrdreg $0x9  }
0xb5: {  	_ =	task.clear_ibuf [dreg:s9], $0x7FFFF;
	_ =	strace $0x90000046  }
0xb6: {  	s29 =	simm.s32 $0x9;
	_ =	strace $0x80000048  }
0xb7: {  	_ =	swait.ge [sflag:s29], $0x1  }
0xb8: {  	[sflag:s29] =	ssyncadd.s32 $0xFFFFFFFF  }
0xb9: {  	_ =	strace $0x90000048  }
0xba: {  	_ =	sfence  }
0xbb: {  	s30 =	sld [smem:$0x0];
	_ =	sdelay $0x2  }
0xbc: {  	s31 =	sshll.u32 s1, $0xD;
	s1 =	sshrl.u32 s1, $0x2  }
0xbd: {  	s3 =	sand.u32 $0x4000, s31;
	s1 =	sadd.s32 s1, s30  }
0xbe: {  	s0 =	sor.u32 s3, s0;
	s1 =	sshll.u32 s1, $0x11  }
0xbf: {  	s0 =	sor.u32 s1, s0  }
0xc0: {  	s0 =	sadd.s32 $0x8F2B, s0  }
0xc1: {  	[sflag:s0] =	ssyncadd.remote.s32 $0x1  }
0xc2: {  	_ =	sfence.sel $0xFFFF  }
0xc3: {  	[dreg:$0x0] =	wrdreg $0xFFFFFFFF;
	(pc) =	sbr.abs _section_cstart, $3  }
0xc4: {  	[dreg:$0x1] =	wrdreg $0xFFFFFFFF  }
0xc5: {  	_ =	task.clear_ibuf [dreg:s9], $0x2FFFF;
	_ =	strace $0x9FFFFFFF  }
0xc6: {  	(tm) =	ssettm $0x7FFFFFFF  }
0xc7: {  	_ =	shalt  }
tec
execute0_lowered:
.L_overlay_start_1:
0x0: {  	(tag) =	ssettag $0x1  }
0x1: {  	s0 =	rddreg [dreg:$0x0];
	s1 =	srdreg.scid  }
0x2: {  	s2 =	stileid.u32;
	s4 =	rddreg [dreg:$0x3]  }
0x3: {  	s5 =	simm.s32 $0x0;
	s11 =	simm.s32 $0x9;
	s14 =	simm.s32 $0x80  }
0x4: {  	s15 =	simm.s32 $0x6400;
	s16 =	simm.s32 $0x8400;
	s17 =	simm.s32 $0x1  }
0x5: {  	s18 =	simm.s32 $0xE400;
	s19 =	simm.s32 $0xA400;
	s20 =	simm.s32 $0x2  }
0x6: {  	s21 =	simm.s32 $0xE480;
	s22 =	simm.s32 $0xC400;
	s23 =	simm.s32 $0x3  }
0x7: {  	s24 =	simm.s32 $0xE500;
	s1 =	sand.u32 $0x1, s1;
	s2 =	sshll.u32 s2, $0x1  }
0x8: {  	s28 =	simm.s32 $0xE580;
	s29 =	simm.s32 $0x6;
	s2 =	sor.u32 s1, s2  }
0x9: {  	s30 =	simm.s32 $0x7;
	s31 =	simm.s32 $0x8;
	s3 =	smul.u32 $0xC80, s2  }
.Ltmp0:
0xa: {  	[smem:$0x7FF] =	sst s5;
	s1 =	ssub.s32 $0x2, s1;
	(pc) =	sbr.rel .LBB2_1-.Ltmp0, $4  }
0xb: {  	s7 =	sadd.s32 $0xF42E00, s0;
	s8 =	sshrl.u32 s1, $0x1;
	s6 =	smul.u32 $0xC8, s2  }
0xc: {  	_ =	strace $0x80000047;
	s2 =	simm.s32 $0x0;
	s26 =	ssub.s32 s1, s8  }
0xd: {  	s25 =	sadd.s32 s3, s0;
	s9 =	sor.u32 $0x1, s6;
	s10 =	smax.u32 s26, $0x1  }
0xe: {  	v0 =	vimm.s32 $0xF;
	v1 =	vlaneseq.u32;
	s26 =	simm.s32 $0x4;
	s8 =	sadd.s32 $0xA00, s25;
	s25 =	simm.s32 $0x5  }
.LBB2_12:
0xf: {  	s2 =	sadd.s32 $0x1, s2  }
0x10: {  	_ =	swait.ge [sflag:s30], $0x2000;
	p0 =	sne.s32 s2, s10  }
.Ltmp1:
0x11: {  	[sflag:s30] =	ssyncset.done $0x0;
	(pc) =	sbr.rel @!p0 .LBB2_13-.Ltmp1, $4  }
0x12: {  	[sflag:s30] =	ssyncadd.s32 $0xFFFFE000  }
0x13: {  	_ =	swait.ge [sflag:s31], $0x2000  }
0x14: {  	[sflag:s31] =	ssyncset.done $0x0  }
0x15: {  	[sflag:s31] =	ssyncadd.s32 $0xFFFFE000  }
.LBB2_1:
0x16: {  	[tilespmem:s5], [sflag:$0x9] =	stream.linear.gather [hbm4b:s8+s5], $0x6400, $0x38;
	[tilespmem:$0xE680] =	vst v63  }
0x17: {  	_ =	swait.ge [sflag:s11], $0x6400  }
0x18: {  	[sflag:s11] =	ssyncset.done $0x0  }
0x19: {  	[sflag:s11] =	ssyncadd.s32 $0xFFFF9C00  }
0x1a: {  	s1 =	simm.s32 $0xE600;
	s0 =	rddreg [dreg:$0x1]  }
0x1b: {  	[tilespmem:s1], [sflag:$0x9] =	stream.linear.gather [hbm4b:s0+s5], $0x40, $0x38;
	[tilespmem:$0xE680] =	vst v63  }
0x1c: {  	_ =	swait.ge [sflag:s11], $0x40  }
0x1d: {  	[sflag:s11] =	ssyncset.done $0x0  }
0x1e: {  	[sflag:s11] =	ssyncadd.s32 $0xFFFFFFC0  }
0x1f: {  	s13 =	simm.s32 $0xE640;
	s12 =	rddreg [dreg:$0x2]  }
0x20: {  	[tilespmem:s13], [sflag:$0x9] =	stream.linear.gather [hbm4b:s12+s5], $0x40, $0x38;
	[tilespmem:$0xE680] =	vst v63  }
0x21: {  	_ =	swait.ge [sflag:s11], $0x40  }
0x22: {  	[sflag:s11] =	ssyncset.done $0x0  }
0x23: {  	[sflag:s11] =	ssyncadd.s32 $0xFFFFFFC0  }
0x24: {  	v2 =	vld [tilespmem:$0xE600]  }
0x25: {  	v3 =	vld [tilespmem:$0xE610]  }
0x26: {  	v4 =	vld [tilespmem:$0xE620]  }
0x27: {  	v5 =	vld [tilespmem:$0xE630]  }
0x28: {  	v6 =	vld [tilespmem:$0xE640]  }
0x29: {  	v7 =	vld [tilespmem:$0xE650]  }
0x2a: {  	v8 =	vld [tilespmem:$0xE660]  }
0x2b: {  	v9 =	vld [tilespmem:$0xE670];
	[tilespmem:s15], [sflag:$0x1] =	stream.indirect.gather [hbm4b:s7+s14], $0x40, s5, s14, $0xb8  }
0x2c: {  	s0 =	simm.s32 $0x0  }
0x2d: {  	[tilespmem:s16], [sflag:$0x2] =	stream.indirect.gather [hbm4b:s7+s14], $0x40, s14, s14, $0xb8;
	[tilespmem:$0xE680] =	vst v63  }
.LBB2_2:
0x2e: {  	_ =	swait.ge [sflag:s17], $0x2000  }
0x2f: {  	[sflag:s17] =	ssyncset.done $0x0  }
0x30: {  	s1 =	simm.s32 $0x0;
	[sflag:s17] =	ssyncadd.s32 $0xFFFFE000  }
.LBB2_3:
0x31: {  	s3 =	sshra.s32 s1, $0x2  }
0x32: {  	v22 =	vld [tilespmem:s3+$0x6400]  }
0x33: {  	v20 =	vld [tilespmem:s3+$0x6410]  }
0x34: {  	v35 =	vld [tilespmem:s3+$0x6420]  }
0x35: {  	v23 =	vld [tilespmem:s3+$0x6430];
	_ =	sdelay $0x3  }
0x36: {  	v10 =	vadd.f32 v20, v22  }
0x37: {  	v11 =	vadd.f32 v23, v35;
	v12 =	vmul.f32 v22, v22;
	v13 =	vmul.f32 v20, v20  }
0x38: {  	v21 =	vld [tilespmem:s3+$0x6440];
	v14 =	vmul.f32 v35, v35;
	v15 =	vmul.f32 v23, v23  }
0x39: {  	v29 =	vld [tilespmem:s3+$0x6460];
	v10 =	vadd.f32 v11, v10  }
0x3a: {  	v30 =	vld [tilespmem:s3+$0x6470];
	v11 =	vadd.f32 v13, v12;
	v49 =	vadd.f32 v15, v14  }
0x3b: {  	v27 =	vld [tilespmem:s3+$0x6450]  }
0x3c: {  	v11 =	vadd.f32 v49, v11;
	(xrf2) =	vadd.scan.msk.f32 $0xffff, v10;
	_ =	sdelay $0x1  }
0x3d: {  	(xrf2) =	vadd.scan.msk.f32 $0xffff, v11  }
0x3e: {  	v50 =	vmul.f32 v29, v29;
	v51 =	vmul.f32 v30, v30  }
0x3f: {  	v10 =	vmul.f32 v21, v21;
	v11 =	vmul.f32 v27, v27  }
0x40: {  	v52 =	vadd.f32 v27, v21;
	v53 =	vadd.f32 v30, v29  }
0x41: {  	v10 =	vadd.f32 v11, v10;
	v11 =	vadd.f32 v51, v50  }
0x42: {  	v55 =	vadd.f32 v53, v52  }
0x43: {  	v10 =	vadd.f32 v11, v10  }
0x44: {  	v28 =	vld [tilespmem:s3+$0x6480];
	(xrf2) =	vadd.scan.msk.f32 $0xffff, v55  }
0x45: {  	v15 =	vld [tilespmem:s3+$0x64A0];
	(xrf2) =	vadd.scan.msk.f32 $0xffff, v10;
	v16, _, _ =	vpop (xrf2)  }
0x46: {  	v14 =	vld [tilespmem:s3+$0x64B0];
	v54 =	vperm.xlane v16, v0  }
0x47: {  	v16 =	vld [tilespmem:s3+$0x6490];
	v56, _, _ =	vpop (xrf2)  }
0x48: {  	v11 =	vperm.xlane v56, v0;
	v24 =	vmul.f32 $1.562500000e-02, v54  }
0x49: {  	v18 =	vmul.f32 v28, v28;
	v12 =	vld [tilespmem:s3+$0x64E0]  }
0x4a: {  	v13 =	vld [tilespmem:s3+$0x64F0];
	v10 =	vmul.f32 $1.562500000e-02, v11;
	v11 =	vmul.f32 v24, v24  }
0x4b: {  	v25 =	vmul.f32 v15, v15;
	v31 =	vmul.f32 v14, v14  }
0x4c: {  	v34 =	vadd.f32 v14, v15;
	v19 =	vmul.f32 v16, v16;
	v10 =	vsub.f32 v10, v11  }
0x4d: {  	v59 =	vadd.f32 v31, v25;
	v33 =	vadd.f32 v16, v28;
	v11 =	vld [tilespmem:s3+$0x64C0]  }
0x4e: {  	v58, _, _ =	vpop (xrf2);
	v18 =	vadd.f32 v19, v18;
	v17 =	vadd.f32 $1.562499960e-07, v10;
	v10 =	vld [tilespmem:s3+$0x64D0]  }
0x4f: {  	v44 =	vadd.f32 v13, v12;
	v36, _, _ =	vpop (xrf2);
	v33 =	vadd.f32 v34, v33  }
0x50: {  	v47 =	vmul.f32 v12, v12;
	v61 =	vperm.xlane v36, v0;
	v62 =	vadd.f32 v59, v18  }
0x51: {  	(xrf2) =	vadd.scan.msk.f32 $0xffff, v33;
	v57 =	vshrl.u32 v17, $0x1;
	v32 =	vmul.f32 $5.000000000e-01, v17;
	v17 =	vperm.xlane v58, v0  }
0x52: {  	v37 =	vmul.f32 v13, v13;
	v39 =	vmul.f32 $1.562500000e-02, v61;
	v26 =	vsub.s32 $0x5F3759DF, v57  }
0x53: {  	v25 =	vld [tilespmem:s3+$0x6500];
	(xrf2) =	vadd.scan.msk.f32 $0xffff, v62;
	v60 =	vmul.f32 v26, v32;
	v38 =	vmul.f32 $1.562500000e-02, v17;
	v63 =	vadd.f32 v10, v11  }
0x54: {  	v18 =	vld [tilespmem:s3+$0x6510];
	v45 =	vmul.f32 v11, v11;
	v46 =	vmul.f32 v10, v10  }
0x55: {  	v17 =	vld [tilespmem:s3+$0x6520];
	v40 =	vmul.f32 v38, v38;
	v31 =	vmul.f32 v26, v60;
	v19 =	vadd.f32 v44, v63  }
0x56: {  	v48 =	vadd.f32 v37, v47;
	v33 =	vadd.f32 v46, v45  }
0x57: {  	v49 =	vsub.f32 v39, v40;
	v31 =	vsub.f32 $1.500000000e+00, v31;
	(xrf2) =	vadd.scan.msk.f32 $0xffff, v19;
	v19 =	vld [tilespmem:s3+$0x6530]  }
0x58: {  	v33 =	vadd.f32 v48, v33  }
0x59: {  	v52 =	vmul.f32 v25, v25;
	v50 =	vadd.f32 $1.562499960e-07, v49;
	v26 =	vmul.f32 v26, v31  }
0x5a: {  	v53 =	vmul.f32 v18, v18;
	v55 =	vmul.f32 v17, v17;
	(xrf2) =	vadd.scan.msk.f32 $0xffff, v33  }
0x5b: {  	v54, _, _ =	vpop (xrf2);
	v31 =	vmul.f32 $5.000000000e-01, v50;
	v51 =	vshrl.u32 v50, $0x1;
	v32 =	vmul.f32 v26, v32  }
0x5c: {  	v37 =	vperm.xlane v54, v0;
	v33 =	vsub.s32 $0x5F3759DF, v51;
	v56 =	vmul.f32 v19, v19  }
0x5d: {  	v44, _, _ =	vpop (xrf2);
	v43 =	vmul.f32 v33, v31;
	v32 =	vmul.f32 v32, v26  }
0x5e: {  	v41 =	vadd.f32 v18, v25;
	v58 =	vperm.xlane v44, v0;
	v37 =	vmul.f32 $1.562500000e-02, v37  }
0x5f: {  	v42 =	vadd.f32 v19, v17;
	v60 =	vmul.f32 v33, v43;
	v32 =	vsub.f32 $1.500000000e+00, v32  }
0x60: {  	v61 =	vmul.f32 $1.562500000e-02, v58;
	v62 =	vmul.f32 v37, v37  }
0x61: {  	v59 =	vadd.f32 v42, v41;
	v45 =	vsub.f32 $1.500000000e+00, v60;
	v41 =	vmul.f32 v32, v26;
	v63, _, _ =	vpop (xrf2)  }
0x62: {  	v34 =	vadd.f32 v53, v52;
	v39 =	vsub.f32 v61, v62;
	v44 =	vperm.xlane v63, v0  }
0x63: {  	v57 =	vadd.f32 v56, v55;
	v32 =	vld [tilespmem:s3+$0x6540];
	v40 =	vmul.f32 v33, v45;
	v45 =	vmul.f32 v41, v24  }
0x64: {  	v48 =	vadd.f32 $1.562499960e-07, v39;
	v43 =	vmul.f32 v41, v22;
	v35 =	vmul.f32 v41, v35;
	v46, _, _ =	vpop (xrf2)  }
0x65: {  	v34 =	vadd.f32 v57, v34;
	v47 =	vperm.xlane v46, v0;
	v36 =	vmul.f32 $1.562500000e-02, v44  }
0x66: {  	(xrf2) =	vadd.scan.msk.f32 $0xffff, v59;
	v33 =	vld [tilespmem:s3+$0x6560];
	v42 =	vmul.f32 $5.000000000e-01, v48;
	v52 =	vmul.f32 v40, v31  }
0x67: {  	(xrf2) =	vadd.scan.msk.f32 $0xffff, v34;
	v34 =	vld [tilespmem:s3+$0x6570];
	v51 =	vshrl.u32 v48, $0x1;
	v46 =	vmul.f32 v41, v20;
	v41 =	vmul.f32 v41, v23  }
0x68: {  	v43 =	vsub.f32 v43, v45;
	v35 =	vsub.f32 v35, v45;
	v61 =	vmul.f32 v32, v32  }
0x69: {  	v44 =	vsub.s32 $0x5F3759DF, v51;
	v49 =	vmul.f32 $1.562500000e-02, v47;
	v50 =	vmul.f32 v36, v36  }
0x6a: {  	v31 =	vld [tilespmem:s3+$0x6550];
	v54 =	vmul.f32 v44, v42;
	v55 =	vmul.f32 v52, v40;
	v46 =	vsub.f32 v46, v45  }
0x6b: {  	v41 =	vsub.f32 v41, v45;
	v43 =	vmul.f32 v43, v2;
	v35 =	vmul.f32 v35, v4  }
0x6c: {  	v20 =	vld [tilespmem:s3+$0x6580];
	v51 =	vmul.f32 v33, v33;
	v52 =	vmul.f32 v34, v34;
	v53 =	vsub.f32 v49, v50  }
0x6d: {  	v56 =	vmul.f32 v44, v54;
	v47 =	vsub.f32 $1.500000000e+00, v55;
	v55 =	vadd.f32 v34, v33  }
0x6e: {  	v43 =	vadd.f32 v43, v6;
	v41 =	vmul.f32 v41, v5;
	v35 =	vadd.f32 v35, v8  }
0x6f: {  	v62 =	vmul.f32 v31, v31;
	v54 =	vadd.f32 v31, v32;
	v51 =	vadd.f32 v52, v51  }
0x70: {  	v24 =	vld [tilespmem:s3+$0x65A0];
	v26 =	vadd.f32 $1.562499960e-07, v53;
	v57, _, _ =	vpop (xrf2);
	v49 =	vsub.f32 $1.500000000e+00, v56;
	v40 =	vmul.f32 v47, v40  }
0x71: {  	v59 =	vperm.xlane v57, v0;
	v57 =	vadd.f32 v62, v61;
	v62 =	vmul.f32 v20, v20  }
0x72: {  	v54 =	vadd.f32 v55, v54;
	v48 =	vmul.f32 $5.000000000e-01, v26;
	v44 =	vmul.f32 v44, v49  }
0x73: {  	v58, _, _ =	vpop (xrf2);
	v60 =	vshrl.u32 v26, $0x1;
	v38 =	vmul.f32 v40, v38;
	v52 =	vmul.f32 v40, v21  }
0x74: {  	v22 =	vld [tilespmem:s3+$0x6590];
	v30 =	vmul.f32 v40, v30;
	v63 =	vperm.xlane v58, v0;
	v50 =	vsub.s32 $0x5F3759DF, v60  }
0x75: {  	v26 =	vld [tilespmem:s3+$0x65B0];
	v53 =	vmul.f32 $1.562500000e-02, v59;
	v51 =	vadd.f32 v51, v57;
	v57 =	vmul.f32 v24, v24  }
0x76: {  	v41 =	vadd.f32 v41, v9;
	v56 =	vmul.f32 v50, v48;
	v42 =	vmul.f32 v44, v42  }
0x77: {  	(xrf2) =	vadd.scan.msk.f32 $0xffff, v54;
	v52 =	vsub.f32 v52, v38;
	v39 =	vmul.f32 $1.562500000e-02, v63;
	v63 =	vmul.f32 v53, v53  }
0x78: {  	v30 =	vsub.f32 v30, v38;
	(xrf2) =	vadd.scan.msk.f32 $0xffff, v51;
	v51 =	vmul.f32 v40, v29;
	v58 =	vmul.f32 v50, v56  }
0x79: {  	v60 =	vadd.f32 v22, v20;
	v42 =	vmul.f32 v42, v44;
	v52 =	vmul.f32 v52, v2  }
0x7a: {  	v30 =	vmul.f32 v30, v5;
	v39 =	vsub.f32 v39, v63;
	v61 =	vadd.f32 v26, v24  }
0x7b: {  	v63 =	vmul.f32 v22, v22;
	v51 =	vsub.f32 v51, v38;
	v59 =	vsub.f32 $1.500000000e+00, v58  }
0x7c: {  	v58 =	vmul.f32 v26, v26;
	v42 =	vsub.f32 $1.500000000e+00, v42;
	v39 =	vadd.f32 $1.562499960e-07, v39  }
0x7d: {  	v23 =	vld [tilespmem:s3+$0x65D0];
	v30 =	vadd.f32 v30, v9;
	v47 =	vadd.f32 v61, v60;
	v50 =	vmul.f32 v50, v59  }
0x7e: {  	v21 =	vld [tilespmem:s3+$0x65C0];
	v42 =	vmul.f32 v42, v44;
	v59 =	vshrl.u32 v39, $0x1;
	v39 =	vmul.f32 $5.000000000e-01, v39  }
0x7f: {  	v60 =	vadd.f32 v63, v62;
	(xrf2) =	vadd.scan.msk.f32 $0xffff, v47;
	v47 =	vmul.f32 v40, v27;
	v48 =	vmul.f32 v50, v48  }
0x80: {  	v61 =	vadd.f32 v58, v57;
	v37 =	vmul.f32 v42, v37;
	v28 =	vmul.f32 v42, v28  }
0x81: {  	v54 =	vsub.s32 $0x5F3759DF, v59;
	v16 =	vmul.f32 v42, v16;
	v15 =	vmul.f32 v42, v15  }
0x82: {  	v49 =	vadd.f32 v61, v60;
	v14 =	vmul.f32 v42, v14;
	v62 =	vmul.f32 v54, v39;
	v63, _, _ =	vpop (xrf2)  }
0x83: {  	v29 =	vld [tilespmem:s3+$0x65F0];
	v47 =	vsub.f32 v47, v38;
	v61 =	vperm.xlane v63, v0;
	v63 =	vadd.f32 v23, v21  }
0x84: {  	v27 =	vld [tilespmem:s3+$0x65E0];
	v48 =	vmul.f32 v48, v50;
	v28 =	vsub.f32 v28, v37;
	v16 =	vsub.f32 v16, v37;
	v59, _, _ =	vpop (xrf2)  }
0x85: {  	(xrf2) =	vadd.scan.msk.f32 $0xffff, v49;
	v15 =	vsub.f32 v15, v37;
	v55 =	vmul.f32 v54, v62;
	v49 =	vperm.xlane v59, v0  }
0x86: {  	v60 =	vsub.f32 $1.500000000e+00, v48;
	v48 =	vmul.f32 $1.562500000e-02, v61;
	v61 =	vmul.f32 v21, v21  }
0x87: {  	v14 =	vsub.f32 v14, v37;
	v28 =	vmul.f32 v28, v2;
	v16 =	vmul.f32 v16, v3  }
0x88: {  	v15 =	vmul.f32 v15, v4;
	v62 =	vsub.f32 $1.500000000e+00, v55;
	v40 =	vmul.f32 v60, v50  }
0x89: {  	v45 =	vmul.f32 $1.562500000e-02, v49;
	v49 =	vmul.f32 v48, v48;
	v60 =	vadd.f32 v29, v27  }
0x8a: {  	v28 =	vadd.f32 v28, v6;
	v44 =	vmul.f32 v54, v62;
	v62 =	vmul.f32 v23, v23  }
0x8b: {  	v14 =	vmul.f32 v14, v5;
	v45 =	vsub.f32 v45, v49;
	v49 =	vadd.f32 v60, v63  }
0x8c: {  	v60 =	vadd.f32 v62, v61;
	v61 =	vmul.f32 v27, v27;
	v62 =	vmul.f32 v29, v29  }
0x8d: {  	v16 =	vadd.f32 v16, v7;
	v15 =	vadd.f32 v15, v8;
	v36 =	vmul.f32 v40, v36  }
0x8e: {  	v11 =	vmul.f32 v40, v11;
	v10 =	vmul.f32 v40, v10;
	v55 =	vadd.f32 v62, v61  }
0x8f: {  	v14 =	vadd.f32 v14, v9;
	v12 =	vmul.f32 v40, v12;
	v63, _, _ =	vpop (xrf2);
	v39 =	vmul.f32 v44, v39  }
0x90: {  	v50 =	vperm.xlane v63, v0;
	v45 =	vadd.f32 $1.562499960e-07, v45;
	v63, _, _ =	vpop (xrf2);
	(xrf2) =	vadd.scan.msk.f32 $0xffff, v49;
	v54 =	vadd.f32 v55, v60  }
0x91: {  	v13 =	vmul.f32 v40, v13;
	v11 =	vsub.f32 v11, v36;
	v10 =	vsub.f32 v10, v36  }
0x92: {  	v39 =	vmul.f32 v39, v44;
	v60 =	vshrl.u32 v45, $0x1;
	v45 =	vmul.f32 $5.000000000e-01, v45;
	(xrf2) =	vadd.scan.msk.f32 $0xffff, v54  }
0x93: {  	v50 =	vmul.f32 $1.562500000e-02, v50;
	v11 =	vmul.f32 v11, v2;
	v61 =	vsub.s32 $0x5F3759DF, v60  }
0x94: {  	v12 =	vsub.f32 v12, v36;
	v56 =	vperm.xlane v63, v0;
	v57 =	vmul.f32 v61, v45  }
0x95: {  	v10 =	vmul.f32 v10, v3;
	v39 =	vsub.f32 $1.500000000e+00, v39;
	v63 =	vmul.f32 v50, v50  }
0x96: {  	v13 =	vsub.f32 v13, v36;
	v62 =	vmul.f32 $1.562500000e-02, v56;
	v38 =	vmul.f32 v61, v57  }
0x97: {  	v12 =	vmul.f32 v12, v4;
	v55 =	vadd.f32 v52, v6;
	v37 =	vmul.f32 v39, v44  }
0x98: {  	v13 =	vmul.f32 v13, v5;
	v58 =	vsub.f32 v62, v63;
	v38 =	vsub.f32 $1.500000000e+00, v38  }
0x99: {  	v11 =	vadd.f32 v11, v6;
	v40 =	vmul.f32 v37, v53;
	v25 =	vmul.f32 v37, v25  }
0x9a: {  	v18 =	vmul.f32 v37, v18;
	v59 =	vadd.f32 $1.562499960e-07, v58;
	v38 =	vmul.f32 v61, v38;
	v60, _, _ =	vpop (xrf2)  }
0x9b: {  	v10 =	vadd.f32 v10, v7;
	v17 =	vmul.f32 v37, v17;
	v42 =	vperm.xlane v60, v0  }
0x9c: {  	v62 =	vshrl.u32 v59, $0x1;
	v39 =	vmul.f32 $5.000000000e-01, v59;
	v61 =	vmul.f32 v38, v45;
	v56, _, _ =	vpop (xrf2)  }
0x9d: {  	v45 =	vsub.s32 $0x5F3759DF, v62;
	v42 =	vmul.f32 $1.562500000e-02, v42;
	v53 =	vperm.xlane v56, v0  }
0x9e: {  	v12 =	vadd.f32 v12, v8;
	v63 =	vmul.f32 v45, v39;
	v44 =	vmul.f32 v61, v38  }
0x9f: {  	[tilespmem:s3+$0x64C0] =	vst v11;
	v11 =	vadd.f32 v13, v9;
	v59 =	vmul.f32 v42, v42;
	v58 =	vmul.f32 $1.562500000e-02, v53  }
0xa0: {  	v25 =	vsub.f32 v25, v40;
	v18 =	vsub.f32 v18, v40;
	v57 =	vmul.f32 v45, v63  }
0xa1: {  	v44 =	vsub.f32 $1.500000000e+00, v44;
	v61 =	vsub.f32 v58, v59  }
0xa2: {  	v19 =	vmul.f32 v37, v19;
	v17 =	vsub.f32 v17, v40;
	v36 =	vsub.f32 $1.500000000e+00, v57  }
0xa3: {  	v25 =	vmul.f32 v25, v2;
	v60 =	vmul.f32 v44, v38;
	v38 =	vadd.f32 $1.562499960e-07, v61  }
0xa4: {  	[tilespmem:s3+$0x64D0] =	vst v10;
	v19 =	vsub.f32 v19, v40;
	v10 =	vmul.f32 v18, v3;
	v36 =	vmul.f32 v45, v36  }
0xa5: {  	[tilespmem:s3+$0x6400] =	vst v43;
	v62 =	vmul.f32 v60, v48;
	v48 =	vshrl.u32 v38, $0x1;
	v38 =	vmul.f32 $5.000000000e-01, v38  }
0xa6: {  	[tilespmem:s3+$0x6420] =	vst v35;
	v35 =	vmul.f32 v17, v4;
	v63 =	vmul.f32 v46, v3;
	v37 =	vsub.s32 $0x5F3759DF, v48  }
0xa7: {  	[tilespmem:s3+$0x6430] =	vst v41;
	v10 =	vadd.f32 v10, v7;
	v39 =	vmul.f32 v36, v39;
	v49 =	vmul.f32 v37, v38  }
0xa8: {  	[tilespmem:s3+$0x64E0] =	vst v12;
	v12 =	vadd.f32 v35, v8;
	v56 =	vmul.f32 v51, v4;
	v53 =	vmul.f32 v47, v3  }
0xa9: {  	[tilespmem:s3+$0x6470] =	vst v30;
	v44 =	vadd.f32 v63, v7;
	v39 =	vmul.f32 v39, v36;
	v40 =	vmul.f32 v37, v49  }
0xaa: {  	[tilespmem:s3+$0x6480] =	vst v28;
	v57 =	vadd.f32 v53, v7;
	v33 =	vmul.f32 v60, v33;
	v34 =	vmul.f32 v60, v34  }
0xab: {  	[tilespmem:s3+$0x6490] =	vst v16;
	v32 =	vmul.f32 v60, v32;
	v39 =	vsub.f32 $1.500000000e+00, v39;
	v40 =	vsub.f32 $1.500000000e+00, v40  }
0xac: {  	[tilespmem:s3+$0x64A0] =	vst v15;
	v31 =	vmul.f32 v60, v31;
	v33 =	vsub.f32 v33, v62;
	v34 =	vsub.f32 v34, v62  }
0xad: {  	[tilespmem:s3+$0x64B0] =	vst v14;
	v58 =	vadd.f32 v56, v8;
	v54 =	vmul.f32 v39, v36;
	v37 =	vmul.f32 v37, v40  }
0xae: {  	[tilespmem:s3+$0x6440] =	vst v55;
	v32 =	vsub.f32 v32, v62;
	v43 =	vmul.f32 v33, v4;
	v45 =	vmul.f32 v34, v5  }
0xaf: {  	[tilespmem:s3+$0x64F0] =	vst v11;
	v31 =	vsub.f32 v31, v62;
	v59 =	vmul.f32 v54, v50;
	v63 =	vmul.f32 v37, v38  }
0xb0: {  	[tilespmem:s3+$0x6510] =	vst v10;
	v48 =	vadd.f32 v43, v8;
	v60 =	vmul.f32 v54, v20;
	v61 =	vmul.f32 v54, v22  }
0xb1: {  	[tilespmem:s3+$0x6520] =	vst v12;
	v51 =	vadd.f32 v45, v9;
	v62 =	vmul.f32 v54, v24;
	v22 =	vmul.f32 v63, v37  }
0xb2: {  	[tilespmem:s3+$0x6410] =	vst v44;
	v24 =	vmul.f32 v54, v26;
	v26 =	vadd.f32 v25, v6;
	v16 =	vsub.f32 v60, v59  }
0xb3: {  	[tilespmem:s3+$0x6450] =	vst v57;
	v41 =	vmul.f32 v31, v3;
	v30 =	vsub.f32 v61, v59;
	v36 =	vsub.f32 $1.500000000e+00, v22  }
0xb4: {  	[tilespmem:s3+$0x6460] =	vst v58;
	v15 =	vsub.f32 v62, v59;
	v40 =	vmul.f32 v32, v2;
	v38 =	vmul.f32 v19, v5  }
0xb5: {  	[tilespmem:s3+$0x6560] =	vst v48;
	v11 =	vsub.f32 v24, v59;
	v16 =	vmul.f32 v16, v2;
	v39 =	vmul.f32 v36, v37  }
0xb6: {  	[tilespmem:s3+$0x6570] =	vst v51;
	v52 =	vmul.f32 v30, v3;
	v15 =	vmul.f32 v15, v4;
	v10 =	vadd.f32 v38, v9  }
0xb7: {  	[tilespmem:s3+$0x6500] =	vst v26;
	v44 =	vadd.f32 v40, v6;
	v46 =	vmul.f32 v39, v42;
	v47 =	vmul.f32 v39, v21  }
0xb8: {  	v11 =	vmul.f32 v11, v5;
	[tilespmem:s3+$0x6530] =	vst v10;
	v10 =	vadd.f32 v41, v7;
	v49 =	vmul.f32 v39, v23  }
0xb9: {  	[tilespmem:s3+$0x6540] =	vst v44;
	v53 =	vadd.f32 v16, v6;
	v50 =	vmul.f32 v39, v27;
	v54 =	vsub.f32 v47, v46  }
0xba: {  	v55 =	vadd.f32 v52, v7;
	[tilespmem:s3+$0x6550] =	vst v10;
	v10 =	vmul.f32 v39, v29;
	v56 =	vsub.f32 v49, v46  }
0xbb: {  	v57 =	vadd.f32 v15, v8;
	[tilespmem:s3+$0x6580] =	vst v53;
	v59 =	vsub.f32 v50, v46;
	v58 =	vmul.f32 v54, v2  }
0xbc: {  	v11 =	vadd.f32 v11, v9;
	[tilespmem:s3+$0x6590] =	vst v55;
	v10 =	vsub.f32 v10, v46;
	v60 =	vmul.f32 v56, v3  }
0xbd: {  	p0 =	sne.s32 s1, $0x7800;
	[tilespmem:s3+$0x65A0] =	vst v57;
	v62 =	vmul.f32 v59, v4;
	v61 =	vadd.f32 v58, v6  }
.Ltmp2:
0xbe: {  	[tilespmem:s3+$0x65B0] =	vst v11;
	v10 =	vmul.f32 v10, v5;
	v11 =	vadd.f32 v60, v7;
	(pc) =	sbr.rel @p0 .LBB2_3-.Ltmp2, $4  }
0xbf: {  	v63 =	vadd.f32 v62, v8;
	[tilespmem:s3+$0x65C0] =	vst v61  }
0xc0: {  	v10 =	vadd.f32 v10, v9;
	[tilespmem:s3+$0x65D0] =	vst v11  }
0xc1: {  	[tilespmem:s3+$0x65E0] =	vst v63  }
0xc2: {  	s1 =	sadd.s32 $0x800, s1;
	[tilespmem:s3+$0x65F0] =	vst v10  }
0xc3: {  	s1 =	sshll.u32 s0, $0x2  }
0xc4: {  	s3 =	sadd.s32 s6, s1  }
0xc5: {  	s3 =	sshll.u32 s3, $0x7  }
0xc6: {  	v10 =	vmov s3;
	s12 =	sor.u32 $0x10, s3  }
0xc7: {  	s13 =	sor.u32 $0x20, s3;
	v10 =	vbroadcast v10, $0x0;
	v11 =	vmov s12  }
0xc8: {  	v13 =	vmov s13;
	s13 =	sor.u32 $0x30, s3;
	v11 =	vbroadcast v11, $0x0  }
0xc9: {  	v13 =	vbroadcast v13, $0x0;
	v16 =	vmov s13;
	v10 =	vor.u32 v1, v10  }
0xca: {  	s13 =	sor.u32 $0x40, s3;
	v16 =	vbroadcast v16, $0x0;
	v12 =	vmulhi.u32 $0x51EB851F, v10;
	v11 =	vor.u32 v1, v11  }
0xcb: {  	v52 =	vmov s13;
	s13 =	sor.u32 $0x50, s3;
	v13 =	vor.u32 v1, v13;
	v14 =	vmulhi.u32 $0x51EB851F, v11  }
0xcc: {  	v53 =	vmov s13;
	s13 =	sor.u32 $0x60, s3;
	s3 =	sor.u32 $0x70, s3;
	v17 =	vmulhi.u32 $0x51EB851F, v13;
	v16 =	vor.u32 v1, v16  }
0xcd: {  	v54 =	vbroadcast v53, $0x0;
	v55 =	vmov s13;
	v56 =	vmov s3  }
0xce: {  	v12 =	vshrl.u32 v12, $0x4;
	v18 =	vmulhi.u32 $0x51EB851F, v16;
	v14 =	vshrl.u32 v14, $0x4  }
0xcf: {  	v15 =	vmul.u32 $0xFFFFFFCE, v12;
	v17 =	vshrl.u32 v17, $0x4;
	v47 =	vmul.u32 $0xFFFFFFCE, v14  }
0xd0: {  	v48 =	vmul.u32 $0xFFFFFFCE, v17;
	v50 =	vshrl.u32 v18, $0x4;
	v18 =	vbroadcast v56, $0x0  }
0xd1: {  	v10 =	vadd.s32 v10, v15;
	v51 =	vmul.u32 $0xFFFFFFCE, v50;
	v15 =	vbroadcast v52, $0x0  }
0xd2: {  	v10 =	vshll.u32 v10, $0xE;
	v11 =	vadd.s32 v11, v47;
	v49 =	vadd.s32 v13, v48  }
0xd3: {  	v18 =	vor.u32 v1, v18;
	v10 =	vadd.s32 v12, v10;
	v11 =	vshll.u32 v11, $0xE  }
0xd4: {  	v12 =	vshll.u32 v49, $0xE;
	v15 =	vor.u32 v1, v15;
	v23 =	vmulhi.u32 $0x51EB851F, v18  }
0xd5: {  	v11 =	vadd.s32 v14, v11;
	v12 =	vadd.s32 v17, v12;
	v17 =	vbroadcast v55, $0x0  }
0xd6: {  	v14 =	vadd.s32 v16, v51;
	v19 =	vmulhi.u32 $0x51EB851F, v15;
	v16 =	vor.u32 v1, v54  }
0xd7: {  	v20 =	vmulhi.u32 $0x51EB851F, v16;
	v17 =	vor.u32 v1, v17  }
0xd8: {  	v19 =	vshrl.u32 v19, $0x4;
	v21 =	vmulhi.u32 $0x51EB851F, v17  }
0xd9: {  	v14 =	vshll.u32 v14, $0xE;
	v22 =	vmul.u32 $0xFFFFFFCE, v19;
	v20 =	vshrl.u32 v20, $0x4  }
0xda: {  	[tilespmem:$0xE400] =	vst v10;
	v60 =	vshrl.u32 v23, $0x4;
	v57 =	vmul.u32 $0xFFFFFFCE, v20;
	v58 =	vshrl.u32 v21, $0x4  }
0xdb: {  	[tilespmem:$0xE410] =	vst v11;
	v10 =	vadd.s32 v50, v14;
	v11 =	vadd.s32 v15, v22;
	v59 =	vmul.u32 $0xFFFFFFCE, v58  }
0xdc: {  	[tilespmem:$0xE420] =	vst v12;
	v62 =	vmul.u32 $0xFFFFFFCE, v60;
	v11 =	vshll.u32 v11, $0xE;
	v61 =	vadd.s32 v16, v57  }
0xdd: {  	[tilespmem:$0xE430] =	vst v10;
	v10 =	vadd.s32 v19, v11;
	v12 =	vshll.u32 v61, $0xE;
	v11 =	vadd.s32 v17, v59  }
0xde: {  	v63 =	vadd.s32 v18, v62;
	[tilespmem:$0xE440] =	vst v10;
	v10 =	vadd.s32 v20, v12;
	v11 =	vshll.u32 v11, $0xE  }
0xdf: {  	[tilespmem:$0xE450] =	vst v10;
	v10 =	vadd.s32 v58, v11;
	v11 =	vshll.u32 v63, $0xE  }
0xe0: {  	p0 =	seq.s32 s0, $0x0;
	[tilespmem:$0xE460] =	vst v10;
	v10 =	vadd.s32 v60, v11  }
0xe1: {  	s12 =	simm.s32 @!p0 $0x7;
	[tilespmem:$0xE470] =	vst v10  }
0xe2: {  	[hbm4b:s4+s14] =	stream.indirect.scatter [tilespmem:s15], [sflag:$0x5], $0x40, s18, s14, $0xb8;
	[tilespmem:$0xE680] =	vst v63  }
0xe3: {  	s3 =	sor.u32 $0x2, s1;
	_ =	swait.ge @!p0 [sflag:s12], $0x2000  }
0xe4: {  	s13 =	sshll.u32 s3, $0x7;
	[sflag:s12] =	ssyncset.done @!p0 $0x0  }
0xe5: {  	s13 =	sand.u32 $0x3FFFFF80, s13;
	[sflag:s12] =	ssyncadd.s32 @!p0 $0xFFFFE000  }
0xe6: {  	[tilespmem:s19], [sflag:$0x3] =	stream.indirect.gather [hbm4b:s7+s14], $0x40, s13, s14, $0xb8;
	[tilespmem:$0xE680] =	vst v63  }
0xe7: {  	_ =	swait.ge [sflag:s20], $0x2000  }
0xe8: {  	[sflag:s20] =	ssyncset.done $0x0  }
0xe9: {  	s12 =	simm.s32 $0x0;
	[sflag:s20] =	ssyncadd.s32 $0xFFFFE000  }
.LBB2_5:
0xea: {  	s13 =	sshra.s32 s12, $0x2  }
0xeb: {  	v22 =	vld [tilespmem:s13+$0x8400]  }
0xec: {  	v20 =	vld [tilespmem:s13+$0x8410]  }
0xed: {  	v35 =	vld [tilespmem:s13+$0x8420]  }
0xee: {  	v23 =	vld [tilespmem:s13+$0x8430];
	_ =	sdelay $0x3  }
0xef: {  	v10 =	vadd.f32 v20, v22  }
0xf0: {  	v11 =	vadd.f32 v23, v35;
	v12 =	vmul.f32 v22, v22;
	v13 =	vmul.f32 v20, v20  }
0xf1: {  	v21 =	vld [tilespmem:s13+$0x8440];
	v14 =	vmul.f32 v35, v35;
	v15 =	vmul.f32 v23, v23  }
0xf2: {  	v29 =	vld [tilespmem:s13+$0x8460];
	v10 =	vadd.f32 v11, v10  }
0xf3: {  	v30 =	vld [tilespmem:s13+$0x8470];
	v11 =	vadd.f32 v13, v12;
	v49 =	vadd.f32 v15, v14  }
0xf4: {  	v27 =	vld [tilespmem:s13+$0x8450]  }
0xf5: {  	v11 =	vadd.f32 v49, v11;
	(xrf2) =	vadd.scan.msk.f32 $0xffff, v10;
	_ =	sdelay $0x1  }
0xf6: {  	(xrf2) =	vadd.scan.msk.f32 $0xffff, v11  }
0xf7: {  	v50 =	vmul.f32 v29, v29;
	v51 =	vmul.f32 v30, v30  }
0xf8: {  	v10 =	vmul.f32 v21, v21;
	v11 =	vmul.f32 v27, v27  }
0xf9: {  	v52 =	vadd.f32 v27, v21;
	v53 =	vadd.f32 v30, v29  }
0xfa: {  	v10 =	vadd.f32 v11, v10;
	v11 =	vadd.f32 v51, v50  }
0xfb: {  	v55 =	vadd.f32 v53, v52  }
0xfc: {  	v10 =	vadd.f32 v11, v10  }
0xfd: {  	v28 =	vld [tilespmem:s13+$0x8480];
	(xrf2) =	vadd.scan.msk.f32 $0xffff, v55  }
0xfe: {  	v15 =	vld [tilespmem:s13+$0x84A0];
	(xrf2) =	vadd.scan.msk.f32 $0xffff, v10;
	v16, _, _ =	vpop (xrf2)  }
0xff: {  	v14 =	vld [tilespmem:s13+$0x84B0];
	v54 =	vperm.xlane v16, v0  }
0x100: {  	v16 =	vld [tilespmem:s13+$0x8490];
	v56, _, _ =	vpop (xrf2)  }
0x101: {  	v11 =	vperm.xlane v56, v0;
	v24 =	vmul.f32 $1.562500000e-02, v54  }
0x102: {  	v18 =	vmul.f32 v28, v28;
	v12 =	vld [tilespmem:s13+$0x84E0]  }
0x103: {  	v13 =	vld [tilespmem:s13+$0x84F0];
	v10 =	vmul.f32 $1.562500000e-02, v11;
	v11 =	vmul.f32 v24, v24  }
0x104: {  	v25 =	vmul.f32 v15, v15;
	v31 =	vmul.f32 v14, v14  }
0x105: {  	v34 =	vadd.f32 v14, v15;
	v19 =	vmul.f32 v16, v16;
	v10 =	vsub.f32 v10, v11  }
0x106: {  	v59 =	vadd.f32 v31, v25;
	v33 =	vadd.f32 v16, v28;
	v11 =	vld [tilespmem:s13+$0x84C0]  }
0x107: {  	v58, _, _ =	vpop (xrf2);
	v18 =	vadd.f32 v19, v18;
	v17 =	vadd.f32 $1.562499960e-07, v10;
	v10 =	vld [tilespmem:s13+$0x84D0]  }
0x108: {  	v44 =	vadd.f32 v13, v12;
	v36, _, _ =	vpop (xrf2);
	v33 =	vadd.f32 v34, v33  }
0x109: {  	v47 =	vmul.f32 v12, v12;
	v61 =	vperm.xlane v36, v0;
	v62 =	vadd.f32 v59, v18  }
0x10a: {  	(xrf2) =	vadd.scan.msk.f32 $0xffff, v33;
	v57 =	vshrl.u32 v17, $0x1;
	v32 =	vmul.f32 $5.000000000e-01, v17;
	v17 =	vperm.xlane v58, v0  }
0x10b: {  	v37 =	vmul.f32 v13, v13;
	v39 =	vmul.f32 $1.562500000e-02, v61;
	v26 =	vsub.s32 $0x5F3759DF, v57  }
0x10c: {  	v25 =	vld [tilespmem:s13+$0x8500];
	(xrf2) =	vadd.scan.msk.f32 $0xffff, v62;
	v60 =	vmul.f32 v26, v32;
	v38 =	vmul.f32 $1.562500000e-02, v17;
	v63 =	vadd.f32 v10, v11  }
0x10d: {  	v18 =	vld [tilespmem:s13+$0x8510];
	v45 =	vmul.f32 v11, v11;
	v46 =	vmul.f32 v10, v10  }
0x10e: {  	v17 =	vld [tilespmem:s13+$0x8520];
	v40 =	vmul.f32 v38, v38;
	v31 =	vmul.f32 v26, v60;
	v19 =	vadd.f32 v44, v63  }
0x10f: {  	v48 =	vadd.f32 v37, v47;
	v33 =	vadd.f32 v46, v45  }
0x110: {  	v49 =	vsub.f32 v39, v40;
	v31 =	vsub.f32 $1.500000000e+00, v31;
	(xrf2) =	vadd.scan.msk.f32 $0xffff, v19;
	v19 =	vld [tilespmem:s13+$0x8530]  }
0x111: {  	v33 =	vadd.f32 v48, v33  }
0x112: {  	v52 =	vmul.f32 v25, v25;
	v50 =	vadd.f32 $1.562499960e-07, v49;
	v26 =	vmul.f32 v26, v31  }
0x113: {  	v53 =	vmul.f32 v18, v18;
	v55 =	vmul.f32 v17, v17;
	(xrf2) =	vadd.scan.msk.f32 $0xffff, v33  }
0x114: {  	v54, _, _ =	vpop (xrf2);
	v31 =	vmul.f32 $5.000000000e-01, v50;
	v51 =	vshrl.u32 v50, $0x1;
	v32 =	vmul.f32 v26, v32  }
0x115: {  	v37 =	vperm.xlane v54, v0;
	v33 =	vsub.s32 $0x5F3759DF, v51;
	v56 =	vmul.f32 v19, v19  }
0x116: {  	v44, _, _ =	vpop (xrf2);
	v43 =	vmul.f32 v33, v31;
	v32 =	vmul.f32 v32, v26  }
0x117: {  	v41 =	vadd.f32 v18, v25;
	v58 =	vperm.xlane v44, v0;
	v37 =	vmul.f32 $1.562500000e-02, v37  }
0x118: {  	v42 =	vadd.f32 v19, v17;
	v60 =	vmul.f32 v33, v43;
	v32 =	vsub.f32 $1.500000000e+00, v32  }
0x119: {  	v61 =	vmul.f32 $1.562500000e-02, v58;
	v62 =	vmul.f32 v37, v37  }
0x11a: {  	v59 =	vadd.f32 v42, v41;
	v45 =	vsub.f32 $1.500000000e+00, v60;
	v41 =	vmul.f32 v32, v26;
	v63, _, _ =	vpop (xrf2)  }
0x11b: {  	v34 =	vadd.f32 v53, v52;
	v39 =	vsub.f32 v61, v62;
	v44 =	vperm.xlane v63, v0  }
0x11c: {  	v57 =	vadd.f32 v56, v55;
	v32 =	vld [tilespmem:s13+$0x8540];
	v40 =	vmul.f32 v33, v45;
	v45 =	vmul.f32 v41, v24  }
0x11d: {  	v48 =	vadd.f32 $1.562499960e-07, v39;
	v43 =	vmul.f32 v41, v22;
	v35 =	vmul.f32 v41, v35;
	v46, _, _ =	vpop (xrf2)  }
0x11e: {  	v34 =	vadd.f32 v57, v34;
	v47 =	vperm.xlane v46, v0;
	v36 =	vmul.f32 $1.562500000e-02, v44  }
0x11f: {  	(xrf2) =	vadd.scan.msk.f32 $0xffff, v59;
	v33 =	vld [tilespmem:s13+$0x8560];
	v42 =	vmul.f32 $5.000000000e-01, v48;
	v52 =	vmul.f32 v40, v31  }
0x120: {  	(xrf2) =	vadd.scan.msk.f32 $0xffff, v34;
	v34 =	vld [tilespmem:s13+$0x8570];
	v51 =	vshrl.u32 v48, $0x1;
	v46 =	vmul.f32 v41, v20;
	v41 =	vmul.f32 v41, v23  }
0x121: {  	v43 =	vsub.f32 v43, v45;
	v35 =	vsub.f32 v35, v45;
	v61 =	vmul.f32 v32, v32  }
0x122: {  	v44 =	vsub.s32 $0x5F3759DF, v51;
	v49 =	vmul.f32 $1.562500000e-02, v47;
	v50 =	vmul.f32 v36, v36  }
0x123: {  	v31 =	vld [tilespmem:s13+$0x8550];
	v54 =	vmul.f32 v44, v42;
	v55 =	vmul.f32 v52, v40;
	v46 =	vsub.f32 v46, v45  }
0x124: {  	v41 =	vsub.f32 v41, v45;
	v43 =	vmul.f32 v43, v2;
	v35 =	vmul.f32 v35, v4  }
0x125: {  	v20 =	vld [tilespmem:s13+$0x8580];
	v51 =	vmul.f32 v33, v33;
	v52 =	vmul.f32 v34, v34;
	v53 =	vsub.f32 v49, v50  }
0x126: {  	v56 =	vmul.f32 v44, v54;
	v47 =	vsub.f32 $1.500000000e+00, v55;
	v55 =	vadd.f32 v34, v33  }
0x127: {  	v43 =	vadd.f32 v43, v6;
	v41 =	vmul.f32 v41, v5;
	v35 =	vadd.f32 v35, v8  }
0x128: {  	v62 =	vmul.f32 v31, v31;
	v54 =	vadd.f32 v31, v32;
	v51 =	vadd.f32 v52, v51  }
0x129: {  	v24 =	vld [tilespmem:s13+$0x85A0];
	v26 =	vadd.f32 $1.562499960e-07, v53;
	v57, _, _ =	vpop (xrf2);
	v49 =	vsub.f32 $1.500000000e+00, v56;
	v40 =	vmul.f32 v47, v40  }
0x12a: {  	v59 =	vperm.xlane v57, v0;
	v57 =	vadd.f32 v62, v61;
	v62 =	vmul.f32 v20, v20  }
0x12b: {  	v54 =	vadd.f32 v55, v54;
	v48 =	vmul.f32 $5.000000000e-01, v26;
	v44 =	vmul.f32 v44, v49  }
0x12c: {  	v58, _, _ =	vpop (xrf2);
	v60 =	vshrl.u32 v26, $0x1;
	v38 =	vmul.f32 v40, v38;
	v52 =	vmul.f32 v40, v21  }
0x12d: {  	v22 =	vld [tilespmem:s13+$0x8590];
	v30 =	vmul.f32 v40, v30;
	v63 =	vperm.xlane v58, v0;
	v50 =	vsub.s32 $0x5F3759DF, v60  }
0x12e: {  	v26 =	vld [tilespmem:s13+$0x85B0];
	v53 =	vmul.f32 $1.562500000e-02, v59;
	v51 =	vadd.f32 v51, v57;
	v57 =	vmul.f32 v24, v24  }
0x12f: {  	v41 =	vadd.f32 v41, v9;
	v56 =	vmul.f32 v50, v48;
	v42 =	vmul.f32 v44, v42  }
0x130: {  	(xrf2) =	vadd.scan.msk.f32 $0xffff, v54;
	v52 =	vsub.f32 v52, v38;
	v39 =	vmul.f32 $1.562500000e-02, v63;
	v63 =	vmul.f32 v53, v53  }
0x131: {  	v30 =	vsub.f32 v30, v38;
	(xrf2) =	vadd.scan.msk.f32 $0xffff, v51;
	v51 =	vmul.f32 v40, v29;
	v58 =	vmul.f32 v50, v56  }
0x132: {  	v60 =	vadd.f32 v22, v20;
	v42 =	vmul.f32 v42, v44;
	v52 =	vmul.f32 v52, v2  }
0x133: {  	v30 =	vmul.f32 v30, v5;
	v39 =	vsub.f32 v39, v63;
	v61 =	vadd.f32 v26, v24  }
0x134: {  	v63 =	vmul.f32 v22, v22;
	v51 =	vsub.f32 v51, v38;
	v59 =	vsub.f32 $1.500000000e+00, v58  }
0x135: {  	v58 =	vmul.f32 v26, v26;
	v42 =	vsub.f32 $1.500000000e+00, v42;
	v39 =	vadd.f32 $1.562499960e-07, v39  }
0x136: {  	v23 =	vld [tilespmem:s13+$0x85D0];
	v30 =	vadd.f32 v30, v9;
	v47 =	vadd.f32 v61, v60;
	v50 =	vmul.f32 v50, v59  }
0x137: {  	v21 =	vld [tilespmem:s13+$0x85C0];
	v42 =	vmul.f32 v42, v44;
	v59 =	vshrl.u32 v39, $0x1;
	v39 =	vmul.f32 $5.000000000e-01, v39  }
0x138: {  	v60 =	vadd.f32 v63, v62;
	(xrf2) =	vadd.scan.msk.f32 $0xffff, v47;
	v47 =	vmul.f32 v40, v27;
	v48 =	vmul.f32 v50, v48  }
0x139: {  	v61 =	vadd.f32 v58, v57;
	v37 =	vmul.f32 v42, v37;
	v28 =	vmul.f32 v42, v28  }
0x13a: {  	v54 =	vsub.s32 $0x5F3759DF, v59;
	v16 =	vmul.f32 v42, v16;
	v15 =	vmul.f32 v42, v15  }
0x13b: {  	v49 =	vadd.f32 v61, v60;
	v14 =	vmul.f32 v42, v14;
	v62 =	vmul.f32 v54, v39;
	v63, _, _ =	vpop (xrf2)  }
0x13c: {  	v29 =	vld [tilespmem:s13+$0x85F0];
	v47 =	vsub.f32 v47, v38;
	v61 =	vperm.xlane v63, v0;
	v63 =	vadd.f32 v23, v21  }
0x13d: {  	v27 =	vld [tilespmem:s13+$0x85E0];
	v48 =	vmul.f32 v48, v50;
	v28 =	vsub.f32 v28, v37;
	v16 =	vsub.f32 v16, v37;
	v59, _, _ =	vpop (xrf2)  }
0x13e: {  	(xrf2) =	vadd.scan.msk.f32 $0xffff, v49;
	v15 =	vsub.f32 v15, v37;
	v55 =	vmul.f32 v54, v62;
	v49 =	vperm.xlane v59, v0  }
0x13f: {  	v60 =	vsub.f32 $1.500000000e+00, v48;
	v48 =	vmul.f32 $1.562500000e-02, v61;
	v61 =	vmul.f32 v21, v21  }
0x140: {  	v14 =	vsub.f32 v14, v37;
	v28 =	vmul.f32 v28, v2;
	v16 =	vmul.f32 v16, v3  }
0x141: {  	v15 =	vmul.f32 v15, v4;
	v62 =	vsub.f32 $1.500000000e+00, v55;
	v40 =	vmul.f32 v60, v50  }
0x142: {  	v45 =	vmul.f32 $1.562500000e-02, v49;
	v49 =	vmul.f32 v48, v48;
	v60 =	vadd.f32 v29, v27  }
0x143: {  	v28 =	vadd.f32 v28, v6;
	v44 =	vmul.f32 v54, v62;
	v62 =	vmul.f32 v23, v23  }
0x144: {  	v14 =	vmul.f32 v14, v5;
	v45 =	vsub.f32 v45, v49;
	v49 =	vadd.f32 v60, v63  }
0x145: {  	v60 =	vadd.f32 v62, v61;
	v61 =	vmul.f32 v27, v27;
	v62 =	vmul.f32 v29, v29  }
0x146: {  	v16 =	vadd.f32 v16, v7;
	v15 =	vadd.f32 v15, v8;
	v36 =	vmul.f32 v40, v36  }
0x147: {  	v11 =	vmul.f32 v40, v11;
	v10 =	vmul.f32 v40, v10;
	v55 =	vadd.f32 v62, v61  }
0x148: {  	v14 =	vadd.f32 v14, v9;
	v12 =	vmul.f32 v40, v12;
	v63, _, _ =	vpop (xrf2);
	v39 =	vmul.f32 v44, v39  }
0x149: {  	v50 =	vperm.xlane v63, v0;
	v45 =	vadd.f32 $1.562499960e-07, v45;
	v63, _, _ =	vpop (xrf2);
	(xrf2) =	vadd.scan.msk.f32 $0xffff, v49;
	v54 =	vadd.f32 v55, v60  }
0x14a: {  	v13 =	vmul.f32 v40, v13;
	v11 =	vsub.f32 v11, v36;
	v10 =	vsub.f32 v10, v36  }
0x14b: {  	v39 =	vmul.f32 v39, v44;
	v60 =	vshrl.u32 v45, $0x1;
	v45 =	vmul.f32 $5.000000000e-01, v45;
	(xrf2) =	vadd.scan.msk.f32 $0xffff, v54  }
0x14c: {  	v50 =	vmul.f32 $1.562500000e-02, v50;
	v11 =	vmul.f32 v11, v2;
	v61 =	vsub.s32 $0x5F3759DF, v60  }
0x14d: {  	v12 =	vsub.f32 v12, v36;
	v56 =	vperm.xlane v63, v0;
	v57 =	vmul.f32 v61, v45  }
0x14e: {  	v10 =	vmul.f32 v10, v3;
	v39 =	vsub.f32 $1.500000000e+00, v39;
	v63 =	vmul.f32 v50, v50  }
0x14f: {  	v13 =	vsub.f32 v13, v36;
	v62 =	vmul.f32 $1.562500000e-02, v56;
	v38 =	vmul.f32 v61, v57  }
0x150: {  	v12 =	vmul.f32 v12, v4;
	v55 =	vadd.f32 v52, v6;
	v37 =	vmul.f32 v39, v44  }
0x151: {  	v13 =	vmul.f32 v13, v5;
	v58 =	vsub.f32 v62, v63;
	v38 =	vsub.f32 $1.500000000e+00, v38  }
0x152: {  	v11 =	vadd.f32 v11, v6;
	v40 =	vmul.f32 v37, v53;
	v25 =	vmul.f32 v37, v25  }
0x153: {  	v18 =	vmul.f32 v37, v18;
	v59 =	vadd.f32 $1.562499960e-07, v58;
	v38 =	vmul.f32 v61, v38;
	v60, _, _ =	vpop (xrf2)  }
0x154: {  	v10 =	vadd.f32 v10, v7;
	v17 =	vmul.f32 v37, v17;
	v42 =	vperm.xlane v60, v0  }
0x155: {  	v62 =	vshrl.u32 v59, $0x1;
	v39 =	vmul.f32 $5.000000000e-01, v59;
	v61 =	vmul.f32 v38, v45;
	v56, _, _ =	vpop (xrf2)  }
0x156: {  	v45 =	vsub.s32 $0x5F3759DF, v62;
	v42 =	vmul.f32 $1.562500000e-02, v42;
	v53 =	vperm.xlane v56, v0  }
0x157: {  	v12 =	vadd.f32 v12, v8;
	v63 =	vmul.f32 v45, v39;
	v44 =	vmul.f32 v61, v38  }
0x158: {  	[tilespmem:s13+$0x84C0] =	vst v11;
	v11 =	vadd.f32 v13, v9;
	v59 =	vmul.f32 v42, v42;
	v58 =	vmul.f32 $1.562500000e-02, v53  }
0x159: {  	v25 =	vsub.f32 v25, v40;
	v18 =	vsub.f32 v18, v40;
	v57 =	vmul.f32 v45, v63  }
0x15a: {  	v44 =	vsub.f32 $1.500000000e+00, v44;
	v61 =	vsub.f32 v58, v59  }
0x15b: {  	v19 =	vmul.f32 v37, v19;
	v17 =	vsub.f32 v17, v40;
	v36 =	vsub.f32 $1.500000000e+00, v57  }
0x15c: {  	v25 =	vmul.f32 v25, v2;
	v60 =	vmul.f32 v44, v38;
	v38 =	vadd.f32 $1.562499960e-07, v61  }
0x15d: {  	[tilespmem:s13+$0x84D0] =	vst v10;
	v19 =	vsub.f32 v19, v40;
	v10 =	vmul.f32 v18, v3;
	v36 =	vmul.f32 v45, v36  }
0x15e: {  	[tilespmem:s13+$0x8400] =	vst v43;
	v62 =	vmul.f32 v60, v48;
	v48 =	vshrl.u32 v38, $0x1;
	v38 =	vmul.f32 $5.000000000e-01, v38  }
0x15f: {  	[tilespmem:s13+$0x8420] =	vst v35;
	v35 =	vmul.f32 v17, v4;
	v63 =	vmul.f32 v46, v3;
	v37 =	vsub.s32 $0x5F3759DF, v48  }
0x160: {  	[tilespmem:s13+$0x8430] =	vst v41;
	v10 =	vadd.f32 v10, v7;
	v39 =	vmul.f32 v36, v39;
	v49 =	vmul.f32 v37, v38  }
0x161: {  	[tilespmem:s13+$0x84E0] =	vst v12;
	v12 =	vadd.f32 v35, v8;
	v56 =	vmul.f32 v51, v4;
	v53 =	vmul.f32 v47, v3  }
0x162: {  	[tilespmem:s13+$0x8470] =	vst v30;
	v44 =	vadd.f32 v63, v7;
	v39 =	vmul.f32 v39, v36;
	v40 =	vmul.f32 v37, v49  }
0x163: {  	[tilespmem:s13+$0x8480] =	vst v28;
	v57 =	vadd.f32 v53, v7;
	v33 =	vmul.f32 v60, v33;
	v34 =	vmul.f32 v60, v34  }
0x164: {  	[tilespmem:s13+$0x8490] =	vst v16;
	v32 =	vmul.f32 v60, v32;
	v39 =	vsub.f32 $1.500000000e+00, v39;
	v40 =	vsub.f32 $1.500000000e+00, v40  }
0x165: {  	[tilespmem:s13+$0x84A0] =	vst v15;
	v31 =	vmul.f32 v60, v31;
	v33 =	vsub.f32 v33, v62;
	v34 =	vsub.f32 v34, v62  }
0x166: {  	[tilespmem:s13+$0x84B0] =	vst v14;
	v58 =	vadd.f32 v56, v8;
	v54 =	vmul.f32 v39, v36;
	v37 =	vmul.f32 v37, v40  }
0x167: {  	[tilespmem:s13+$0x8440] =	vst v55;
	v32 =	vsub.f32 v32, v62;
	v43 =	vmul.f32 v33, v4;
	v45 =	vmul.f32 v34, v5  }
0x168: {  	[tilespmem:s13+$0x84F0] =	vst v11;
	v31 =	vsub.f32 v31, v62;
	v59 =	vmul.f32 v54, v50;
	v63 =	vmul.f32 v37, v38  }
0x169: {  	[tilespmem:s13+$0x8510] =	vst v10;
	v48 =	vadd.f32 v43, v8;
	v60 =	vmul.f32 v54, v20;
	v61 =	vmul.f32 v54, v22  }
0x16a: {  	[tilespmem:s13+$0x8520] =	vst v12;
	v51 =	vadd.f32 v45, v9;
	v62 =	vmul.f32 v54, v24;
	v22 =	vmul.f32 v63, v37  }
0x16b: {  	[tilespmem:s13+$0x8410] =	vst v44;
	v24 =	vmul.f32 v54, v26;
	v26 =	vadd.f32 v25, v6;
	v16 =	vsub.f32 v60, v59  }
0x16c: {  	[tilespmem:s13+$0x8450] =	vst v57;
	v41 =	vmul.f32 v31, v3;
	v30 =	vsub.f32 v61, v59;
	v36 =	vsub.f32 $1.500000000e+00, v22  }
0x16d: {  	[tilespmem:s13+$0x8460] =	vst v58;
	v15 =	vsub.f32 v62, v59;
	v40 =	vmul.f32 v32, v2;
	v38 =	vmul.f32 v19, v5  }
0x16e: {  	[tilespmem:s13+$0x8560] =	vst v48;
	v11 =	vsub.f32 v24, v59;
	v16 =	vmul.f32 v16, v2;
	v39 =	vmul.f32 v36, v37  }
0x16f: {  	[tilespmem:s13+$0x8570] =	vst v51;
	v52 =	vmul.f32 v30, v3;
	v15 =	vmul.f32 v15, v4;
	v10 =	vadd.f32 v38, v9  }
0x170: {  	[tilespmem:s13+$0x8500] =	vst v26;
	v44 =	vadd.f32 v40, v6;
	v46 =	vmul.f32 v39, v42;
	v47 =	vmul.f32 v39, v21  }
0x171: {  	v11 =	vmul.f32 v11, v5;
	[tilespmem:s13+$0x8530] =	vst v10;
	v10 =	vadd.f32 v41, v7;
	v49 =	vmul.f32 v39, v23  }
0x172: {  	[tilespmem:s13+$0x8540] =	vst v44;
	v53 =	vadd.f32 v16, v6;
	v50 =	vmul.f32 v39, v27;
	v54 =	vsub.f32 v47, v46  }
0x173: {  	v55 =	vadd.f32 v52, v7;
	[tilespmem:s13+$0x8550] =	vst v10;
	v10 =	vmul.f32 v39, v29;
	v56 =	vsub.f32 v49, v46  }
0x174: {  	v57 =	vadd.f32 v15, v8;
	[tilespmem:s13+$0x8580] =	vst v53;
	v59 =	vsub.f32 v50, v46;
	v58 =	vmul.f32 v54, v2  }
0x175: {  	v11 =	vadd.f32 v11, v9;
	[tilespmem:s13+$0x8590] =	vst v55;
	v10 =	vsub.f32 v10, v46;
	v60 =	vmul.f32 v56, v3  }
0x176: {  	p1 =	sne.s32 s12, $0x7800;
	[tilespmem:s13+$0x85A0] =	vst v57;
	v62 =	vmul.f32 v59, v4;
	v61 =	vadd.f32 v58, v6  }
.Ltmp3:
0x177: {  	[tilespmem:s13+$0x85B0] =	vst v11;
	v10 =	vmul.f32 v10, v5;
	v11 =	vadd.f32 v60, v7;
	(pc) =	sbr.rel @p1 .LBB2_5-.Ltmp3, $4  }
0x178: {  	v63 =	vadd.f32 v62, v8;
	[tilespmem:s13+$0x85C0] =	vst v61  }
0x179: {  	v10 =	vadd.f32 v10, v9;
	[tilespmem:s13+$0x85D0] =	vst v11  }
0x17a: {  	[tilespmem:s13+$0x85E0] =	vst v63  }
0x17b: {  	s12 =	sadd.s32 $0x800, s12;
	[tilespmem:s13+$0x85F0] =	vst v10  }
0x17c: {  	s12 =	sadd.s32 s1, s9  }
0x17d: {  	s12 =	sshll.u32 s12, $0x7  }
0x17e: {  	v10 =	vmov s12;
	s13 =	sor.u32 $0x10, s12  }
0x17f: {  	v10 =	vbroadcast v10, $0x0;
	v11 =	vmov s13;
	s13 =	sor.u32 $0x20, s12  }
0x180: {  	v11 =	vbroadcast v11, $0x0;
	v13 =	vmov s13;
	s13 =	sor.u32 $0x30, s12  }
0x181: {  	v10 =	vor.u32 v1, v10;
	v13 =	vbroadcast v13, $0x0;
	v16 =	vmov s13  }
0x182: {  	s13 =	sor.u32 $0x40, s12;
	v12 =	vmulhi.u32 $0x51EB851F, v10;
	v11 =	vor.u32 v1, v11;
	v16 =	vbroadcast v16, $0x0  }
0x183: {  	v52 =	vmov s13;
	s13 =	sor.u32 $0x50, s12;
	v14 =	vmulhi.u32 $0x51EB851F, v11;
	v13 =	vor.u32 v1, v13  }
0x184: {  	v53 =	vmov s13;
	s13 =	sor.u32 $0x60, s12;
	v12 =	vshrl.u32 v12, $0x4;
	v17 =	vmulhi.u32 $0x51EB851F, v13  }
0x185: {  	v16 =	vor.u32 v1, v16;
	v54 =	vbroadcast v53, $0x0;
	v55 =	vmov s13  }
0x186: {  	s12 =	sor.u32 $0x70, s12;
	v15 =	vmul.u32 $0xFFFFFFCE, v12;
	v14 =	vshrl.u32 v14, $0x4;
	v18 =	vmulhi.u32 $0x51EB851F, v16  }
0x187: {  	v56 =	vmov s12;
	v47 =	vmul.u32 $0xFFFFFFCE, v14;
	v17 =	vshrl.u32 v17, $0x4  }
0x188: {  	v10 =	vadd.s32 v10, v15;
	v48 =	vmul.u32 $0xFFFFFFCE, v17;
	v50 =	vshrl.u32 v18, $0x4  }
0x189: {  	v15 =	vbroadcast v52, $0x0;
	v18 =	vbroadcast v56, $0x0;
	v10 =	vshll.u32 v10, $0xE  }
0x18a: {  	v11 =	vadd.s32 v11, v47;
	v51 =	vmul.u32 $0xFFFFFFCE, v50;
	v10 =	vadd.s32 v12, v10  }
0x18b: {  	v11 =	vshll.u32 v11, $0xE;
	v49 =	vadd.s32 v13, v48;
	v15 =	vor.u32 v1, v15  }
0x18c: {  	v18 =	vor.u32 v1, v18;
	v11 =	vadd.s32 v14, v11;
	v12 =	vshll.u32 v49, $0xE  }
0x18d: {  	v19 =	vmulhi.u32 $0x51EB851F, v15;
	v12 =	vadd.s32 v17, v12;
	v17 =	vbroadcast v55, $0x0  }
0x18e: {  	v14 =	vadd.s32 v16, v51;
	v16 =	vor.u32 v1, v54;
	v23 =	vmulhi.u32 $0x51EB851F, v18  }
0x18f: {  	v20 =	vmulhi.u32 $0x51EB851F, v16;
	v17 =	vor.u32 v1, v17  }
0x190: {  	v19 =	vshrl.u32 v19, $0x4;
	v21 =	vmulhi.u32 $0x51EB851F, v17  }
0x191: {  	v14 =	vshll.u32 v14, $0xE;
	v22 =	vmul.u32 $0xFFFFFFCE, v19;
	v20 =	vshrl.u32 v20, $0x4  }
0x192: {  	[tilespmem:$0xE480] =	vst v10;
	v10 =	vadd.s32 v50, v14;
	v57 =	vmul.u32 $0xFFFFFFCE, v20;
	v58 =	vshrl.u32 v21, $0x4  }
0x193: {  	[tilespmem:$0xE490] =	vst v11;
	v60 =	vshrl.u32 v23, $0x4;
	v11 =	vadd.s32 v15, v22;
	v59 =	vmul.u32 $0xFFFFFFCE, v58  }
0x194: {  	[tilespmem:$0xE4A0] =	vst v12;
	v62 =	vmul.u32 $0xFFFFFFCE, v60;
	v11 =	vshll.u32 v11, $0xE;
	v61 =	vadd.s32 v16, v57  }
0x195: {  	[tilespmem:$0xE4B0] =	vst v10;
	v10 =	vadd.s32 v19, v11;
	v12 =	vshll.u32 v61, $0xE;
	v11 =	vadd.s32 v17, v59  }
0x196: {  	v63 =	vadd.s32 v18, v62;
	[tilespmem:$0xE4C0] =	vst v10;
	v10 =	vadd.s32 v20, v12;
	v11 =	vshll.u32 v11, $0xE  }
0x197: {  	[tilespmem:$0xE4D0] =	vst v10;
	v10 =	vadd.s32 v58, v11;
	v11 =	vshll.u32 v63, $0xE  }
0x198: {  	[tilespmem:$0xE4E0] =	vst v10;
	v10 =	vadd.s32 v60, v11  }
0x199: {  	s12 =	simm.s32 @!p0 $0x8;
	[tilespmem:$0xE4F0] =	vst v10  }
0x19a: {  	[hbm4b:s4+s14] =	stream.indirect.scatter [tilespmem:s16], [sflag:$0x6], $0x40, s21, s14, $0xb8;
	[tilespmem:$0xE680] =	vst v63  }
0x19b: {  	s1 =	sor.u32 $0x3, s1;
	_ =	swait.ge @!p0 [sflag:s12], $0x2000  }
0x19c: {  	s13 =	sshll.u32 s1, $0x7;
	[sflag:s12] =	ssyncset.done @!p0 $0x0  }
0x19d: {  	s13 =	sand.u32 $0x3FFFFF80, s13;
	[sflag:s12] =	ssyncadd.s32 @!p0 $0xFFFFE000  }
0x19e: {  	[tilespmem:s22], [sflag:$0x4] =	stream.indirect.gather [hbm4b:s7+s14], $0x40, s13, s14, $0xb8;
	[tilespmem:$0xE680] =	vst v63  }
0x19f: {  	_ =	swait.ge [sflag:s23], $0x2000  }
0x1a0: {  	[sflag:s23] =	ssyncset.done $0x0  }
0x1a1: {  	s12 =	simm.s32 $0x0;
	[sflag:s23] =	ssyncadd.s32 $0xFFFFE000  }
.LBB2_7:
0x1a2: {  	s13 =	sshra.s32 s12, $0x2  }
0x1a3: {  	v22 =	vld [tilespmem:s13+$0xA400]  }
0x1a4: {  	v20 =	vld [tilespmem:s13+$0xA410]  }
0x1a5: {  	v35 =	vld [tilespmem:s13+$0xA420]  }
0x1a6: {  	v23 =	vld [tilespmem:s13+$0xA430];
	_ =	sdelay $0x3  }
0x1a7: {  	v10 =	vadd.f32 v20, v22  }
0x1a8: {  	v11 =	vadd.f32 v23, v35;
	v12 =	vmul.f32 v22, v22;
	v13 =	vmul.f32 v20, v20  }
0x1a9: {  	v21 =	vld [tilespmem:s13+$0xA440];
	v14 =	vmul.f32 v35, v35;
	v15 =	vmul.f32 v23, v23  }
0x1aa: {  	v29 =	vld [tilespmem:s13+$0xA460];
	v10 =	vadd.f32 v11, v10  }
0x1ab: {  	v30 =	vld [tilespmem:s13+$0xA470];
	v11 =	vadd.f32 v13, v12;
	v49 =	vadd.f32 v15, v14  }
0x1ac: {  	v27 =	vld [tilespmem:s13+$0xA450]  }
0x1ad: {  	v11 =	vadd.f32 v49, v11;
	(xrf2) =	vadd.scan.msk.f32 $0xffff, v10;
	_ =	sdelay $0x1  }
0x1ae: {  	(xrf2) =	vadd.scan.msk.f32 $0xffff, v11  }
0x1af: {  	v50 =	vmul.f32 v29, v29;
	v51 =	vmul.f32 v30, v30  }
0x1b0: {  	v10 =	vmul.f32 v21, v21;
	v11 =	vmul.f32 v27, v27  }
0x1b1: {  	v52 =	vadd.f32 v27, v21;
	v53 =	vadd.f32 v30, v29  }
0x1b2: {  	v10 =	vadd.f32 v11, v10;
	v11 =	vadd.f32 v51, v50  }
0x1b3: {  	v55 =	vadd.f32 v53, v52  }
0x1b4: {  	v10 =	vadd.f32 v11, v10  }
0x1b5: {  	v28 =	vld [tilespmem:s13+$0xA480];
	(xrf2) =	vadd.scan.msk.f32 $0xffff, v55  }
0x1b6: {  	v15 =	vld [tilespmem:s13+$0xA4A0];
	(xrf2) =	vadd.scan.msk.f32 $0xffff, v10;
	v16, _, _ =	vpop (xrf2)  }
0x1b7: {  	v14 =	vld [tilespmem:s13+$0xA4B0];
	v54 =	vperm.xlane v16, v0  }
0x1b8: {  	v16 =	vld [tilespmem:s13+$0xA490];
	v56, _, _ =	vpop (xrf2)  }
0x1b9: {  	v11 =	vperm.xlane v56, v0;
	v24 =	vmul.f32 $1.562500000e-02, v54  }
0x1ba: {  	v18 =	vmul.f32 v28, v28;
	v12 =	vld [tilespmem:s13+$0xA4E0]  }
0x1bb: {  	v13 =	vld [tilespmem:s13+$0xA4F0];
	v10 =	vmul.f32 $1.562500000e-02, v11;
	v11 =	vmul.f32 v24, v24  }
0x1bc: {  	v25 =	vmul.f32 v15, v15;
	v31 =	vmul.f32 v14, v14  }
0x1bd: {  	v34 =	vadd.f32 v14, v15;
	v19 =	vmul.f32 v16, v16;
	v10 =	vsub.f32 v10, v11  }
0x1be: {  	v59 =	vadd.f32 v31, v25;
	v33 =	vadd.f32 v16, v28;
	v11 =	vld [tilespmem:s13+$0xA4C0]  }
0x1bf: {  	v58, _, _ =	vpop (xrf2);
	v18 =	vadd.f32 v19, v18;
	v17 =	vadd.f32 $1.562499960e-07, v10;
	v10 =	vld [tilespmem:s13+$0xA4D0]  }
0x1c0: {  	v44 =	vadd.f32 v13, v12;
	v36, _, _ =	vpop (xrf2);
	v33 =	vadd.f32 v34, v33  }
0x1c1: {  	v47 =	vmul.f32 v12, v12;
	v61 =	vperm.xlane v36, v0;
	v62 =	vadd.f32 v59, v18  }
0x1c2: {  	(xrf2) =	vadd.scan.msk.f32 $0xffff, v33;
	v57 =	vshrl.u32 v17, $0x1;
	v32 =	vmul.f32 $5.000000000e-01, v17;
	v17 =	vperm.xlane v58, v0  }
0x1c3: {  	v37 =	vmul.f32 v13, v13;
	v39 =	vmul.f32 $1.562500000e-02, v61;
	v26 =	vsub.s32 $0x5F3759DF, v57  }
0x1c4: {  	v25 =	vld [tilespmem:s13+$0xA500];
	(xrf2) =	vadd.scan.msk.f32 $0xffff, v62;
	v60 =	vmul.f32 v26, v32;
	v38 =	vmul.f32 $1.562500000e-02, v17;
	v63 =	vadd.f32 v10, v11  }
0x1c5: {  	v18 =	vld [tilespmem:s13+$0xA510];
	v45 =	vmul.f32 v11, v11;
	v46 =	vmul.f32 v10, v10  }
0x1c6: {  	v17 =	vld [tilespmem:s13+$0xA520];
	v40 =	vmul.f32 v38, v38;
	v31 =	vmul.f32 v26, v60;
	v19 =	vadd.f32 v44, v63  }
0x1c7: {  	v48 =	vadd.f32 v37, v47;
	v33 =	vadd.f32 v46, v45  }
0x1c8: {  	v49 =	vsub.f32 v39, v40;
	v31 =	vsub.f32 $1.500000000e+00, v31;
	(xrf2) =	vadd.scan.msk.f32 $0xffff, v19;
	v19 =	vld [tilespmem:s13+$0xA530]  }
0x1c9: {  	v33 =	vadd.f32 v48, v33  }
0x1ca: {  	v52 =	vmul.f32 v25, v25;
	v50 =	vadd.f32 $1.562499960e-07, v49;
	v26 =	vmul.f32 v26, v31  }
0x1cb: {  	v53 =	vmul.f32 v18, v18;
	v55 =	vmul.f32 v17, v17;
	(xrf2) =	vadd.scan.msk.f32 $0xffff, v33  }
0x1cc: {  	v54, _, _ =	vpop (xrf2);
	v31 =	vmul.f32 $5.000000000e-01, v50;
	v51 =	vshrl.u32 v50, $0x1;
	v32 =	vmul.f32 v26, v32  }
0x1cd: {  	v37 =	vperm.xlane v54, v0;
	v33 =	vsub.s32 $0x5F3759DF, v51;
	v56 =	vmul.f32 v19, v19  }
0x1ce: {  	v44, _, _ =	vpop (xrf2);
	v43 =	vmul.f32 v33, v31;
	v32 =	vmul.f32 v32, v26  }
0x1cf: {  	v41 =	vadd.f32 v18, v25;
	v58 =	vperm.xlane v44, v0;
	v37 =	vmul.f32 $1.562500000e-02, v37  }
0x1d0: {  	v42 =	vadd.f32 v19, v17;
	v60 =	vmul.f32 v33, v43;
	v32 =	vsub.f32 $1.500000000e+00, v32  }
0x1d1: {  	v61 =	vmul.f32 $1.562500000e-02, v58;
	v62 =	vmul.f32 v37, v37  }
0x1d2: {  	v59 =	vadd.f32 v42, v41;
	v45 =	vsub.f32 $1.500000000e+00, v60;
	v41 =	vmul.f32 v32, v26;
	v63, _, _ =	vpop (xrf2)  }
0x1d3: {  	v34 =	vadd.f32 v53, v52;
	v39 =	vsub.f32 v61, v62;
	v44 =	vperm.xlane v63, v0  }
0x1d4: {  	v57 =	vadd.f32 v56, v55;
	v32 =	vld [tilespmem:s13+$0xA540];
	v40 =	vmul.f32 v33, v45;
	v45 =	vmul.f32 v41, v24  }
0x1d5: {  	v48 =	vadd.f32 $1.562499960e-07, v39;
	v43 =	vmul.f32 v41, v22;
	v35 =	vmul.f32 v41, v35;
	v46, _, _ =	vpop (xrf2)  }
0x1d6: {  	v34 =	vadd.f32 v57, v34;
	v47 =	vperm.xlane v46, v0;
	v36 =	vmul.f32 $1.562500000e-02, v44  }
0x1d7: {  	(xrf2) =	vadd.scan.msk.f32 $0xffff, v59;
	v33 =	vld [tilespmem:s13+$0xA560];
	v42 =	vmul.f32 $5.000000000e-01, v48;
	v52 =	vmul.f32 v40, v31  }
0x1d8: {  	(xrf2) =	vadd.scan.msk.f32 $0xffff, v34;
	v34 =	vld [tilespmem:s13+$0xA570];
	v51 =	vshrl.u32 v48, $0x1;
	v46 =	vmul.f32 v41, v20;
	v41 =	vmul.f32 v41, v23  }
0x1d9: {  	v43 =	vsub.f32 v43, v45;
	v35 =	vsub.f32 v35, v45;
	v61 =	vmul.f32 v32, v32  }
0x1da: {  	v44 =	vsub.s32 $0x5F3759DF, v51;
	v49 =	vmul.f32 $1.562500000e-02, v47;
	v50 =	vmul.f32 v36, v36  }
0x1db: {  	v31 =	vld [tilespmem:s13+$0xA550];
	v54 =	vmul.f32 v44, v42;
	v55 =	vmul.f32 v52, v40;
	v46 =	vsub.f32 v46, v45  }
0x1dc: {  	v41 =	vsub.f32 v41, v45;
	v43 =	vmul.f32 v43, v2;
	v35 =	vmul.f32 v35, v4  }
0x1dd: {  	v20 =	vld [tilespmem:s13+$0xA580];
	v51 =	vmul.f32 v33, v33;
	v52 =	vmul.f32 v34, v34;
	v53 =	vsub.f32 v49, v50  }
0x1de: {  	v56 =	vmul.f32 v44, v54;
	v47 =	vsub.f32 $1.500000000e+00, v55;
	v55 =	vadd.f32 v34, v33  }
0x1df: {  	v43 =	vadd.f32 v43, v6;
	v41 =	vmul.f32 v41, v5;
	v35 =	vadd.f32 v35, v8  }
0x1e0: {  	v62 =	vmul.f32 v31, v31;
	v54 =	vadd.f32 v31, v32;
	v51 =	vadd.f32 v52, v51  }
0x1e1: {  	v24 =	vld [tilespmem:s13+$0xA5A0];
	v26 =	vadd.f32 $1.562499960e-07, v53;
	v57, _, _ =	vpop (xrf2);
	v49 =	vsub.f32 $1.500000000e+00, v56;
	v40 =	vmul.f32 v47, v40  }
0x1e2: {  	v59 =	vperm.xlane v57, v0;
	v57 =	vadd.f32 v62, v61;
	v62 =	vmul.f32 v20, v20  }
0x1e3: {  	v54 =	vadd.f32 v55, v54;
	v48 =	vmul.f32 $5.000000000e-01, v26;
	v44 =	vmul.f32 v44, v49  }
0x1e4: {  	v58, _, _ =	vpop (xrf2);
	v60 =	vshrl.u32 v26, $0x1;
	v38 =	vmul.f32 v40, v38;
	v52 =	vmul.f32 v40, v21  }
0x1e5: {  	v22 =	vld [tilespmem:s13+$0xA590];
	v30 =	vmul.f32 v40, v30;
	v63 =	vperm.xlane v58, v0;
	v50 =	vsub.s32 $0x5F3759DF, v60  }
0x1e6: {  	v26 =	vld [tilespmem:s13+$0xA5B0];
	v53 =	vmul.f32 $1.562500000e-02, v59;
	v51 =	vadd.f32 v51, v57;
	v57 =	vmul.f32 v24, v24  }
0x1e7: {  	v41 =	vadd.f32 v41, v9;
	v56 =	vmul.f32 v50, v48;
	v42 =	vmul.f32 v44, v42  }
0x1e8: {  	(xrf2) =	vadd.scan.msk.f32 $0xffff, v54;
	v52 =	vsub.f32 v52, v38;
	v39 =	vmul.f32 $1.562500000e-02, v63;
	v63 =	vmul.f32 v53, v53  }
0x1e9: {  	v30 =	vsub.f32 v30, v38;
	(xrf2) =	vadd.scan.msk.f32 $0xffff, v51;
	v51 =	vmul.f32 v40, v29;
	v58 =	vmul.f32 v50, v56  }
0x1ea: {  	v60 =	vadd.f32 v22, v20;
	v42 =	vmul.f32 v42, v44;
	v52 =	vmul.f32 v52, v2  }
0x1eb: {  	v30 =	vmul.f32 v30, v5;
	v39 =	vsub.f32 v39, v63;
	v61 =	vadd.f32 v26, v24  }
0x1ec: {  	v63 =	vmul.f32 v22, v22;
	v51 =	vsub.f32 v51, v38;
	v59 =	vsub.f32 $1.500000000e+00, v58  }
0x1ed: {  	v58 =	vmul.f32 v26, v26;
	v42 =	vsub.f32 $1.500000000e+00, v42;
	v39 =	vadd.f32 $1.562499960e-07, v39  }
0x1ee: {  	v23 =	vld [tilespmem:s13+$0xA5D0];
	v30 =	vadd.f32 v30, v9;
	v47 =	vadd.f32 v61, v60;
	v50 =	vmul.f32 v50, v59  }
0x1ef: {  	v21 =	vld [tilespmem:s13+$0xA5C0];
	v42 =	vmul.f32 v42, v44;
	v59 =	vshrl.u32 v39, $0x1;
	v39 =	vmul.f32 $5.000000000e-01, v39  }
0x1f0: {  	v60 =	vadd.f32 v63, v62;
	(xrf2) =	vadd.scan.msk.f32 $0xffff, v47;
	v47 =	vmul.f32 v40, v27;
	v48 =	vmul.f32 v50, v48  }
0x1f1: {  	v61 =	vadd.f32 v58, v57;
	v37 =	vmul.f32 v42, v37;
	v28 =	vmul.f32 v42, v28  }
0x1f2: {  	v54 =	vsub.s32 $0x5F3759DF, v59;
	v16 =	vmul.f32 v42, v16;
	v15 =	vmul.f32 v42, v15  }
0x1f3: {  	v49 =	vadd.f32 v61, v60;
	v14 =	vmul.f32 v42, v14;
	v62 =	vmul.f32 v54, v39;
	v63, _, _ =	vpop (xrf2)  }
0x1f4: {  	v29 =	vld [tilespmem:s13+$0xA5F0];
	v47 =	vsub.f32 v47, v38;
	v61 =	vperm.xlane v63, v0;
	v63 =	vadd.f32 v23, v21  }
0x1f5: {  	v27 =	vld [tilespmem:s13+$0xA5E0];
	v48 =	vmul.f32 v48, v50;
	v28 =	vsub.f32 v28, v37;
	v16 =	vsub.f32 v16, v37;
	v59, _, _ =	vpop (xrf2)  }
0x1f6: {  	(xrf2) =	vadd.scan.msk.f32 $0xffff, v49;
	v15 =	vsub.f32 v15, v37;
	v55 =	vmul.f32 v54, v62;
	v49 =	vperm.xlane v59, v0  }
0x1f7: {  	v60 =	vsub.f32 $1.500000000e+00, v48;
	v48 =	vmul.f32 $1.562500000e-02, v61;
	v61 =	vmul.f32 v21, v21  }
0x1f8: {  	v14 =	vsub.f32 v14, v37;
	v28 =	vmul.f32 v28, v2;
	v16 =	vmul.f32 v16, v3  }
0x1f9: {  	v15 =	vmul.f32 v15, v4;
	v62 =	vsub.f32 $1.500000000e+00, v55;
	v40 =	vmul.f32 v60, v50  }
0x1fa: {  	v45 =	vmul.f32 $1.562500000e-02, v49;
	v49 =	vmul.f32 v48, v48;
	v60 =	vadd.f32 v29, v27  }
0x1fb: {  	v28 =	vadd.f32 v28, v6;
	v44 =	vmul.f32 v54, v62;
	v62 =	vmul.f32 v23, v23  }
0x1fc: {  	v14 =	vmul.f32 v14, v5;
	v45 =	vsub.f32 v45, v49;
	v49 =	vadd.f32 v60, v63  }
0x1fd: {  	v60 =	vadd.f32 v62, v61;
	v61 =	vmul.f32 v27, v27;
	v62 =	vmul.f32 v29, v29  }
0x1fe: {  	v16 =	vadd.f32 v16, v7;
	v15 =	vadd.f32 v15, v8;
	v36 =	vmul.f32 v40, v36  }
0x1ff: {  	v11 =	vmul.f32 v40, v11;
	v10 =	vmul.f32 v40, v10;
	v55 =	vadd.f32 v62, v61  }
0x200: {  	v14 =	vadd.f32 v14, v9;
	v12 =	vmul.f32 v40, v12;
	v63, _, _ =	vpop (xrf2);
	v39 =	vmul.f32 v44, v39  }
0x201: {  	v50 =	vperm.xlane v63, v0;
	v45 =	vadd.f32 $1.562499960e-07, v45;
	v63, _, _ =	vpop (xrf2);
	(xrf2) =	vadd.scan.msk.f32 $0xffff, v49;
	v54 =	vadd.f32 v55, v60  }
0x202: {  	v13 =	vmul.f32 v40, v13;
	v11 =	vsub.f32 v11, v36;
	v10 =	vsub.f32 v10, v36  }
0x203: {  	v39 =	vmul.f32 v39, v44;
	v60 =	vshrl.u32 v45, $0x1;
	v45 =	vmul.f32 $5.000000000e-01, v45;
	(xrf2) =	vadd.scan.msk.f32 $0xffff, v54  }
0x204: {  	v50 =	vmul.f32 $1.562500000e-02, v50;
	v11 =	vmul.f32 v11, v2;
	v61 =	vsub.s32 $0x5F3759DF, v60  }
0x205: {  	v12 =	vsub.f32 v12, v36;
	v56 =	vperm.xlane v63, v0;
	v57 =	vmul.f32 v61, v45  }
0x206: {  	v10 =	vmul.f32 v10, v3;
	v39 =	vsub.f32 $1.500000000e+00, v39;
	v63 =	vmul.f32 v50, v50  }
0x207: {  	v13 =	vsub.f32 v13, v36;
	v62 =	vmul.f32 $1.562500000e-02, v56;
	v38 =	vmul.f32 v61, v57  }
0x208: {  	v12 =	vmul.f32 v12, v4;
	v55 =	vadd.f32 v52, v6;
	v37 =	vmul.f32 v39, v44  }
0x209: {  	v13 =	vmul.f32 v13, v5;
	v58 =	vsub.f32 v62, v63;
	v38 =	vsub.f32 $1.500000000e+00, v38  }
0x20a: {  	v11 =	vadd.f32 v11, v6;
	v40 =	vmul.f32 v37, v53;
	v25 =	vmul.f32 v37, v25  }
0x20b: {  	v18 =	vmul.f32 v37, v18;
	v59 =	vadd.f32 $1.562499960e-07, v58;
	v38 =	vmul.f32 v61, v38;
	v60, _, _ =	vpop (xrf2)  }
0x20c: {  	v10 =	vadd.f32 v10, v7;
	v17 =	vmul.f32 v37, v17;
	v42 =	vperm.xlane v60, v0  }
0x20d: {  	v62 =	vshrl.u32 v59, $0x1;
	v39 =	vmul.f32 $5.000000000e-01, v59;
	v61 =	vmul.f32 v38, v45;
	v56, _, _ =	vpop (xrf2)  }
0x20e: {  	v45 =	vsub.s32 $0x5F3759DF, v62;
	v42 =	vmul.f32 $1.562500000e-02, v42;
	v53 =	vperm.xlane v56, v0  }
0x20f: {  	v12 =	vadd.f32 v12, v8;
	v63 =	vmul.f32 v45, v39;
	v44 =	vmul.f32 v61, v38  }
0x210: {  	[tilespmem:s13+$0xA4C0] =	vst v11;
	v11 =	vadd.f32 v13, v9;
	v59 =	vmul.f32 v42, v42;
	v58 =	vmul.f32 $1.562500000e-02, v53  }
0x211: {  	v25 =	vsub.f32 v25, v40;
	v18 =	vsub.f32 v18, v40;
	v57 =	vmul.f32 v45, v63  }
0x212: {  	v44 =	vsub.f32 $1.500000000e+00, v44;
	v61 =	vsub.f32 v58, v59  }
0x213: {  	v19 =	vmul.f32 v37, v19;
	v17 =	vsub.f32 v17, v40;
	v36 =	vsub.f32 $1.500000000e+00, v57  }
0x214: {  	v25 =	vmul.f32 v25, v2;
	v60 =	vmul.f32 v44, v38;
	v38 =	vadd.f32 $1.562499960e-07, v61  }
0x215: {  	[tilespmem:s13+$0xA4D0] =	vst v10;
	v19 =	vsub.f32 v19, v40;
	v10 =	vmul.f32 v18, v3;
	v36 =	vmul.f32 v45, v36  }
0x216: {  	[tilespmem:s13+$0xA400] =	vst v43;
	v62 =	vmul.f32 v60, v48;
	v48 =	vshrl.u32 v38, $0x1;
	v38 =	vmul.f32 $5.000000000e-01, v38  }
0x217: {  	[tilespmem:s13+$0xA420] =	vst v35;
	v35 =	vmul.f32 v17, v4;
	v63 =	vmul.f32 v46, v3;
	v37 =	vsub.s32 $0x5F3759DF, v48  }
0x218: {  	[tilespmem:s13+$0xA430] =	vst v41;
	v10 =	vadd.f32 v10, v7;
	v39 =	vmul.f32 v36, v39;
	v49 =	vmul.f32 v37, v38  }
0x219: {  	[tilespmem:s13+$0xA4E0] =	vst v12;
	v12 =	vadd.f32 v35, v8;
	v56 =	vmul.f32 v51, v4;
	v53 =	vmul.f32 v47, v3  }
0x21a: {  	[tilespmem:s13+$0xA470] =	vst v30;
	v44 =	vadd.f32 v63, v7;
	v39 =	vmul.f32 v39, v36;
	v40 =	vmul.f32 v37, v49  }
0x21b: {  	[tilespmem:s13+$0xA480] =	vst v28;
	v57 =	vadd.f32 v53, v7;
	v33 =	vmul.f32 v60, v33;
	v34 =	vmul.f32 v60, v34  }
0x21c: {  	[tilespmem:s13+$0xA490] =	vst v16;
	v32 =	vmul.f32 v60, v32;
	v39 =	vsub.f32 $1.500000000e+00, v39;
	v40 =	vsub.f32 $1.500000000e+00, v40  }
0x21d: {  	[tilespmem:s13+$0xA4A0] =	vst v15;
	v31 =	vmul.f32 v60, v31;
	v33 =	vsub.f32 v33, v62;
	v34 =	vsub.f32 v34, v62  }
0x21e: {  	[tilespmem:s13+$0xA4B0] =	vst v14;
	v58 =	vadd.f32 v56, v8;
	v54 =	vmul.f32 v39, v36;
	v37 =	vmul.f32 v37, v40  }
0x21f: {  	[tilespmem:s13+$0xA440] =	vst v55;
	v32 =	vsub.f32 v32, v62;
	v43 =	vmul.f32 v33, v4;
	v45 =	vmul.f32 v34, v5  }
0x220: {  	[tilespmem:s13+$0xA4F0] =	vst v11;
	v31 =	vsub.f32 v31, v62;
	v59 =	vmul.f32 v54, v50;
	v63 =	vmul.f32 v37, v38  }
0x221: {  	[tilespmem:s13+$0xA510] =	vst v10;
	v48 =	vadd.f32 v43, v8;
	v60 =	vmul.f32 v54, v20;
	v61 =	vmul.f32 v54, v22  }
0x222: {  	[tilespmem:s13+$0xA520] =	vst v12;
	v51 =	vadd.f32 v45, v9;
	v62 =	vmul.f32 v54, v24;
	v22 =	vmul.f32 v63, v37  }
0x223: {  	[tilespmem:s13+$0xA410] =	vst v44;
	v24 =	vmul.f32 v54, v26;
	v26 =	vadd.f32 v25, v6;
	v16 =	vsub.f32 v60, v59  }
0x224: {  	[tilespmem:s13+$0xA450] =	vst v57;
	v41 =	vmul.f32 v31, v3;
	v30 =	vsub.f32 v61, v59;
	v36 =	vsub.f32 $1.500000000e+00, v22  }
0x225: {  	[tilespmem:s13+$0xA460] =	vst v58;
	v15 =	vsub.f32 v62, v59;
	v40 =	vmul.f32 v32, v2;
	v38 =	vmul.f32 v19, v5  }
0x226: {  	[tilespmem:s13+$0xA560] =	vst v48;
	v11 =	vsub.f32 v24, v59;
	v16 =	vmul.f32 v16, v2;
	v39 =	vmul.f32 v36, v37  }
0x227: {  	[tilespmem:s13+$0xA570] =	vst v51;
	v52 =	vmul.f32 v30, v3;
	v15 =	vmul.f32 v15, v4;
	v10 =	vadd.f32 v38, v9  }
0x228: {  	[tilespmem:s13+$0xA500] =	vst v26;
	v44 =	vadd.f32 v40, v6;
	v46 =	vmul.f32 v39, v42;
	v47 =	vmul.f32 v39, v21  }
0x229: {  	v11 =	vmul.f32 v11, v5;
	[tilespmem:s13+$0xA530] =	vst v10;
	v10 =	vadd.f32 v41, v7;
	v49 =	vmul.f32 v39, v23  }
0x22a: {  	[tilespmem:s13+$0xA540] =	vst v44;
	v53 =	vadd.f32 v16, v6;
	v50 =	vmul.f32 v39, v27;
	v54 =	vsub.f32 v47, v46  }
0x22b: {  	v55 =	vadd.f32 v52, v7;
	[tilespmem:s13+$0xA550] =	vst v10;
	v10 =	vmul.f32 v39, v29;
	v56 =	vsub.f32 v49, v46  }
0x22c: {  	v57 =	vadd.f32 v15, v8;
	[tilespmem:s13+$0xA580] =	vst v53;
	v59 =	vsub.f32 v50, v46;
	v58 =	vmul.f32 v54, v2  }
0x22d: {  	v11 =	vadd.f32 v11, v9;
	[tilespmem:s13+$0xA590] =	vst v55;
	v10 =	vsub.f32 v10, v46;
	v60 =	vmul.f32 v56, v3  }
0x22e: {  	p0 =	sne.s32 s12, $0x7800;
	[tilespmem:s13+$0xA5A0] =	vst v57;
	v62 =	vmul.f32 v59, v4;
	v61 =	vadd.f32 v58, v6  }
.Ltmp4:
0x22f: {  	[tilespmem:s13+$0xA5B0] =	vst v11;
	v10 =	vmul.f32 v10, v5;
	v11 =	vadd.f32 v60, v7;
	(pc) =	sbr.rel @p0 .LBB2_7-.Ltmp4, $4  }
0x230: {  	v63 =	vadd.f32 v62, v8;
	[tilespmem:s13+$0xA5C0] =	vst v61  }
0x231: {  	v10 =	vadd.f32 v10, v9;
	[tilespmem:s13+$0xA5D0] =	vst v11  }
0x232: {  	[tilespmem:s13+$0xA5E0] =	vst v63  }
0x233: {  	s12 =	sadd.s32 $0x800, s12;
	[tilespmem:s13+$0xA5F0] =	vst v10  }
0x234: {  	s3 =	sadd.s32 s6, s3  }
0x235: {  	s3 =	sshll.u32 s3, $0x7  }
0x236: {  	v10 =	vmov s3;
	s12 =	sor.u32 $0x10, s3  }
0x237: {  	s13 =	sor.u32 $0x20, s3;
	v10 =	vbroadcast v10, $0x0;
	v11 =	vmov s12  }
0x238: {  	v13 =	vmov s13;
	s13 =	sor.u32 $0x30, s3;
	v11 =	vbroadcast v11, $0x0  }
0x239: {  	v13 =	vbroadcast v13, $0x0;
	v16 =	vmov s13;
	v10 =	vor.u32 v1, v10  }
0x23a: {  	s13 =	sor.u32 $0x40, s3;
	v16 =	vbroadcast v16, $0x0;
	v12 =	vmulhi.u32 $0x51EB851F, v10;
	v11 =	vor.u32 v1, v11  }
0x23b: {  	v52 =	vmov s13;
	s13 =	sor.u32 $0x50, s3;
	v13 =	vor.u32 v1, v13;
	v14 =	vmulhi.u32 $0x51EB851F, v11  }
0x23c: {  	v53 =	vmov s13;
	s13 =	sor.u32 $0x60, s3;
	s3 =	sor.u32 $0x70, s3;
	v17 =	vmulhi.u32 $0x51EB851F, v13;
	v16 =	vor.u32 v1, v16  }
0x23d: {  	v54 =	vbroadcast v53, $0x0;
	v55 =	vmov s13;
	v56 =	vmov s3  }
0x23e: {  	v12 =	vshrl.u32 v12, $0x4;
	v18 =	vmulhi.u32 $0x51EB851F, v16;
	v14 =	vshrl.u32 v14, $0x4  }
0x23f: {  	v15 =	vmul.u32 $0xFFFFFFCE, v12;
	v17 =	vshrl.u32 v17, $0x4;
	v47 =	vmul.u32 $0xFFFFFFCE, v14  }
0x240: {  	v48 =	vmul.u32 $0xFFFFFFCE, v17;
	v50 =	vshrl.u32 v18, $0x4;
	v18 =	vbroadcast v56, $0x0  }
0x241: {  	v10 =	vadd.s32 v10, v15;
	v51 =	vmul.u32 $0xFFFFFFCE, v50;
	v15 =	vbroadcast v52, $0x0  }
0x242: {  	v10 =	vshll.u32 v10, $0xE;
	v11 =	vadd.s32 v11, v47;
	v49 =	vadd.s32 v13, v48  }
0x243: {  	v18 =	vor.u32 v1, v18;
	v10 =	vadd.s32 v12, v10;
	v11 =	vshll.u32 v11, $0xE  }
0x244: {  	v12 =	vshll.u32 v49, $0xE;
	v15 =	vor.u32 v1, v15;
	v23 =	vmulhi.u32 $0x51EB851F, v18  }
0x245: {  	v11 =	vadd.s32 v14, v11;
	v12 =	vadd.s32 v17, v12;
	v17 =	vbroadcast v55, $0x0  }
0x246: {  	v14 =	vadd.s32 v16, v51;
	v19 =	vmulhi.u32 $0x51EB851F, v15;
	v16 =	vor.u32 v1, v54  }
0x247: {  	v20 =	vmulhi.u32 $0x51EB851F, v16;
	v17 =	vor.u32 v1, v17  }
0x248: {  	v19 =	vshrl.u32 v19, $0x4;
	v21 =	vmulhi.u32 $0x51EB851F, v17  }
0x249: {  	v14 =	vshll.u32 v14, $0xE;
	v22 =	vmul.u32 $0xFFFFFFCE, v19;
	v20 =	vshrl.u32 v20, $0x4  }
0x24a: {  	[tilespmem:$0xE500] =	vst v10;
	v60 =	vshrl.u32 v23, $0x4;
	v57 =	vmul.u32 $0xFFFFFFCE, v20;
	v58 =	vshrl.u32 v21, $0x4  }
0x24b: {  	[tilespmem:$0xE510] =	vst v11;
	v10 =	vadd.s32 v50, v14;
	v11 =	vadd.s32 v15, v22;
	v59 =	vmul.u32 $0xFFFFFFCE, v58  }
0x24c: {  	[tilespmem:$0xE520] =	vst v12;
	v62 =	vmul.u32 $0xFFFFFFCE, v60;
	v11 =	vshll.u32 v11, $0xE;
	v61 =	vadd.s32 v16, v57  }
0x24d: {  	[tilespmem:$0xE530] =	vst v10;
	v10 =	vadd.s32 v19, v11;
	v12 =	vshll.u32 v61, $0xE;
	v11 =	vadd.s32 v17, v59  }
0x24e: {  	v63 =	vadd.s32 v18, v62;
	[tilespmem:$0xE540] =	vst v10;
	v10 =	vadd.s32 v20, v12;
	v11 =	vshll.u32 v11, $0xE  }
0x24f: {  	[tilespmem:$0xE550] =	vst v10;
	v10 =	vadd.s32 v58, v11;
	v11 =	vshll.u32 v63, $0xE  }
0x250: {  	[tilespmem:$0xE560] =	vst v10;
	v10 =	vadd.s32 v60, v11  }
0x251: {  	p0 =	seq.s32 s0, $0x31;
	[tilespmem:$0xE570] =	vst v10  }
0x252: {  	[hbm4b:s4+s14] =	stream.indirect.scatter [tilespmem:s19], [sflag:$0x7], $0x40, s24, s14, $0xb8;
	[tilespmem:$0xE680] =	vst v63  }
0x253: {  	s3 =	sshll.u32 @!p0 s0, $0x9;
	_ =	swait.ge [sflag:s25], $0x2000  }
0x254: {  	s12 =	simm.s32 @!p0 $0x80;
	s3 =	sand.u32 @!p0 $0x3FFFFE00, s3;
	[sflag:s25] =	ssyncset.done $0x0  }
0x255: {  	s13 =	simm.s32 @!p0 $0x6400;
	s3 =	sadd.s32 @!p0 $0x200, s3;
	[sflag:s25] =	ssyncadd.s32 $0xFFFFE000  }
0x256: {  	[tilespmem:s13], [sflag:$0x1] =	stream.indirect.gather @!p0 [hbm4b:s7+s12], $0x40, s3, s12, $0xb8;
	[tilespmem:$0xE680] =	vst v63  }
0x257: {  	_ =	swait.ge [sflag:s26], $0x2000  }
0x258: {  	[sflag:s26] =	ssyncset.done $0x0  }
0x259: {  	s3 =	simm.s32 $0x0;
	[sflag:s26] =	ssyncadd.s32 $0xFFFFE000  }
.LBB2_9:
0x25a: {  	s12 =	sshra.s32 s3, $0x2  }
0x25b: {  	v22 =	vld [tilespmem:s12+$0xC400]  }
0x25c: {  	v20 =	vld [tilespmem:s12+$0xC410]  }
0x25d: {  	v35 =	vld [tilespmem:s12+$0xC420]  }
0x25e: {  	v23 =	vld [tilespmem:s12+$0xC430];
	_ =	sdelay $0x3  }
0x25f: {  	v10 =	vadd.f32 v20, v22  }
0x260: {  	v11 =	vadd.f32 v23, v35;
	v12 =	vmul.f32 v22, v22;
	v13 =	vmul.f32 v20, v20  }
0x261: {  	v21 =	vld [tilespmem:s12+$0xC440];
	v14 =	vmul.f32 v35, v35;
	v15 =	vmul.f32 v23, v23  }
0x262: {  	v29 =	vld [tilespmem:s12+$0xC460];
	v10 =	vadd.f32 v11, v10  }
0x263: {  	v30 =	vld [tilespmem:s12+$0xC470];
	v11 =	vadd.f32 v13, v12;
	v49 =	vadd.f32 v15, v14  }
0x264: {  	v27 =	vld [tilespmem:s12+$0xC450]  }
0x265: {  	v11 =	vadd.f32 v49, v11;
	(xrf2) =	vadd.scan.msk.f32 $0xffff, v10;
	_ =	sdelay $0x1  }
0x266: {  	(xrf2) =	vadd.scan.msk.f32 $0xffff, v11  }
0x267: {  	v50 =	vmul.f32 v29, v29;
	v51 =	vmul.f32 v30, v30  }
0x268: {  	v10 =	vmul.f32 v21, v21;
	v11 =	vmul.f32 v27, v27  }
0x269: {  	v52 =	vadd.f32 v27, v21;
	v53 =	vadd.f32 v30, v29  }
0x26a: {  	v10 =	vadd.f32 v11, v10;
	v11 =	vadd.f32 v51, v50  }
0x26b: {  	v55 =	vadd.f32 v53, v52  }
0x26c: {  	v10 =	vadd.f32 v11, v10  }
0x26d: {  	v28 =	vld [tilespmem:s12+$0xC480];
	(xrf2) =	vadd.scan.msk.f32 $0xffff, v55  }
0x26e: {  	v15 =	vld [tilespmem:s12+$0xC4A0];
	(xrf2) =	vadd.scan.msk.f32 $0xffff, v10;
	v16, _, _ =	vpop (xrf2)  }
0x26f: {  	v14 =	vld [tilespmem:s12+$0xC4B0];
	v54 =	vperm.xlane v16, v0  }
0x270: {  	v16 =	vld [tilespmem:s12+$0xC490];
	v56, _, _ =	vpop (xrf2)  }
0x271: {  	v11 =	vperm.xlane v56, v0;
	v24 =	vmul.f32 $1.562500000e-02, v54  }
0x272: {  	v18 =	vmul.f32 v28, v28;
	v12 =	vld [tilespmem:s12+$0xC4E0]  }
0x273: {  	v13 =	vld [tilespmem:s12+$0xC4F0];
	v10 =	vmul.f32 $1.562500000e-02, v11;
	v11 =	vmul.f32 v24, v24  }
0x274: {  	v25 =	vmul.f32 v15, v15;
	v31 =	vmul.f32 v14, v14  }
0x275: {  	v34 =	vadd.f32 v14, v15;
	v19 =	vmul.f32 v16, v16;
	v10 =	vsub.f32 v10, v11  }
0x276: {  	v59 =	vadd.f32 v31, v25;
	v33 =	vadd.f32 v16, v28;
	v11 =	vld [tilespmem:s12+$0xC4C0]  }
0x277: {  	v58, _, _ =	vpop (xrf2);
	v18 =	vadd.f32 v19, v18;
	v17 =	vadd.f32 $1.562499960e-07, v10;
	v10 =	vld [tilespmem:s12+$0xC4D0]  }
0x278: {  	v44 =	vadd.f32 v13, v12;
	v36, _, _ =	vpop (xrf2);
	v33 =	vadd.f32 v34, v33  }
0x279: {  	v47 =	vmul.f32 v12, v12;
	v61 =	vperm.xlane v36, v0;
	v62 =	vadd.f32 v59, v18  }
0x27a: {  	(xrf2) =	vadd.scan.msk.f32 $0xffff, v33;
	v57 =	vshrl.u32 v17, $0x1;
	v32 =	vmul.f32 $5.000000000e-01, v17;
	v17 =	vperm.xlane v58, v0  }
0x27b: {  	v37 =	vmul.f32 v13, v13;
	v39 =	vmul.f32 $1.562500000e-02, v61;
	v26 =	vsub.s32 $0x5F3759DF, v57  }
0x27c: {  	v25 =	vld [tilespmem:s12+$0xC500];
	(xrf2) =	vadd.scan.msk.f32 $0xffff, v62;
	v60 =	vmul.f32 v26, v32;
	v38 =	vmul.f32 $1.562500000e-02, v17;
	v63 =	vadd.f32 v10, v11  }
0x27d: {  	v18 =	vld [tilespmem:s12+$0xC510];
	v45 =	vmul.f32 v11, v11;
	v46 =	vmul.f32 v10, v10  }
0x27e: {  	v17 =	vld [tilespmem:s12+$0xC520];
	v40 =	vmul.f32 v38, v38;
	v31 =	vmul.f32 v26, v60;
	v19 =	vadd.f32 v44, v63  }
0x27f: {  	v48 =	vadd.f32 v37, v47;
	v33 =	vadd.f32 v46, v45  }
0x280: {  	v49 =	vsub.f32 v39, v40;
	v31 =	vsub.f32 $1.500000000e+00, v31;
	(xrf2) =	vadd.scan.msk.f32 $0xffff, v19;
	v19 =	vld [tilespmem:s12+$0xC530]  }
0x281: {  	v33 =	vadd.f32 v48, v33  }
0x282: {  	v52 =	vmul.f32 v25, v25;
	v50 =	vadd.f32 $1.562499960e-07, v49;
	v26 =	vmul.f32 v26, v31  }
0x283: {  	v53 =	vmul.f32 v18, v18;
	v55 =	vmul.f32 v17, v17;
	(xrf2) =	vadd.scan.msk.f32 $0xffff, v33  }
0x284: {  	v54, _, _ =	vpop (xrf2);
	v31 =	vmul.f32 $5.000000000e-01, v50;
	v51 =	vshrl.u32 v50, $0x1;
	v32 =	vmul.f32 v26, v32  }
0x285: {  	v37 =	vperm.xlane v54, v0;
	v33 =	vsub.s32 $0x5F3759DF, v51;
	v56 =	vmul.f32 v19, v19  }
0x286: {  	v44, _, _ =	vpop (xrf2);
	v43 =	vmul.f32 v33, v31;
	v32 =	vmul.f32 v32, v26  }
0x287: {  	v41 =	vadd.f32 v18, v25;
	v58 =	vperm.xlane v44, v0;
	v37 =	vmul.f32 $1.562500000e-02, v37  }
0x288: {  	v42 =	vadd.f32 v19, v17;
	v60 =	vmul.f32 v33, v43;
	v32 =	vsub.f32 $1.500000000e+00, v32  }
0x289: {  	v61 =	vmul.f32 $1.562500000e-02, v58;
	v62 =	vmul.f32 v37, v37  }
0x28a: {  	v59 =	vadd.f32 v42, v41;
	v45 =	vsub.f32 $1.500000000e+00, v60;
	v41 =	vmul.f32 v32, v26;
	v63, _, _ =	vpop (xrf2)  }
0x28b: {  	v34 =	vadd.f32 v53, v52;
	v39 =	vsub.f32 v61, v62;
	v44 =	vperm.xlane v63, v0  }
0x28c: {  	v57 =	vadd.f32 v56, v55;
	v32 =	vld [tilespmem:s12+$0xC540];
	v40 =	vmul.f32 v33, v45;
	v45 =	vmul.f32 v41, v24  }
0x28d: {  	v48 =	vadd.f32 $1.562499960e-07, v39;
	v43 =	vmul.f32 v41, v22;
	v35 =	vmul.f32 v41, v35;
	v46, _, _ =	vpop (xrf2)  }
0x28e: {  	v34 =	vadd.f32 v57, v34;
	v47 =	vperm.xlane v46, v0;
	v36 =	vmul.f32 $1.562500000e-02, v44  }
0x28f: {  	(xrf2) =	vadd.scan.msk.f32 $0xffff, v59;
	v33 =	vld [tilespmem:s12+$0xC560];
	v42 =	vmul.f32 $5.000000000e-01, v48;
	v52 =	vmul.f32 v40, v31  }
0x290: {  	(xrf2) =	vadd.scan.msk.f32 $0xffff, v34;
	v34 =	vld [tilespmem:s12+$0xC570];
	v51 =	vshrl.u32 v48, $0x1;
	v46 =	vmul.f32 v41, v20;
	v41 =	vmul.f32 v41, v23  }
0x291: {  	v43 =	vsub.f32 v43, v45;
	v35 =	vsub.f32 v35, v45;
	v61 =	vmul.f32 v32, v32  }
0x292: {  	v44 =	vsub.s32 $0x5F3759DF, v51;
	v49 =	vmul.f32 $1.562500000e-02, v47;
	v50 =	vmul.f32 v36, v36  }
0x293: {  	v31 =	vld [tilespmem:s12+$0xC550];
	v54 =	vmul.f32 v44, v42;
	v55 =	vmul.f32 v52, v40;
	v46 =	vsub.f32 v46, v45  }
0x294: {  	v41 =	vsub.f32 v41, v45;
	v43 =	vmul.f32 v43, v2;
	v35 =	vmul.f32 v35, v4  }
0x295: {  	v20 =	vld [tilespmem:s12+$0xC580];
	v51 =	vmul.f32 v33, v33;
	v52 =	vmul.f32 v34, v34;
	v53 =	vsub.f32 v49, v50  }
0x296: {  	v56 =	vmul.f32 v44, v54;
	v47 =	vsub.f32 $1.500000000e+00, v55;
	v55 =	vadd.f32 v34, v33  }
0x297: {  	v43 =	vadd.f32 v43, v6;
	v41 =	vmul.f32 v41, v5;
	v35 =	vadd.f32 v35, v8  }
0x298: {  	v62 =	vmul.f32 v31, v31;
	v54 =	vadd.f32 v31, v32;
	v51 =	vadd.f32 v52, v51  }
0x299: {  	v24 =	vld [tilespmem:s12+$0xC5A0];
	v26 =	vadd.f32 $1.562499960e-07, v53;
	v57, _, _ =	vpop (xrf2);
	v49 =	vsub.f32 $1.500000000e+00, v56;
	v40 =	vmul.f32 v47, v40  }
0x29a: {  	v59 =	vperm.xlane v57, v0;
	v57 =	vadd.f32 v62, v61;
	v62 =	vmul.f32 v20, v20  }
0x29b: {  	v54 =	vadd.f32 v55, v54;
	v48 =	vmul.f32 $5.000000000e-01, v26;
	v44 =	vmul.f32 v44, v49  }
0x29c: {  	v58, _, _ =	vpop (xrf2);
	v60 =	vshrl.u32 v26, $0x1;
	v38 =	vmul.f32 v40, v38;
	v52 =	vmul.f32 v40, v21  }
0x29d: {  	v22 =	vld [tilespmem:s12+$0xC590];
	v30 =	vmul.f32 v40, v30;
	v63 =	vperm.xlane v58, v0;
	v50 =	vsub.s32 $0x5F3759DF, v60  }
0x29e: {  	v26 =	vld [tilespmem:s12+$0xC5B0];
	v53 =	vmul.f32 $1.562500000e-02, v59;
	v51 =	vadd.f32 v51, v57;
	v57 =	vmul.f32 v24, v24  }
0x29f: {  	v41 =	vadd.f32 v41, v9;
	v56 =	vmul.f32 v50, v48;
	v42 =	vmul.f32 v44, v42  }
0x2a0: {  	(xrf2) =	vadd.scan.msk.f32 $0xffff, v54;
	v52 =	vsub.f32 v52, v38;
	v39 =	vmul.f32 $1.562500000e-02, v63;
	v63 =	vmul.f32 v53, v53  }
0x2a1: {  	v30 =	vsub.f32 v30, v38;
	(xrf2) =	vadd.scan.msk.f32 $0xffff, v51;
	v51 =	vmul.f32 v40, v29;
	v58 =	vmul.f32 v50, v56  }
0x2a2: {  	v60 =	vadd.f32 v22, v20;
	v42 =	vmul.f32 v42, v44;
	v52 =	vmul.f32 v52, v2  }
0x2a3: {  	v30 =	vmul.f32 v30, v5;
	v39 =	vsub.f32 v39, v63;
	v61 =	vadd.f32 v26, v24  }
0x2a4: {  	v63 =	vmul.f32 v22, v22;
	v51 =	vsub.f32 v51, v38;
	v59 =	vsub.f32 $1.500000000e+00, v58  }
0x2a5: {  	v58 =	vmul.f32 v26, v26;
	v42 =	vsub.f32 $1.500000000e+00, v42;
	v39 =	vadd.f32 $1.562499960e-07, v39  }
0x2a6: {  	v23 =	vld [tilespmem:s12+$0xC5D0];
	v30 =	vadd.f32 v30, v9;
	v47 =	vadd.f32 v61, v60;
	v50 =	vmul.f32 v50, v59  }
0x2a7: {  	v21 =	vld [tilespmem:s12+$0xC5C0];
	v42 =	vmul.f32 v42, v44;
	v59 =	vshrl.u32 v39, $0x1;
	v39 =	vmul.f32 $5.000000000e-01, v39  }
0x2a8: {  	v60 =	vadd.f32 v63, v62;
	(xrf2) =	vadd.scan.msk.f32 $0xffff, v47;
	v47 =	vmul.f32 v40, v27;
	v48 =	vmul.f32 v50, v48  }
0x2a9: {  	v61 =	vadd.f32 v58, v57;
	v37 =	vmul.f32 v42, v37;
	v28 =	vmul.f32 v42, v28  }
0x2aa: {  	v54 =	vsub.s32 $0x5F3759DF, v59;
	v16 =	vmul.f32 v42, v16;
	v15 =	vmul.f32 v42, v15  }
0x2ab: {  	v49 =	vadd.f32 v61, v60;
	v14 =	vmul.f32 v42, v14;
	v62 =	vmul.f32 v54, v39;
	v63, _, _ =	vpop (xrf2)  }
0x2ac: {  	v29 =	vld [tilespmem:s12+$0xC5F0];
	v47 =	vsub.f32 v47, v38;
	v61 =	vperm.xlane v63, v0;
	v63 =	vadd.f32 v23, v21  }
0x2ad: {  	v27 =	vld [tilespmem:s12+$0xC5E0];
	v48 =	vmul.f32 v48, v50;
	v28 =	vsub.f32 v28, v37;
	v16 =	vsub.f32 v16, v37;
	v59, _, _ =	vpop (xrf2)  }
0x2ae: {  	(xrf2) =	vadd.scan.msk.f32 $0xffff, v49;
	v15 =	vsub.f32 v15, v37;
	v55 =	vmul.f32 v54, v62;
	v49 =	vperm.xlane v59, v0  }
0x2af: {  	v60 =	vsub.f32 $1.500000000e+00, v48;
	v48 =	vmul.f32 $1.562500000e-02, v61;
	v61 =	vmul.f32 v21, v21  }
0x2b0: {  	v14 =	vsub.f32 v14, v37;
	v28 =	vmul.f32 v28, v2;
	v16 =	vmul.f32 v16, v3  }
0x2b1: {  	v15 =	vmul.f32 v15, v4;
	v62 =	vsub.f32 $1.500000000e+00, v55;
	v40 =	vmul.f32 v60, v50  }
0x2b2: {  	v45 =	vmul.f32 $1.562500000e-02, v49;
	v49 =	vmul.f32 v48, v48;
	v60 =	vadd.f32 v29, v27  }
0x2b3: {  	v28 =	vadd.f32 v28, v6;
	v44 =	vmul.f32 v54, v62;
	v62 =	vmul.f32 v23, v23  }
0x2b4: {  	v14 =	vmul.f32 v14, v5;
	v45 =	vsub.f32 v45, v49;
	v49 =	vadd.f32 v60, v63  }
0x2b5: {  	v60 =	vadd.f32 v62, v61;
	v61 =	vmul.f32 v27, v27;
	v62 =	vmul.f32 v29, v29  }
0x2b6: {  	v16 =	vadd.f32 v16, v7;
	v15 =	vadd.f32 v15, v8;
	v36 =	vmul.f32 v40, v36  }
0x2b7: {  	v11 =	vmul.f32 v40, v11;
	v10 =	vmul.f32 v40, v10;
	v55 =	vadd.f32 v62, v61  }
0x2b8: {  	v14 =	vadd.f32 v14, v9;
	v12 =	vmul.f32 v40, v12;
	v63, _, _ =	vpop (xrf2);
	v39 =	vmul.f32 v44, v39  }
0x2b9: {  	v50 =	vperm.xlane v63, v0;
	v45 =	vadd.f32 $1.562499960e-07, v45;
	v63, _, _ =	vpop (xrf2);
	(xrf2) =	vadd.scan.msk.f32 $0xffff, v49;
	v54 =	vadd.f32 v55, v60  }
0x2ba: {  	v13 =	vmul.f32 v40, v13;
	v11 =	vsub.f32 v11, v36;
	v10 =	vsub.f32 v10, v36  }
0x2bb: {  	v39 =	vmul.f32 v39, v44;
	v60 =	vshrl.u32 v45, $0x1;
	v45 =	vmul.f32 $5.000000000e-01, v45;
	(xrf2) =	vadd.scan.msk.f32 $0xffff, v54  }
0x2bc: {  	v50 =	vmul.f32 $1.562500000e-02, v50;
	v11 =	vmul.f32 v11, v2;
	v61 =	vsub.s32 $0x5F3759DF, v60  }
0x2bd: {  	v12 =	vsub.f32 v12, v36;
	v56 =	vperm.xlane v63, v0;
	v57 =	vmul.f32 v61, v45  }
0x2be: {  	v10 =	vmul.f32 v10, v3;
	v39 =	vsub.f32 $1.500000000e+00, v39;
	v63 =	vmul.f32 v50, v50  }
0x2bf: {  	v13 =	vsub.f32 v13, v36;
	v62 =	vmul.f32 $1.562500000e-02, v56;
	v38 =	vmul.f32 v61, v57  }
0x2c0: {  	v12 =	vmul.f32 v12, v4;
	v55 =	vadd.f32 v52, v6;
	v37 =	vmul.f32 v39, v44  }
0x2c1: {  	v13 =	vmul.f32 v13, v5;
	v58 =	vsub.f32 v62, v63;
	v38 =	vsub.f32 $1.500000000e+00, v38  }
0x2c2: {  	v11 =	vadd.f32 v11, v6;
	v40 =	vmul.f32 v37, v53;
	v25 =	vmul.f32 v37, v25  }
0x2c3: {  	v18 =	vmul.f32 v37, v18;
	v59 =	vadd.f32 $1.562499960e-07, v58;
	v38 =	vmul.f32 v61, v38;
	v60, _, _ =	vpop (xrf2)  }
0x2c4: {  	v10 =	vadd.f32 v10, v7;
	v17 =	vmul.f32 v37, v17;
	v42 =	vperm.xlane v60, v0  }
0x2c5: {  	v62 =	vshrl.u32 v59, $0x1;
	v39 =	vmul.f32 $5.000000000e-01, v59;
	v61 =	vmul.f32 v38, v45;
	v56, _, _ =	vpop (xrf2)  }
0x2c6: {  	v45 =	vsub.s32 $0x5F3759DF, v62;
	v42 =	vmul.f32 $1.562500000e-02, v42;
	v53 =	vperm.xlane v56, v0  }
0x2c7: {  	v12 =	vadd.f32 v12, v8;
	v63 =	vmul.f32 v45, v39;
	v44 =	vmul.f32 v61, v38  }
0x2c8: {  	[tilespmem:s12+$0xC4C0] =	vst v11;
	v11 =	vadd.f32 v13, v9;
	v59 =	vmul.f32 v42, v42;
	v58 =	vmul.f32 $1.562500000e-02, v53  }
0x2c9: {  	v25 =	vsub.f32 v25, v40;
	v18 =	vsub.f32 v18, v40;
	v57 =	vmul.f32 v45, v63  }
0x2ca: {  	v44 =	vsub.f32 $1.500000000e+00, v44;
	v61 =	vsub.f32 v58, v59  }
0x2cb: {  	v19 =	vmul.f32 v37, v19;
	v17 =	vsub.f32 v17, v40;
	v36 =	vsub.f32 $1.500000000e+00, v57  }
0x2cc: {  	v25 =	vmul.f32 v25, v2;
	v60 =	vmul.f32 v44, v38;
	v38 =	vadd.f32 $1.562499960e-07, v61  }
0x2cd: {  	[tilespmem:s12+$0xC4D0] =	vst v10;
	v19 =	vsub.f32 v19, v40;
	v10 =	vmul.f32 v18, v3;
	v36 =	vmul.f32 v45, v36  }
0x2ce: {  	[tilespmem:s12+$0xC400] =	vst v43;
	v62 =	vmul.f32 v60, v48;
	v48 =	vshrl.u32 v38, $0x1;
	v38 =	vmul.f32 $5.000000000e-01, v38  }
0x2cf: {  	[tilespmem:s12+$0xC420] =	vst v35;
	v35 =	vmul.f32 v17, v4;
	v63 =	vmul.f32 v46, v3;
	v37 =	vsub.s32 $0x5F3759DF, v48  }
0x2d0: {  	[tilespmem:s12+$0xC430] =	vst v41;
	v10 =	vadd.f32 v10, v7;
	v39 =	vmul.f32 v36, v39;
	v49 =	vmul.f32 v37, v38  }
0x2d1: {  	[tilespmem:s12+$0xC4E0] =	vst v12;
	v12 =	vadd.f32 v35, v8;
	v56 =	vmul.f32 v51, v4;
	v53 =	vmul.f32 v47, v3  }
0x2d2: {  	[tilespmem:s12+$0xC470] =	vst v30;
	v44 =	vadd.f32 v63, v7;
	v39 =	vmul.f32 v39, v36;
	v40 =	vmul.f32 v37, v49  }
0x2d3: {  	[tilespmem:s12+$0xC480] =	vst v28;
	v57 =	vadd.f32 v53, v7;
	v33 =	vmul.f32 v60, v33;
	v34 =	vmul.f32 v60, v34  }
0x2d4: {  	[tilespmem:s12+$0xC490] =	vst v16;
	v32 =	vmul.f32 v60, v32;
	v39 =	vsub.f32 $1.500000000e+00, v39;
	v40 =	vsub.f32 $1.500000000e+00, v40  }
0x2d5: {  	[tilespmem:s12+$0xC4A0] =	vst v15;
	v31 =	vmul.f32 v60, v31;
	v33 =	vsub.f32 v33, v62;
	v34 =	vsub.f32 v34, v62  }
0x2d6: {  	[tilespmem:s12+$0xC4B0] =	vst v14;
	v58 =	vadd.f32 v56, v8;
	v54 =	vmul.f32 v39, v36;
	v37 =	vmul.f32 v37, v40  }
0x2d7: {  	[tilespmem:s12+$0xC440] =	vst v55;
	v32 =	vsub.f32 v32, v62;
	v43 =	vmul.f32 v33, v4;
	v45 =	vmul.f32 v34, v5  }
0x2d8: {  	[tilespmem:s12+$0xC4F0] =	vst v11;
	v31 =	vsub.f32 v31, v62;
	v59 =	vmul.f32 v54, v50;
	v63 =	vmul.f32 v37, v38  }
0x2d9: {  	[tilespmem:s12+$0xC510] =	vst v10;
	v48 =	vadd.f32 v43, v8;
	v60 =	vmul.f32 v54, v20;
	v61 =	vmul.f32 v54, v22  }
0x2da: {  	[tilespmem:s12+$0xC520] =	vst v12;
	v51 =	vadd.f32 v45, v9;
	v62 =	vmul.f32 v54, v24;
	v22 =	vmul.f32 v63, v37  }
0x2db: {  	[tilespmem:s12+$0xC410] =	vst v44;
	v24 =	vmul.f32 v54, v26;
	v26 =	vadd.f32 v25, v6;
	v16 =	vsub.f32 v60, v59  }
0x2dc: {  	[tilespmem:s12+$0xC450] =	vst v57;
	v41 =	vmul.f32 v31, v3;
	v30 =	vsub.f32 v61, v59;
	v36 =	vsub.f32 $1.500000000e+00, v22  }
0x2dd: {  	[tilespmem:s12+$0xC460] =	vst v58;
	v15 =	vsub.f32 v62, v59;
	v40 =	vmul.f32 v32, v2;
	v38 =	vmul.f32 v19, v5  }
0x2de: {  	[tilespmem:s12+$0xC560] =	vst v48;
	v11 =	vsub.f32 v24, v59;
	v16 =	vmul.f32 v16, v2;
	v39 =	vmul.f32 v36, v37  }
0x2df: {  	[tilespmem:s12+$0xC570] =	vst v51;
	v52 =	vmul.f32 v30, v3;
	v15 =	vmul.f32 v15, v4;
	v10 =	vadd.f32 v38, v9  }
0x2e0: {  	[tilespmem:s12+$0xC500] =	vst v26;
	v44 =	vadd.f32 v40, v6;
	v46 =	vmul.f32 v39, v42;
	v47 =	vmul.f32 v39, v21  }
0x2e1: {  	v11 =	vmul.f32 v11, v5;
	[tilespmem:s12+$0xC530] =	vst v10;
	v10 =	vadd.f32 v41, v7;
	v49 =	vmul.f32 v39, v23  }
0x2e2: {  	[tilespmem:s12+$0xC540] =	vst v44;
	v53 =	vadd.f32 v16, v6;
	v50 =	vmul.f32 v39, v27;
	v54 =	vsub.f32 v47, v46  }
0x2e3: {  	v55 =	vadd.f32 v52, v7;
	[tilespmem:s12+$0xC550] =	vst v10;
	v10 =	vmul.f32 v39, v29;
	v56 =	vsub.f32 v49, v46  }
0x2e4: {  	v57 =	vadd.f32 v15, v8;
	[tilespmem:s12+$0xC580] =	vst v53;
	v59 =	vsub.f32 v50, v46;
	v58 =	vmul.f32 v54, v2  }
0x2e5: {  	v11 =	vadd.f32 v11, v9;
	[tilespmem:s12+$0xC590] =	vst v55;
	v10 =	vsub.f32 v10, v46;
	v60 =	vmul.f32 v56, v3  }
0x2e6: {  	p1 =	sne.s32 s3, $0x7800;
	[tilespmem:s12+$0xC5A0] =	vst v57;
	v62 =	vmul.f32 v59, v4;
	v61 =	vadd.f32 v58, v6  }
.Ltmp5:
0x2e7: {  	[tilespmem:s12+$0xC5B0] =	vst v11;
	v10 =	vmul.f32 v10, v5;
	v11 =	vadd.f32 v60, v7;
	(pc) =	sbr.rel @p1 .LBB2_9-.Ltmp5, $4  }
0x2e8: {  	v63 =	vadd.f32 v62, v8;
	[tilespmem:s12+$0xC5C0] =	vst v61  }
0x2e9: {  	v10 =	vadd.f32 v10, v9;
	[tilespmem:s12+$0xC5D0] =	vst v11  }
0x2ea: {  	[tilespmem:s12+$0xC5E0] =	vst v63  }
0x2eb: {  	s3 =	sadd.s32 $0x800, s3;
	[tilespmem:s12+$0xC5F0] =	vst v10  }
0x2ec: {  	s1 =	sadd.s32 s6, s1  }
0x2ed: {  	s1 =	sshll.u32 s1, $0x7  }
0x2ee: {  	v10 =	vmov s1;
	s3 =	sor.u32 $0x10, s1  }
0x2ef: {  	s13 =	sor.u32 $0x20, s1;
	v10 =	vbroadcast v10, $0x0;
	v11 =	vmov s3  }
0x2f0: {  	s12 =	sor.u32 $0x30, s1;
	v13 =	vmov s13;
	v11 =	vbroadcast v11, $0x0  }
0x2f1: {  	v16 =	vmov s12;
	v13 =	vbroadcast v13, $0x0;
	v10 =	vor.u32 v1, v10  }
0x2f2: {  	s13 =	sor.u32 $0x40, s1;
	v16 =	vbroadcast v16, $0x0;
	v12 =	vmulhi.u32 $0x51EB851F, v10;
	v11 =	vor.u32 v1, v11  }
0x2f3: {  	s12 =	sor.u32 $0x50, s1;
	v52 =	vmov s13;
	v13 =	vor.u32 v1, v13;
	v14 =	vmulhi.u32 $0x51EB851F, v11  }
0x2f4: {  	v53 =	vmov s12;
	v16 =	vor.u32 v1, v16;
	v17 =	vmulhi.u32 $0x51EB851F, v13  }
0x2f5: {  	s13 =	sor.u32 $0x60, s1;
	s1 =	sor.u32 $0x70, s1;
	v54 =	vbroadcast v53, $0x0;
	v18 =	vmulhi.u32 $0x51EB851F, v16;
	v12 =	vshrl.u32 v12, $0x4  }
0x2f6: {  	v55 =	vmov s13;
	v56 =	vmov s1;
	v15 =	vmul.u32 $0xFFFFFFCE, v12  }
0x2f7: {  	v14 =	vshrl.u32 v14, $0x4;
	v17 =	vshrl.u32 v17, $0x4;
	v50 =	vshrl.u32 v18, $0x4  }
0x2f8: {  	v18 =	vbroadcast v56, $0x0;
	v47 =	vmul.u32 $0xFFFFFFCE, v14;
	v48 =	vmul.u32 $0xFFFFFFCE, v17  }
0x2f9: {  	v51 =	vmul.u32 $0xFFFFFFCE, v50;
	v10 =	vadd.s32 v10, v15;
	v15 =	vbroadcast v52, $0x0  }
0x2fa: {  	v18 =	vor.u32 v1, v18;
	v10 =	vshll.u32 v10, $0xE;
	v11 =	vadd.s32 v11, v47  }
0x2fb: {  	v49 =	vadd.s32 v13, v48;
	v23 =	vmulhi.u32 $0x51EB851F, v18;
	v10 =	vadd.s32 v12, v10  }
0x2fc: {  	v11 =	vshll.u32 v11, $0xE;
	v12 =	vshll.u32 v49, $0xE;
	v15 =	vor.u32 v1, v15  }
0x2fd: {  	v11 =	vadd.s32 v14, v11;
	v12 =	vadd.s32 v17, v12;
	v17 =	vbroadcast v55, $0x0  }
0x2fe: {  	v14 =	vadd.s32 v16, v51;
	v19 =	vmulhi.u32 $0x51EB851F, v15;
	v16 =	vor.u32 v1, v54  }
0x2ff: {  	v20 =	vmulhi.u32 $0x51EB851F, v16;
	v17 =	vor.u32 v1, v17  }
0x300: {  	v19 =	vshrl.u32 v19, $0x4;
	v21 =	vmulhi.u32 $0x51EB851F, v17  }
0x301: {  	v60 =	vshrl.u32 v23, $0x4;
	v22 =	vmul.u32 $0xFFFFFFCE, v19;
	v20 =	vshrl.u32 v20, $0x4  }
0x302: {  	[tilespmem:$0xE580] =	vst v10;
	v14 =	vshll.u32 v14, $0xE;
	v57 =	vmul.u32 $0xFFFFFFCE, v20;
	v58 =	vshrl.u32 v21, $0x4  }
0x303: {  	[tilespmem:$0xE590] =	vst v11;
	v62 =	vmul.u32 $0xFFFFFFCE, v60;
	v11 =	vadd.s32 v15, v22;
	v59 =	vmul.u32 $0xFFFFFFCE, v58  }
0x304: {  	[tilespmem:$0xE5A0] =	vst v12;
	v10 =	vadd.s32 v50, v14;
	v11 =	vshll.u32 v11, $0xE;
	v61 =	vadd.s32 v16, v57  }
0x305: {  	[tilespmem:$0xE5B0] =	vst v10;
	v10 =	vadd.s32 v19, v11;
	v12 =	vshll.u32 v61, $0xE;
	v11 =	vadd.s32 v17, v59  }
0x306: {  	v63 =	vadd.s32 v18, v62;
	[tilespmem:$0xE5C0] =	vst v10;
	v10 =	vadd.s32 v20, v12;
	v11 =	vshll.u32 v11, $0xE  }
0x307: {  	[tilespmem:$0xE5D0] =	vst v10;
	v10 =	vadd.s32 v58, v11;
	v11 =	vshll.u32 v63, $0xE  }
0x308: {  	[tilespmem:$0xE5E0] =	vst v10;
	v10 =	vadd.s32 v60, v11  }
.Ltmp6:
0x309: {  	[tilespmem:$0xE5F0] =	vst v10;
	(pc) =	sbr.rel @p0 .LBB2_12-.Ltmp6, $4  }
0x30a: {  	[hbm4b:s4+s14] =	stream.indirect.scatter [tilespmem:s22], [sflag:$0x8], $0x40, s28, s14, $0xb8;
	[tilespmem:$0xE680] =	vst v63  }
0x30b: {  	_ =	swait.ge [sflag:s29], $0x2000  }
0x30c: {  	[sflag:s29] =	ssyncset.done $0x0  }
0x30d: {  	[sflag:s29] =	ssyncadd.s32 $0xFFFFE000  }
.Ltmp7:
0x30e: {  	(pc) =	sbr.rel .LBB2_2-.Ltmp7, $4  }
0x30f: {  	s1 =	sshll.u32 s0, $0x9  }
0x310: {  	s1 =	sand.u32 $0x3FFFFE00, s1  }
0x311: {  	s0 =	sadd.s32 $0x1, s0;
	s1 =	sadd.s32 $0x280, s1  }
0x312: {  	[tilespmem:s16], [sflag:$0x2] =	stream.indirect.gather [hbm4b:s7+s14], $0x40, s1, s14, $0xb8;
	[tilespmem:$0xE680] =	vst v63  }
.LBB2_13:
0x313: {  	_ =	sfence.sel $0x180000  }
0x314: {  	[bflag:$0x0] =	sbarrier.arrive $0xFFFF  }
0x315: {  	_ =	strace $0x90000047  }
0x316: {  	s0 =	stileid.u32;
	[bflag:$0x2] =	sbarrier.arrive $0xFFFF  }
0x317: {  	p0 =	sne.s32 s0, $0x0;
	s0 =	rddreg [dreg:$0x4]  }
0x318: {  	s0 =	sadd.s32 @!p0 $0x100000, s0  }
0x319: {  	[sflag:s0] =	ssyncadd.tile.s32 @!p0 $0x1;
	_ =	shalt  }
.Lfunc_end2:
_tile_overlayer_lowered:
.L_overlay_start_2:
0x31a: {  	(tag) =	ssettag $0x2  }
0x31b: {  	s0 =	rddreg [dreg:$0x0];
	s2 =	stileid.u32  }
0x31c: {  	s1 =	rddreg [dreg:$0x1];
	p0 =	sne.s32 s2, $0x0  }
0x31d: {  	s3 =	rddreg [dreg:$0x2];
	[bflag:$0x3] =	sbarrier.arrive $0xFFFF;
	s2 =	simm.s32 @!p0 $0x1C09  }
0x31e: {  	[timem:s3], [sflag:s2] =	dma.local @!p0 [hbm:s0], s1  }
0x31f: {  	s0 =	simm.s32 @!p0 $0x9  }
0x320: {  	_ =	swait.ge @!p0 [sflag:s0], s1  }
0x321: {  	s1 =	ssub.s32 @!p0 $0x0, s1;
	[sflag:s0] =	ssyncset.done @!p0 $0x0  }
0x322: {  	[sflag:s0] =	ssyncadd.s32 @!p0 s1  }
0x323: {  	[bflag:$0x3] =	sbarrier.arrive $0xFFFF  }
0x324: {  	_ =	shalt  }

// kernel: sparse-core-data-format-call.cloned.1.call-start
scs
called_computation_lowered:
.L_overlay_start_0:
0x0: {  	s2 =	sld [smem:$0x3FD9]  }
0x1: {  	s3 =	sld [smem:$0x3FFE];
	_ =	sdelay $0x1  }
0x2: {  	s1 =	srdreg.scid  }
0x3: {  	s0 =	sand.u32 $0x1, s1  }
0x4: {  	s18 =	sshll.u32 s0, $0xA;
	s2 =	sadd.s32 s3, s2  }
0x5: {  	s2 =	sadd.s32 s2, s18  }
0x6: {  	[smem:$0x3FC4] =	sst s2  }
0x7: {  	_ = 	snop  }
0x8: {  	s2 =	sld [smem:$0x3FD0];
	(tm) =	ssettm $0x1  }
0x9: {  	s19 =	sld [smem:$0x3FFB];
	_ =	sdelay $0x3  }
0xa: {  	_ =	strace s19  }
0xb: {  	s3 =	sld [smem:$0x3FFC];
	_ =	sdelay $0x3  }
0xc: {  	_ =	strace s3  }
0xd: {  	s3 =	sld [smem:$0x3FFD];
	_ =	sdelay $0x3  }
0xe: {  	_ =	strace s3  }
0xf: {  	_ =	strace $0x8FFFFFFF  }
0x10: {  	s20 =	sld [smem:$0x3FDB];
	_ =	sdelay $0x1  }
0x11: {  	s4 =	simm.s32 $_scs_section_size  }
0x12: {  	s5 =	simm.s32 $_size__tile_overlayer_lowered;
	s6 =	simm.s32 $_tile_overlayer_lowered  }
0x13: {  	s23 =	simm.s32 $0x1BFF;
	s22 =	sshll.u32 s6, $0x1;
	s3 =	sadd.s32 s4, s20  }
0x14: {  	s7 =	simm.s32 $0x0;
	s21 =	sshll.u32 s5, $0x1;
	s5 =	sadd.s32 s22, s3  }
0x15: {  	[timem:s7], [sflag:s23] =	dma.local [hbm:s5], s21  }
0x16: {  	_ =	swait.ge [sflag:s23], s21  }
0x17: {  	s4 =	ssub.s32 $0x0, s21;
	[sflag:s23] =	ssyncset.done $0x0  }
0x18: {  	[sflag:s23] =	ssyncadd.s32 s4;
	_ =	sdelay $0x1  }
0x19: {  	s24 =	simm.s32 $0x1B8B  }
0x1a: {  	_ =	swait.ge [sflag:s24], $0x1  }
0x1b: {  	[sflag:s24] =	ssyncset.done $0x0  }
0x1c: {  	s26 =	simm.s32 $0x1B8E;
	s25 =	sld [smem:$0x3FFE];
	[sflag:s24] =	ssyncadd.s32 $0xFFFFFFFF  }
0x1d: {  	s27 =	simm.s32 $execute0_lowered;
	[smem:$0x3FD2] =	sst s26  }
0x1e: {  	s5 =	sshll.u32 s27, $0x1;
	_ =	strace $0x80000049;
	[dreg:$0x1] =	wrdreg $0xFFFFFFFF  }
0x1f: {  	s28 =	simm.s32 $_size_execute0_lowered;
	s3 =	sadd.s32 s3, s5;
	[dreg:$0x0] =	wrdreg $0x0  }
0x20: {  	s5 =	sshll.u32 s28, $0x1;
	[dreg:$0x2] =	wrdreg s3  }
0x21: {  	[dreg:$0x3] =	wrdreg s5  }
0x22: {  	[dreg:$0x4] =	wrdreg $0xC0  }
0x23: {  	_ =	task [dreg:s7], $0x5FFFF  }
0x24: {  	[dreg:$0x1] =	wrdreg $0xFFFFFFFF  }
0x25: {  	[dreg:$0x0] =	wrdreg $0x60  }
0x26: {  	[dreg:$0x2] =	wrdreg s25  }
0x27: {  	[dreg:$0x3] =	wrdreg s2  }
0x28: {  	[dreg:$0x4] =	wrdreg $0x9  }
0x29: {  	_ =	task.clear_ibuf [dreg:s7], $0x5FFFF;
	_ =	strace $0x90000049  }
0x2a: {  	s29 =	simm.s32 $0x9;
	_ =	strace $0x8000004B  }
0x2b: {  	_ =	swait.ge [sflag:s29], $0x1  }
0x2c: {  	[sflag:s29] =	ssyncadd.s32 $0xFFFFFFFF  }
0x2d: {  	_ =	strace $0x9000004B  }
0x2e: {  	_ =	sfence  }
0x2f: {  	s30 =	sld [smem:$0x0];
	_ =	sdelay $0x2  }
0x30: {  	s31 =	sshll.u32 s1, $0xD;
	s1 =	sshrl.u32 s1, $0x2  }
0x31: {  	s3 =	sand.u32 $0x4000, s31;
	s1 =	sadd.s32 s1, s30  }
0x32: {  	s0 =	sor.u32 s3, s0;
	s1 =	sshll.u32 s1, $0x11  }
0x33: {  	s0 =	sor.u32 s1, s0  }
0x34: {  	s0 =	sadd.s32 $0x8F2B, s0  }
0x35: {  	[sflag:s0] =	ssyncadd.remote.s32 $0x1  }
0x36: {  	_ =	sfence.sel $0xFFFF  }
0x37: {  	[dreg:$0x0] =	wrdreg $0xFFFFFFFF;
	(pc) =	sbr.abs _section_cstart, $3  }
0x38: {  	[dreg:$0x1] =	wrdreg $0xFFFFFFFF  }
0x39: {  	_ =	task.clear_ibuf [dreg:s7], $0x2FFFF;
	_ =	strace $0x9FFFFFFF  }
0x3a: {  	(tm) =	ssettm $0x7FFFFFFF  }
0x3b: {  	_ =	shalt  }
tec
execute0_lowered:
.L_overlay_start_1:
0x0: {  	(tag) =	ssettag $0x1  }
0x1: {  	s0 =	srdreg.scid  }
0x2: {  	s1 =	sshll.u32 s0, $0x4  }
0x3: {  	s0 =	stileid.u32;
	s1 =	sand.u32 $0x10, s1  }
0x4: {  	s7 =	rddreg [dreg:$0x0];
	s1 =	sor.u32 s0, s1  }
0x5: {  	s4 =	simm.s32 $0x1;
	s8 =	simm.s32 $0x2;
	s2 =	sshll.u32 s1, $0x7  }
0x6: {  	s13 =	simm.s32 $0x0;
	s9 =	simm.s32 $0x20000;
	s1 =	ssub.s32 $0x4000, s2  }
0x7: {  	s14 =	simm.s32 $0x0;
	s11 =	simm.s32 $0x0;
	s3 =	sand.u32 $0xF80, s1  }
0x8: {  	s12 =	simm.s32 $0x0;
	s5 =	sshrl.u32 s1, $0xC;
	p0 =	sne.s32 s3, $0x0  }
.Ltmp0:
0x9: {  	s1 =	rddreg [dreg:$0x2];
	s4 =	simm.s32 @!p0 $0x0;
	(pc) =	sbr.rel .LBB1_1-.Ltmp0, $4  }
0xa: {  	s6 =	sadd.s32 $0xA00, s7;
	s3 =	rddreg [dreg:$0x1];
	s5 =	sadd.s32 s4, s5  }
0xb: {  	_ =	strace $0x8000004A;
	s4 =	simm.s32 $0x1;
	s5 =	smul.u32 $0x19, s5  }
0xc: {  	s7 =	sadd.s32 $0x40A00, s7;
	s10 =	smov.u32 s2;
	[sflag:s4] =	ssyncpa.u1 $0x0  }
0xd: {  	p0 =	por $0x0, $0x0;
	[sflag:s8] =	ssyncpa.u1 $0x0;
	s8 =	sadd.s32 $0x1, s5  }
.LBB1_7:
0xe: {  	s15 =	sadd.s32 $0x1000, s10  }
0xf: {  	s13 =	sadd.s32 $0x2, s11;
	s17 =	smov.u32 s11;
	p2 =	sgt.s32 s15, $0x3FFF  }
0x10: {  	s17 =	smov.u32 @p2 s13  }
0x11: {  	s15 =	smov.u32 @p2 s2;
	p2 =	sgt.s32 s17, $0x31  }
0x12: {  	s17 =	simm.s32 @p2 $0x0;
	p2 =	sne.s32 s12, s8  }
.Ltmp1:
0x13: {  	p1 =	slt.u32 s12, $0x2;
	(pc) =	sbr.rel @!p2 .LBB1_8-.Ltmp1, $4  }
0x14: {  	s16 =	simm.s32 @!p1 $0x2  }
0x15: {  	s14 =	smov.u32 s11;
	p0 =	por !p0, !p0;
	_ =	swait.ge @!p1 [sflag:s16], $0x4000  }
0x16: {  	s13 =	smov.u32 s10;
	[sflag:s16] =	ssyncset.done @!p1 $0x0;
	s10 =	smov.u32 s15  }
0x17: {  	s12 =	sadd.s32 $0x1, s12;
	[sflag:s16] =	ssyncadd.s32 @!p1 $0xFFFFC000;
	s11 =	smov.u32 s17  }
.LBB1_1:
0x18: {  	p1 =	sge.u32 s12, s5  }
0x19: {  	s15 =	sxor.u32 @!p1 $0xFFFFFFFF, s12;
	s16 =	sshll.u32 @!p1 s11, $0x12  }
0x1a: {  	s17 =	sshll.u32 @!p1 s10, $0x4;
	s19 =	simm.s32 @!p1 $0x40;
	s20 =	simm.s32 @!p1 $0x80  }
0x1b: {  	s15 =	sshll.u32 @!p1 s15, $0xE;
	s17 =	sand.u32 @!p1 $0x3FFF0, s17;
	s18 =	sadd.s32 @!p1 s6, s16  }
0x1c: {  	s16 =	sadd.s32 @!p1 s16, s7;
	s15 =	sand.u32 @!p1 $0x4000, s15;
	s18 =	sadd.s32 @!p1 s17, s18  }
0x1d: {  	[tilespmem:s15], [sflag:$0x1] =	stream.strided.gather @!p1 [hbm4b:s18+s19], $0x2000, s20, s19, $0x38;
	[tilespmem:$0x10100] =	vst v63  }
0x1e: {  	s31 =	sadd.s32 $0xFFFFFFFF, s12;
	s16 =	sadd.s32 @!p1 s17, s16;
	s15 =	sor.u32 @!p1 $0x2000, s15  }
0x1f: {  	[tilespmem:s15], [sflag:$0x1] =	stream.strided.gather @!p1 [hbm4b:s16+s19], $0x2000, s20, s19, $0x38;
	[tilespmem:$0x10100] =	vst v63  }
0x20: {  	p1 =	sge.u32 s31, s5  }
.Ltmp2:
0x21: {  	_ = 	snop;
	(pc) =	sbr.rel @p1 .LBB1_7-.Ltmp2, $1  }
0x22: {  	_ =	sdelay $0x3  }
0x23: {  	s15 =	simm.s32 $0x1;
	s17 =	sand.u32 $0x1, s12  }
0x24: {  	_ =	swait.ge [sflag:s4], $0x4000;
	s15 =	simm.s32 @!p0 $0x0;
	s17 =	smul.u32 $0x10200, s17  }
0x25: {  	p2 =	por $0x1, $0x1;
	[sflag:s4] =	ssyncset.done $0x0;
	s16 =	smul.u32 $0x10200, s15  }
0x26: {  	s18 =	sshll.u32 s15, $0x10;
	[sflag:s4] =	ssyncadd.s32 $0xFFFFC000;
	s30 =	sshrl.u32 s17, $0x2  }
0x27: {  	s31 =	sshrl.u32 s18, $0x2;
	s18 =	simm.s32 $0x0;
	s16 =	sshrl.u32 s16, $0x2  }
0x28: {  	s15 =	sor.u32 $0x8000, s30;
	s17 =	sadd.s32 $0x20, s31;
	s16 =	sor.u32 $0x8000, s16  }
.LBB1_3:
0x29: {  	s19 =	sshll.u32 s18, $0xD  }
0x2a: {  	s19 =	sand.u32 $0x3FFFE000, s19  }
0x2b: {  	s21 =	sadd.s32 s19, s17  }
0x2c: {  	s31 =	smul.u32 $0x8100, s18;
	v3 =	vld [tilespmem:s21+$0x10]  }
0x2d: {  	v1 =	vld [tilespmem:s21+$0xFFFFFFF0]  }
0x2e: {  	s18 =	sshra.s32 s31, $0x2;
	v0 =	vld [tilespmem:s21+$0x0]  }
0x2f: {  	s18 =	sadd.s32 s18, s16;
	v2 =	vld [tilespmem:s21+$0xFFFFFFE0]  }
0x30: {  	s19 =	sadd.s32 $0x0, s18  }
0x31: {  	p1 =	por p2, p2;
	s20 =	simm.s32 $0x4;
	s21 =	sadd.s32 $0x40, s21;
	[tilespmem:s19+$0x1830 ss:$0x81] =	vst.msk $0xffff, v3  }
.LBB1_4:
0x32: {  	v3 =	vld [tilespmem:s21+$0x10];
	p2 =	sne.s32 s20, $0x1FC;
	[tilespmem:s19+$0x810 ss:$0x81] =	vst.msk $0xffff, v1;
	s22 =	smov.u32 s20;
	s20 =	sadd.s32 $0x4, s20  }
.Ltmp3:
0x33: {  	v1 =	vld [tilespmem:s21+$0xFFFFFFF0];
	[tilespmem:s19+$0x1020 ss:$0x81] =	vst.msk $0xffff, v0;
	(pc) =	sbr.rel @p2 .LBB1_4-.Ltmp3, $4  }
0x34: {  	v0 =	vld [tilespmem:s21+$0x0];
	[tilespmem:s19+$0x0 ss:$0x81] =	vst.msk $0xffff, v2  }
0x35: {  	s19 =	sshra.s32 s22, $0x2;
	v2 =	vld [tilespmem:s21+$0xFFFFFFE0]  }
0x36: {  	s19 =	sadd.s32 s19, s18  }
0x37: {  	s21 =	sadd.s32 $0x40, s21;
	[tilespmem:s19+$0x1830 ss:$0x81] =	vst.msk $0xffff, v3  }
.Ltmp4:
0x38: {  	(pc) =	sbr.rel @p1 .LBB1_3-.Ltmp4, $4  }
0x39: {  	_ = 	snop  }
0x3a: {  	[tilespmem:s19+$0x810 ss:$0x81] =	vst.msk $0xffff, v1  }
0x3b: {  	[tilespmem:s19+$0x1020 ss:$0x81] =	vst.msk $0xffff, v0  }
0x3c: {  	s18 =	simm.s32 $0x1;
	p2 =	por $0x0, $0x0;
	[tilespmem:s19+$0x0 ss:$0x81] =	vst.msk $0xffff, v2  }
0x3d: {  	s16 =	sshll.u32 s13, $0x3;
	s17 =	sand.u32 $0x78, s13;
	s14 =	sshll.u32 s14, $0x11  }
.Ltmp5:
0x3e: {  	s30 =	sand.u32 $0x1F800, s13;
	s16 =	sand.u32 $0x3C00, s16;
	(pc) =	sbr.rel .LBB1_7-.Ltmp5, $4  }
0x3f: {  	s31 =	sand.u32 $0x7, s13;
	s14 =	sadd.s32 s3, s14;
	s16 =	sor.u32 s17, s16  }
0x40: {  	s13 =	sshll.u32 s31, $0x12;
	s14 =	sadd.s32 s30, s14;
	s16 =	sshrl.u32 s16, $0x3  }
0x41: {  	s13 =	sor.u32 $0x400, s13;
	s14 =	sadd.s32 s16, s14  }
0x42: {  	[hbm4b:s14+s13] =	stream.strided.scatter [tilespmem:s15], [sflag:$0x2], $0x4000, s9, s13, $0x20;
	[tilespmem:$0x10100] =	vst v63  }
.LBB1_8:
0x43: {  	_ =	sfence.sel $0x180000  }
0x44: {  	s2 =	simm.s32 $0x1;
	[bflag:$0x0] =	sbarrier.arrive $0xFFFF  }
0x45: {  	s31 =	simm.s32 $0x2;
	[sflag:s2] =	ssyncpa.u1 $0x1  }
0x46: {  	[sflag:s31] =	ssyncpa.u1 $0x1  }
0x47: {  	p0 =	sne.s32 s0, $0x0;
	_ =	strace $0x9000004A  }
0x48: {  	s0 =	sadd.s32 @!p0 $0x100000, s1;
	[bflag:$0x2] =	sbarrier.arrive $0xFFFF  }
0x49: {  	[sflag:s0] =	ssyncadd.tile.s32 @!p0 $0x1;
	_ =	shalt  }
.Lfunc_end1:
_tile_overlayer_lowered:
.L_overlay_start_2:
0x4a: {  	(tag) =	ssettag $0x2  }
0x4b: {  	s0 =	rddreg [dreg:$0x0];
	s2 =	stileid.u32  }
0x4c: {  	s1 =	rddreg [dreg:$0x1];
	p0 =	sne.s32 s2, $0x0  }
0x4d: {  	s3 =	rddreg [dreg:$0x2];
	[bflag:$0x3] =	sbarrier.arrive $0xFFFF;
	s2 =	simm.s32 @!p0 $0x1C01  }
0x4e: {  	[timem:s3], [sflag:s2] =	dma.local @!p0 [hbm:s0], s1  }
0x4f: {  	s0 =	simm.s32 @!p0 $0x1  }
0x50: {  	_ =	swait.ge @!p0 [sflag:s0], s1  }
0x51: {  	s1 =	ssub.s32 @!p0 $0x0, s1;
	[sflag:s0] =	ssyncset.done @!p0 $0x0  }
0x52: {  	[sflag:s0] =	ssyncadd.s32 @!p0 s1  }
0x53: {  	[bflag:$0x3] =	sbarrier.arrive $0xFFFF  }
0x54: {  	_ =	shalt  }

</sc_bundles>
